<compile_context>
chip_gen: v7x
topology: tpu7x:2x2x1
jax: 0.10.2.dev20260603
libtpu: 0.0.44.dev20260713+nightly
codegen_flags: <defaults>
</compile_context>

<pallas_src>
import functools
import jax
import jax.numpy as jnp
from jax import lax
from jax.experimental import pallas as pl
from jax.experimental.pallas import tpu as pltpu
from jax.experimental.pallas import tpu_sc as plsc

B = 32
C = 3
H = 512
W = 512
L = 16
R = 32
NCH = H // R
VPR = W // L


def _sc_body(img, msk, wpad, bpad, out, ximg, xmsk, wv, bv):
    cid = lax.axis_index("c")
    sid = lax.axis_index("s")
    bb = sid * 2 + cid

    pltpu.sync_copy(wpad, wv)
    pltpu.sync_copy(bpad, bv)

    pooled = []
    for c in range(C):
        def chunk_body(k, acc, c=c):
            pltpu.sync_copy(img.at[bb, c, pl.ds(k * R, R), :], ximg)

            def row_body(r, acc):
                for j in range(VPR):
                    acc = acc + ximg[r, pl.ds(j * L, L)]
                return acc

            return lax.fori_loop(0, R, row_body, acc)

        acc = lax.fori_loop(0, NCH, chunk_body, jnp.zeros((L,), jnp.float32))
        pooled.append(jnp.sum(acc) * (1.0 / (H * W)))

    logits = bv[0, :]
    for c in range(C):
        logits = logits + pooled[c] * wv[c, :]
    sig = 1.0 / (1.0 + jnp.exp(-logits))
    lane = lax.iota(jnp.int32, L)
    t = jnp.sum(jnp.where(lane == 3, sig, 0.0))
    cb = [jnp.sum(jnp.where(lane == c, sig, 0.0)) * (1.0 - t) for c in range(C)]

    def chunk_body2(k, carry):
        pltpu.sync_copy(msk.at[bb, pl.ds(k * R, R), :], xmsk)
        for c in range(C):
            pltpu.sync_copy(img.at[bb, c, pl.ds(k * R, R), :], ximg)

            def row_body2(r, carry, c=c):
                for j in range(VPR):
                    sl = pl.ds(j * L, L)
                    x = ximg[r, sl]
                    m = xmsk[r, sl]
                    ximg[r, sl] = jnp.where(m != 0, cb[c] + t * x, x)
                return carry

            lax.fori_loop(0, R, row_body2, 0)
            pltpu.sync_copy(ximg, out.at[bb, c, pl.ds(k * R, R), :])
        return carry

    lax.fori_loop(0, NCH, chunk_body2, 0)


def kernel(image, mask, W_arg, b_arg):
    wpad = jnp.zeros((C, L), jnp.float32).at[:, :4].set(W_arg)
    bpad = jnp.zeros((1, L), jnp.float32).at[0, :4].set(b_arg)
    mesh = plsc.VectorSubcoreMesh(
        core_axis_name="c", subcore_axis_name="s", num_cores=2, num_subcores=16
    )
    f = functools.partial(
        pl.kernel,
        out_type=jax.ShapeDtypeStruct(image.shape, image.dtype),
        mesh=mesh,
        compiler_params=pltpu.CompilerParams(needs_layout_passes=False),
        scratch_types=[
            pltpu.VMEM((R, W), jnp.float32),
            pltpu.VMEM((R, W), jnp.int32),
            pltpu.VMEM((C, L), jnp.float32),
            pltpu.VMEM((1, L), jnp.float32),
        ],
    )(_sc_body)
    return f(image, mask, wpad, bpad)

# --- scband reference (transcript-rebuilt; emitter-appended) ---
"""Pipeline reference for scband-draw-mask-89103391523293 (READ-ONLY COPY).

The authoritative reference and input builder live on the scoring server;
editing this copy changes nothing except your own understanding.
"""

import jax, jax.numpy as jnp
import numpy as np

B = 32
IMAGE_SIZE = 512


def setup_inputs(seed: int = 0) -> dict:
    key = jax.random.key(seed)
    k1, k2, k3 = jax.random.split(key, 3)
    image = jax.random.normal(k1, (B, 3, IMAGE_SIZE, IMAGE_SIZE), dtype=jnp.float32)
    mask = jax.random.randint(k2, (B, IMAGE_SIZE, IMAGE_SIZE), 0, 2).astype(jnp.int32)
    # Learned params for the `color` submodule: global-avg-pool -> linear(3 -> 4)
    # producing 3 color channels + 1 transparency scalar (sigmoid squashed).
    W = jax.random.normal(k3, (3, 4), dtype=jnp.float32) * 0.1
    b = jnp.zeros((4,), dtype=jnp.float32)
    return {"image": image, "mask": mask, "W": W, "b": b}


def color_net(image, W, b):
    pooled = jnp.mean(image, axis=(2, 3))  # [B, 3]
    logits = pooled @ W + b                # [B, 4]
    color = jax.nn.sigmoid(logits[:, :3])          # [B, 3]
    transparency = jax.nn.sigmoid(logits[:, 3:4])  # [B, 1]
    return color, transparency


def reference(image, mask, W, b):
    m = mask.astype(bool)                                   # [B, H, W]
    color, transparency = color_net(image, W, b)
    image_draw = jnp.transpose(image, (0, 2, 3, 1))          # [B, H, W, 3]
    color_b = jnp.broadcast_to(color[:, None, None, :], image_draw.shape)
    # masked overwrite: image_draw[mask] = color[mask]
    image_draw = jnp.where(m[..., None], color_b, image_draw)
    image_draw = jnp.transpose(image_draw, (0, 3, 1, 2))     # [B, 3, H, W]
    t = transparency.reshape((image.shape[0], 1, 1, 1))
    output = image_draw * (1.0 - t) + image * t
    return output

if __name__ == "__main__":
    import jax
    _d = setup_inputs()
    print(jax.jit(kernel)(*tuple(_d.values())))

</pallas_src>

<mosaic_0001>
#map = affine_map<(d0, d1) -> (0, 0, 0, 0)>
#map1 = affine_map<(d0, d1) -> (0, 0, 0)>
#map2 = affine_map<(d0, d1) -> (0, 0)>
module attributes {stable_mosaic.version = 14 : i64} {
  func.func @_sc_body(%arg0: i32, %arg1: i32, %arg2: memref<32x3x512x512xf32, #tpu.memory_space<hbm>>, %arg3: memref<32x512x512xi32, #tpu.memory_space<hbm>>, %arg4: memref<3x16xf32, #tpu.memory_space<hbm>>, %arg5: memref<1x16xf32, #tpu.memory_space<hbm>>, %arg6: memref<32x3x512x512xf32, #tpu.memory_space<hbm>>, %arg7: memref<32x512xf32, #tpu.memory_space<vmem>>, %arg8: memref<32x512xi32, #tpu.memory_space<vmem>>, %arg9: memref<3x16xf32, #tpu.memory_space<vmem>>, %arg10: memref<1x16xf32, #tpu.memory_space<vmem>>) attributes {dimension_semantics = [#tpu.dimension_semantics<core_parallel>, #tpu.dimension_semantics<subcore_parallel>], iteration_bounds = array<i64: 2, 16>, scalar_prefetch = 0 : i64, scratch_operands = 4 : i64, tpu.core_type = #tpu.core_type<sc_vector_subcore>, window_params = [{transform_indices = #map}, {transform_indices = #map1}, {transform_indices = #map2}, {transform_indices = #map2}, {transform_indices = #map}]} {
    %mul3A = arith.constant 2 : i32
    %mul3A_0 = arith.muli %arg1, %mul3A : i32
    %add3A = arith.addi %mul3A_0, %arg0 : i32
    "tpu.region"() ({
      %run_scoped3A = tpu.sem_alloc : memref<!tpu.dma_semaphore, #tpu.memory_space<semaphore_mem>>
      tpu.enqueue_dma source(%arg4 : memref<3x16xf32, #tpu.memory_space<hbm>>) target(%arg9 : memref<3x16xf32, #tpu.memory_space<vmem>>) target_semaphore(%run_scoped3A : memref<!tpu.dma_semaphore, #tpu.memory_space<semaphore_mem>>)
      tpu.wait_dma2 semaphore(%run_scoped3A : memref<!tpu.dma_semaphore, #tpu.memory_space<semaphore_mem>>) src(%arg4 : memref<3x16xf32, #tpu.memory_space<hbm>>) dst(%arg9 : memref<3x16xf32, #tpu.memory_space<vmem>>)
      tpu.yield
    }) : () -> ()
    "tpu.region"() ({
      %run_scoped3A = tpu.sem_alloc : memref<!tpu.dma_semaphore, #tpu.memory_space<semaphore_mem>>
      tpu.enqueue_dma source(%arg5 : memref<1x16xf32, #tpu.memory_space<hbm>>) target(%arg10 : memref<1x16xf32, #tpu.memory_space<vmem>>) target_semaphore(%run_scoped3A : memref<!tpu.dma_semaphore, #tpu.memory_space<semaphore_mem>>)
      tpu.wait_dma2 semaphore(%run_scoped3A : memref<!tpu.dma_semaphore, #tpu.memory_space<semaphore_mem>>) src(%arg5 : memref<1x16xf32, #tpu.memory_space<hbm>>) dst(%arg10 : memref<1x16xf32, #tpu.memory_space<vmem>>)
      tpu.yield
    }) : () -> ()
    %broadcast_in_dim3A = arith.constant 0.000000e+00 : f32
    %broadcast_in_dim3A_1 = vector.broadcast %broadcast_in_dim3A : f32 to vector<16xf32>
    %scan3A = arith.constant 0 : i32
    %scan3A_2 = arith.constant 16 : i32
    %scan3A_3 = arith.addi %scan3A, %scan3A_2 : i32
    %scan3A_4 = arith.constant 1 : i32
    %scan3A_5 = scf.for %scan3A_122 = %scan3A to %scan3A_3 step %scan3A_4 iter_args(%scan3A_123 = %broadcast_in_dim3A_1) -> (vector<16xf32>)  : i32 {
      %mul3A_124 = arith.constant 32 : i32
      %mul3A_125 = arith.muli %scan3A_122, %mul3A_124 : i32
      %run_scoped3A = arith.constant 0 : i32
      "tpu.region"() ({
        %run_scoped3A_132 = tpu.sem_alloc : memref<!tpu.dma_semaphore, #tpu.memory_space<semaphore_mem>>
        %dma_start3A = arith.constant 0 : i32
        %dma_start3A_133 = tpu.memref_slice %arg2[%add3A, %run_scoped3A, %mul3A_125, %dma_start3A] : memref<32x3x512x512xf32, #tpu.memory_space<hbm>> -> memref<1x1x32x512xf32, #tpu.memory_space<hbm>>
        %dma_start3A_134 = tpu.memref_squeeze %dma_start3A_133 : memref<1x1x32x512xf32, #tpu.memory_space<hbm>> -> memref<32x512xf32, #tpu.memory_space<hbm>>
        %dma_start3A_135 = arith.constant 0 : i32
        %dma_start3A_136 = tpu.memref_slice %arg2[%add3A, %run_scoped3A, %mul3A_125, %dma_start3A_135] : memref<32x3x512x512xf32, #tpu.memory_space<hbm>> -> memref<1x1x32x512xf32, #tpu.memory_space<hbm>>
        %dma_start3A_137 = tpu.memref_squeeze %dma_start3A_136 : memref<1x1x32x512xf32, #tpu.memory_space<hbm>> -> memref<32x512xf32, #tpu.memory_space<hbm>>
        tpu.enqueue_dma source(%dma_start3A_137 : memref<32x512xf32, #tpu.memory_space<hbm>>) target(%arg7 : memref<32x512xf32, #tpu.memory_space<vmem>>) target_semaphore(%run_scoped3A_132 : memref<!tpu.dma_semaphore, #tpu.memory_space<semaphore_mem>>)
        %dma_wait3A = arith.constant 0 : i32
        %dma_wait3A_138 = tpu.memref_slice %arg2[%add3A, %run_scoped3A, %mul3A_125, %dma_wait3A] : memref<32x3x512x512xf32, #tpu.memory_space<hbm>> -> memref<1x1x32x512xf32, #tpu.memory_space<hbm>>
        %dma_wait3A_139 = tpu.memref_squeeze %dma_wait3A_138 : memref<1x1x32x512xf32, #tpu.memory_space<hbm>> -> memref<32x512xf32, #tpu.memory_space<hbm>>
        %dma_wait3A_140 = arith.constant 0 : i32
        %dma_wait3A_141 = tpu.memref_slice %arg2[%add3A, %run_scoped3A, %mul3A_125, %dma_wait3A_140] : memref<32x3x512x512xf32, #tpu.memory_space<hbm>> -> memref<1x1x32x512xf32, #tpu.memory_space<hbm>>
        %dma_wait3A_142 = tpu.memref_squeeze %dma_wait3A_141 : memref<1x1x32x512xf32, #tpu.memory_space<hbm>> -> memref<32x512xf32, #tpu.memory_space<hbm>>
        tpu.wait_dma2 semaphore(%run_scoped3A_132 : memref<!tpu.dma_semaphore, #tpu.memory_space<semaphore_mem>>) src(%dma_wait3A_142 : memref<32x512xf32, #tpu.memory_space<hbm>>) dst(%arg7 : memref<32x512xf32, #tpu.memory_space<vmem>>)
        tpu.yield
      }) : () -> ()
      %scan3A_126 = arith.constant 0 : i32
      %scan3A_127 = arith.constant 32 : i32
      %scan3A_128 = arith.addi %scan3A_126, %scan3A_127 : i32
      %scan3A_129 = arith.constant 1 : i32
      %scan3A_130 = scf.for %scan3A_132 = %scan3A_126 to %scan3A_128 step %scan3A_129 iter_args(%scan3A_133 = %scan3A_123) -> (vector<16xf32>)  : i32 {
        %get3A_134 = arith.index_cast %scan3A_132 : i32 to index
        %get3A_135 = arith.constant 0 : index
        %get3A_136 = tpu.vector_load %arg7[%get3A_134, %get3A_135] {strides = array<i32>} : memref<32x512xf32, #tpu.memory_space<vmem>>, vector<16xf32>,
        %add3A_137 = arith.addf %scan3A_133, %get3A_136 : vector<16xf32>
        %get3A_138 = arith.index_cast %scan3A_132 : i32 to index
        %get3A_139 = arith.constant 16 : index
        %get3A_140 = tpu.vector_load %arg7[%get3A_138, %get3A_139] {strides = array<i32>} : memref<32x512xf32, #tpu.memory_space<vmem>>, vector<16xf32>,
        %add3A_141 = arith.addf %add3A_137, %get3A_140 : vector<16xf32>
        %get3A_142 = arith.index_cast %scan3A_132 : i32 to index
        %get3A_143 = arith.constant 32 : index
        %get3A_144 = tpu.vector_load %arg7[%get3A_142, %get3A_143] {strides = array<i32>} : memref<32x512xf32, #tpu.memory_space<vmem>>, vector<16xf32>,
        %add3A_145 = arith.addf %add3A_141, %get3A_144 : vector<16xf32>
        %get3A_146 = arith.index_cast %scan3A_132 : i32 to index
        %get3A_147 = arith.constant 48 : index
        %get3A_148 = tpu.vector_load %arg7[%get3A_146, %get3A_147] {strides = array<i32>} : memref<32x512xf32, #tpu.memory_space<vmem>>, vector<16xf32>,
        %add3A_149 = arith.addf %add3A_145, %get3A_148 : vector<16xf32>
        %get3A_150 = arith.index_cast %scan3A_132 : i32 to index
        %get3A_151 = arith.constant 64 : index
        %get3A_152 = tpu.vector_load %arg7[%get3A_150, %get3A_151] {strides = array<i32>} : memref<32x512xf32, #tpu.memory_space<vmem>>, vector<16xf32>,
        %add3A_153 = arith.addf %add3A_149, %get3A_152 : vector<16xf32>
        %get3A_154 = arith.index_cast %scan3A_132 : i32 to index
        %get3A_155 = arith.constant 80 : index
        %get3A_156 = tpu.vector_load %arg7[%get3A_154, %get3A_155] {strides = array<i32>} : memref<32x512xf32, #tpu.memory_space<vmem>>, vector<16xf32>,
        %add3A_157 = arith.addf %add3A_153, %get3A_156 : vector<16xf32>
        %get3A_158 = arith.index_cast %scan3A_132 : i32 to index
        %get3A_159 = arith.constant 96 : index
        %get3A_160 = tpu.vector_load %arg7[%get3A_158, %get3A_159] {strides = array<i32>} : memref<32x512xf32, #tpu.memory_space<vmem>>, vector<16xf32>,
        %add3A_161 = arith.addf %add3A_157, %get3A_160 : vector<16xf32>
        %get3A_162 = arith.index_cast %scan3A_132 : i32 to index
        %get3A_163 = arith.constant 112 : index
        %get3A_164 = tpu.vector_load %arg7[%get3A_162, %get3A_163] {strides = array<i32>} : memref<32x512xf32, #tpu.memory_space<vmem>>, vector<16xf32>,
        %add3A_165 = arith.addf %add3A_161, %get3A_164 : vector<16xf32>
        %get3A_166 = arith.index_cast %scan3A_132 : i32 to index
        %get3A_167 = arith.constant 128 : index
        %get3A_168 = tpu.vector_load %arg7[%get3A_166, %get3A_167] {strides = array<i32>} : memref<32x512xf32, #tpu.memory_space<vmem>>, vector<16xf32>,
        %add3A_169 = arith.addf %add3A_165, %get3A_168 : vector<16xf32>
        %get3A_170 = arith.index_cast %scan3A_132 : i32 to index
        %get3A_171 = arith.constant 144 : index
        %get3A_172 = tpu.vector_load %arg7[%get3A_170, %get3A_171] {strides = array<i32>} : memref<32x512xf32, #tpu.memory_space<vmem>>, vector<16xf32>,
        %add3A_173 = arith.addf %add3A_169, %get3A_172 : vector<16xf32>
        %get3A_174 = arith.index_cast %scan3A_132 : i32 to index
        %get3A_175 = arith.constant 160 : index
        %get3A_176 = tpu.vector_load %arg7[%get3A_174, %get3A_175] {strides = array<i32>} : memref<32x512xf32, #tpu.memory_space<vmem>>, vector<16xf32>,
        %add3A_177 = arith.addf %add3A_173, %get3A_176 : vector<16xf32>
        %get3A_178 = arith.index_cast %scan3A_132 : i32 to index
        %get3A_179 = arith.constant 176 : index
        %get3A_180 = tpu.vector_load %arg7[%get3A_178, %get3A_179] {strides = array<i32>} : memref<32x512xf32, #tpu.memory_space<vmem>>, vector<16xf32>,
        %add3A_181 = arith.addf %add3A_177, %get3A_180 : vector<16xf32>
        %get3A_182 = arith.index_cast %scan3A_132 : i32 to index
        %get3A_183 = arith.constant 192 : index
        %get3A_184 = tpu.vector_load %arg7[%get3A_182, %get3A_183] {strides = array<i32>} : memref<32x512xf32, #tpu.memory_space<vmem>>, vector<16xf32>,
        %add3A_185 = arith.addf %add3A_181, %get3A_184 : vector<16xf32>
        %get3A_186 = arith.index_cast %scan3A_132 : i32 to index
        %get3A_187 = arith.constant 208 : index
        %get3A_188 = tpu.vector_load %arg7[%get3A_186, %get3A_187] {strides = array<i32>} : memref<32x512xf32, #tpu.memory_space<vmem>>, vector<16xf32>,
        %add3A_189 = arith.addf %add3A_185, %get3A_188 : vector<16xf32>
        %get3A_190 = arith.index_cast %scan3A_132 : i32 to index
        %get3A_191 = arith.constant 224 : index
        %get3A_192 = tpu.vector_load %arg7[%get3A_190, %get3A_191] {strides = array<i32>} : memref<32x512xf32, #tpu.memory_space<vmem>>, vector<16xf32>,
        %add3A_193 = arith.addf %add3A_189, %get3A_192 : vector<16xf32>
        %get3A_194 = arith.index_cast %scan3A_132 : i32 to index
        %get3A_195 = arith.constant 240 : index
        %get3A_196 = tpu.vector_load %arg7[%get3A_194, %get3A_195] {strides = array<i32>} : memref<32x512xf32, #tpu.memory_space<vmem>>, vector<16xf32>,
        %add3A_197 = arith.addf %add3A_193, %get3A_196 : vector<16xf32>
        %get3A_198 = arith.index_cast %scan3A_132 : i32 to index
        %get3A_199 = arith.constant 256 : index
        %get3A_200 = tpu.vector_load %arg7[%get3A_198, %get3A_199] {strides = array<i32>} : memref<32x512xf32, #tpu.memory_space<vmem>>, vector<16xf32>,
        %add3A_201 = arith.addf %add3A_197, %get3A_200 : vector<16xf32>
        %get3A_202 = arith.index_cast %scan3A_132 : i32 to index
        %get3A_203 = arith.constant 272 : index
        %get3A_204 = tpu.vector_load %arg7[%get3A_202, %get3A_203] {strides = array<i32>} : memref<32x512xf32, #tpu.memory_space<vmem>>, vector<16xf32>,
        %add3A_205 = arith.addf %add3A_201, %get3A_204 : vector<16xf32>
        %get3A_206 = arith.index_cast %scan3A_132 : i32 to index
        %get3A_207 = arith.constant 288 : index
        %get3A_208 = tpu.vector_load %arg7[%get3A_206, %get3A_207] {strides = array<i32>} : memref<32x512xf32, #tpu.memory_space<vmem>>, vector<16xf32>,
        %add3A_209 = arith.addf %add3A_205, %get3A_208 : vector<16xf32>
        %get3A_210 = arith.index_cast %scan3A_132 : i32 to index
        %get3A_211 = arith.constant 304 : index
        %get3A_212 = tpu.vector_load %arg7[%get3A_210, %get3A_211] {strides = array<i32>} : memref<32x512xf32, #tpu.memory_space<vmem>>, vector<16xf32>,
        %add3A_213 = arith.addf %add3A_209, %get3A_212 : vector<16xf32>
        %get3A_214 = arith.index_cast %scan3A_132 : i32 to index
        %get3A_215 = arith.constant 320 : index
        %get3A_216 = tpu.vector_load %arg7[%get3A_214, %get3A_215] {strides = array<i32>} : memref<32x512xf32, #tpu.memory_space<vmem>>, vector<16xf32>,
        %add3A_217 = arith.addf %add3A_213, %get3A_216 : vector<16xf32>
        %get3A_218 = arith.index_cast %scan3A_132 : i32 to index
        %get3A_219 = arith.constant 336 : index
        %get3A_220 = tpu.vector_load %arg7[%get3A_218, %get3A_219] {strides = array<i32>} : memref<32x512xf32, #tpu.memory_space<vmem>>, vector<16xf32>,
        %add3A_221 = arith.addf %add3A_217, %get3A_220 : vector<16xf32>
        %get3A_222 = arith.index_cast %scan3A_132 : i32 to index
        %get3A_223 = arith.constant 352 : index
        %get3A_224 = tpu.vector_load %arg7[%get3A_222, %get3A_223] {strides = array<i32>} : memref<32x512xf32, #tpu.memory_space<vmem>>, vector<16xf32>,
        %add3A_225 = arith.addf %add3A_221, %get3A_224 : vector<16xf32>
        %get3A_226 = arith.index_cast %scan3A_132 : i32 to index
        %get3A_227 = arith.constant 368 : index
        %get3A_228 = tpu.vector_load %arg7[%get3A_226, %get3A_227] {strides = array<i32>} : memref<32x512xf32, #tpu.memory_space<vmem>>, vector<16xf32>,
        %add3A_229 = arith.addf %add3A_225, %get3A_228 : vector<16xf32>
        %get3A_230 = arith.index_cast %scan3A_132 : i32 to index
        %get3A_231 = arith.constant 384 : index
        %get3A_232 = tpu.vector_load %arg7[%get3A_230, %get3A_231] {strides = array<i32>} : memref<32x512xf32, #tpu.memory_space<vmem>>, vector<16xf32>,
        %add3A_233 = arith.addf %add3A_229, %get3A_232 : vector<16xf32>
        %get3A_234 = arith.index_cast %scan3A_132 : i32 to index
        %get3A_235 = arith.constant 400 : index
        %get3A_236 = tpu.vector_load %arg7[%get3A_234, %get3A_235] {strides = array<i32>} : memref<32x512xf32, #tpu.memory_space<vmem>>, vector<16xf32>,
        %add3A_237 = arith.addf %add3A_233, %get3A_236 : vector<16xf32>
        %get3A_238 = arith.index_cast %scan3A_132 : i32 to index
        %get3A_239 = arith.constant 416 : index
        %get3A_240 = tpu.vector_load %arg7[%get3A_238, %get3A_239] {strides = array<i32>} : memref<32x512xf32, #tpu.memory_space<vmem>>, vector<16xf32>,
        %add3A_241 = arith.addf %add3A_237, %get3A_240 : vector<16xf32>
        %get3A_242 = arith.index_cast %scan3A_132 : i32 to index
        %get3A_243 = arith.constant 432 : index
        %get3A_244 = tpu.vector_load %arg7[%get3A_242, %get3A_243] {strides = array<i32>} : memref<32x512xf32, #tpu.memory_space<vmem>>, vector<16xf32>,
        %add3A_245 = arith.addf %add3A_241, %get3A_244 : vector<16xf32>
        %get3A_246 = arith.index_cast %scan3A_132 : i32 to index
        %get3A_247 = arith.constant 448 : index
        %get3A_248 = tpu.vector_load %arg7[%get3A_246, %get3A_247] {strides = array<i32>} : memref<32x512xf32, #tpu.memory_space<vmem>>, vector<16xf32>,
        %add3A_249 = arith.addf %add3A_245, %get3A_248 : vector<16xf32>
        %get3A_250 = arith.index_cast %scan3A_132 : i32 to index
        %get3A_251 = arith.constant 464 : index
        %get3A_252 = tpu.vector_load %arg7[%get3A_250, %get3A_251] {strides = array<i32>} : memref<32x512xf32, #tpu.memory_space<vmem>>, vector<16xf32>,
        %add3A_253 = arith.addf %add3A_249, %get3A_252 : vector<16xf32>
        %get3A_254 = arith.index_cast %scan3A_132 : i32 to index
        %get3A_255 = arith.constant 480 : index
        %get3A_256 = tpu.vector_load %arg7[%get3A_254, %get3A_255] {strides = array<i32>} : memref<32x512xf32, #tpu.memory_space<vmem>>, vector<16xf32>,
        %add3A_257 = arith.addf %add3A_253, %get3A_256 : vector<16xf32>
        %get3A_258 = arith.index_cast %scan3A_132 : i32 to index
        %get3A_259 = arith.constant 496 : index
        %get3A_260 = tpu.vector_load %arg7[%get3A_258, %get3A_259] {strides = array<i32>} : memref<32x512xf32, #tpu.memory_space<vmem>>, vector<16xf32>,
        %add3A_261 = arith.addf %add3A_257, %get3A_260 : vector<16xf32>
        scf.yield %add3A_261 : vector<16xf32>
      }
      %scan3A_131 = arith.constant 32 : i32
      scf.yield %scan3A_130 : vector<16xf32>
    }
    %scan3A_6 = arith.constant 16 : i32
    %reduce_sum3A = arith.constant true
    %reduce_sum3A_7 = vector.broadcast %reduce_sum3A : i1 to vector<16xi1>
    %reduce_sum3A_8 = tpu.scan <sum>, %scan3A_5 masked %reduce_sum3A_7 : vector<16xf32>, vector<16xi1> -> vector<16xf32>
    %reduce_sum3A_9 = vector.extract %reduce_sum3A_8[15] : f32 from vector<16xf32>
    %mul3A_10 = arith.constant 3.81469727E-6 : f32
    %mul3A_11 = arith.mulf %reduce_sum3A_9, %mul3A_10 : f32
    %broadcast_in_dim3A_12 = arith.constant 0.000000e+00 : f32
    %broadcast_in_dim3A_13 = vector.broadcast %broadcast_in_dim3A_12 : f32 to vector<16xf32>
    %scan3A_14 = arith.constant 0 : i32
    %scan3A_15 = arith.constant 16 : i32
    %scan3A_16 = arith.addi %scan3A_14, %scan3A_15 : i32
    %scan3A_17 = arith.constant 1 : i32
    %scan3A_18 = scf.for %scan3A_122 = %scan3A_14 to %scan3A_16 step %scan3A_17 iter_args(%scan3A_123 = %broadcast_in_dim3A_13) -> (vector<16xf32>)  : i32 {
      %mul3A_124 = arith.constant 32 : i32
      %mul3A_125 = arith.muli %scan3A_122, %mul3A_124 : i32
      %run_scoped3A = arith.constant 1 : i32
      "tpu.region"() ({
        %run_scoped3A_132 = tpu.sem_alloc : memref<!tpu.dma_semaphore, #tpu.memory_space<semaphore_mem>>
        %dma_start3A = arith.constant 0 : i32
        %dma_start3A_133 = tpu.memref_slice %arg2[%add3A, %run_scoped3A, %mul3A_125, %dma_start3A] : memref<32x3x512x512xf32, #tpu.memory_space<hbm>> -> memref<1x1x32x512xf32, #tpu.memory_space<hbm>>
        %dma_start3A_134 = tpu.memref_squeeze %dma_start3A_133 : memref<1x1x32x512xf32, #tpu.memory_space<hbm>> -> memref<32x512xf32, #tpu.memory_space<hbm>>
        %dma_start3A_135 = arith.constant 0 : i32
        %dma_start3A_136 = tpu.memref_slice %arg2[%add3A, %run_scoped3A, %mul3A_125, %dma_start3A_135] : memref<32x3x512x512xf32, #tpu.memory_space<hbm>> -> memref<1x1x32x512xf32, #tpu.memory_space<hbm>>
        %dma_start3A_137 = tpu.memref_squeeze %dma_start3A_136 : memref<1x1x32x512xf32, #tpu.memory_space<hbm>> -> memref<32x512xf32, #tpu.memory_space<hbm>>
        tpu.enqueue_dma source(%dma_start3A_137 : memref<32x512xf32, #tpu.memory_space<hbm>>) target(%arg7 : memref<32x512xf32, #tpu.memory_space<vmem>>) target_semaphore(%run_scoped3A_132 : memref<!tpu.dma_semaphore, #tpu.memory_space<semaphore_mem>>)
        %dma_wait3A = arith.constant 0 : i32
        %dma_wait3A_138 = tpu.memref_slice %arg2[%add3A, %run_scoped3A, %mul3A_125, %dma_wait3A] : memref<32x3x512x512xf32, #tpu.memory_space<hbm>> -> memref<1x1x32x512xf32, #tpu.memory_space<hbm>>
        %dma_wait3A_139 = tpu.memref_squeeze %dma_wait3A_138 : memref<1x1x32x512xf32, #tpu.memory_space<hbm>> -> memref<32x512xf32, #tpu.memory_space<hbm>>
        %dma_wait3A_140 = arith.constant 0 : i32
        %dma_wait3A_141 = tpu.memref_slice %arg2[%add3A, %run_scoped3A, %mul3A_125, %dma_wait3A_140] : memref<32x3x512x512xf32, #tpu.memory_space<hbm>> -> memref<1x1x32x512xf32, #tpu.memory_space<hbm>>
        %dma_wait3A_142 = tpu.memref_squeeze %dma_wait3A_141 : memref<1x1x32x512xf32, #tpu.memory_space<hbm>> -> memref<32x512xf32, #tpu.memory_space<hbm>>
        tpu.wait_dma2 semaphore(%run_scoped3A_132 : memref<!tpu.dma_semaphore, #tpu.memory_space<semaphore_mem>>) src(%dma_wait3A_142 : memref<32x512xf32, #tpu.memory_space<hbm>>) dst(%arg7 : memref<32x512xf32, #tpu.memory_space<vmem>>)
        tpu.yield
      }) : () -> ()
      %scan3A_126 = arith.constant 0 : i32
      %scan3A_127 = arith.constant 32 : i32
      %scan3A_128 = arith.addi %scan3A_126, %scan3A_127 : i32
      %scan3A_129 = arith.constant 1 : i32
      %scan3A_130 = scf.for %scan3A_132 = %scan3A_126 to %scan3A_128 step %scan3A_129 iter_args(%scan3A_133 = %scan3A_123) -> (vector<16xf32>)  : i32 {
        %get3A_134 = arith.index_cast %scan3A_132 : i32 to index
        %get3A_135 = arith.constant 0 : index
        %get3A_136 = tpu.vector_load %arg7[%get3A_134, %get3A_135] {strides = array<i32>} : memref<32x512xf32, #tpu.memory_space<vmem>>, vector<16xf32>,
        %add3A_137 = arith.addf %scan3A_133, %get3A_136 : vector<16xf32>
        %get3A_138 = arith.index_cast %scan3A_132 : i32 to index
        %get3A_139 = arith.constant 16 : index
        %get3A_140 = tpu.vector_load %arg7[%get3A_138, %get3A_139] {strides = array<i32>} : memref<32x512xf32, #tpu.memory_space<vmem>>, vector<16xf32>,
        %add3A_141 = arith.addf %add3A_137, %get3A_140 : vector<16xf32>
        %get3A_142 = arith.index_cast %scan3A_132 : i32 to index
        %get3A_143 = arith.constant 32 : index
        %get3A_144 = tpu.vector_load %arg7[%get3A_142, %get3A_143] {strides = array<i32>} : memref<32x512xf32, #tpu.memory_space<vmem>>, vector<16xf32>,
        %add3A_145 = arith.addf %add3A_141, %get3A_144 : vector<16xf32>
        %get3A_146 = arith.index_cast %scan3A_132 : i32 to index
        %get3A_147 = arith.constant 48 : index
        %get3A_148 = tpu.vector_load %arg7[%get3A_146, %get3A_147] {strides = array<i32>} : memref<32x512xf32, #tpu.memory_space<vmem>>, vector<16xf32>,
        %add3A_149 = arith.addf %add3A_145, %get3A_148 : vector<16xf32>
        %get3A_150 = arith.index_cast %scan3A_132 : i32 to index
        %get3A_151 = arith.constant 64 : index
        %get3A_152 = tpu.vector_load %arg7[%get3A_150, %get3A_151] {strides = array<i32>} : memref<32x512xf32, #tpu.memory_space<vmem>>, vector<16xf32>,
        %add3A_153 = arith.addf %add3A_149, %get3A_152 : vector<16xf32>
        %get3A_154 = arith.index_cast %scan3A_132 : i32 to index
        %get3A_155 = arith.constant 80 : index
        %get3A_156 = tpu.vector_load %arg7[%get3A_154, %get3A_155] {strides = array<i32>} : memref<32x512xf32, #tpu.memory_space<vmem>>, vector<16xf32>,
        %add3A_157 = arith.addf %add3A_153, %get3A_156 : vector<16xf32>
        %get3A_158 = arith.index_cast %scan3A_132 : i32 to index
        %get3A_159 = arith.constant 96 : index
        %get3A_160 = tpu.vector_load %arg7[%get3A_158, %get3A_159] {strides = array<i32>} : memref<32x512xf32, #tpu.memory_space<vmem>>, vector<16xf32>,
        %add3A_161 = arith.addf %add3A_157, %get3A_160 : vector<16xf32>
        %get3A_162 = arith.index_cast %scan3A_132 : i32 to index
        %get3A_163 = arith.constant 112 : index
        %get3A_164 = tpu.vector_load %arg7[%get3A_162, %get3A_163] {strides = array<i32>} : memref<32x512xf32, #tpu.memory_space<vmem>>, vector<16xf32>,
        %add3A_165 = arith.addf %add3A_161, %get3A_164 : vector<16xf32>
        %get3A_166 = arith.index_cast %scan3A_132 : i32 to index
        %get3A_167 = arith.constant 128 : index
        %get3A_168 = tpu.vector_load %arg7[%get3A_166, %get3A_167] {strides = array<i32>} : memref<32x512xf32, #tpu.memory_space<vmem>>, vector<16xf32>,
        %add3A_169 = arith.addf %add3A_165, %get3A_168 : vector<16xf32>
        %get3A_170 = arith.index_cast %scan3A_132 : i32 to index
        %get3A_171 = arith.constant 144 : index
        %get3A_172 = tpu.vector_load %arg7[%get3A_170, %get3A_171] {strides = array<i32>} : memref<32x512xf32, #tpu.memory_space<vmem>>, vector<16xf32>,
        %add3A_173 = arith.addf %add3A_169, %get3A_172 : vector<16xf32>
        %get3A_174 = arith.index_cast %scan3A_132 : i32 to index
        %get3A_175 = arith.constant 160 : index
        %get3A_176 = tpu.vector_load %arg7[%get3A_174, %get3A_175] {strides = array<i32>} : memref<32x512xf32, #tpu.memory_space<vmem>>, vector<16xf32>,
        %add3A_177 = arith.addf %add3A_173, %get3A_176 : vector<16xf32>
        %get3A_178 = arith.index_cast %scan3A_132 : i32 to index
        %get3A_179 = arith.constant 176 : index
        %get3A_180 = tpu.vector_load %arg7[%get3A_178, %get3A_179] {strides = array<i32>} : memref<32x512xf32, #tpu.memory_space<vmem>>, vector<16xf32>,
        %add3A_181 = arith.addf %add3A_177, %get3A_180 : vector<16xf32>
        %get3A_182 = arith.index_cast %scan3A_132 : i32 to index
        %get3A_183 = arith.constant 192 : index
        %get3A_184 = tpu.vector_load %arg7[%get3A_182, %get3A_183] {strides = array<i32>} : memref<32x512xf32, #tpu.memory_space<vmem>>, vector<16xf32>,
        %add3A_185 = arith.addf %add3A_181, %get3A_184 : vector<16xf32>
        %get3A_186 = arith.index_cast %scan3A_132 : i32 to index
        %get3A_187 = arith.constant 208 : index
        %get3A_188 = tpu.vector_load %arg7[%get3A_186, %get3A_187] {strides = array<i32>} : memref<32x512xf32, #tpu.memory_space<vmem>>, vector<16xf32>,
        %add3A_189 = arith.addf %add3A_185, %get3A_188 : vector<16xf32>
        %get3A_190 = arith.index_cast %scan3A_132 : i32 to index
        %get3A_191 = arith.constant 224 : index
        %get3A_192 = tpu.vector_load %arg7[%get3A_190, %get3A_191] {strides = array<i32>} : memref<32x512xf32, #tpu.memory_space<vmem>>, vector<16xf32>,
        %add3A_193 = arith.addf %add3A_189, %get3A_192 : vector<16xf32>
        %get3A_194 = arith.index_cast %scan3A_132 : i32 to index
        %get3A_195 = arith.constant 240 : index
        %get3A_196 = tpu.vector_load %arg7[%get3A_194, %get3A_195] {strides = array<i32>} : memref<32x512xf32, #tpu.memory_space<vmem>>, vector<16xf32>,
        %add3A_197 = arith.addf %add3A_193, %get3A_196 : vector<16xf32>
        %get3A_198 = arith.index_cast %scan3A_132 : i32 to index
        %get3A_199 = arith.constant 256 : index
        %get3A_200 = tpu.vector_load %arg7[%get3A_198, %get3A_199] {strides = array<i32>} : memref<32x512xf32, #tpu.memory_space<vmem>>, vector<16xf32>,
        %add3A_201 = arith.addf %add3A_197, %get3A_200 : vector<16xf32>
        %get3A_202 = arith.index_cast %scan3A_132 : i32 to index
        %get3A_203 = arith.constant 272 : index
        %get3A_204 = tpu.vector_load %arg7[%get3A_202, %get3A_203] {strides = array<i32>} : memref<32x512xf32, #tpu.memory_space<vmem>>, vector<16xf32>,
        %add3A_205 = arith.addf %add3A_201, %get3A_204 : vector<16xf32>
        %get3A_206 = arith.index_cast %scan3A_132 : i32 to index
        %get3A_207 = arith.constant 288 : index
        %get3A_208 = tpu.vector_load %arg7[%get3A_206, %get3A_207] {strides = array<i32>} : memref<32x512xf32, #tpu.memory_space<vmem>>, vector<16xf32>,
        %add3A_209 = arith.addf %add3A_205, %get3A_208 : vector<16xf32>
        %get3A_210 = arith.index_cast %scan3A_132 : i32 to index
        %get3A_211 = arith.constant 304 : index
        %get3A_212 = tpu.vector_load %arg7[%get3A_210, %get3A_211] {strides = array<i32>} : memref<32x512xf32, #tpu.memory_space<vmem>>, vector<16xf32>,
        %add3A_213 = arith.addf %add3A_209, %get3A_212 : vector<16xf32>
        %get3A_214 = arith.index_cast %scan3A_132 : i32 to index
        %get3A_215 = arith.constant 320 : index
        %get3A_216 = tpu.vector_load %arg7[%get3A_214, %get3A_215] {strides = array<i32>} : memref<32x512xf32, #tpu.memory_space<vmem>>, vector<16xf32>,
        %add3A_217 = arith.addf %add3A_213, %get3A_216 : vector<16xf32>
        %get3A_218 = arith.index_cast %scan3A_132 : i32 to index
        %get3A_219 = arith.constant 336 : index
        %get3A_220 = tpu.vector_load %arg7[%get3A_218, %get3A_219] {strides = array<i32>} : memref<32x512xf32, #tpu.memory_space<vmem>>, vector<16xf32>,
        %add3A_221 = arith.addf %add3A_217, %get3A_220 : vector<16xf32>
        %get3A_222 = arith.index_cast %scan3A_132 : i32 to index
        %get3A_223 = arith.constant 352 : index
        %get3A_224 = tpu.vector_load %arg7[%get3A_222, %get3A_223] {strides = array<i32>} : memref<32x512xf32, #tpu.memory_space<vmem>>, vector<16xf32>,
        %add3A_225 = arith.addf %add3A_221, %get3A_224 : vector<16xf32>
        %get3A_226 = arith.index_cast %scan3A_132 : i32 to index
        %get3A_227 = arith.constant 368 : index
        %get3A_228 = tpu.vector_load %arg7[%get3A_226, %get3A_227] {strides = array<i32>} : memref<32x512xf32, #tpu.memory_space<vmem>>, vector<16xf32>,
        %add3A_229 = arith.addf %add3A_225, %get3A_228 : vector<16xf32>
        %get3A_230 = arith.index_cast %scan3A_132 : i32 to index
        %get3A_231 = arith.constant 384 : index
        %get3A_232 = tpu.vector_load %arg7[%get3A_230, %get3A_231] {strides = array<i32>} : memref<32x512xf32, #tpu.memory_space<vmem>>, vector<16xf32>,
        %add3A_233 = arith.addf %add3A_229, %get3A_232 : vector<16xf32>
        %get3A_234 = arith.index_cast %scan3A_132 : i32 to index
        %get3A_235 = arith.constant 400 : index
        %get3A_236 = tpu.vector_load %arg7[%get3A_234, %get3A_235] {strides = array<i32>} : memref<32x512xf32, #tpu.memory_space<vmem>>, vector<16xf32>,
        %add3A_237 = arith.addf %add3A_233, %get3A_236 : vector<16xf32>
        %get3A_238 = arith.index_cast %scan3A_132 : i32 to index
        %get3A_239 = arith.constant 416 : index
        %get3A_240 = tpu.vector_load %arg7[%get3A_238, %get3A_239] {strides = array<i32>} : memref<32x512xf32, #tpu.memory_space<vmem>>, vector<16xf32>,
        %add3A_241 = arith.addf %add3A_237, %get3A_240 : vector<16xf32>
        %get3A_242 = arith.index_cast %scan3A_132 : i32 to index
        %get3A_243 = arith.constant 432 : index
        %get3A_244 = tpu.vector_load %arg7[%get3A_242, %get3A_243] {strides = array<i32>} : memref<32x512xf32, #tpu.memory_space<vmem>>, vector<16xf32>,
        %add3A_245 = arith.addf %add3A_241, %get3A_244 : vector<16xf32>
        %get3A_246 = arith.index_cast %scan3A_132 : i32 to index
        %get3A_247 = arith.constant 448 : index
        %get3A_248 = tpu.vector_load %arg7[%get3A_246, %get3A_247] {strides = array<i32>} : memref<32x512xf32, #tpu.memory_space<vmem>>, vector<16xf32>,
        %add3A_249 = arith.addf %add3A_245, %get3A_248 : vector<16xf32>
        %get3A_250 = arith.index_cast %scan3A_132 : i32 to index
        %get3A_251 = arith.constant 464 : index
        %get3A_252 = tpu.vector_load %arg7[%get3A_250, %get3A_251] {strides = array<i32>} : memref<32x512xf32, #tpu.memory_space<vmem>>, vector<16xf32>,
        %add3A_253 = arith.addf %add3A_249, %get3A_252 : vector<16xf32>
        %get3A_254 = arith.index_cast %scan3A_132 : i32 to index
        %get3A_255 = arith.constant 480 : index
        %get3A_256 = tpu.vector_load %arg7[%get3A_254, %get3A_255] {strides = array<i32>} : memref<32x512xf32, #tpu.memory_space<vmem>>, vector<16xf32>,
        %add3A_257 = arith.addf %add3A_253, %get3A_256 : vector<16xf32>
        %get3A_258 = arith.index_cast %scan3A_132 : i32 to index
        %get3A_259 = arith.constant 496 : index
        %get3A_260 = tpu.vector_load %arg7[%get3A_258, %get3A_259] {strides = array<i32>} : memref<32x512xf32, #tpu.memory_space<vmem>>, vector<16xf32>,
        %add3A_261 = arith.addf %add3A_257, %get3A_260 : vector<16xf32>
        scf.yield %add3A_261 : vector<16xf32>
      }
      %scan3A_131 = arith.constant 32 : i32
      scf.yield %scan3A_130 : vector<16xf32>
    }
    %scan3A_19 = arith.constant 16 : i32
    %reduce_sum3A_20 = arith.constant true
    %reduce_sum3A_21 = vector.broadcast %reduce_sum3A_20 : i1 to vector<16xi1>
    %reduce_sum3A_22 = tpu.scan <sum>, %scan3A_18 masked %reduce_sum3A_21 : vector<16xf32>, vector<16xi1> -> vector<16xf32>
    %reduce_sum3A_23 = vector.extract %reduce_sum3A_22[15] : f32 from vector<16xf32>
    %mul3A_24 = arith.constant 3.81469727E-6 : f32
    %mul3A_25 = arith.mulf %reduce_sum3A_23, %mul3A_24 : f32
    %broadcast_in_dim3A_26 = arith.constant 0.000000e+00 : f32
    %broadcast_in_dim3A_27 = vector.broadcast %broadcast_in_dim3A_26 : f32 to vector<16xf32>
    %scan3A_28 = arith.constant 0 : i32
    %scan3A_29 = arith.constant 16 : i32
    %scan3A_30 = arith.addi %scan3A_28, %scan3A_29 : i32
    %scan3A_31 = arith.constant 1 : i32
    %scan3A_32 = scf.for %scan3A_122 = %scan3A_28 to %scan3A_30 step %scan3A_31 iter_args(%scan3A_123 = %broadcast_in_dim3A_27) -> (vector<16xf32>)  : i32 {
      %mul3A_124 = arith.constant 32 : i32
      %mul3A_125 = arith.muli %scan3A_122, %mul3A_124 : i32
      %run_scoped3A = arith.constant 2 : i32
      "tpu.region"() ({
        %run_scoped3A_132 = tpu.sem_alloc : memref<!tpu.dma_semaphore, #tpu.memory_space<semaphore_mem>>
        %dma_start3A = arith.constant 0 : i32
        %dma_start3A_133 = tpu.memref_slice %arg2[%add3A, %run_scoped3A, %mul3A_125, %dma_start3A] : memref<32x3x512x512xf32, #tpu.memory_space<hbm>> -> memref<1x1x32x512xf32, #tpu.memory_space<hbm>>
        %dma_start3A_134 = tpu.memref_squeeze %dma_start3A_133 : memref<1x1x32x512xf32, #tpu.memory_space<hbm>> -> memref<32x512xf32, #tpu.memory_space<hbm>>
        %dma_start3A_135 = arith.constant 0 : i32
        %dma_start3A_136 = tpu.memref_slice %arg2[%add3A, %run_scoped3A, %mul3A_125, %dma_start3A_135] : memref<32x3x512x512xf32, #tpu.memory_space<hbm>> -> memref<1x1x32x512xf32, #tpu.memory_space<hbm>>
        %dma_start3A_137 = tpu.memref_squeeze %dma_start3A_136 : memref<1x1x32x512xf32, #tpu.memory_space<hbm>> -> memref<32x512xf32, #tpu.memory_space<hbm>>
        tpu.enqueue_dma source(%dma_start3A_137 : memref<32x512xf32, #tpu.memory_space<hbm>>) target(%arg7 : memref<32x512xf32, #tpu.memory_space<vmem>>) target_semaphore(%run_scoped3A_132 : memref<!tpu.dma_semaphore, #tpu.memory_space<semaphore_mem>>)
        %dma_wait3A = arith.constant 0 : i32
        %dma_wait3A_138 = tpu.memref_slice %arg2[%add3A, %run_scoped3A, %mul3A_125, %dma_wait3A] : memref<32x3x512x512xf32, #tpu.memory_space<hbm>> -> memref<1x1x32x512xf32, #tpu.memory_space<hbm>>
        %dma_wait3A_139 = tpu.memref_squeeze %dma_wait3A_138 : memref<1x1x32x512xf32, #tpu.memory_space<hbm>> -> memref<32x512xf32, #tpu.memory_space<hbm>>
        %dma_wait3A_140 = arith.constant 0 : i32
        %dma_wait3A_141 = tpu.memref_slice %arg2[%add3A, %run_scoped3A, %mul3A_125, %dma_wait3A_140] : memref<32x3x512x512xf32, #tpu.memory_space<hbm>> -> memref<1x1x32x512xf32, #tpu.memory_space<hbm>>
        %dma_wait3A_142 = tpu.memref_squeeze %dma_wait3A_141 : memref<1x1x32x512xf32, #tpu.memory_space<hbm>> -> memref<32x512xf32, #tpu.memory_space<hbm>>
        tpu.wait_dma2 semaphore(%run_scoped3A_132 : memref<!tpu.dma_semaphore, #tpu.memory_space<semaphore_mem>>) src(%dma_wait3A_142 : memref<32x512xf32, #tpu.memory_space<hbm>>) dst(%arg7 : memref<32x512xf32, #tpu.memory_space<vmem>>)
        tpu.yield
      }) : () -> ()
      %scan3A_126 = arith.constant 0 : i32
      %scan3A_127 = arith.constant 32 : i32
      %scan3A_128 = arith.addi %scan3A_126, %scan3A_127 : i32
      %scan3A_129 = arith.constant 1 : i32
      %scan3A_130 = scf.for %scan3A_132 = %scan3A_126 to %scan3A_128 step %scan3A_129 iter_args(%scan3A_133 = %scan3A_123) -> (vector<16xf32>)  : i32 {
        %get3A_134 = arith.index_cast %scan3A_132 : i32 to index
        %get3A_135 = arith.constant 0 : index
        %get3A_136 = tpu.vector_load %arg7[%get3A_134, %get3A_135] {strides = array<i32>} : memref<32x512xf32, #tpu.memory_space<vmem>>, vector<16xf32>,
        %add3A_137 = arith.addf %scan3A_133, %get3A_136 : vector<16xf32>
        %get3A_138 = arith.index_cast %scan3A_132 : i32 to index
        %get3A_139 = arith.constant 16 : index
        %get3A_140 = tpu.vector_load %arg7[%get3A_138, %get3A_139] {strides = array<i32>} : memref<32x512xf32, #tpu.memory_space<vmem>>, vector<16xf32>,
        %add3A_141 = arith.addf %add3A_137, %get3A_140 : vector<16xf32>
        %get3A_142 = arith.index_cast %scan3A_132 : i32 to index
        %get3A_143 = arith.constant 32 : index
        %get3A_144 = tpu.vector_load %arg7[%get3A_142, %get3A_143] {strides = array<i32>} : memref<32x512xf32, #tpu.memory_space<vmem>>, vector<16xf32>,
        %add3A_145 = arith.addf %add3A_141, %get3A_144 : vector<16xf32>
        %get3A_146 = arith.index_cast %scan3A_132 : i32 to index
        %get3A_147 = arith.constant 48 : index
        %get3A_148 = tpu.vector_load %arg7[%get3A_146, %get3A_147] {strides = array<i32>} : memref<32x512xf32, #tpu.memory_space<vmem>>, vector<16xf32>,
        %add3A_149 = arith.addf %add3A_145, %get3A_148 : vector<16xf32>
        %get3A_150 = arith.index_cast %scan3A_132 : i32 to index
        %get3A_151 = arith.constant 64 : index
        %get3A_152 = tpu.vector_load %arg7[%get3A_150, %get3A_151] {strides = array<i32>} : memref<32x512xf32, #tpu.memory_space<vmem>>, vector<16xf32>,
        %add3A_153 = arith.addf %add3A_149, %get3A_152 : vector<16xf32>
        %get3A_154 = arith.index_cast %scan3A_132 : i32 to index
        %get3A_155 = arith.constant 80 : index
        %get3A_156 = tpu.vector_load %arg7[%get3A_154, %get3A_155] {strides = array<i32>} : memref<32x512xf32, #tpu.memory_space<vmem>>, vector<16xf32>,
        %add3A_157 = arith.addf %add3A_153, %get3A_156 : vector<16xf32>
        %get3A_158 = arith.index_cast %scan3A_132 : i32 to index
        %get3A_159 = arith.constant 96 : index
        %get3A_160 = tpu.vector_load %arg7[%get3A_158, %get3A_159] {strides = array<i32>} : memref<32x512xf32, #tpu.memory_space<vmem>>, vector<16xf32>,
        %add3A_161 = arith.addf %add3A_157, %get3A_160 : vector<16xf32>
        %get3A_162 = arith.index_cast %scan3A_132 : i32 to index
        %get3A_163 = arith.constant 112 : index
        %get3A_164 = tpu.vector_load %arg7[%get3A_162, %get3A_163] {strides = array<i32>} : memref<32x512xf32, #tpu.memory_space<vmem>>, vector<16xf32>,
        %add3A_165 = arith.addf %add3A_161, %get3A_164 : vector<16xf32>
        %get3A_166 = arith.index_cast %scan3A_132 : i32 to index
        %get3A_167 = arith.constant 128 : index
        %get3A_168 = tpu.vector_load %arg7[%get3A_166, %get3A_167] {strides = array<i32>} : memref<32x512xf32, #tpu.memory_space<vmem>>, vector<16xf32>,
        %add3A_169 = arith.addf %add3A_165, %get3A_168 : vector<16xf32>
        %get3A_170 = arith.index_cast %scan3A_132 : i32 to index
        %get3A_171 = arith.constant 144 : index
        %get3A_172 = tpu.vector_load %arg7[%get3A_170, %get3A_171] {strides = array<i32>} : memref<32x512xf32, #tpu.memory_space<vmem>>, vector<16xf32>,
        %add3A_173 = arith.addf %add3A_169, %get3A_172 : vector<16xf32>
        %get3A_174 = arith.index_cast %scan3A_132 : i32 to index
        %get3A_175 = arith.constant 160 : index
        %get3A_176 = tpu.vector_load %arg7[%get3A_174, %get3A_175] {strides = array<i32>} : memref<32x512xf32, #tpu.memory_space<vmem>>, vector<16xf32>,
        %add3A_177 = arith.addf %add3A_173, %get3A_176 : vector<16xf32>
        %get3A_178 = arith.index_cast %scan3A_132 : i32 to index
        %get3A_179 = arith.constant 176 : index
        %get3A_180 = tpu.vector_load %arg7[%get3A_178, %get3A_179] {strides = array<i32>} : memref<32x512xf32, #tpu.memory_space<vmem>>, vector<16xf32>,
        %add3A_181 = arith.addf %add3A_177, %get3A_180 : vector<16xf32>
        %get3A_182 = arith.index_cast %scan3A_132 : i32 to index
        %get3A_183 = arith.constant 192 : index
        %get3A_184 = tpu.vector_load %arg7[%get3A_182, %get3A_183] {strides = array<i32>} : memref<32x512xf32, #tpu.memory_space<vmem>>, vector<16xf32>,
        %add3A_185 = arith.addf %add3A_181, %get3A_184 : vector<16xf32>
        %get3A_186 = arith.index_cast %scan3A_132 : i32 to index
        %get3A_187 = arith.constant 208 : index
        %get3A_188 = tpu.vector_load %arg7[%get3A_186, %get3A_187] {strides = array<i32>} : memref<32x512xf32, #tpu.memory_space<vmem>>, vector<16xf32>,
        %add3A_189 = arith.addf %add3A_185, %get3A_188 : vector<16xf32>
        %get3A_190 = arith.index_cast %scan3A_132 : i32 to index
        %get3A_191 = arith.constant 224 : index
        %get3A_192 = tpu.vector_load %arg7[%get3A_190, %get3A_191] {strides = array<i32>} : memref<32x512xf32, #tpu.memory_space<vmem>>, vector<16xf32>,
        %add3A_193 = arith.addf %add3A_189, %get3A_192 : vector<16xf32>
        %get3A_194 = arith.index_cast %scan3A_132 : i32 to index
        %get3A_195 = arith.constant 240 : index
        %get3A_196 = tpu.vector_load %arg7[%get3A_194, %get3A_195] {strides = array<i32>} : memref<32x512xf32, #tpu.memory_space<vmem>>, vector<16xf32>,
        %add3A_197 = arith.addf %add3A_193, %get3A_196 : vector<16xf32>
        %get3A_198 = arith.index_cast %scan3A_132 : i32 to index
        %get3A_199 = arith.constant 256 : index
        %get3A_200 = tpu.vector_load %arg7[%get3A_198, %get3A_199] {strides = array<i32>} : memref<32x512xf32, #tpu.memory_space<vmem>>, vector<16xf32>,
        %add3A_201 = arith.addf %add3A_197, %get3A_200 : vector<16xf32>
        %get3A_202 = arith.index_cast %scan3A_132 : i32 to index
        %get3A_203 = arith.constant 272 : index
        %get3A_204 = tpu.vector_load %arg7[%get3A_202, %get3A_203] {strides = array<i32>} : memref<32x512xf32, #tpu.memory_space<vmem>>, vector<16xf32>,
        %add3A_205 = arith.addf %add3A_201, %get3A_204 : vector<16xf32>
        %get3A_206 = arith.index_cast %scan3A_132 : i32 to index
        %get3A_207 = arith.constant 288 : index
        %get3A_208 = tpu.vector_load %arg7[%get3A_206, %get3A_207] {strides = array<i32>} : memref<32x512xf32, #tpu.memory_space<vmem>>, vector<16xf32>,
        %add3A_209 = arith.addf %add3A_205, %get3A_208 : vector<16xf32>
        %get3A_210 = arith.index_cast %scan3A_132 : i32 to index
        %get3A_211 = arith.constant 304 : index
        %get3A_212 = tpu.vector_load %arg7[%get3A_210, %get3A_211] {strides = array<i32>} : memref<32x512xf32, #tpu.memory_space<vmem>>, vector<16xf32>,
        %add3A_213 = arith.addf %add3A_209, %get3A_212 : vector<16xf32>
        %get3A_214 = arith.index_cast %scan3A_132 : i32 to index
        %get3A_215 = arith.constant 320 : index
        %get3A_216 = tpu.vector_load %arg7[%get3A_214, %get3A_215] {strides = array<i32>} : memref<32x512xf32, #tpu.memory_space<vmem>>, vector<16xf32>,
        %add3A_217 = arith.addf %add3A_213, %get3A_216 : vector<16xf32>
        %get3A_218 = arith.index_cast %scan3A_132 : i32 to index
        %get3A_219 = arith.constant 336 : index
        %get3A_220 = tpu.vector_load %arg7[%get3A_218, %get3A_219] {strides = array<i32>} : memref<32x512xf32, #tpu.memory_space<vmem>>, vector<16xf32>,
        %add3A_221 = arith.addf %add3A_217, %get3A_220 : vector<16xf32>
        %get3A_222 = arith.index_cast %scan3A_132 : i32 to index
        %get3A_223 = arith.constant 352 : index
        %get3A_224 = tpu.vector_load %arg7[%get3A_222, %get3A_223] {strides = array<i32>} : memref<32x512xf32, #tpu.memory_space<vmem>>, vector<16xf32>,
        %add3A_225 = arith.addf %add3A_221, %get3A_224 : vector<16xf32>
        %get3A_226 = arith.index_cast %scan3A_132 : i32 to index
        %get3A_227 = arith.constant 368 : index
        %get3A_228 = tpu.vector_load %arg7[%get3A_226, %get3A_227] {strides = array<i32>} : memref<32x512xf32, #tpu.memory_space<vmem>>, vector<16xf32>,
        %add3A_229 = arith.addf %add3A_225, %get3A_228 : vector<16xf32>
        %get3A_230 = arith.index_cast %scan3A_132 : i32 to index
        %get3A_231 = arith.constant 384 : index
        %get3A_232 = tpu.vector_load %arg7[%get3A_230, %get3A_231] {strides = array<i32>} : memref<32x512xf32, #tpu.memory_space<vmem>>, vector<16xf32>,
        %add3A_233 = arith.addf %add3A_229, %get3A_232 : vector<16xf32>
        %get3A_234 = arith.index_cast %scan3A_132 : i32 to index
        %get3A_235 = arith.constant 400 : index
        %get3A_236 = tpu.vector_load %arg7[%get3A_234, %get3A_235] {strides = array<i32>} : memref<32x512xf32, #tpu.memory_space<vmem>>, vector<16xf32>,
        %add3A_237 = arith.addf %add3A_233, %get3A_236 : vector<16xf32>
        %get3A_238 = arith.index_cast %scan3A_132 : i32 to index
        %get3A_239 = arith.constant 416 : index
        %get3A_240 = tpu.vector_load %arg7[%get3A_238, %get3A_239] {strides = array<i32>} : memref<32x512xf32, #tpu.memory_space<vmem>>, vector<16xf32>,
        %add3A_241 = arith.addf %add3A_237, %get3A_240 : vector<16xf32>
        %get3A_242 = arith.index_cast %scan3A_132 : i32 to index
        %get3A_243 = arith.constant 432 : index
        %get3A_244 = tpu.vector_load %arg7[%get3A_242, %get3A_243] {strides = array<i32>} : memref<32x512xf32, #tpu.memory_space<vmem>>, vector<16xf32>,
        %add3A_245 = arith.addf %add3A_241, %get3A_244 : vector<16xf32>
        %get3A_246 = arith.index_cast %scan3A_132 : i32 to index
        %get3A_247 = arith.constant 448 : index
        %get3A_248 = tpu.vector_load %arg7[%get3A_246, %get3A_247] {strides = array<i32>} : memref<32x512xf32, #tpu.memory_space<vmem>>, vector<16xf32>,
        %add3A_249 = arith.addf %add3A_245, %get3A_248 : vector<16xf32>
        %get3A_250 = arith.index_cast %scan3A_132 : i32 to index
        %get3A_251 = arith.constant 464 : index
        %get3A_252 = tpu.vector_load %arg7[%get3A_250, %get3A_251] {strides = array<i32>} : memref<32x512xf32, #tpu.memory_space<vmem>>, vector<16xf32>,
        %add3A_253 = arith.addf %add3A_249, %get3A_252 : vector<16xf32>
        %get3A_254 = arith.index_cast %scan3A_132 : i32 to index
        %get3A_255 = arith.constant 480 : index
        %get3A_256 = tpu.vector_load %arg7[%get3A_254, %get3A_255] {strides = array<i32>} : memref<32x512xf32, #tpu.memory_space<vmem>>, vector<16xf32>,
        %add3A_257 = arith.addf %add3A_253, %get3A_256 : vector<16xf32>
        %get3A_258 = arith.index_cast %scan3A_132 : i32 to index
        %get3A_259 = arith.constant 496 : index
        %get3A_260 = tpu.vector_load %arg7[%get3A_258, %get3A_259] {strides = array<i32>} : memref<32x512xf32, #tpu.memory_space<vmem>>, vector<16xf32>,
        %add3A_261 = arith.addf %add3A_257, %get3A_260 : vector<16xf32>
        scf.yield %add3A_261 : vector<16xf32>
      }
      %scan3A_131 = arith.constant 32 : i32
      scf.yield %scan3A_130 : vector<16xf32>
    }
    %scan3A_33 = arith.constant 16 : i32
    %reduce_sum3A_34 = arith.constant true
    %reduce_sum3A_35 = vector.broadcast %reduce_sum3A_34 : i1 to vector<16xi1>
    %reduce_sum3A_36 = tpu.scan <sum>, %scan3A_32 masked %reduce_sum3A_35 : vector<16xf32>, vector<16xi1> -> vector<16xf32>
    %reduce_sum3A_37 = vector.extract %reduce_sum3A_36[15] : f32 from vector<16xf32>
    %mul3A_38 = arith.constant 3.81469727E-6 : f32
    %mul3A_39 = arith.mulf %reduce_sum3A_37, %mul3A_38 : f32
    %get3A = arith.constant 0 : i32
    %get3A_40 = arith.index_cast %get3A : i32 to index
    %get3A_41 = arith.constant 0 : index
    %get3A_42 = tpu.vector_load %arg10[%get3A_40, %get3A_41] {strides = array<i32>} : memref<1x16xf32, #tpu.memory_space<vmem>>, vector<16xf32>,
    %get3A_43 = arith.constant 0 : i32
    %get3A_44 = arith.index_cast %get3A_43 : i32 to index
    %get3A_45 = arith.constant 0 : index
    %get3A_46 = tpu.vector_load %arg9[%get3A_44, %get3A_45] {strides = array<i32>} : memref<3x16xf32, #tpu.memory_space<vmem>>, vector<16xf32>,
    %mul3A_47 = vector.broadcast %mul3A_11 : f32 to vector<16xf32>
    %mul3A_48 = arith.mulf %mul3A_47, %get3A_46 : vector<16xf32>
    %add3A_49 = arith.addf %get3A_42, %mul3A_48 : vector<16xf32>
    %get3A_50 = arith.constant 1 : i32
    %get3A_51 = arith.index_cast %get3A_50 : i32 to index
    %get3A_52 = arith.constant 0 : index
    %get3A_53 = tpu.vector_load %arg9[%get3A_51, %get3A_52] {strides = array<i32>} : memref<3x16xf32, #tpu.memory_space<vmem>>, vector<16xf32>,
    %mul3A_54 = vector.broadcast %mul3A_25 : f32 to vector<16xf32>
    %mul3A_55 = arith.mulf %mul3A_54, %get3A_53 : vector<16xf32>
    %add3A_56 = arith.addf %add3A_49, %mul3A_55 : vector<16xf32>
    %get3A_57 = arith.constant 2 : i32
    %get3A_58 = arith.index_cast %get3A_57 : i32 to index
    %get3A_59 = arith.constant 0 : index
    %get3A_60 = tpu.vector_load %arg9[%get3A_58, %get3A_59] {strides = array<i32>} : memref<3x16xf32, #tpu.memory_space<vmem>>, vector<16xf32>,
    %mul3A_61 = vector.broadcast %mul3A_39 : f32 to vector<16xf32>
    %mul3A_62 = arith.mulf %mul3A_61, %get3A_60 : vector<16xf32>
    %add3A_63 = arith.addf %add3A_56, %mul3A_62 : vector<16xf32>
    %neg3A = arith.constant 0.000000e+00 : f32
    %neg3A_64 = vector.broadcast %neg3A : f32 to vector<16xf32>
    %neg3A_65 = arith.subf %neg3A_64, %add3A_63 : vector<16xf32>
    %exp3A = math.exp %neg3A_65 : vector<16xf32>
    %add3A_66 = arith.constant 1.000000e+00 : f32
    %add3A_67 = vector.broadcast %add3A_66 : f32 to vector<16xf32>
    %add3A_68 = arith.addf %add3A_67, %exp3A : vector<16xf32>
    %div3A = arith.constant 1.000000e+00 : f32
    %div3A_69 = vector.broadcast %div3A : f32 to vector<16xf32>
    %div3A_70 = arith.divf %div3A_69, %add3A_68 : vector<16xf32>
    %iota3A = tpu.iota {dimensions = array<i32: 0>} : vector<16xi32>
    %eq3A = arith.constant 3 : i32
    %eq3A_71 = vector.broadcast %eq3A : i32 to vector<16xi32>
    %eq3A_72 = arith.cmpi eq, %iota3A, %eq3A_71 : vector<16xi32>
    %jit3A = arith.constant 0.000000e+00 : f32
    %broadcast_in_dim3A_73 = vector.broadcast %jit3A : f32 to vector<16xf32>
    %select_n3A = arith.select %eq3A_72, %div3A_70, %broadcast_in_dim3A_73 : vector<16xi1>, vector<16xf32>
    %reduce_sum3A_74 = arith.constant true
    %reduce_sum3A_75 = vector.broadcast %reduce_sum3A_74 : i1 to vector<16xi1>
    %reduce_sum3A_76 = tpu.scan <sum>, %select_n3A masked %reduce_sum3A_75 : vector<16xf32>, vector<16xi1> -> vector<16xf32>
    %reduce_sum3A_77 = vector.extract %reduce_sum3A_76[15] : f32 from vector<16xf32>
    %eq3A_78 = arith.constant 0 : i32
    %eq3A_79 = vector.broadcast %eq3A_78 : i32 to vector<16xi32>
    %eq3A_80 = arith.cmpi eq, %iota3A, %eq3A_79 : vector<16xi32>
    %jit3A_81 = arith.constant 0.000000e+00 : f32
    %broadcast_in_dim3A_82 = vector.broadcast %jit3A_81 : f32 to vector<16xf32>
    %select_n3A_83 = arith.select %eq3A_80, %div3A_70, %broadcast_in_dim3A_82 : vector<16xi1>, vector<16xf32>
    %reduce_sum3A_84 = arith.constant true
    %reduce_sum3A_85 = vector.broadcast %reduce_sum3A_84 : i1 to vector<16xi1>
    %reduce_sum3A_86 = tpu.scan <sum>, %select_n3A_83 masked %reduce_sum3A_85 : vector<16xf32>, vector<16xi1> -> vector<16xf32>
    %reduce_sum3A_87 = vector.extract %reduce_sum3A_86[15] : f32 from vector<16xf32>
    %sub3A = arith.constant 1.000000e+00 : f32
    %sub3A_88 = arith.subf %sub3A, %reduce_sum3A_77 : f32
    %mul3A_89 = arith.mulf %reduce_sum3A_87, %sub3A_88 : f32
    %eq3A_90 = arith.constant 1 : i32
    %eq3A_91 = vector.broadcast %eq3A_90 : i32 to vector<16xi32>
    %eq3A_92 = arith.cmpi eq, %iota3A, %eq3A_91 : vector<16xi32>
    %jit3A_93 = arith.constant 0.000000e+00 : f32
    %broadcast_in_dim3A_94 = vector.broadcast %jit3A_93 : f32 to vector<16xf32>
    %select_n3A_95 = arith.select %eq3A_92, %div3A_70, %broadcast_in_dim3A_94 : vector<16xi1>, vector<16xf32>
    %reduce_sum3A_96 = arith.constant true
    %reduce_sum3A_97 = vector.broadcast %reduce_sum3A_96 : i1 to vector<16xi1>
    %reduce_sum3A_98 = tpu.scan <sum>, %select_n3A_95 masked %reduce_sum3A_97 : vector<16xf32>, vector<16xi1> -> vector<16xf32>
    %reduce_sum3A_99 = vector.extract %reduce_sum3A_98[15] : f32 from vector<16xf32>
    %sub3A_100 = arith.constant 1.000000e+00 : f32
    %sub3A_101 = arith.subf %sub3A_100, %reduce_sum3A_77 : f32
    %mul3A_102 = arith.mulf %reduce_sum3A_99, %sub3A_101 : f32
    %eq3A_103 = arith.constant 2 : i32
    %eq3A_104 = vector.broadcast %eq3A_103 : i32 to vector<16xi32>
    %eq3A_105 = arith.cmpi eq, %iota3A, %eq3A_104 : vector<16xi32>
    %jit3A_106 = arith.constant 0.000000e+00 : f32
    %broadcast_in_dim3A_107 = vector.broadcast %jit3A_106 : f32 to vector<16xf32>
    %select_n3A_108 = arith.select %eq3A_105, %div3A_70, %broadcast_in_dim3A_107 : vector<16xi1>, vector<16xf32>
    %reduce_sum3A_109 = arith.constant true
    %reduce_sum3A_110 = vector.broadcast %reduce_sum3A_109 : i1 to vector<16xi1>
    %reduce_sum3A_111 = tpu.scan <sum>, %select_n3A_108 masked %reduce_sum3A_110 : vector<16xf32>, vector<16xi1> -> vector<16xf32>
    %reduce_sum3A_112 = vector.extract %reduce_sum3A_111[15] : f32 from vector<16xf32>
    %sub3A_113 = arith.constant 1.000000e+00 : f32
    %sub3A_114 = arith.subf %sub3A_113, %reduce_sum3A_77 : f32
    %mul3A_115 = arith.mulf %reduce_sum3A_112, %sub3A_114 : f32
    %scan3A_116 = arith.constant 0 : i32
    %scan3A_117 = arith.constant 0 : i32
    %scan3A_118 = arith.constant 16 : i32
    %scan3A_119 = arith.addi %scan3A_117, %scan3A_118 : i32
    %scan3A_120 = arith.constant 1 : i32
    scf.for %scan3A_122 = %scan3A_117 to %scan3A_119 step %scan3A_120  : i32 {
      %mul3A_123 = arith.constant 32 : i32
      %mul3A_124 = arith.muli %scan3A_122, %mul3A_123 : i32
      "tpu.region"() ({
        %run_scoped3A_160 = tpu.sem_alloc : memref<!tpu.dma_semaphore, #tpu.memory_space<semaphore_mem>>
        %dma_start3A = arith.constant 0 : i32
        %dma_start3A_161 = tpu.memref_slice %arg3[%add3A, %mul3A_124, %dma_start3A] : memref<32x512x512xi32, #tpu.memory_space<hbm>> -> memref<1x32x512xi32, #tpu.memory_space<hbm>>
        %dma_start3A_162 = tpu.memref_squeeze %dma_start3A_161 : memref<1x32x512xi32, #tpu.memory_space<hbm>> -> memref<32x512xi32, #tpu.memory_space<hbm>>
        %dma_start3A_163 = arith.constant 0 : i32
        %dma_start3A_164 = tpu.memref_slice %arg3[%add3A, %mul3A_124, %dma_start3A_163] : memref<32x512x512xi32, #tpu.memory_space<hbm>> -> memref<1x32x512xi32, #tpu.memory_space<hbm>>
        %dma_start3A_165 = tpu.memref_squeeze %dma_start3A_164 : memref<1x32x512xi32, #tpu.memory_space<hbm>> -> memref<32x512xi32, #tpu.memory_space<hbm>>
        tpu.enqueue_dma source(%dma_start3A_165 : memref<32x512xi32, #tpu.memory_space<hbm>>) target(%arg8 : memref<32x512xi32, #tpu.memory_space<vmem>>) target_semaphore(%run_scoped3A_160 : memref<!tpu.dma_semaphore, #tpu.memory_space<semaphore_mem>>)
        %dma_wait3A = arith.constant 0 : i32
        %dma_wait3A_166 = tpu.memref_slice %arg3[%add3A, %mul3A_124, %dma_wait3A] : memref<32x512x512xi32, #tpu.memory_space<hbm>> -> memref<1x32x512xi32, #tpu.memory_space<hbm>>
        %dma_wait3A_167 = tpu.memref_squeeze %dma_wait3A_166 : memref<1x32x512xi32, #tpu.memory_space<hbm>> -> memref<32x512xi32, #tpu.memory_space<hbm>>
        %dma_wait3A_168 = arith.constant 0 : i32
        %dma_wait3A_169 = tpu.memref_slice %arg3[%add3A, %mul3A_124, %dma_wait3A_168] : memref<32x512x512xi32, #tpu.memory_space<hbm>> -> memref<1x32x512xi32, #tpu.memory_space<hbm>>
        %dma_wait3A_170 = tpu.memref_squeeze %dma_wait3A_169 : memref<1x32x512xi32, #tpu.memory_space<hbm>> -> memref<32x512xi32, #tpu.memory_space<hbm>>
        tpu.wait_dma2 semaphore(%run_scoped3A_160 : memref<!tpu.dma_semaphore, #tpu.memory_space<semaphore_mem>>) src(%dma_wait3A_170 : memref<32x512xi32, #tpu.memory_space<hbm>>) dst(%arg8 : memref<32x512xi32, #tpu.memory_space<vmem>>)
        tpu.yield
      }) : () -> ()
      %mul3A_125 = arith.constant 32 : i32
      %mul3A_126 = arith.muli %scan3A_122, %mul3A_125 : i32
      %run_scoped3A = arith.constant 0 : i32
      "tpu.region"() ({
        %run_scoped3A_160 = tpu.sem_alloc : memref<!tpu.dma_semaphore, #tpu.memory_space<semaphore_mem>>
        %dma_start3A = arith.constant 0 : i32
        %dma_start3A_161 = tpu.memref_slice %arg2[%add3A, %run_scoped3A, %mul3A_126, %dma_start3A] : memref<32x3x512x512xf32, #tpu.memory_space<hbm>> -> memref<1x1x32x512xf32, #tpu.memory_space<hbm>>
        %dma_start3A_162 = tpu.memref_squeeze %dma_start3A_161 : memref<1x1x32x512xf32, #tpu.memory_space<hbm>> -> memref<32x512xf32, #tpu.memory_space<hbm>>
        %dma_start3A_163 = arith.constant 0 : i32
        %dma_start3A_164 = tpu.memref_slice %arg2[%add3A, %run_scoped3A, %mul3A_126, %dma_start3A_163] : memref<32x3x512x512xf32, #tpu.memory_space<hbm>> -> memref<1x1x32x512xf32, #tpu.memory_space<hbm>>
        %dma_start3A_165 = tpu.memref_squeeze %dma_start3A_164 : memref<1x1x32x512xf32, #tpu.memory_space<hbm>> -> memref<32x512xf32, #tpu.memory_space<hbm>>
        tpu.enqueue_dma source(%dma_start3A_165 : memref<32x512xf32, #tpu.memory_space<hbm>>) target(%arg7 : memref<32x512xf32, #tpu.memory_space<vmem>>) target_semaphore(%run_scoped3A_160 : memref<!tpu.dma_semaphore, #tpu.memory_space<semaphore_mem>>)
        %dma_wait3A = arith.constant 0 : i32
        %dma_wait3A_166 = tpu.memref_slice %arg2[%add3A, %run_scoped3A, %mul3A_126, %dma_wait3A] : memref<32x3x512x512xf32, #tpu.memory_space<hbm>> -> memref<1x1x32x512xf32, #tpu.memory_space<hbm>>
        %dma_wait3A_167 = tpu.memref_squeeze %dma_wait3A_166 : memref<1x1x32x512xf32, #tpu.memory_space<hbm>> -> memref<32x512xf32, #tpu.memory_space<hbm>>
        %dma_wait3A_168 = arith.constant 0 : i32
        %dma_wait3A_169 = tpu.memref_slice %arg2[%add3A, %run_scoped3A, %mul3A_126, %dma_wait3A_168] : memref<32x3x512x512xf32, #tpu.memory_space<hbm>> -> memref<1x1x32x512xf32, #tpu.memory_space<hbm>>
        %dma_wait3A_170 = tpu.memref_squeeze %dma_wait3A_169 : memref<1x1x32x512xf32, #tpu.memory_space<hbm>> -> memref<32x512xf32, #tpu.memory_space<hbm>>
        tpu.wait_dma2 semaphore(%run_scoped3A_160 : memref<!tpu.dma_semaphore, #tpu.memory_space<semaphore_mem>>) src(%dma_wait3A_170 : memref<32x512xf32, #tpu.memory_space<hbm>>) dst(%arg7 : memref<32x512xf32, #tpu.memory_space<vmem>>)
        tpu.yield
      }) : () -> ()
      %scan3A_127 = arith.constant 0 : i32
      %scan3A_128 = arith.constant 0 : i32
      %scan3A_129 = arith.constant 32 : i32
      %scan3A_130 = arith.addi %scan3A_128, %scan3A_129 : i32
      %scan3A_131 = arith.constant 1 : i32
      scf.for %scan3A_160 = %scan3A_128 to %scan3A_130 step %scan3A_131  : i32 {
        %get3A_161 = arith.index_cast %scan3A_160 : i32 to index
        %get3A_162 = arith.constant 0 : index
        %get3A_163 = tpu.vector_load %arg7[%get3A_161, %get3A_162] {strides = array<i32>} : memref<32x512xf32, #tpu.memory_space<vmem>>, vector<16xf32>,
        %get3A_164 = arith.index_cast %scan3A_160 : i32 to index
        %get3A_165 = arith.constant 0 : index
        %get3A_166 = tpu.vector_load %arg8[%get3A_164, %get3A_165] {strides = array<i32>} : memref<32x512xi32, #tpu.memory_space<vmem>>, vector<16xi32>,
        %ne3A = arith.constant 0 : i32
        %ne3A_167 = vector.broadcast %ne3A : i32 to vector<16xi32>
        %ne3A_168 = arith.cmpi ne, %get3A_166, %ne3A_167 : vector<16xi32>
        %mul3A_169 = vector.broadcast %reduce_sum3A_77 : f32 to vector<16xf32>
        %mul3A_170 = arith.mulf %mul3A_169, %get3A_163 : vector<16xf32>
        %add3A_171 = vector.broadcast %mul3A_89 : f32 to vector<16xf32>
        %add3A_172 = arith.addf %add3A_171, %mul3A_170 : vector<16xf32>
        %select_n3A_173 = arith.select %ne3A_168, %add3A_172, %get3A_163 : vector<16xi1>, vector<16xf32>
        %swap3A = arith.index_cast %scan3A_160 : i32 to index
        %swap3A_174 = arith.constant 0 : index
        %swap3A_175 = tpu.vector_load %arg7[%swap3A, %swap3A_174] {strides = array<i32>} : memref<32x512xf32, #tpu.memory_space<vmem>>, vector<16xf32>,
        tpu.vector_store %arg7[%swap3A, %swap3A_174], %select_n3A_173 {strides = array<i32>} : memref<32x512xf32, #tpu.memory_space<vmem>>, vector<16xf32>,
        %get3A_176 = arith.index_cast %scan3A_160 : i32 to index
        %get3A_177 = arith.constant 16 : index
        %get3A_178 = tpu.vector_load %arg7[%get3A_176, %get3A_177] {strides = array<i32>} : memref<32x512xf32, #tpu.memory_space<vmem>>, vector<16xf32>,
        %get3A_179 = arith.index_cast %scan3A_160 : i32 to index
        %get3A_180 = arith.constant 16 : index
        %get3A_181 = tpu.vector_load %arg8[%get3A_179, %get3A_180] {strides = array<i32>} : memref<32x512xi32, #tpu.memory_space<vmem>>, vector<16xi32>,
        %ne3A_182 = arith.constant 0 : i32
        %ne3A_183 = vector.broadcast %ne3A_182 : i32 to vector<16xi32>
        %ne3A_184 = arith.cmpi ne, %get3A_181, %ne3A_183 : vector<16xi32>
        %mul3A_185 = vector.broadcast %reduce_sum3A_77 : f32 to vector<16xf32>
        %mul3A_186 = arith.mulf %mul3A_185, %get3A_178 : vector<16xf32>
        %add3A_187 = vector.broadcast %mul3A_89 : f32 to vector<16xf32>
        %add3A_188 = arith.addf %add3A_187, %mul3A_186 : vector<16xf32>
        %select_n3A_189 = arith.select %ne3A_184, %add3A_188, %get3A_178 : vector<16xi1>, vector<16xf32>
        %swap3A_190 = arith.index_cast %scan3A_160 : i32 to index
        %swap3A_191 = arith.constant 16 : index
        %swap3A_192 = tpu.vector_load %arg7[%swap3A_190, %swap3A_191] {strides = array<i32>} : memref<32x512xf32, #tpu.memory_space<vmem>>, vector<16xf32>,
        tpu.vector_store %arg7[%swap3A_190, %swap3A_191], %select_n3A_189 {strides = array<i32>} : memref<32x512xf32, #tpu.memory_space<vmem>>, vector<16xf32>,
        %get3A_193 = arith.index_cast %scan3A_160 : i32 to index
        %get3A_194 = arith.constant 32 : index
        %get3A_195 = tpu.vector_load %arg7[%get3A_193, %get3A_194] {strides = array<i32>} : memref<32x512xf32, #tpu.memory_space<vmem>>, vector<16xf32>,
        %get3A_196 = arith.index_cast %scan3A_160 : i32 to index
        %get3A_197 = arith.constant 32 : index
        %get3A_198 = tpu.vector_load %arg8[%get3A_196, %get3A_197] {strides = array<i32>} : memref<32x512xi32, #tpu.memory_space<vmem>>, vector<16xi32>,
        %ne3A_199 = arith.constant 0 : i32
        %ne3A_200 = vector.broadcast %ne3A_199 : i32 to vector<16xi32>
        %ne3A_201 = arith.cmpi ne, %get3A_198, %ne3A_200 : vector<16xi32>
        %mul3A_202 = vector.broadcast %reduce_sum3A_77 : f32 to vector<16xf32>
        %mul3A_203 = arith.mulf %mul3A_202, %get3A_195 : vector<16xf32>
        %add3A_204 = vector.broadcast %mul3A_89 : f32 to vector<16xf32>
        %add3A_205 = arith.addf %add3A_204, %mul3A_203 : vector<16xf32>
        %select_n3A_206 = arith.select %ne3A_201, %add3A_205, %get3A_195 : vector<16xi1>, vector<16xf32>
        %swap3A_207 = arith.index_cast %scan3A_160 : i32 to index
        %swap3A_208 = arith.constant 32 : index
        %swap3A_209 = tpu.vector_load %arg7[%swap3A_207, %swap3A_208] {strides = array<i32>} : memref<32x512xf32, #tpu.memory_space<vmem>>, vector<16xf32>,
        tpu.vector_store %arg7[%swap3A_207, %swap3A_208], %select_n3A_206 {strides = array<i32>} : memref<32x512xf32, #tpu.memory_space<vmem>>, vector<16xf32>,
        %get3A_210 = arith.index_cast %scan3A_160 : i32 to index
        %get3A_211 = arith.constant 48 : index
        %get3A_212 = tpu.vector_load %arg7[%get3A_210, %get3A_211] {strides = array<i32>} : memref<32x512xf32, #tpu.memory_space<vmem>>, vector<16xf32>,
        %get3A_213 = arith.index_cast %scan3A_160 : i32 to index
        %get3A_214 = arith.constant 48 : index
        %get3A_215 = tpu.vector_load %arg8[%get3A_213, %get3A_214] {strides = array<i32>} : memref<32x512xi32, #tpu.memory_space<vmem>>, vector<16xi32>,
        %ne3A_216 = arith.constant 0 : i32
        %ne3A_217 = vector.broadcast %ne3A_216 : i32 to vector<16xi32>
        %ne3A_218 = arith.cmpi ne, %get3A_215, %ne3A_217 : vector<16xi32>
        %mul3A_219 = vector.broadcast %reduce_sum3A_77 : f32 to vector<16xf32>
        %mul3A_220 = arith.mulf %mul3A_219, %get3A_212 : vector<16xf32>
        %add3A_221 = vector.broadcast %mul3A_89 : f32 to vector<16xf32>
        %add3A_222 = arith.addf %add3A_221, %mul3A_220 : vector<16xf32>
        %select_n3A_223 = arith.select %ne3A_218, %add3A_222, %get3A_212 : vector<16xi1>, vector<16xf32>
        %swap3A_224 = arith.index_cast %scan3A_160 : i32 to index
        %swap3A_225 = arith.constant 48 : index
        %swap3A_226 = tpu.vector_load %arg7[%swap3A_224, %swap3A_225] {strides = array<i32>} : memref<32x512xf32, #tpu.memory_space<vmem>>, vector<16xf32>,
        tpu.vector_store %arg7[%swap3A_224, %swap3A_225], %select_n3A_223 {strides = array<i32>} : memref<32x512xf32, #tpu.memory_space<vmem>>, vector<16xf32>,
        %get3A_227 = arith.index_cast %scan3A_160 : i32 to index
        %get3A_228 = arith.constant 64 : index
        %get3A_229 = tpu.vector_load %arg7[%get3A_227, %get3A_228] {strides = array<i32>} : memref<32x512xf32, #tpu.memory_space<vmem>>, vector<16xf32>,
        %get3A_230 = arith.index_cast %scan3A_160 : i32 to index
        %get3A_231 = arith.constant 64 : index
        %get3A_232 = tpu.vector_load %arg8[%get3A_230, %get3A_231] {strides = array<i32>} : memref<32x512xi32, #tpu.memory_space<vmem>>, vector<16xi32>,
        %ne3A_233 = arith.constant 0 : i32
        %ne3A_234 = vector.broadcast %ne3A_233 : i32 to vector<16xi32>
        %ne3A_235 = arith.cmpi ne, %get3A_232, %ne3A_234 : vector<16xi32>
        %mul3A_236 = vector.broadcast %reduce_sum3A_77 : f32 to vector<16xf32>
        %mul3A_237 = arith.mulf %mul3A_236, %get3A_229 : vector<16xf32>
        %add3A_238 = vector.broadcast %mul3A_89 : f32 to vector<16xf32>
        %add3A_239 = arith.addf %add3A_238, %mul3A_237 : vector<16xf32>
        %select_n3A_240 = arith.select %ne3A_235, %add3A_239, %get3A_229 : vector<16xi1>, vector<16xf32>
        %swap3A_241 = arith.index_cast %scan3A_160 : i32 to index
        %swap3A_242 = arith.constant 64 : index
        %swap3A_243 = tpu.vector_load %arg7[%swap3A_241, %swap3A_242] {strides = array<i32>} : memref<32x512xf32, #tpu.memory_space<vmem>>, vector<16xf32>,
        tpu.vector_store %arg7[%swap3A_241, %swap3A_242], %select_n3A_240 {strides = array<i32>} : memref<32x512xf32, #tpu.memory_space<vmem>>, vector<16xf32>,
        %get3A_244 = arith.index_cast %scan3A_160 : i32 to index
        %get3A_245 = arith.constant 80 : index
        %get3A_246 = tpu.vector_load %arg7[%get3A_244, %get3A_245] {strides = array<i32>} : memref<32x512xf32, #tpu.memory_space<vmem>>, vector<16xf32>,
        %get3A_247 = arith.index_cast %scan3A_160 : i32 to index
        %get3A_248 = arith.constant 80 : index
        %get3A_249 = tpu.vector_load %arg8[%get3A_247, %get3A_248] {strides = array<i32>} : memref<32x512xi32, #tpu.memory_space<vmem>>, vector<16xi32>,
        %ne3A_250 = arith.constant 0 : i32
        %ne3A_251 = vector.broadcast %ne3A_250 : i32 to vector<16xi32>
        %ne3A_252 = arith.cmpi ne, %get3A_249, %ne3A_251 : vector<16xi32>
        %mul3A_253 = vector.broadcast %reduce_sum3A_77 : f32 to vector<16xf32>
        %mul3A_254 = arith.mulf %mul3A_253, %get3A_246 : vector<16xf32>
        %add3A_255 = vector.broadcast %mul3A_89 : f32 to vector<16xf32>
        %add3A_256 = arith.addf %add3A_255, %mul3A_254 : vector<16xf32>
        %select_n3A_257 = arith.select %ne3A_252, %add3A_256, %get3A_246 : vector<16xi1>, vector<16xf32>
        %swap3A_258 = arith.index_cast %scan3A_160 : i32 to index
        %swap3A_259 = arith.constant 80 : index
        %swap3A_260 = tpu.vector_load %arg7[%swap3A_258, %swap3A_259] {strides = array<i32>} : memref<32x512xf32, #tpu.memory_space<vmem>>, vector<16xf32>,
        tpu.vector_store %arg7[%swap3A_258, %swap3A_259], %select_n3A_257 {strides = array<i32>} : memref<32x512xf32, #tpu.memory_space<vmem>>, vector<16xf32>,
        %get3A_261 = arith.index_cast %scan3A_160 : i32 to index
        %get3A_262 = arith.constant 96 : index
        %get3A_263 = tpu.vector_load %arg7[%get3A_261, %get3A_262] {strides = array<i32>} : memref<32x512xf32, #tpu.memory_space<vmem>>, vector<16xf32>,
        %get3A_264 = arith.index_cast %scan3A_160 : i32 to index
        %get3A_265 = arith.constant 96 : index
        %get3A_266 = tpu.vector_load %arg8[%get3A_264, %get3A_265] {strides = array<i32>} : memref<32x512xi32, #tpu.memory_space<vmem>>, vector<16xi32>,
        %ne3A_267 = arith.constant 0 : i32
        %ne3A_268 = vector.broadcast %ne3A_267 : i32 to vector<16xi32>
        %ne3A_269 = arith.cmpi ne, %get3A_266, %ne3A_268 : vector<16xi32>
        %mul3A_270 = vector.broadcast %reduce_sum3A_77 : f32 to vector<16xf32>
        %mul3A_271 = arith.mulf %mul3A_270, %get3A_263 : vector<16xf32>
        %add3A_272 = vector.broadcast %mul3A_89 : f32 to vector<16xf32>
        %add3A_273 = arith.addf %add3A_272, %mul3A_271 : vector<16xf32>
        %select_n3A_274 = arith.select %ne3A_269, %add3A_273, %get3A_263 : vector<16xi1>, vector<16xf32>
        %swap3A_275 = arith.index_cast %scan3A_160 : i32 to index
        %swap3A_276 = arith.constant 96 : index
        %swap3A_277 = tpu.vector_load %arg7[%swap3A_275, %swap3A_276] {strides = array<i32>} : memref<32x512xf32, #tpu.memory_space<vmem>>, vector<16xf32>,
        tpu.vector_store %arg7[%swap3A_275, %swap3A_276], %select_n3A_274 {strides = array<i32>} : memref<32x512xf32, #tpu.memory_space<vmem>>, vector<16xf32>,
        %get3A_278 = arith.index_cast %scan3A_160 : i32 to index
        %get3A_279 = arith.constant 112 : index
        %get3A_280 = tpu.vector_load %arg7[%get3A_278, %get3A_279] {strides = array<i32>} : memref<32x512xf32, #tpu.memory_space<vmem>>, vector<16xf32>,
        %get3A_281 = arith.index_cast %scan3A_160 : i32 to index
        %get3A_282 = arith.constant 112 : index
        %get3A_283 = tpu.vector_load %arg8[%get3A_281, %get3A_282] {strides = array<i32>} : memref<32x512xi32, #tpu.memory_space<vmem>>, vector<16xi32>,
        %ne3A_284 = arith.constant 0 : i32
        %ne3A_285 = vector.broadcast %ne3A_284 : i32 to vector<16xi32>
        %ne3A_286 = arith.cmpi ne, %get3A_283, %ne3A_285 : vector<16xi32>
        %mul3A_287 = vector.broadcast %reduce_sum3A_77 : f32 to vector<16xf32>
        %mul3A_288 = arith.mulf %mul3A_287, %get3A_280 : vector<16xf32>
        %add3A_289 = vector.broadcast %mul3A_89 : f32 to vector<16xf32>
        %add3A_290 = arith.addf %add3A_289, %mul3A_288 : vector<16xf32>
        %select_n3A_291 = arith.select %ne3A_286, %add3A_290, %get3A_280 : vector<16xi1>, vector<16xf32>
        %swap3A_292 = arith.index_cast %scan3A_160 : i32 to index
        %swap3A_293 = arith.constant 112 : index
        %swap3A_294 = tpu.vector_load %arg7[%swap3A_292, %swap3A_293] {strides = array<i32>} : memref<32x512xf32, #tpu.memory_space<vmem>>, vector<16xf32>,
        tpu.vector_store %arg7[%swap3A_292, %swap3A_293], %select_n3A_291 {strides = array<i32>} : memref<32x512xf32, #tpu.memory_space<vmem>>, vector<16xf32>,
        %get3A_295 = arith.index_cast %scan3A_160 : i32 to index
        %get3A_296 = arith.constant 128 : index
        %get3A_297 = tpu.vector_load %arg7[%get3A_295, %get3A_296] {strides = array<i32>} : memref<32x512xf32, #tpu.memory_space<vmem>>, vector<16xf32>,
        %get3A_298 = arith.index_cast %scan3A_160 : i32 to index
        %get3A_299 = arith.constant 128 : index
        %get3A_300 = tpu.vector_load %arg8[%get3A_298, %get3A_299] {strides = array<i32>} : memref<32x512xi32, #tpu.memory_space<vmem>>, vector<16xi32>,
        %ne3A_301 = arith.constant 0 : i32
        %ne3A_302 = vector.broadcast %ne3A_301 : i32 to vector<16xi32>
        %ne3A_303 = arith.cmpi ne, %get3A_300, %ne3A_302 : vector<16xi32>
        %mul3A_304 = vector.broadcast %reduce_sum3A_77 : f32 to vector<16xf32>
        %mul3A_305 = arith.mulf %mul3A_304, %get3A_297 : vector<16xf32>
        %add3A_306 = vector.broadcast %mul3A_89 : f32 to vector<16xf32>
        %add3A_307 = arith.addf %add3A_306, %mul3A_305 : vector<16xf32>
        %select_n3A_308 = arith.select %ne3A_303, %add3A_307, %get3A_297 : vector<16xi1>, vector<16xf32>
        %swap3A_309 = arith.index_cast %scan3A_160 : i32 to index
        %swap3A_310 = arith.constant 128 : index
        %swap3A_311 = tpu.vector_load %arg7[%swap3A_309, %swap3A_310] {strides = array<i32>} : memref<32x512xf32, #tpu.memory_space<vmem>>, vector<16xf32>,
        tpu.vector_store %arg7[%swap3A_309, %swap3A_310], %select_n3A_308 {strides = array<i32>} : memref<32x512xf32, #tpu.memory_space<vmem>>, vector<16xf32>,
        %get3A_312 = arith.index_cast %scan3A_160 : i32 to index
        %get3A_313 = arith.constant 144 : index
        %get3A_314 = tpu.vector_load %arg7[%get3A_312, %get3A_313] {strides = array<i32>} : memref<32x512xf32, #tpu.memory_space<vmem>>, vector<16xf32>,
        %get3A_315 = arith.index_cast %scan3A_160 : i32 to index
        %get3A_316 = arith.constant 144 : index
        %get3A_317 = tpu.vector_load %arg8[%get3A_315, %get3A_316] {strides = array<i32>} : memref<32x512xi32, #tpu.memory_space<vmem>>, vector<16xi32>,
        %ne3A_318 = arith.constant 0 : i32
        %ne3A_319 = vector.broadcast %ne3A_318 : i32 to vector<16xi32>
        %ne3A_320 = arith.cmpi ne, %get3A_317, %ne3A_319 : vector<16xi32>
        %mul3A_321 = vector.broadcast %reduce_sum3A_77 : f32 to vector<16xf32>
        %mul3A_322 = arith.mulf %mul3A_321, %get3A_314 : vector<16xf32>
        %add3A_323 = vector.broadcast %mul3A_89 : f32 to vector<16xf32>
        %add3A_324 = arith.addf %add3A_323, %mul3A_322 : vector<16xf32>
        %select_n3A_325 = arith.select %ne3A_320, %add3A_324, %get3A_314 : vector<16xi1>, vector<16xf32>
        %swap3A_326 = arith.index_cast %scan3A_160 : i32 to index
        %swap3A_327 = arith.constant 144 : index
        %swap3A_328 = tpu.vector_load %arg7[%swap3A_326, %swap3A_327] {strides = array<i32>} : memref<32x512xf32, #tpu.memory_space<vmem>>, vector<16xf32>,
        tpu.vector_store %arg7[%swap3A_326, %swap3A_327], %select_n3A_325 {strides = array<i32>} : memref<32x512xf32, #tpu.memory_space<vmem>>, vector<16xf32>,
        %get3A_329 = arith.index_cast %scan3A_160 : i32 to index
        %get3A_330 = arith.constant 160 : index
        %get3A_331 = tpu.vector_load %arg7[%get3A_329, %get3A_330] {strides = array<i32>} : memref<32x512xf32, #tpu.memory_space<vmem>>, vector<16xf32>,
        %get3A_332 = arith.index_cast %scan3A_160 : i32 to index
        %get3A_333 = arith.constant 160 : index
        %get3A_334 = tpu.vector_load %arg8[%get3A_332, %get3A_333] {strides = array<i32>} : memref<32x512xi32, #tpu.memory_space<vmem>>, vector<16xi32>,
        %ne3A_335 = arith.constant 0 : i32
        %ne3A_336 = vector.broadcast %ne3A_335 : i32 to vector<16xi32>
        %ne3A_337 = arith.cmpi ne, %get3A_334, %ne3A_336 : vector<16xi32>
        %mul3A_338 = vector.broadcast %reduce_sum3A_77 : f32 to vector<16xf32>
        %mul3A_339 = arith.mulf %mul3A_338, %get3A_331 : vector<16xf32>
        %add3A_340 = vector.broadcast %mul3A_89 : f32 to vector<16xf32>
        %add3A_341 = arith.addf %add3A_340, %mul3A_339 : vector<16xf32>
        %select_n3A_342 = arith.select %ne3A_337, %add3A_341, %get3A_331 : vector<16xi1>, vector<16xf32>
        %swap3A_343 = arith.index_cast %scan3A_160 : i32 to index
        %swap3A_344 = arith.constant 160 : index
        %swap3A_345 = tpu.vector_load %arg7[%swap3A_343, %swap3A_344] {strides = array<i32>} : memref<32x512xf32, #tpu.memory_space<vmem>>, vector<16xf32>,
        tpu.vector_store %arg7[%swap3A_343, %swap3A_344], %select_n3A_342 {strides = array<i32>} : memref<32x512xf32, #tpu.memory_space<vmem>>, vector<16xf32>,
        %get3A_346 = arith.index_cast %scan3A_160 : i32 to index
        %get3A_347 = arith.constant 176 : index
        %get3A_348 = tpu.vector_load %arg7[%get3A_346, %get3A_347] {strides = array<i32>} : memref<32x512xf32, #tpu.memory_space<vmem>>, vector<16xf32>,
        %get3A_349 = arith.index_cast %scan3A_160 : i32 to index
        %get3A_350 = arith.constant 176 : index
        %get3A_351 = tpu.vector_load %arg8[%get3A_349, %get3A_350] {strides = array<i32>} : memref<32x512xi32, #tpu.memory_space<vmem>>, vector<16xi32>,
        %ne3A_352 = arith.constant 0 : i32
        %ne3A_353 = vector.broadcast %ne3A_352 : i32 to vector<16xi32>
        %ne3A_354 = arith.cmpi ne, %get3A_351, %ne3A_353 : vector<16xi32>
        %mul3A_355 = vector.broadcast %reduce_sum3A_77 : f32 to vector<16xf32>
        %mul3A_356 = arith.mulf %mul3A_355, %get3A_348 : vector<16xf32>
        %add3A_357 = vector.broadcast %mul3A_89 : f32 to vector<16xf32>
        %add3A_358 = arith.addf %add3A_357, %mul3A_356 : vector<16xf32>
        %select_n3A_359 = arith.select %ne3A_354, %add3A_358, %get3A_348 : vector<16xi1>, vector<16xf32>
        %swap3A_360 = arith.index_cast %scan3A_160 : i32 to index
        %swap3A_361 = arith.constant 176 : index
        %swap3A_362 = tpu.vector_load %arg7[%swap3A_360, %swap3A_361] {strides = array<i32>} : memref<32x512xf32, #tpu.memory_space<vmem>>, vector<16xf32>,
        tpu.vector_store %arg7[%swap3A_360, %swap3A_361], %select_n3A_359 {strides = array<i32>} : memref<32x512xf32, #tpu.memory_space<vmem>>, vector<16xf32>,
        %get3A_363 = arith.index_cast %scan3A_160 : i32 to index
        %get3A_364 = arith.constant 192 : index
        %get3A_365 = tpu.vector_load %arg7[%get3A_363, %get3A_364] {strides = array<i32>} : memref<32x512xf32, #tpu.memory_space<vmem>>, vector<16xf32>,
        %get3A_366 = arith.index_cast %scan3A_160 : i32 to index
        %get3A_367 = arith.constant 192 : index
        %get3A_368 = tpu.vector_load %arg8[%get3A_366, %get3A_367] {strides = array<i32>} : memref<32x512xi32, #tpu.memory_space<vmem>>, vector<16xi32>,
        %ne3A_369 = arith.constant 0 : i32
        %ne3A_370 = vector.broadcast %ne3A_369 : i32 to vector<16xi32>
        %ne3A_371 = arith.cmpi ne, %get3A_368, %ne3A_370 : vector<16xi32>
        %mul3A_372 = vector.broadcast %reduce_sum3A_77 : f32 to vector<16xf32>
        %mul3A_373 = arith.mulf %mul3A_372, %get3A_365 : vector<16xf32>
        %add3A_374 = vector.broadcast %mul3A_89 : f32 to vector<16xf32>
        %add3A_375 = arith.addf %add3A_374, %mul3A_373 : vector<16xf32>
        %select_n3A_376 = arith.select %ne3A_371, %add3A_375, %get3A_365 : vector<16xi1>, vector<16xf32>
        %swap3A_377 = arith.index_cast %scan3A_160 : i32 to index
        %swap3A_378 = arith.constant 192 : index
        %swap3A_379 = tpu.vector_load %arg7[%swap3A_377, %swap3A_378] {strides = array<i32>} : memref<32x512xf32, #tpu.memory_space<vmem>>, vector<16xf32>,
        tpu.vector_store %arg7[%swap3A_377, %swap3A_378], %select_n3A_376 {strides = array<i32>} : memref<32x512xf32, #tpu.memory_space<vmem>>, vector<16xf32>,
        %get3A_380 = arith.index_cast %scan3A_160 : i32 to index
        %get3A_381 = arith.constant 208 : index
        %get3A_382 = tpu.vector_load %arg7[%get3A_380, %get3A_381] {strides = array<i32>} : memref<32x512xf32, #tpu.memory_space<vmem>>, vector<16xf32>,
        %get3A_383 = arith.index_cast %scan3A_160 : i32 to index
        %get3A_384 = arith.constant 208 : index
        %get3A_385 = tpu.vector_load %arg8[%get3A_383, %get3A_384] {strides = array<i32>} : memref<32x512xi32, #tpu.memory_space<vmem>>, vector<16xi32>,
        %ne3A_386 = arith.constant 0 : i32
        %ne3A_387 = vector.broadcast %ne3A_386 : i32 to vector<16xi32>
        %ne3A_388 = arith.cmpi ne, %get3A_385, %ne3A_387 : vector<16xi32>
        %mul3A_389 = vector.broadcast %reduce_sum3A_77 : f32 to vector<16xf32>
        %mul3A_390 = arith.mulf %mul3A_389, %get3A_382 : vector<16xf32>
        %add3A_391 = vector.broadcast %mul3A_89 : f32 to vector<16xf32>
        %add3A_392 = arith.addf %add3A_391, %mul3A_390 : vector<16xf32>
        %select_n3A_393 = arith.select %ne3A_388, %add3A_392, %get3A_382 : vector<16xi1>, vector<16xf32>
        %swap3A_394 = arith.index_cast %scan3A_160 : i32 to index
        %swap3A_395 = arith.constant 208 : index
        %swap3A_396 = tpu.vector_load %arg7[%swap3A_394, %swap3A_395] {strides = array<i32>} : memref<32x512xf32, #tpu.memory_space<vmem>>, vector<16xf32>,
        tpu.vector_store %arg7[%swap3A_394, %swap3A_395], %select_n3A_393 {strides = array<i32>} : memref<32x512xf32, #tpu.memory_space<vmem>>, vector<16xf32>,
        %get3A_397 = arith.index_cast %scan3A_160 : i32 to index
        %get3A_398 = arith.constant 224 : index
        %get3A_399 = tpu.vector_load %arg7[%get3A_397, %get3A_398] {strides = array<i32>} : memref<32x512xf32, #tpu.memory_space<vmem>>, vector<16xf32>,
        %get3A_400 = arith.index_cast %scan3A_160 : i32 to index
        %get3A_401 = arith.constant 224 : index
        %get3A_402 = tpu.vector_load %arg8[%get3A_400, %get3A_401] {strides = array<i32>} : memref<32x512xi32, #tpu.memory_space<vmem>>, vector<16xi32>,
        %ne3A_403 = arith.constant 0 : i32
        %ne3A_404 = vector.broadcast %ne3A_403 : i32 to vector<16xi32>
        %ne3A_405 = arith.cmpi ne, %get3A_402, %ne3A_404 : vector<16xi32>
        %mul3A_406 = vector.broadcast %reduce_sum3A_77 : f32 to vector<16xf32>
        %mul3A_407 = arith.mulf %mul3A_406, %get3A_399 : vector<16xf32>
        %add3A_408 = vector.broadcast %mul3A_89 : f32 to vector<16xf32>
        %add3A_409 = arith.addf %add3A_408, %mul3A_407 : vector<16xf32>
        %select_n3A_410 = arith.select %ne3A_405, %add3A_409, %get3A_399 : vector<16xi1>, vector<16xf32>
        %swap3A_411 = arith.index_cast %scan3A_160 : i32 to index
        %swap3A_412 = arith.constant 224 : index
        %swap3A_413 = tpu.vector_load %arg7[%swap3A_411, %swap3A_412] {strides = array<i32>} : memref<32x512xf32, #tpu.memory_space<vmem>>, vector<16xf32>,
        tpu.vector_store %arg7[%swap3A_411, %swap3A_412], %select_n3A_410 {strides = array<i32>} : memref<32x512xf32, #tpu.memory_space<vmem>>, vector<16xf32>,
        %get3A_414 = arith.index_cast %scan3A_160 : i32 to index
        %get3A_415 = arith.constant 240 : index
        %get3A_416 = tpu.vector_load %arg7[%get3A_414, %get3A_415] {strides = array<i32>} : memref<32x512xf32, #tpu.memory_space<vmem>>, vector<16xf32>,
        %get3A_417 = arith.index_cast %scan3A_160 : i32 to index
        %get3A_418 = arith.constant 240 : index
        %get3A_419 = tpu.vector_load %arg8[%get3A_417, %get3A_418] {strides = array<i32>} : memref<32x512xi32, #tpu.memory_space<vmem>>, vector<16xi32>,
        %ne3A_420 = arith.constant 0 : i32
        %ne3A_421 = vector.broadcast %ne3A_420 : i32 to vector<16xi32>
        %ne3A_422 = arith.cmpi ne, %get3A_419, %ne3A_421 : vector<16xi32>
        %mul3A_423 = vector.broadcast %reduce_sum3A_77 : f32 to vector<16xf32>
        %mul3A_424 = arith.mulf %mul3A_423, %get3A_416 : vector<16xf32>
        %add3A_425 = vector.broadcast %mul3A_89 : f32 to vector<16xf32>
        %add3A_426 = arith.addf %add3A_425, %mul3A_424 : vector<16xf32>
        %select_n3A_427 = arith.select %ne3A_422, %add3A_426, %get3A_416 : vector<16xi1>, vector<16xf32>
        %swap3A_428 = arith.index_cast %scan3A_160 : i32 to index
        %swap3A_429 = arith.constant 240 : index
        %swap3A_430 = tpu.vector_load %arg7[%swap3A_428, %swap3A_429] {strides = array<i32>} : memref<32x512xf32, #tpu.memory_space<vmem>>, vector<16xf32>,
        tpu.vector_store %arg7[%swap3A_428, %swap3A_429], %select_n3A_427 {strides = array<i32>} : memref<32x512xf32, #tpu.memory_space<vmem>>, vector<16xf32>,
        %get3A_431 = arith.index_cast %scan3A_160 : i32 to index
        %get3A_432 = arith.constant 256 : index
        %get3A_433 = tpu.vector_load %arg7[%get3A_431, %get3A_432] {strides = array<i32>} : memref<32x512xf32, #tpu.memory_space<vmem>>, vector<16xf32>,
        %get3A_434 = arith.index_cast %scan3A_160 : i32 to index
        %get3A_435 = arith.constant 256 : index
        %get3A_436 = tpu.vector_load %arg8[%get3A_434, %get3A_435] {strides = array<i32>} : memref<32x512xi32, #tpu.memory_space<vmem>>, vector<16xi32>,
        %ne3A_437 = arith.constant 0 : i32
        %ne3A_438 = vector.broadcast %ne3A_437 : i32 to vector<16xi32>
        %ne3A_439 = arith.cmpi ne, %get3A_436, %ne3A_438 : vector<16xi32>
        %mul3A_440 = vector.broadcast %reduce_sum3A_77 : f32 to vector<16xf32>
        %mul3A_441 = arith.mulf %mul3A_440, %get3A_433 : vector<16xf32>
        %add3A_442 = vector.broadcast %mul3A_89 : f32 to vector<16xf32>
        %add3A_443 = arith.addf %add3A_442, %mul3A_441 : vector<16xf32>
        %select_n3A_444 = arith.select %ne3A_439, %add3A_443, %get3A_433 : vector<16xi1>, vector<16xf32>
        %swap3A_445 = arith.index_cast %scan3A_160 : i32 to index
        %swap3A_446 = arith.constant 256 : index
        %swap3A_447 = tpu.vector_load %arg7[%swap3A_445, %swap3A_446] {strides = array<i32>} : memref<32x512xf32, #tpu.memory_space<vmem>>, vector<16xf32>,
        tpu.vector_store %arg7[%swap3A_445, %swap3A_446], %select_n3A_444 {strides = array<i32>} : memref<32x512xf32, #tpu.memory_space<vmem>>, vector<16xf32>,
        %get3A_448 = arith.index_cast %scan3A_160 : i32 to index
        %get3A_449 = arith.constant 272 : index
        %get3A_450 = tpu.vector_load %arg7[%get3A_448, %get3A_449] {strides = array<i32>} : memref<32x512xf32, #tpu.memory_space<vmem>>, vector<16xf32>,
        %get3A_451 = arith.index_cast %scan3A_160 : i32 to index
        %get3A_452 = arith.constant 272 : index
        %get3A_453 = tpu.vector_load %arg8[%get3A_451, %get3A_452] {strides = array<i32>} : memref<32x512xi32, #tpu.memory_space<vmem>>, vector<16xi32>,
        %ne3A_454 = arith.constant 0 : i32
        %ne3A_455 = vector.broadcast %ne3A_454 : i32 to vector<16xi32>
        %ne3A_456 = arith.cmpi ne, %get3A_453, %ne3A_455 : vector<16xi32>
        %mul3A_457 = vector.broadcast %reduce_sum3A_77 : f32 to vector<16xf32>
        %mul3A_458 = arith.mulf %mul3A_457, %get3A_450 : vector<16xf32>
        %add3A_459 = vector.broadcast %mul3A_89 : f32 to vector<16xf32>
        %add3A_460 = arith.addf %add3A_459, %mul3A_458 : vector<16xf32>
        %select_n3A_461 = arith.select %ne3A_456, %add3A_460, %get3A_450 : vector<16xi1>, vector<16xf32>
        %swap3A_462 = arith.index_cast %scan3A_160 : i32 to index
        %swap3A_463 = arith.constant 272 : index
        %swap3A_464 = tpu.vector_load %arg7[%swap3A_462, %swap3A_463] {strides = array<i32>} : memref<32x512xf32, #tpu.memory_space<vmem>>, vector<16xf32>,
        tpu.vector_store %arg7[%swap3A_462, %swap3A_463], %select_n3A_461 {strides = array<i32>} : memref<32x512xf32, #tpu.memory_space<vmem>>, vector<16xf32>,
        %get3A_465 = arith.index_cast %scan3A_160 : i32 to index
        %get3A_466 = arith.constant 288 : index
        %get3A_467 = tpu.vector_load %arg7[%get3A_465, %get3A_466] {strides = array<i32>} : memref<32x512xf32, #tpu.memory_space<vmem>>, vector<16xf32>,
        %get3A_468 = arith.index_cast %scan3A_160 : i32 to index
        %get3A_469 = arith.constant 288 : index
        %get3A_470 = tpu.vector_load %arg8[%get3A_468, %get3A_469] {strides = array<i32>} : memref<32x512xi32, #tpu.memory_space<vmem>>, vector<16xi32>,
        %ne3A_471 = arith.constant 0 : i32
        %ne3A_472 = vector.broadcast %ne3A_471 : i32 to vector<16xi32>
        %ne3A_473 = arith.cmpi ne, %get3A_470, %ne3A_472 : vector<16xi32>
        %mul3A_474 = vector.broadcast %reduce_sum3A_77 : f32 to vector<16xf32>
        %mul3A_475 = arith.mulf %mul3A_474, %get3A_467 : vector<16xf32>
        %add3A_476 = vector.broadcast %mul3A_89 : f32 to vector<16xf32>
        %add3A_477 = arith.addf %add3A_476, %mul3A_475 : vector<16xf32>
        %select_n3A_478 = arith.select %ne3A_473, %add3A_477, %get3A_467 : vector<16xi1>, vector<16xf32>
        %swap3A_479 = arith.index_cast %scan3A_160 : i32 to index
        %swap3A_480 = arith.constant 288 : index
        %swap3A_481 = tpu.vector_load %arg7[%swap3A_479, %swap3A_480] {strides = array<i32>} : memref<32x512xf32, #tpu.memory_space<vmem>>, vector<16xf32>,
        tpu.vector_store %arg7[%swap3A_479, %swap3A_480], %select_n3A_478 {strides = array<i32>} : memref<32x512xf32, #tpu.memory_space<vmem>>, vector<16xf32>,
        %get3A_482 = arith.index_cast %scan3A_160 : i32 to index
        %get3A_483 = arith.constant 304 : index
        %get3A_484 = tpu.vector_load %arg7[%get3A_482, %get3A_483] {strides = array<i32>} : memref<32x512xf32, #tpu.memory_space<vmem>>, vector<16xf32>,
        %get3A_485 = arith.index_cast %scan3A_160 : i32 to index
        %get3A_486 = arith.constant 304 : index
        %get3A_487 = tpu.vector_load %arg8[%get3A_485, %get3A_486] {strides = array<i32>} : memref<32x512xi32, #tpu.memory_space<vmem>>, vector<16xi32>,
        %ne3A_488 = arith.constant 0 : i32
        %ne3A_489 = vector.broadcast %ne3A_488 : i32 to vector<16xi32>
        %ne3A_490 = arith.cmpi ne, %get3A_487, %ne3A_489 : vector<16xi32>
        %mul3A_491 = vector.broadcast %reduce_sum3A_77 : f32 to vector<16xf32>
        %mul3A_492 = arith.mulf %mul3A_491, %get3A_484 : vector<16xf32>
        %add3A_493 = vector.broadcast %mul3A_89 : f32 to vector<16xf32>
        %add3A_494 = arith.addf %add3A_493, %mul3A_492 : vector<16xf32>
        %select_n3A_495 = arith.select %ne3A_490, %add3A_494, %get3A_484 : vector<16xi1>, vector<16xf32>
        %swap3A_496 = arith.index_cast %scan3A_160 : i32 to index
        %swap3A_497 = arith.constant 304 : index
        %swap3A_498 = tpu.vector_load %arg7[%swap3A_496, %swap3A_497] {strides = array<i32>} : memref<32x512xf32, #tpu.memory_space<vmem>>, vector<16xf32>,
        tpu.vector_store %arg7[%swap3A_496, %swap3A_497], %select_n3A_495 {strides = array<i32>} : memref<32x512xf32, #tpu.memory_space<vmem>>, vector<16xf32>,
        %get3A_499 = arith.index_cast %scan3A_160 : i32 to index
        %get3A_500 = arith.constant 320 : index
        %get3A_501 = tpu.vector_load %arg7[%get3A_499, %get3A_500] {strides = array<i32>} : memref<32x512xf32, #tpu.memory_space<vmem>>, vector<16xf32>,
        %get3A_502 = arith.index_cast %scan3A_160 : i32 to index
        %get3A_503 = arith.constant 320 : index
        %get3A_504 = tpu.vector_load %arg8[%get3A_502, %get3A_503] {strides = array<i32>} : memref<32x512xi32, #tpu.memory_space<vmem>>, vector<16xi32>,
        %ne3A_505 = arith.constant 0 : i32
        %ne3A_506 = vector.broadcast %ne3A_505 : i32 to vector<16xi32>
        %ne3A_507 = arith.cmpi ne, %get3A_504, %ne3A_506 : vector<16xi32>
        %mul3A_508 = vector.broadcast %reduce_sum3A_77 : f32 to vector<16xf32>
        %mul3A_509 = arith.mulf %mul3A_508, %get3A_501 : vector<16xf32>
        %add3A_510 = vector.broadcast %mul3A_89 : f32 to vector<16xf32>
        %add3A_511 = arith.addf %add3A_510, %mul3A_509 : vector<16xf32>
        %select_n3A_512 = arith.select %ne3A_507, %add3A_511, %get3A_501 : vector<16xi1>, vector<16xf32>
        %swap3A_513 = arith.index_cast %scan3A_160 : i32 to index
        %swap3A_514 = arith.constant 320 : index
        %swap3A_515 = tpu.vector_load %arg7[%swap3A_513, %swap3A_514] {strides = array<i32>} : memref<32x512xf32, #tpu.memory_space<vmem>>, vector<16xf32>,
        tpu.vector_store %arg7[%swap3A_513, %swap3A_514], %select_n3A_512 {strides = array<i32>} : memref<32x512xf32, #tpu.memory_space<vmem>>, vector<16xf32>,
        %get3A_516 = arith.index_cast %scan3A_160 : i32 to index
        %get3A_517 = arith.constant 336 : index
        %get3A_518 = tpu.vector_load %arg7[%get3A_516, %get3A_517] {strides = array<i32>} : memref<32x512xf32, #tpu.memory_space<vmem>>, vector<16xf32>,
        %get3A_519 = arith.index_cast %scan3A_160 : i32 to index
        %get3A_520 = arith.constant 336 : index
        %get3A_521 = tpu.vector_load %arg8[%get3A_519, %get3A_520] {strides = array<i32>} : memref<32x512xi32, #tpu.memory_space<vmem>>, vector<16xi32>,
        %ne3A_522 = arith.constant 0 : i32
        %ne3A_523 = vector.broadcast %ne3A_522 : i32 to vector<16xi32>
        %ne3A_524 = arith.cmpi ne, %get3A_521, %ne3A_523 : vector<16xi32>
        %mul3A_525 = vector.broadcast %reduce_sum3A_77 : f32 to vector<16xf32>
        %mul3A_526 = arith.mulf %mul3A_525, %get3A_518 : vector<16xf32>
        %add3A_527 = vector.broadcast %mul3A_89 : f32 to vector<16xf32>
        %add3A_528 = arith.addf %add3A_527, %mul3A_526 : vector<16xf32>
        %select_n3A_529 = arith.select %ne3A_524, %add3A_528, %get3A_518 : vector<16xi1>, vector<16xf32>
        %swap3A_530 = arith.index_cast %scan3A_160 : i32 to index
        %swap3A_531 = arith.constant 336 : index
        %swap3A_532 = tpu.vector_load %arg7[%swap3A_530, %swap3A_531] {strides = array<i32>} : memref<32x512xf32, #tpu.memory_space<vmem>>, vector<16xf32>,
        tpu.vector_store %arg7[%swap3A_530, %swap3A_531], %select_n3A_529 {strides = array<i32>} : memref<32x512xf32, #tpu.memory_space<vmem>>, vector<16xf32>,
        %get3A_533 = arith.index_cast %scan3A_160 : i32 to index
        %get3A_534 = arith.constant 352 : index
        %get3A_535 = tpu.vector_load %arg7[%get3A_533, %get3A_534] {strides = array<i32>} : memref<32x512xf32, #tpu.memory_space<vmem>>, vector<16xf32>,
        %get3A_536 = arith.index_cast %scan3A_160 : i32 to index
        %get3A_537 = arith.constant 352 : index
        %get3A_538 = tpu.vector_load %arg8[%get3A_536, %get3A_537] {strides = array<i32>} : memref<32x512xi32, #tpu.memory_space<vmem>>, vector<16xi32>,
        %ne3A_539 = arith.constant 0 : i32
        %ne3A_540 = vector.broadcast %ne3A_539 : i32 to vector<16xi32>
        %ne3A_541 = arith.cmpi ne, %get3A_538, %ne3A_540 : vector<16xi32>
        %mul3A_542 = vector.broadcast %reduce_sum3A_77 : f32 to vector<16xf32>
        %mul3A_543 = arith.mulf %mul3A_542, %get3A_535 : vector<16xf32>
        %add3A_544 = vector.broadcast %mul3A_89 : f32 to vector<16xf32>
        %add3A_545 = arith.addf %add3A_544, %mul3A_543 : vector<16xf32>
        %select_n3A_546 = arith.select %ne3A_541, %add3A_545, %get3A_535 : vector<16xi1>, vector<16xf32>
        %swap3A_547 = arith.index_cast %scan3A_160 : i32 to index
        %swap3A_548 = arith.constant 352 : index
        %swap3A_549 = tpu.vector_load %arg7[%swap3A_547, %swap3A_548] {strides = array<i32>} : memref<32x512xf32, #tpu.memory_space<vmem>>, vector<16xf32>,
        tpu.vector_store %arg7[%swap3A_547, %swap3A_548], %select_n3A_546 {strides = array<i32>} : memref<32x512xf32, #tpu.memory_space<vmem>>, vector<16xf32>,
        %get3A_550 = arith.index_cast %scan3A_160 : i32 to index
        %get3A_551 = arith.constant 368 : index
        %get3A_552 = tpu.vector_load %arg7[%get3A_550, %get3A_551] {strides = array<i32>} : memref<32x512xf32, #tpu.memory_space<vmem>>, vector<16xf32>,
        %get3A_553 = arith.index_cast %scan3A_160 : i32 to index
        %get3A_554 = arith.constant 368 : index
        %get3A_555 = tpu.vector_load %arg8[%get3A_553, %get3A_554] {strides = array<i32>} : memref<32x512xi32, #tpu.memory_space<vmem>>, vector<16xi32>,
        %ne3A_556 = arith.constant 0 : i32
        %ne3A_557 = vector.broadcast %ne3A_556 : i32 to vector<16xi32>
        %ne3A_558 = arith.cmpi ne, %get3A_555, %ne3A_557 : vector<16xi32>
        %mul3A_559 = vector.broadcast %reduce_sum3A_77 : f32 to vector<16xf32>
        %mul3A_560 = arith.mulf %mul3A_559, %get3A_552 : vector<16xf32>
        %add3A_561 = vector.broadcast %mul3A_89 : f32 to vector<16xf32>
        %add3A_562 = arith.addf %add3A_561, %mul3A_560 : vector<16xf32>
        %select_n3A_563 = arith.select %ne3A_558, %add3A_562, %get3A_552 : vector<16xi1>, vector<16xf32>
        %swap3A_564 = arith.index_cast %scan3A_160 : i32 to index
        %swap3A_565 = arith.constant 368 : index
        %swap3A_566 = tpu.vector_load %arg7[%swap3A_564, %swap3A_565] {strides = array<i32>} : memref<32x512xf32, #tpu.memory_space<vmem>>, vector<16xf32>,
        tpu.vector_store %arg7[%swap3A_564, %swap3A_565], %select_n3A_563 {strides = array<i32>} : memref<32x512xf32, #tpu.memory_space<vmem>>, vector<16xf32>,
        %get3A_567 = arith.index_cast %scan3A_160 : i32 to index
        %get3A_568 = arith.constant 384 : index
        %get3A_569 = tpu.vector_load %arg7[%get3A_567, %get3A_568] {strides = array<i32>} : memref<32x512xf32, #tpu.memory_space<vmem>>, vector<16xf32>,
        %get3A_570 = arith.index_cast %scan3A_160 : i32 to index
        %get3A_571 = arith.constant 384 : index
        %get3A_572 = tpu.vector_load %arg8[%get3A_570, %get3A_571] {strides = array<i32>} : memref<32x512xi32, #tpu.memory_space<vmem>>, vector<16xi32>,
        %ne3A_573 = arith.constant 0 : i32
        %ne3A_574 = vector.broadcast %ne3A_573 : i32 to vector<16xi32>
        %ne3A_575 = arith.cmpi ne, %get3A_572, %ne3A_574 : vector<16xi32>
        %mul3A_576 = vector.broadcast %reduce_sum3A_77 : f32 to vector<16xf32>
        %mul3A_577 = arith.mulf %mul3A_576, %get3A_569 : vector<16xf32>
        %add3A_578 = vector.broadcast %mul3A_89 : f32 to vector<16xf32>
        %add3A_579 = arith.addf %add3A_578, %mul3A_577 : vector<16xf32>
        %select_n3A_580 = arith.select %ne3A_575, %add3A_579, %get3A_569 : vector<16xi1>, vector<16xf32>
        %swap3A_581 = arith.index_cast %scan3A_160 : i32 to index
        %swap3A_582 = arith.constant 384 : index
        %swap3A_583 = tpu.vector_load %arg7[%swap3A_581, %swap3A_582] {strides = array<i32>} : memref<32x512xf32, #tpu.memory_space<vmem>>, vector<16xf32>,
        tpu.vector_store %arg7[%swap3A_581, %swap3A_582], %select_n3A_580 {strides = array<i32>} : memref<32x512xf32, #tpu.memory_space<vmem>>, vector<16xf32>,
        %get3A_584 = arith.index_cast %scan3A_160 : i32 to index
        %get3A_585 = arith.constant 400 : index
        %get3A_586 = tpu.vector_load %arg7[%get3A_584, %get3A_585] {strides = array<i32>} : memref<32x512xf32, #tpu.memory_space<vmem>>, vector<16xf32>,
        %get3A_587 = arith.index_cast %scan3A_160 : i32 to index
        %get3A_588 = arith.constant 400 : index
        %get3A_589 = tpu.vector_load %arg8[%get3A_587, %get3A_588] {strides = array<i32>} : memref<32x512xi32, #tpu.memory_space<vmem>>, vector<16xi32>,
        %ne3A_590 = arith.constant 0 : i32
        %ne3A_591 = vector.broadcast %ne3A_590 : i32 to vector<16xi32>
        %ne3A_592 = arith.cmpi ne, %get3A_589, %ne3A_591 : vector<16xi32>
        %mul3A_593 = vector.broadcast %reduce_sum3A_77 : f32 to vector<16xf32>
        %mul3A_594 = arith.mulf %mul3A_593, %get3A_586 : vector<16xf32>
        %add3A_595 = vector.broadcast %mul3A_89 : f32 to vector<16xf32>
        %add3A_596 = arith.addf %add3A_595, %mul3A_594 : vector<16xf32>
        %select_n3A_597 = arith.select %ne3A_592, %add3A_596, %get3A_586 : vector<16xi1>, vector<16xf32>
        %swap3A_598 = arith.index_cast %scan3A_160 : i32 to index
        %swap3A_599 = arith.constant 400 : index
        %swap3A_600 = tpu.vector_load %arg7[%swap3A_598, %swap3A_599] {strides = array<i32>} : memref<32x512xf32, #tpu.memory_space<vmem>>, vector<16xf32>,
        tpu.vector_store %arg7[%swap3A_598, %swap3A_599], %select_n3A_597 {strides = array<i32>} : memref<32x512xf32, #tpu.memory_space<vmem>>, vector<16xf32>,
        %get3A_601 = arith.index_cast %scan3A_160 : i32 to index
        %get3A_602 = arith.constant 416 : index
        %get3A_603 = tpu.vector_load %arg7[%get3A_601, %get3A_602] {strides = array<i32>} : memref<32x512xf32, #tpu.memory_space<vmem>>, vector<16xf32>,
        %get3A_604 = arith.index_cast %scan3A_160 : i32 to index
        %get3A_605 = arith.constant 416 : index
        %get3A_606 = tpu.vector_load %arg8[%get3A_604, %get3A_605] {strides = array<i32>} : memref<32x512xi32, #tpu.memory_space<vmem>>, vector<16xi32>,
        %ne3A_607 = arith.constant 0 : i32
        %ne3A_608 = vector.broadcast %ne3A_607 : i32 to vector<16xi32>
        %ne3A_609 = arith.cmpi ne, %get3A_606, %ne3A_608 : vector<16xi32>
        %mul3A_610 = vector.broadcast %reduce_sum3A_77 : f32 to vector<16xf32>
        %mul3A_611 = arith.mulf %mul3A_610, %get3A_603 : vector<16xf32>
        %add3A_612 = vector.broadcast %mul3A_89 : f32 to vector<16xf32>
        %add3A_613 = arith.addf %add3A_612, %mul3A_611 : vector<16xf32>
        %select_n3A_614 = arith.select %ne3A_609, %add3A_613, %get3A_603 : vector<16xi1>, vector<16xf32>
        %swap3A_615 = arith.index_cast %scan3A_160 : i32 to index
        %swap3A_616 = arith.constant 416 : index
        %swap3A_617 = tpu.vector_load %arg7[%swap3A_615, %swap3A_616] {strides = array<i32>} : memref<32x512xf32, #tpu.memory_space<vmem>>, vector<16xf32>,
        tpu.vector_store %arg7[%swap3A_615, %swap3A_616], %select_n3A_614 {strides = array<i32>} : memref<32x512xf32, #tpu.memory_space<vmem>>, vector<16xf32>,
        %get3A_618 = arith.index_cast %scan3A_160 : i32 to index
        %get3A_619 = arith.constant 432 : index
        %get3A_620 = tpu.vector_load %arg7[%get3A_618, %get3A_619] {strides = array<i32>} : memref<32x512xf32, #tpu.memory_space<vmem>>, vector<16xf32>,
        %get3A_621 = arith.index_cast %scan3A_160 : i32 to index
        %get3A_622 = arith.constant 432 : index
        %get3A_623 = tpu.vector_load %arg8[%get3A_621, %get3A_622] {strides = array<i32>} : memref<32x512xi32, #tpu.memory_space<vmem>>, vector<16xi32>,
        %ne3A_624 = arith.constant 0 : i32
        %ne3A_625 = vector.broadcast %ne3A_624 : i32 to vector<16xi32>
        %ne3A_626 = arith.cmpi ne, %get3A_623, %ne3A_625 : vector<16xi32>
        %mul3A_627 = vector.broadcast %reduce_sum3A_77 : f32 to vector<16xf32>
        %mul3A_628 = arith.mulf %mul3A_627, %get3A_620 : vector<16xf32>
        %add3A_629 = vector.broadcast %mul3A_89 : f32 to vector<16xf32>
        %add3A_630 = arith.addf %add3A_629, %mul3A_628 : vector<16xf32>
        %select_n3A_631 = arith.select %ne3A_626, %add3A_630, %get3A_620 : vector<16xi1>, vector<16xf32>
        %swap3A_632 = arith.index_cast %scan3A_160 : i32 to index
        %swap3A_633 = arith.constant 432 : index
        %swap3A_634 = tpu.vector_load %arg7[%swap3A_632, %swap3A_633] {strides = array<i32>} : memref<32x512xf32, #tpu.memory_space<vmem>>, vector<16xf32>,
        tpu.vector_store %arg7[%swap3A_632, %swap3A_633], %select_n3A_631 {strides = array<i32>} : memref<32x512xf32, #tpu.memory_space<vmem>>, vector<16xf32>,
        %get3A_635 = arith.index_cast %scan3A_160 : i32 to index
        %get3A_636 = arith.constant 448 : index
        %get3A_637 = tpu.vector_load %arg7[%get3A_635, %get3A_636] {strides = array<i32>} : memref<32x512xf32, #tpu.memory_space<vmem>>, vector<16xf32>,
        %get3A_638 = arith.index_cast %scan3A_160 : i32 to index
        %get3A_639 = arith.constant 448 : index
        %get3A_640 = tpu.vector_load %arg8[%get3A_638, %get3A_639] {strides = array<i32>} : memref<32x512xi32, #tpu.memory_space<vmem>>, vector<16xi32>,
        %ne3A_641 = arith.constant 0 : i32
        %ne3A_642 = vector.broadcast %ne3A_641 : i32 to vector<16xi32>
        %ne3A_643 = arith.cmpi ne, %get3A_640, %ne3A_642 : vector<16xi32>
        %mul3A_644 = vector.broadcast %reduce_sum3A_77 : f32 to vector<16xf32>
        %mul3A_645 = arith.mulf %mul3A_644, %get3A_637 : vector<16xf32>
        %add3A_646 = vector.broadcast %mul3A_89 : f32 to vector<16xf32>
        %add3A_647 = arith.addf %add3A_646, %mul3A_645 : vector<16xf32>
        %select_n3A_648 = arith.select %ne3A_643, %add3A_647, %get3A_637 : vector<16xi1>, vector<16xf32>
        %swap3A_649 = arith.index_cast %scan3A_160 : i32 to index
        %swap3A_650 = arith.constant 448 : index
        %swap3A_651 = tpu.vector_load %arg7[%swap3A_649, %swap3A_650] {strides = array<i32>} : memref<32x512xf32, #tpu.memory_space<vmem>>, vector<16xf32>,
        tpu.vector_store %arg7[%swap3A_649, %swap3A_650], %select_n3A_648 {strides = array<i32>} : memref<32x512xf32, #tpu.memory_space<vmem>>, vector<16xf32>,
        %get3A_652 = arith.index_cast %scan3A_160 : i32 to index
        %get3A_653 = arith.constant 464 : index
        %get3A_654 = tpu.vector_load %arg7[%get3A_652, %get3A_653] {strides = array<i32>} : memref<32x512xf32, #tpu.memory_space<vmem>>, vector<16xf32>,
        %get3A_655 = arith.index_cast %scan3A_160 : i32 to index
        %get3A_656 = arith.constant 464 : index
        %get3A_657 = tpu.vector_load %arg8[%get3A_655, %get3A_656] {strides = array<i32>} : memref<32x512xi32, #tpu.memory_space<vmem>>, vector<16xi32>,
        %ne3A_658 = arith.constant 0 : i32
        %ne3A_659 = vector.broadcast %ne3A_658 : i32 to vector<16xi32>
        %ne3A_660 = arith.cmpi ne, %get3A_657, %ne3A_659 : vector<16xi32>
        %mul3A_661 = vector.broadcast %reduce_sum3A_77 : f32 to vector<16xf32>
        %mul3A_662 = arith.mulf %mul3A_661, %get3A_654 : vector<16xf32>
        %add3A_663 = vector.broadcast %mul3A_89 : f32 to vector<16xf32>
        %add3A_664 = arith.addf %add3A_663, %mul3A_662 : vector<16xf32>
        %select_n3A_665 = arith.select %ne3A_660, %add3A_664, %get3A_654 : vector<16xi1>, vector<16xf32>
        %swap3A_666 = arith.index_cast %scan3A_160 : i32 to index
        %swap3A_667 = arith.constant 464 : index
        %swap3A_668 = tpu.vector_load %arg7[%swap3A_666, %swap3A_667] {strides = array<i32>} : memref<32x512xf32, #tpu.memory_space<vmem>>, vector<16xf32>,
        tpu.vector_store %arg7[%swap3A_666, %swap3A_667], %select_n3A_665 {strides = array<i32>} : memref<32x512xf32, #tpu.memory_space<vmem>>, vector<16xf32>,
        %get3A_669 = arith.index_cast %scan3A_160 : i32 to index
        %get3A_670 = arith.constant 480 : index
        %get3A_671 = tpu.vector_load %arg7[%get3A_669, %get3A_670] {strides = array<i32>} : memref<32x512xf32, #tpu.memory_space<vmem>>, vector<16xf32>,
        %get3A_672 = arith.index_cast %scan3A_160 : i32 to index
        %get3A_673 = arith.constant 480 : index
        %get3A_674 = tpu.vector_load %arg8[%get3A_672, %get3A_673] {strides = array<i32>} : memref<32x512xi32, #tpu.memory_space<vmem>>, vector<16xi32>,
        %ne3A_675 = arith.constant 0 : i32
        %ne3A_676 = vector.broadcast %ne3A_675 : i32 to vector<16xi32>
        %ne3A_677 = arith.cmpi ne, %get3A_674, %ne3A_676 : vector<16xi32>
        %mul3A_678 = vector.broadcast %reduce_sum3A_77 : f32 to vector<16xf32>
        %mul3A_679 = arith.mulf %mul3A_678, %get3A_671 : vector<16xf32>
        %add3A_680 = vector.broadcast %mul3A_89 : f32 to vector<16xf32>
        %add3A_681 = arith.addf %add3A_680, %mul3A_679 : vector<16xf32>
        %select_n3A_682 = arith.select %ne3A_677, %add3A_681, %get3A_671 : vector<16xi1>, vector<16xf32>
        %swap3A_683 = arith.index_cast %scan3A_160 : i32 to index
        %swap3A_684 = arith.constant 480 : index
        %swap3A_685 = tpu.vector_load %arg7[%swap3A_683, %swap3A_684] {strides = array<i32>} : memref<32x512xf32, #tpu.memory_space<vmem>>, vector<16xf32>,
        tpu.vector_store %arg7[%swap3A_683, %swap3A_684], %select_n3A_682 {strides = array<i32>} : memref<32x512xf32, #tpu.memory_space<vmem>>, vector<16xf32>,
        %get3A_686 = arith.index_cast %scan3A_160 : i32 to index
        %get3A_687 = arith.constant 496 : index
        %get3A_688 = tpu.vector_load %arg7[%get3A_686, %get3A_687] {strides = array<i32>} : memref<32x512xf32, #tpu.memory_space<vmem>>, vector<16xf32>,
        %get3A_689 = arith.index_cast %scan3A_160 : i32 to index
        %get3A_690 = arith.constant 496 : index
        %get3A_691 = tpu.vector_load %arg8[%get3A_689, %get3A_690] {strides = array<i32>} : memref<32x512xi32, #tpu.memory_space<vmem>>, vector<16xi32>,
        %ne3A_692 = arith.constant 0 : i32
        %ne3A_693 = vector.broadcast %ne3A_692 : i32 to vector<16xi32>
        %ne3A_694 = arith.cmpi ne, %get3A_691, %ne3A_693 : vector<16xi32>
        %mul3A_695 = vector.broadcast %reduce_sum3A_77 : f32 to vector<16xf32>
        %mul3A_696 = arith.mulf %mul3A_695, %get3A_688 : vector<16xf32>
        %add3A_697 = vector.broadcast %mul3A_89 : f32 to vector<16xf32>
        %add3A_698 = arith.addf %add3A_697, %mul3A_696 : vector<16xf32>
        %select_n3A_699 = arith.select %ne3A_694, %add3A_698, %get3A_688 : vector<16xi1>, vector<16xf32>
        %swap3A_700 = arith.index_cast %scan3A_160 : i32 to index
        %swap3A_701 = arith.constant 496 : index
        %swap3A_702 = tpu.vector_load %arg7[%swap3A_700, %swap3A_701] {strides = array<i32>} : memref<32x512xf32, #tpu.memory_space<vmem>>, vector<16xf32>,
        tpu.vector_store %arg7[%swap3A_700, %swap3A_701], %select_n3A_699 {strides = array<i32>} : memref<32x512xf32, #tpu.memory_space<vmem>>, vector<16xf32>,
      }
      %scan3A_132 = arith.constant 32 : i32
      %mul3A_133 = arith.constant 32 : i32
      %mul3A_134 = arith.muli %scan3A_122, %mul3A_133 : i32
      %run_scoped3A_135 = arith.constant 0 : i32
      "tpu.region"() ({
        %run_scoped3A_160 = tpu.sem_alloc : memref<!tpu.dma_semaphore, #tpu.memory_space<semaphore_mem>>
        %dma_start3A = arith.constant 0 : i32
        %dma_start3A_161 = tpu.memref_slice %arg6[%add3A, %run_scoped3A_135, %mul3A_134, %dma_start3A] : memref<32x3x512x512xf32, #tpu.memory_space<hbm>> -> memref<1x1x32x512xf32, #tpu.memory_space<hbm>>
        %dma_start3A_162 = tpu.memref_squeeze %dma_start3A_161 : memref<1x1x32x512xf32, #tpu.memory_space<hbm>> -> memref<32x512xf32, #tpu.memory_space<hbm>>
        %dma_start3A_163 = arith.constant 0 : i32
        %dma_start3A_164 = tpu.memref_slice %arg6[%add3A, %run_scoped3A_135, %mul3A_134, %dma_start3A_163] : memref<32x3x512x512xf32, #tpu.memory_space<hbm>> -> memref<1x1x32x512xf32, #tpu.memory_space<hbm>>
        %dma_start3A_165 = tpu.memref_squeeze %dma_start3A_164 : memref<1x1x32x512xf32, #tpu.memory_space<hbm>> -> memref<32x512xf32, #tpu.memory_space<hbm>>
        tpu.enqueue_dma source(%arg7 : memref<32x512xf32, #tpu.memory_space<vmem>>) target(%dma_start3A_165 : memref<32x512xf32, #tpu.memory_space<hbm>>) target_semaphore(%run_scoped3A_160 : memref<!tpu.dma_semaphore, #tpu.memory_space<semaphore_mem>>)
        %dma_wait3A = arith.constant 0 : i32
        %dma_wait3A_166 = tpu.memref_slice %arg6[%add3A, %run_scoped3A_135, %mul3A_134, %dma_wait3A] : memref<32x3x512x512xf32, #tpu.memory_space<hbm>> -> memref<1x1x32x512xf32, #tpu.memory_space<hbm>>
        %dma_wait3A_167 = tpu.memref_squeeze %dma_wait3A_166 : memref<1x1x32x512xf32, #tpu.memory_space<hbm>> -> memref<32x512xf32, #tpu.memory_space<hbm>>
        %dma_wait3A_168 = arith.constant 0 : i32
        %dma_wait3A_169 = tpu.memref_slice %arg6[%add3A, %run_scoped3A_135, %mul3A_134, %dma_wait3A_168] : memref<32x3x512x512xf32, #tpu.memory_space<hbm>> -> memref<1x1x32x512xf32, #tpu.memory_space<hbm>>
        %dma_wait3A_170 = tpu.memref_squeeze %dma_wait3A_169 : memref<1x1x32x512xf32, #tpu.memory_space<hbm>> -> memref<32x512xf32, #tpu.memory_space<hbm>>
        tpu.wait_dma2 semaphore(%run_scoped3A_160 : memref<!tpu.dma_semaphore, #tpu.memory_space<semaphore_mem>>) src(%arg7 : memref<32x512xf32, #tpu.memory_space<vmem>>) dst(%dma_wait3A_170 : memref<32x512xf32, #tpu.memory_space<hbm>>)
        tpu.yield
      }) : () -> ()
      %mul3A_136 = arith.constant 32 : i32
      %mul3A_137 = arith.muli %scan3A_122, %mul3A_136 : i32
      %run_scoped3A_138 = arith.constant 1 : i32
      "tpu.region"() ({
        %run_scoped3A_160 = tpu.sem_alloc : memref<!tpu.dma_semaphore, #tpu.memory_space<semaphore_mem>>
        %dma_start3A = arith.constant 0 : i32
        %dma_start3A_161 = tpu.memref_slice %arg2[%add3A, %run_scoped3A_138, %mul3A_137, %dma_start3A] : memref<32x3x512x512xf32, #tpu.memory_space<hbm>> -> memref<1x1x32x512xf32, #tpu.memory_space<hbm>>
        %dma_start3A_162 = tpu.memref_squeeze %dma_start3A_161 : memref<1x1x32x512xf32, #tpu.memory_space<hbm>> -> memref<32x512xf32, #tpu.memory_space<hbm>>
        %dma_start3A_163 = arith.constant 0 : i32
        %dma_start3A_164 = tpu.memref_slice %arg2[%add3A, %run_scoped3A_138, %mul3A_137, %dma_start3A_163] : memref<32x3x512x512xf32, #tpu.memory_space<hbm>> -> memref<1x1x32x512xf32, #tpu.memory_space<hbm>>
        %dma_start3A_165 = tpu.memref_squeeze %dma_start3A_164 : memref<1x1x32x512xf32, #tpu.memory_space<hbm>> -> memref<32x512xf32, #tpu.memory_space<hbm>>
        tpu.enqueue_dma source(%dma_start3A_165 : memref<32x512xf32, #tpu.memory_space<hbm>>) target(%arg7 : memref<32x512xf32, #tpu.memory_space<vmem>>) target_semaphore(%run_scoped3A_160 : memref<!tpu.dma_semaphore, #tpu.memory_space<semaphore_mem>>)
        %dma_wait3A = arith.constant 0 : i32
        %dma_wait3A_166 = tpu.memref_slice %arg2[%add3A, %run_scoped3A_138, %mul3A_137, %dma_wait3A] : memref<32x3x512x512xf32, #tpu.memory_space<hbm>> -> memref<1x1x32x512xf32, #tpu.memory_space<hbm>>
        %dma_wait3A_167 = tpu.memref_squeeze %dma_wait3A_166 : memref<1x1x32x512xf32, #tpu.memory_space<hbm>> -> memref<32x512xf32, #tpu.memory_space<hbm>>
        %dma_wait3A_168 = arith.constant 0 : i32
        %dma_wait3A_169 = tpu.memref_slice %arg2[%add3A, %run_scoped3A_138, %mul3A_137, %dma_wait3A_168] : memref<32x3x512x512xf32, #tpu.memory_space<hbm>> -> memref<1x1x32x512xf32, #tpu.memory_space<hbm>>
        %dma_wait3A_170 = tpu.memref_squeeze %dma_wait3A_169 : memref<1x1x32x512xf32, #tpu.memory_space<hbm>> -> memref<32x512xf32, #tpu.memory_space<hbm>>
        tpu.wait_dma2 semaphore(%run_scoped3A_160 : memref<!tpu.dma_semaphore, #tpu.memory_space<semaphore_mem>>) src(%dma_wait3A_170 : memref<32x512xf32, #tpu.memory_space<hbm>>) dst(%arg7 : memref<32x512xf32, #tpu.memory_space<vmem>>)
        tpu.yield
      }) : () -> ()
      %scan3A_139 = arith.constant 0 : i32
      %scan3A_140 = arith.constant 0 : i32
      %scan3A_141 = arith.constant 32 : i32
      %scan3A_142 = arith.addi %scan3A_140, %scan3A_141 : i32
      %scan3A_143 = arith.constant 1 : i32
      scf.for %scan3A_160 = %scan3A_140 to %scan3A_142 step %scan3A_143  : i32 {
        %get3A_161 = arith.index_cast %scan3A_160 : i32 to index
        %get3A_162 = arith.constant 0 : index
        %get3A_163 = tpu.vector_load %arg7[%get3A_161, %get3A_162] {strides = array<i32>} : memref<32x512xf32, #tpu.memory_space<vmem>>, vector<16xf32>,
        %get3A_164 = arith.index_cast %scan3A_160 : i32 to index
        %get3A_165 = arith.constant 0 : index
        %get3A_166 = tpu.vector_load %arg8[%get3A_164, %get3A_165] {strides = array<i32>} : memref<32x512xi32, #tpu.memory_space<vmem>>, vector<16xi32>,
        %ne3A = arith.constant 0 : i32
        %ne3A_167 = vector.broadcast %ne3A : i32 to vector<16xi32>
        %ne3A_168 = arith.cmpi ne, %get3A_166, %ne3A_167 : vector<16xi32>
        %mul3A_169 = vector.broadcast %reduce_sum3A_77 : f32 to vector<16xf32>
        %mul3A_170 = arith.mulf %mul3A_169, %get3A_163 : vector<16xf32>
        %add3A_171 = vector.broadcast %mul3A_102 : f32 to vector<16xf32>
        %add3A_172 = arith.addf %add3A_171, %mul3A_170 : vector<16xf32>
        %select_n3A_173 = arith.select %ne3A_168, %add3A_172, %get3A_163 : vector<16xi1>, vector<16xf32>
        %swap3A = arith.index_cast %scan3A_160 : i32 to index
        %swap3A_174 = arith.constant 0 : index
        %swap3A_175 = tpu.vector_load %arg7[%swap3A, %swap3A_174] {strides = array<i32>} : memref<32x512xf32, #tpu.memory_space<vmem>>, vector<16xf32>,
        tpu.vector_store %arg7[%swap3A, %swap3A_174], %select_n3A_173 {strides = array<i32>} : memref<32x512xf32, #tpu.memory_space<vmem>>, vector<16xf32>,
        %get3A_176 = arith.index_cast %scan3A_160 : i32 to index
        %get3A_177 = arith.constant 16 : index
        %get3A_178 = tpu.vector_load %arg7[%get3A_176, %get3A_177] {strides = array<i32>} : memref<32x512xf32, #tpu.memory_space<vmem>>, vector<16xf32>,
        %get3A_179 = arith.index_cast %scan3A_160 : i32 to index
        %get3A_180 = arith.constant 16 : index
        %get3A_181 = tpu.vector_load %arg8[%get3A_179, %get3A_180] {strides = array<i32>} : memref<32x512xi32, #tpu.memory_space<vmem>>, vector<16xi32>,
        %ne3A_182 = arith.constant 0 : i32
        %ne3A_183 = vector.broadcast %ne3A_182 : i32 to vector<16xi32>
        %ne3A_184 = arith.cmpi ne, %get3A_181, %ne3A_183 : vector<16xi32>
        %mul3A_185 = vector.broadcast %reduce_sum3A_77 : f32 to vector<16xf32>
        %mul3A_186 = arith.mulf %mul3A_185, %get3A_178 : vector<16xf32>
        %add3A_187 = vector.broadcast %mul3A_102 : f32 to vector<16xf32>
        %add3A_188 = arith.addf %add3A_187, %mul3A_186 : vector<16xf32>
        %select_n3A_189 = arith.select %ne3A_184, %add3A_188, %get3A_178 : vector<16xi1>, vector<16xf32>
        %swap3A_190 = arith.index_cast %scan3A_160 : i32 to index
        %swap3A_191 = arith.constant 16 : index
        %swap3A_192 = tpu.vector_load %arg7[%swap3A_190, %swap3A_191] {strides = array<i32>} : memref<32x512xf32, #tpu.memory_space<vmem>>, vector<16xf32>,
        tpu.vector_store %arg7[%swap3A_190, %swap3A_191], %select_n3A_189 {strides = array<i32>} : memref<32x512xf32, #tpu.memory_space<vmem>>, vector<16xf32>,
        %get3A_193 = arith.index_cast %scan3A_160 : i32 to index
        %get3A_194 = arith.constant 32 : index
        %get3A_195 = tpu.vector_load %arg7[%get3A_193, %get3A_194] {strides = array<i32>} : memref<32x512xf32, #tpu.memory_space<vmem>>, vector<16xf32>,
        %get3A_196 = arith.index_cast %scan3A_160 : i32 to index
        %get3A_197 = arith.constant 32 : index
        %get3A_198 = tpu.vector_load %arg8[%get3A_196, %get3A_197] {strides = array<i32>} : memref<32x512xi32, #tpu.memory_space<vmem>>, vector<16xi32>,
        %ne3A_199 = arith.constant 0 : i32
        %ne3A_200 = vector.broadcast %ne3A_199 : i32 to vector<16xi32>
        %ne3A_201 = arith.cmpi ne, %get3A_198, %ne3A_200 : vector<16xi32>
        %mul3A_202 = vector.broadcast %reduce_sum3A_77 : f32 to vector<16xf32>
        %mul3A_203 = arith.mulf %mul3A_202, %get3A_195 : vector<16xf32>
        %add3A_204 = vector.broadcast %mul3A_102 : f32 to vector<16xf32>
        %add3A_205 = arith.addf %add3A_204, %mul3A_203 : vector<16xf32>
        %select_n3A_206 = arith.select %ne3A_201, %add3A_205, %get3A_195 : vector<16xi1>, vector<16xf32>
        %swap3A_207 = arith.index_cast %scan3A_160 : i32 to index
        %swap3A_208 = arith.constant 32 : index
        %swap3A_209 = tpu.vector_load %arg7[%swap3A_207, %swap3A_208] {strides = array<i32>} : memref<32x512xf32, #tpu.memory_space<vmem>>, vector<16xf32>,
        tpu.vector_store %arg7[%swap3A_207, %swap3A_208], %select_n3A_206 {strides = array<i32>} : memref<32x512xf32, #tpu.memory_space<vmem>>, vector<16xf32>,
        %get3A_210 = arith.index_cast %scan3A_160 : i32 to index
        %get3A_211 = arith.constant 48 : index
        %get3A_212 = tpu.vector_load %arg7[%get3A_210, %get3A_211] {strides = array<i32>} : memref<32x512xf32, #tpu.memory_space<vmem>>, vector<16xf32>,
        %get3A_213 = arith.index_cast %scan3A_160 : i32 to index
        %get3A_214 = arith.constant 48 : index
        %get3A_215 = tpu.vector_load %arg8[%get3A_213, %get3A_214] {strides = array<i32>} : memref<32x512xi32, #tpu.memory_space<vmem>>, vector<16xi32>,
        %ne3A_216 = arith.constant 0 : i32
        %ne3A_217 = vector.broadcast %ne3A_216 : i32 to vector<16xi32>
        %ne3A_218 = arith.cmpi ne, %get3A_215, %ne3A_217 : vector<16xi32>
        %mul3A_219 = vector.broadcast %reduce_sum3A_77 : f32 to vector<16xf32>
        %mul3A_220 = arith.mulf %mul3A_219, %get3A_212 : vector<16xf32>
        %add3A_221 = vector.broadcast %mul3A_102 : f32 to vector<16xf32>
        %add3A_222 = arith.addf %add3A_221, %mul3A_220 : vector<16xf32>
        %select_n3A_223 = arith.select %ne3A_218, %add3A_222, %get3A_212 : vector<16xi1>, vector<16xf32>
        %swap3A_224 = arith.index_cast %scan3A_160 : i32 to index
        %swap3A_225 = arith.constant 48 : index
        %swap3A_226 = tpu.vector_load %arg7[%swap3A_224, %swap3A_225] {strides = array<i32>} : memref<32x512xf32, #tpu.memory_space<vmem>>, vector<16xf32>,
        tpu.vector_store %arg7[%swap3A_224, %swap3A_225], %select_n3A_223 {strides = array<i32>} : memref<32x512xf32, #tpu.memory_space<vmem>>, vector<16xf32>,
        %get3A_227 = arith.index_cast %scan3A_160 : i32 to index
        %get3A_228 = arith.constant 64 : index
        %get3A_229 = tpu.vector_load %arg7[%get3A_227, %get3A_228] {strides = array<i32>} : memref<32x512xf32, #tpu.memory_space<vmem>>, vector<16xf32>,
        %get3A_230 = arith.index_cast %scan3A_160 : i32 to index
        %get3A_231 = arith.constant 64 : index
        %get3A_232 = tpu.vector_load %arg8[%get3A_230, %get3A_231] {strides = array<i32>} : memref<32x512xi32, #tpu.memory_space<vmem>>, vector<16xi32>,
        %ne3A_233 = arith.constant 0 : i32
        %ne3A_234 = vector.broadcast %ne3A_233 : i32 to vector<16xi32>
        %ne3A_235 = arith.cmpi ne, %get3A_232, %ne3A_234 : vector<16xi32>
        %mul3A_236 = vector.broadcast %reduce_sum3A_77 : f32 to vector<16xf32>
        %mul3A_237 = arith.mulf %mul3A_236, %get3A_229 : vector<16xf32>
        %add3A_238 = vector.broadcast %mul3A_102 : f32 to vector<16xf32>
        %add3A_239 = arith.addf %add3A_238, %mul3A_237 : vector<16xf32>
        %select_n3A_240 = arith.select %ne3A_235, %add3A_239, %get3A_229 : vector<16xi1>, vector<16xf32>
        %swap3A_241 = arith.index_cast %scan3A_160 : i32 to index
        %swap3A_242 = arith.constant 64 : index
        %swap3A_243 = tpu.vector_load %arg7[%swap3A_241, %swap3A_242] {strides = array<i32>} : memref<32x512xf32, #tpu.memory_space<vmem>>, vector<16xf32>,
        tpu.vector_store %arg7[%swap3A_241, %swap3A_242], %select_n3A_240 {strides = array<i32>} : memref<32x512xf32, #tpu.memory_space<vmem>>, vector<16xf32>,
        %get3A_244 = arith.index_cast %scan3A_160 : i32 to index
        %get3A_245 = arith.constant 80 : index
        %get3A_246 = tpu.vector_load %arg7[%get3A_244, %get3A_245] {strides = array<i32>} : memref<32x512xf32, #tpu.memory_space<vmem>>, vector<16xf32>,
        %get3A_247 = arith.index_cast %scan3A_160 : i32 to index
        %get3A_248 = arith.constant 80 : index
        %get3A_249 = tpu.vector_load %arg8[%get3A_247, %get3A_248] {strides = array<i32>} : memref<32x512xi32, #tpu.memory_space<vmem>>, vector<16xi32>,
        %ne3A_250 = arith.constant 0 : i32
        %ne3A_251 = vector.broadcast %ne3A_250 : i32 to vector<16xi32>
        %ne3A_252 = arith.cmpi ne, %get3A_249, %ne3A_251 : vector<16xi32>
        %mul3A_253 = vector.broadcast %reduce_sum3A_77 : f32 to vector<16xf32>
        %mul3A_254 = arith.mulf %mul3A_253, %get3A_246 : vector<16xf32>
        %add3A_255 = vector.broadcast %mul3A_102 : f32 to vector<16xf32>
        %add3A_256 = arith.addf %add3A_255, %mul3A_254 : vector<16xf32>
        %select_n3A_257 = arith.select %ne3A_252, %add3A_256, %get3A_246 : vector<16xi1>, vector<16xf32>
        %swap3A_258 = arith.index_cast %scan3A_160 : i32 to index
        %swap3A_259 = arith.constant 80 : index
        %swap3A_260 = tpu.vector_load %arg7[%swap3A_258, %swap3A_259] {strides = array<i32>} : memref<32x512xf32, #tpu.memory_space<vmem>>, vector<16xf32>,
        tpu.vector_store %arg7[%swap3A_258, %swap3A_259], %select_n3A_257 {strides = array<i32>} : memref<32x512xf32, #tpu.memory_space<vmem>>, vector<16xf32>,
        %get3A_261 = arith.index_cast %scan3A_160 : i32 to index
        %get3A_262 = arith.constant 96 : index
        %get3A_263 = tpu.vector_load %arg7[%get3A_261, %get3A_262] {strides = array<i32>} : memref<32x512xf32, #tpu.memory_space<vmem>>, vector<16xf32>,
        %get3A_264 = arith.index_cast %scan3A_160 : i32 to index
        %get3A_265 = arith.constant 96 : index
        %get3A_266 = tpu.vector_load %arg8[%get3A_264, %get3A_265] {strides = array<i32>} : memref<32x512xi32, #tpu.memory_space<vmem>>, vector<16xi32>,
        %ne3A_267 = arith.constant 0 : i32
        %ne3A_268 = vector.broadcast %ne3A_267 : i32 to vector<16xi32>
        %ne3A_269 = arith.cmpi ne, %get3A_266, %ne3A_268 : vector<16xi32>
        %mul3A_270 = vector.broadcast %reduce_sum3A_77 : f32 to vector<16xf32>
        %mul3A_271 = arith.mulf %mul3A_270, %get3A_263 : vector<16xf32>
        %add3A_272 = vector.broadcast %mul3A_102 : f32 to vector<16xf32>
        %add3A_273 = arith.addf %add3A_272, %mul3A_271 : vector<16xf32>
        %select_n3A_274 = arith.select %ne3A_269, %add3A_273, %get3A_263 : vector<16xi1>, vector<16xf32>
        %swap3A_275 = arith.index_cast %scan3A_160 : i32 to index
        %swap3A_276 = arith.constant 96 : index
        %swap3A_277 = tpu.vector_load %arg7[%swap3A_275, %swap3A_276] {strides = array<i32>} : memref<32x512xf32, #tpu.memory_space<vmem>>, vector<16xf32>,
        tpu.vector_store %arg7[%swap3A_275, %swap3A_276], %select_n3A_274 {strides = array<i32>} : memref<32x512xf32, #tpu.memory_space<vmem>>, vector<16xf32>,
        %get3A_278 = arith.index_cast %scan3A_160 : i32 to index
        %get3A_279 = arith.constant 112 : index
        %get3A_280 = tpu.vector_load %arg7[%get3A_278, %get3A_279] {strides = array<i32>} : memref<32x512xf32, #tpu.memory_space<vmem>>, vector<16xf32>,
        %get3A_281 = arith.index_cast %scan3A_160 : i32 to index
        %get3A_282 = arith.constant 112 : index
        %get3A_283 = tpu.vector_load %arg8[%get3A_281, %get3A_282] {strides = array<i32>} : memref<32x512xi32, #tpu.memory_space<vmem>>, vector<16xi32>,
        %ne3A_284 = arith.constant 0 : i32
        %ne3A_285 = vector.broadcast %ne3A_284 : i32 to vector<16xi32>
        %ne3A_286 = arith.cmpi ne, %get3A_283, %ne3A_285 : vector<16xi32>
        %mul3A_287 = vector.broadcast %reduce_sum3A_77 : f32 to vector<16xf32>
        %mul3A_288 = arith.mulf %mul3A_287, %get3A_280 : vector<16xf32>
        %add3A_289 = vector.broadcast %mul3A_102 : f32 to vector<16xf32>
        %add3A_290 = arith.addf %add3A_289, %mul3A_288 : vector<16xf32>
        %select_n3A_291 = arith.select %ne3A_286, %add3A_290, %get3A_280 : vector<16xi1>, vector<16xf32>
        %swap3A_292 = arith.index_cast %scan3A_160 : i32 to index
        %swap3A_293 = arith.constant 112 : index
        %swap3A_294 = tpu.vector_load %arg7[%swap3A_292, %swap3A_293] {strides = array<i32>} : memref<32x512xf32, #tpu.memory_space<vmem>>, vector<16xf32>,
        tpu.vector_store %arg7[%swap3A_292, %swap3A_293], %select_n3A_291 {strides = array<i32>} : memref<32x512xf32, #tpu.memory_space<vmem>>, vector<16xf32>,
        %get3A_295 = arith.index_cast %scan3A_160 : i32 to index
        %get3A_296 = arith.constant 128 : index
        %get3A_297 = tpu.vector_load %arg7[%get3A_295, %get3A_296] {strides = array<i32>} : memref<32x512xf32, #tpu.memory_space<vmem>>, vector<16xf32>,
        %get3A_298 = arith.index_cast %scan3A_160 : i32 to index
        %get3A_299 = arith.constant 128 : index
        %get3A_300 = tpu.vector_load %arg8[%get3A_298, %get3A_299] {strides = array<i32>} : memref<32x512xi32, #tpu.memory_space<vmem>>, vector<16xi32>,
        %ne3A_301 = arith.constant 0 : i32
        %ne3A_302 = vector.broadcast %ne3A_301 : i32 to vector<16xi32>
        %ne3A_303 = arith.cmpi ne, %get3A_300, %ne3A_302 : vector<16xi32>
        %mul3A_304 = vector.broadcast %reduce_sum3A_77 : f32 to vector<16xf32>
        %mul3A_305 = arith.mulf %mul3A_304, %get3A_297 : vector<16xf32>
        %add3A_306 = vector.broadcast %mul3A_102 : f32 to vector<16xf32>
        %add3A_307 = arith.addf %add3A_306, %mul3A_305 : vector<16xf32>
        %select_n3A_308 = arith.select %ne3A_303, %add3A_307, %get3A_297 : vector<16xi1>, vector<16xf32>
        %swap3A_309 = arith.index_cast %scan3A_160 : i32 to index
        %swap3A_310 = arith.constant 128 : index
        %swap3A_311 = tpu.vector_load %arg7[%swap3A_309, %swap3A_310] {strides = array<i32>} : memref<32x512xf32, #tpu.memory_space<vmem>>, vector<16xf32>,
        tpu.vector_store %arg7[%swap3A_309, %swap3A_310], %select_n3A_308 {strides = array<i32>} : memref<32x512xf32, #tpu.memory_space<vmem>>, vector<16xf32>,
        %get3A_312 = arith.index_cast %scan3A_160 : i32 to index
        %get3A_313 = arith.constant 144 : index
        %get3A_314 = tpu.vector_load %arg7[%get3A_312, %get3A_313] {strides = array<i32>} : memref<32x512xf32, #tpu.memory_space<vmem>>, vector<16xf32>,
        %get3A_315 = arith.index_cast %scan3A_160 : i32 to index
        %get3A_316 = arith.constant 144 : index
        %get3A_317 = tpu.vector_load %arg8[%get3A_315, %get3A_316] {strides = array<i32>} : memref<32x512xi32, #tpu.memory_space<vmem>>, vector<16xi32>,
        %ne3A_318 = arith.constant 0 : i32
        %ne3A_319 = vector.broadcast %ne3A_318 : i32 to vector<16xi32>
        %ne3A_320 = arith.cmpi ne, %get3A_317, %ne3A_319 : vector<16xi32>
        %mul3A_321 = vector.broadcast %reduce_sum3A_77 : f32 to vector<16xf32>
        %mul3A_322 = arith.mulf %mul3A_321, %get3A_314 : vector<16xf32>
        %add3A_323 = vector.broadcast %mul3A_102 : f32 to vector<16xf32>
        %add3A_324 = arith.addf %add3A_323, %mul3A_322 : vector<16xf32>
        %select_n3A_325 = arith.select %ne3A_320, %add3A_324, %get3A_314 : vector<16xi1>, vector<16xf32>
        %swap3A_326 = arith.index_cast %scan3A_160 : i32 to index
        %swap3A_327 = arith.constant 144 : index
        %swap3A_328 = tpu.vector_load %arg7[%swap3A_326, %swap3A_327] {strides = array<i32>} : memref<32x512xf32, #tpu.memory_space<vmem>>, vector<16xf32>,
        tpu.vector_store %arg7[%swap3A_326, %swap3A_327], %select_n3A_325 {strides = array<i32>} : memref<32x512xf32, #tpu.memory_space<vmem>>, vector<16xf32>,
        %get3A_329 = arith.index_cast %scan3A_160 : i32 to index
        %get3A_330 = arith.constant 160 : index
        %get3A_331 = tpu.vector_load %arg7[%get3A_329, %get3A_330] {strides = array<i32>} : memref<32x512xf32, #tpu.memory_space<vmem>>, vector<16xf32>,
        %get3A_332 = arith.index_cast %scan3A_160 : i32 to index
        %get3A_333 = arith.constant 160 : index
        %get3A_334 = tpu.vector_load %arg8[%get3A_332, %get3A_333] {strides = array<i32>} : memref<32x512xi32, #tpu.memory_space<vmem>>, vector<16xi32>,
        %ne3A_335 = arith.constant 0 : i32
        %ne3A_336 = vector.broadcast %ne3A_335 : i32 to vector<16xi32>
        %ne3A_337 = arith.cmpi ne, %get3A_334, %ne3A_336 : vector<16xi32>
        %mul3A_338 = vector.broadcast %reduce_sum3A_77 : f32 to vector<16xf32>
        %mul3A_339 = arith.mulf %mul3A_338, %get3A_331 : vector<16xf32>
        %add3A_340 = vector.broadcast %mul3A_102 : f32 to vector<16xf32>
        %add3A_341 = arith.addf %add3A_340, %mul3A_339 : vector<16xf32>
        %select_n3A_342 = arith.select %ne3A_337, %add3A_341, %get3A_331 : vector<16xi1>, vector<16xf32>
        %swap3A_343 = arith.index_cast %scan3A_160 : i32 to index
        %swap3A_344 = arith.constant 160 : index
        %swap3A_345 = tpu.vector_load %arg7[%swap3A_343, %swap3A_344] {strides = array<i32>} : memref<32x512xf32, #tpu.memory_space<vmem>>, vector<16xf32>,
        tpu.vector_store %arg7[%swap3A_343, %swap3A_344], %select_n3A_342 {strides = array<i32>} : memref<32x512xf32, #tpu.memory_space<vmem>>, vector<16xf32>,
        %get3A_346 = arith.index_cast %scan3A_160 : i32 to index
        %get3A_347 = arith.constant 176 : index
        %get3A_348 = tpu.vector_load %arg7[%get3A_346, %get3A_347] {strides = array<i32>} : memref<32x512xf32, #tpu.memory_space<vmem>>, vector<16xf32>,
        %get3A_349 = arith.index_cast %scan3A_160 : i32 to index
        %get3A_350 = arith.constant 176 : index
        %get3A_351 = tpu.vector_load %arg8[%get3A_349, %get3A_350] {strides = array<i32>} : memref<32x512xi32, #tpu.memory_space<vmem>>, vector<16xi32>,
        %ne3A_352 = arith.constant 0 : i32
        %ne3A_353 = vector.broadcast %ne3A_352 : i32 to vector<16xi32>
        %ne3A_354 = arith.cmpi ne, %get3A_351, %ne3A_353 : vector<16xi32>
        %mul3A_355 = vector.broadcast %reduce_sum3A_77 : f32 to vector<16xf32>
        %mul3A_356 = arith.mulf %mul3A_355, %get3A_348 : vector<16xf32>
        %add3A_357 = vector.broadcast %mul3A_102 : f32 to vector<16xf32>
        %add3A_358 = arith.addf %add3A_357, %mul3A_356 : vector<16xf32>
        %select_n3A_359 = arith.select %ne3A_354, %add3A_358, %get3A_348 : vector<16xi1>, vector<16xf32>
        %swap3A_360 = arith.index_cast %scan3A_160 : i32 to index
        %swap3A_361 = arith.constant 176 : index
        %swap3A_362 = tpu.vector_load %arg7[%swap3A_360, %swap3A_361] {strides = array<i32>} : memref<32x512xf32, #tpu.memory_space<vmem>>, vector<16xf32>,
        tpu.vector_store %arg7[%swap3A_360, %swap3A_361], %select_n3A_359 {strides = array<i32>} : memref<32x512xf32, #tpu.memory_space<vmem>>, vector<16xf32>,
        %get3A_363 = arith.index_cast %scan3A_160 : i32 to index
        %get3A_364 = arith.constant 192 : index
        %get3A_365 = tpu.vector_load %arg7[%get3A_363, %get3A_364] {strides = array<i32>} : memref<32x512xf32, #tpu.memory_space<vmem>>, vector<16xf32>,
        %get3A_366 = arith.index_cast %scan3A_160 : i32 to index
        %get3A_367 = arith.constant 192 : index
        %get3A_368 = tpu.vector_load %arg8[%get3A_366, %get3A_367] {strides = array<i32>} : memref<32x512xi32, #tpu.memory_space<vmem>>, vector<16xi32>,
        %ne3A_369 = arith.constant 0 : i32
        %ne3A_370 = vector.broadcast %ne3A_369 : i32 to vector<16xi32>
        %ne3A_371 = arith.cmpi ne, %get3A_368, %ne3A_370 : vector<16xi32>
        %mul3A_372 = vector.broadcast %reduce_sum3A_77 : f32 to vector<16xf32>
        %mul3A_373 = arith.mulf %mul3A_372, %get3A_365 : vector<16xf32>
        %add3A_374 = vector.broadcast %mul3A_102 : f32 to vector<16xf32>
        %add3A_375 = arith.addf %add3A_374, %mul3A_373 : vector<16xf32>
        %select_n3A_376 = arith.select %ne3A_371, %add3A_375, %get3A_365 : vector<16xi1>, vector<16xf32>
        %swap3A_377 = arith.index_cast %scan3A_160 : i32 to index
        %swap3A_378 = arith.constant 192 : index
        %swap3A_379 = tpu.vector_load %arg7[%swap3A_377, %swap3A_378] {strides = array<i32>} : memref<32x512xf32, #tpu.memory_space<vmem>>, vector<16xf32>,
        tpu.vector_store %arg7[%swap3A_377, %swap3A_378], %select_n3A_376 {strides = array<i32>} : memref<32x512xf32, #tpu.memory_space<vmem>>, vector<16xf32>,
        %get3A_380 = arith.index_cast %scan3A_160 : i32 to index
        %get3A_381 = arith.constant 208 : index
        %get3A_382 = tpu.vector_load %arg7[%get3A_380, %get3A_381] {strides = array<i32>} : memref<32x512xf32, #tpu.memory_space<vmem>>, vector<16xf32>,
        %get3A_383 = arith.index_cast %scan3A_160 : i32 to index
        %get3A_384 = arith.constant 208 : index
        %get3A_385 = tpu.vector_load %arg8[%get3A_383, %get3A_384] {strides = array<i32>} : memref<32x512xi32, #tpu.memory_space<vmem>>, vector<16xi32>,
        %ne3A_386 = arith.constant 0 : i32
        %ne3A_387 = vector.broadcast %ne3A_386 : i32 to vector<16xi32>
        %ne3A_388 = arith.cmpi ne, %get3A_385, %ne3A_387 : vector<16xi32>
        %mul3A_389 = vector.broadcast %reduce_sum3A_77 : f32 to vector<16xf32>
        %mul3A_390 = arith.mulf %mul3A_389, %get3A_382 : vector<16xf32>
        %add3A_391 = vector.broadcast %mul3A_102 : f32 to vector<16xf32>
        %add3A_392 = arith.addf %add3A_391, %mul3A_390 : vector<16xf32>
        %select_n3A_393 = arith.select %ne3A_388, %add3A_392, %get3A_382 : vector<16xi1>, vector<16xf32>
        %swap3A_394 = arith.index_cast %scan3A_160 : i32 to index
        %swap3A_395 = arith.constant 208 : index
        %swap3A_396 = tpu.vector_load %arg7[%swap3A_394, %swap3A_395] {strides = array<i32>} : memref<32x512xf32, #tpu.memory_space<vmem>>, vector<16xf32>,
        tpu.vector_store %arg7[%swap3A_394, %swap3A_395], %select_n3A_393 {strides = array<i32>} : memref<32x512xf32, #tpu.memory_space<vmem>>, vector<16xf32>,
        %get3A_397 = arith.index_cast %scan3A_160 : i32 to index
        %get3A_398 = arith.constant 224 : index
        %get3A_399 = tpu.vector_load %arg7[%get3A_397, %get3A_398] {strides = array<i32>} : memref<32x512xf32, #tpu.memory_space<vmem>>, vector<16xf32>,
        %get3A_400 = arith.index_cast %scan3A_160 : i32 to index
        %get3A_401 = arith.constant 224 : index
        %get3A_402 = tpu.vector_load %arg8[%get3A_400, %get3A_401] {strides = array<i32>} : memref<32x512xi32, #tpu.memory_space<vmem>>, vector<16xi32>,
        %ne3A_403 = arith.constant 0 : i32
        %ne3A_404 = vector.broadcast %ne3A_403 : i32 to vector<16xi32>
        %ne3A_405 = arith.cmpi ne, %get3A_402, %ne3A_404 : vector<16xi32>
        %mul3A_406 = vector.broadcast %reduce_sum3A_77 : f32 to vector<16xf32>
        %mul3A_407 = arith.mulf %mul3A_406, %get3A_399 : vector<16xf32>
        %add3A_408 = vector.broadcast %mul3A_102 : f32 to vector<16xf32>
        %add3A_409 = arith.addf %add3A_408, %mul3A_407 : vector<16xf32>
        %select_n3A_410 = arith.select %ne3A_405, %add3A_409, %get3A_399 : vector<16xi1>, vector<16xf32>
        %swap3A_411 = arith.index_cast %scan3A_160 : i32 to index
        %swap3A_412 = arith.constant 224 : index
        %swap3A_413 = tpu.vector_load %arg7[%swap3A_411, %swap3A_412] {strides = array<i32>} : memref<32x512xf32, #tpu.memory_space<vmem>>, vector<16xf32>,
        tpu.vector_store %arg7[%swap3A_411, %swap3A_412], %select_n3A_410 {strides = array<i32>} : memref<32x512xf32, #tpu.memory_space<vmem>>, vector<16xf32>,
        %get3A_414 = arith.index_cast %scan3A_160 : i32 to index
        %get3A_415 = arith.constant 240 : index
        %get3A_416 = tpu.vector_load %arg7[%get3A_414, %get3A_415] {strides = array<i32>} : memref<32x512xf32, #tpu.memory_space<vmem>>, vector<16xf32>,
        %get3A_417 = arith.index_cast %scan3A_160 : i32 to index
        %get3A_418 = arith.constant 240 : index
        %get3A_419 = tpu.vector_load %arg8[%get3A_417, %get3A_418] {strides = array<i32>} : memref<32x512xi32, #tpu.memory_space<vmem>>, vector<16xi32>,
        %ne3A_420 = arith.constant 0 : i32
        %ne3A_421 = vector.broadcast %ne3A_420 : i32 to vector<16xi32>
        %ne3A_422 = arith.cmpi ne, %get3A_419, %ne3A_421 : vector<16xi32>
        %mul3A_423 = vector.broadcast %reduce_sum3A_77 : f32 to vector<16xf32>
        %mul3A_424 = arith.mulf %mul3A_423, %get3A_416 : vector<16xf32>
        %add3A_425 = vector.broadcast %mul3A_102 : f32 to vector<16xf32>
        %add3A_426 = arith.addf %add3A_425, %mul3A_424 : vector<16xf32>
        %select_n3A_427 = arith.select %ne3A_422, %add3A_426, %get3A_416 : vector<16xi1>, vector<16xf32>
        %swap3A_428 = arith.index_cast %scan3A_160 : i32 to index
        %swap3A_429 = arith.constant 240 : index
        %swap3A_430 = tpu.vector_load %arg7[%swap3A_428, %swap3A_429] {strides = array<i32>} : memref<32x512xf32, #tpu.memory_space<vmem>>, vector<16xf32>,
        tpu.vector_store %arg7[%swap3A_428, %swap3A_429], %select_n3A_427 {strides = array<i32>} : memref<32x512xf32, #tpu.memory_space<vmem>>, vector<16xf32>,
        %get3A_431 = arith.index_cast %scan3A_160 : i32 to index
        %get3A_432 = arith.constant 256 : index
        %get3A_433 = tpu.vector_load %arg7[%get3A_431, %get3A_432] {strides = array<i32>} : memref<32x512xf32, #tpu.memory_space<vmem>>, vector<16xf32>,
        %get3A_434 = arith.index_cast %scan3A_160 : i32 to index
        %get3A_435 = arith.constant 256 : index
        %get3A_436 = tpu.vector_load %arg8[%get3A_434, %get3A_435] {strides = array<i32>} : memref<32x512xi32, #tpu.memory_space<vmem>>, vector<16xi32>,
        %ne3A_437 = arith.constant 0 : i32
        %ne3A_438 = vector.broadcast %ne3A_437 : i32 to vector<16xi32>
        %ne3A_439 = arith.cmpi ne, %get3A_436, %ne3A_438 : vector<16xi32>
        %mul3A_440 = vector.broadcast %reduce_sum3A_77 : f32 to vector<16xf32>
        %mul3A_441 = arith.mulf %mul3A_440, %get3A_433 : vector<16xf32>
        %add3A_442 = vector.broadcast %mul3A_102 : f32 to vector<16xf32>
        %add3A_443 = arith.addf %add3A_442, %mul3A_441 : vector<16xf32>
        %select_n3A_444 = arith.select %ne3A_439, %add3A_443, %get3A_433 : vector<16xi1>, vector<16xf32>
        %swap3A_445 = arith.index_cast %scan3A_160 : i32 to index
        %swap3A_446 = arith.constant 256 : index
        %swap3A_447 = tpu.vector_load %arg7[%swap3A_445, %swap3A_446] {strides = array<i32>} : memref<32x512xf32, #tpu.memory_space<vmem>>, vector<16xf32>,
        tpu.vector_store %arg7[%swap3A_445, %swap3A_446], %select_n3A_444 {strides = array<i32>} : memref<32x512xf32, #tpu.memory_space<vmem>>, vector<16xf32>,
        %get3A_448 = arith.index_cast %scan3A_160 : i32 to index
        %get3A_449 = arith.constant 272 : index
        %get3A_450 = tpu.vector_load %arg7[%get3A_448, %get3A_449] {strides = array<i32>} : memref<32x512xf32, #tpu.memory_space<vmem>>, vector<16xf32>,
        %get3A_451 = arith.index_cast %scan3A_160 : i32 to index
        %get3A_452 = arith.constant 272 : index
        %get3A_453 = tpu.vector_load %arg8[%get3A_451, %get3A_452] {strides = array<i32>} : memref<32x512xi32, #tpu.memory_space<vmem>>, vector<16xi32>,
        %ne3A_454 = arith.constant 0 : i32
        %ne3A_455 = vector.broadcast %ne3A_454 : i32 to vector<16xi32>
        %ne3A_456 = arith.cmpi ne, %get3A_453, %ne3A_455 : vector<16xi32>
        %mul3A_457 = vector.broadcast %reduce_sum3A_77 : f32 to vector<16xf32>
        %mul3A_458 = arith.mulf %mul3A_457, %get3A_450 : vector<16xf32>
        %add3A_459 = vector.broadcast %mul3A_102 : f32 to vector<16xf32>
        %add3A_460 = arith.addf %add3A_459, %mul3A_458 : vector<16xf32>
        %select_n3A_461 = arith.select %ne3A_456, %add3A_460, %get3A_450 : vector<16xi1>, vector<16xf32>
        %swap3A_462 = arith.index_cast %scan3A_160 : i32 to index
        %swap3A_463 = arith.constant 272 : index
        %swap3A_464 = tpu.vector_load %arg7[%swap3A_462, %swap3A_463] {strides = array<i32>} : memref<32x512xf32, #tpu.memory_space<vmem>>, vector<16xf32>,
        tpu.vector_store %arg7[%swap3A_462, %swap3A_463], %select_n3A_461 {strides = array<i32>} : memref<32x512xf32, #tpu.memory_space<vmem>>, vector<16xf32>,
        %get3A_465 = arith.index_cast %scan3A_160 : i32 to index
        %get3A_466 = arith.constant 288 : index
        %get3A_467 = tpu.vector_load %arg7[%get3A_465, %get3A_466] {strides = array<i32>} : memref<32x512xf32, #tpu.memory_space<vmem>>, vector<16xf32>,
        %get3A_468 = arith.index_cast %scan3A_160 : i32 to index
        %get3A_469 = arith.constant 288 : index
        %get3A_470 = tpu.vector_load %arg8[%get3A_468, %get3A_469] {strides = array<i32>} : memref<32x512xi32, #tpu.memory_space<vmem>>, vector<16xi32>,
        %ne3A_471 = arith.constant 0 : i32
        %ne3A_472 = vector.broadcast %ne3A_471 : i32 to vector<16xi32>
        %ne3A_473 = arith.cmpi ne, %get3A_470, %ne3A_472 : vector<16xi32>
        %mul3A_474 = vector.broadcast %reduce_sum3A_77 : f32 to vector<16xf32>
        %mul3A_475 = arith.mulf %mul3A_474, %get3A_467 : vector<16xf32>
        %add3A_476 = vector.broadcast %mul3A_102 : f32 to vector<16xf32>
        %add3A_477 = arith.addf %add3A_476, %mul3A_475 : vector<16xf32>
        %select_n3A_478 = arith.select %ne3A_473, %add3A_477, %get3A_467 : vector<16xi1>, vector<16xf32>
        %swap3A_479 = arith.index_cast %scan3A_160 : i32 to index
        %swap3A_480 = arith.constant 288 : index
        %swap3A_481 = tpu.vector_load %arg7[%swap3A_479, %swap3A_480] {strides = array<i32>} : memref<32x512xf32, #tpu.memory_space<vmem>>, vector<16xf32>,
        tpu.vector_store %arg7[%swap3A_479, %swap3A_480], %select_n3A_478 {strides = array<i32>} : memref<32x512xf32, #tpu.memory_space<vmem>>, vector<16xf32>,
        %get3A_482 = arith.index_cast %scan3A_160 : i32 to index
        %get3A_483 = arith.constant 304 : index
        %get3A_484 = tpu.vector_load %arg7[%get3A_482, %get3A_483] {strides = array<i32>} : memref<32x512xf32, #tpu.memory_space<vmem>>, vector<16xf32>,
        %get3A_485 = arith.index_cast %scan3A_160 : i32 to index
        %get3A_486 = arith.constant 304 : index
        %get3A_487 = tpu.vector_load %arg8[%get3A_485, %get3A_486] {strides = array<i32>} : memref<32x512xi32, #tpu.memory_space<vmem>>, vector<16xi32>,
        %ne3A_488 = arith.constant 0 : i32
        %ne3A_489 = vector.broadcast %ne3A_488 : i32 to vector<16xi32>
        %ne3A_490 = arith.cmpi ne, %get3A_487, %ne3A_489 : vector<16xi32>
        %mul3A_491 = vector.broadcast %reduce_sum3A_77 : f32 to vector<16xf32>
        %mul3A_492 = arith.mulf %mul3A_491, %get3A_484 : vector<16xf32>
        %add3A_493 = vector.broadcast %mul3A_102 : f32 to vector<16xf32>
        %add3A_494 = arith.addf %add3A_493, %mul3A_492 : vector<16xf32>
        %select_n3A_495 = arith.select %ne3A_490, %add3A_494, %get3A_484 : vector<16xi1>, vector<16xf32>
        %swap3A_496 = arith.index_cast %scan3A_160 : i32 to index
        %swap3A_497 = arith.constant 304 : index
        %swap3A_498 = tpu.vector_load %arg7[%swap3A_496, %swap3A_497] {strides = array<i32>} : memref<32x512xf32, #tpu.memory_space<vmem>>, vector<16xf32>,
        tpu.vector_store %arg7[%swap3A_496, %swap3A_497], %select_n3A_495 {strides = array<i32>} : memref<32x512xf32, #tpu.memory_space<vmem>>, vector<16xf32>,
        %get3A_499 = arith.index_cast %scan3A_160 : i32 to index
        %get3A_500 = arith.constant 320 : index
        %get3A_501 = tpu.vector_load %arg7[%get3A_499, %get3A_500] {strides = array<i32>} : memref<32x512xf32, #tpu.memory_space<vmem>>, vector<16xf32>,
        %get3A_502 = arith.index_cast %scan3A_160 : i32 to index
        %get3A_503 = arith.constant 320 : index
        %get3A_504 = tpu.vector_load %arg8[%get3A_502, %get3A_503] {strides = array<i32>} : memref<32x512xi32, #tpu.memory_space<vmem>>, vector<16xi32>,
        %ne3A_505 = arith.constant 0 : i32
        %ne3A_506 = vector.broadcast %ne3A_505 : i32 to vector<16xi32>
        %ne3A_507 = arith.cmpi ne, %get3A_504, %ne3A_506 : vector<16xi32>
        %mul3A_508 = vector.broadcast %reduce_sum3A_77 : f32 to vector<16xf32>
        %mul3A_509 = arith.mulf %mul3A_508, %get3A_501 : vector<16xf32>
        %add3A_510 = vector.broadcast %mul3A_102 : f32 to vector<16xf32>
        %add3A_511 = arith.addf %add3A_510, %mul3A_509 : vector<16xf32>
        %select_n3A_512 = arith.select %ne3A_507, %add3A_511, %get3A_501 : vector<16xi1>, vector<16xf32>
        %swap3A_513 = arith.index_cast %scan3A_160 : i32 to index
        %swap3A_514 = arith.constant 320 : index
        %swap3A_515 = tpu.vector_load %arg7[%swap3A_513, %swap3A_514] {strides = array<i32>} : memref<32x512xf32, #tpu.memory_space<vmem>>, vector<16xf32>,
        tpu.vector_store %arg7[%swap3A_513, %swap3A_514], %select_n3A_512 {strides = array<i32>} : memref<32x512xf32, #tpu.memory_space<vmem>>, vector<16xf32>,
        %get3A_516 = arith.index_cast %scan3A_160 : i32 to index
        %get3A_517 = arith.constant 336 : index
        %get3A_518 = tpu.vector_load %arg7[%get3A_516, %get3A_517] {strides = array<i32>} : memref<32x512xf32, #tpu.memory_space<vmem>>, vector<16xf32>,
        %get3A_519 = arith.index_cast %scan3A_160 : i32 to index
        %get3A_520 = arith.constant 336 : index
        %get3A_521 = tpu.vector_load %arg8[%get3A_519, %get3A_520] {strides = array<i32>} : memref<32x512xi32, #tpu.memory_space<vmem>>, vector<16xi32>,
        %ne3A_522 = arith.constant 0 : i32
        %ne3A_523 = vector.broadcast %ne3A_522 : i32 to vector<16xi32>
        %ne3A_524 = arith.cmpi ne, %get3A_521, %ne3A_523 : vector<16xi32>
        %mul3A_525 = vector.broadcast %reduce_sum3A_77 : f32 to vector<16xf32>
        %mul3A_526 = arith.mulf %mul3A_525, %get3A_518 : vector<16xf32>
        %add3A_527 = vector.broadcast %mul3A_102 : f32 to vector<16xf32>
        %add3A_528 = arith.addf %add3A_527, %mul3A_526 : vector<16xf32>
        %select_n3A_529 = arith.select %ne3A_524, %add3A_528, %get3A_518 : vector<16xi1>, vector<16xf32>
        %swap3A_530 = arith.index_cast %scan3A_160 : i32 to index
        %swap3A_531 = arith.constant 336 : index
        %swap3A_532 = tpu.vector_load %arg7[%swap3A_530, %swap3A_531] {strides = array<i32>} : memref<32x512xf32, #tpu.memory_space<vmem>>, vector<16xf32>,
        tpu.vector_store %arg7[%swap3A_530, %swap3A_531], %select_n3A_529 {strides = array<i32>} : memref<32x512xf32, #tpu.memory_space<vmem>>, vector<16xf32>,
        %get3A_533 = arith.index_cast %scan3A_160 : i32 to index
        %get3A_534 = arith.constant 352 : index
        %get3A_535 = tpu.vector_load %arg7[%get3A_533, %get3A_534] {strides = array<i32>} : memref<32x512xf32, #tpu.memory_space<vmem>>, vector<16xf32>,
        %get3A_536 = arith.index_cast %scan3A_160 : i32 to index
        %get3A_537 = arith.constant 352 : index
        %get3A_538 = tpu.vector_load %arg8[%get3A_536, %get3A_537] {strides = array<i32>} : memref<32x512xi32, #tpu.memory_space<vmem>>, vector<16xi32>,
        %ne3A_539 = arith.constant 0 : i32
        %ne3A_540 = vector.broadcast %ne3A_539 : i32 to vector<16xi32>
        %ne3A_541 = arith.cmpi ne, %get3A_538, %ne3A_540 : vector<16xi32>
        %mul3A_542 = vector.broadcast %reduce_sum3A_77 : f32 to vector<16xf32>
        %mul3A_543 = arith.mulf %mul3A_542, %get3A_535 : vector<16xf32>
        %add3A_544 = vector.broadcast %mul3A_102 : f32 to vector<16xf32>
        %add3A_545 = arith.addf %add3A_544, %mul3A_543 : vector<16xf32>
        %select_n3A_546 = arith.select %ne3A_541, %add3A_545, %get3A_535 : vector<16xi1>, vector<16xf32>
        %swap3A_547 = arith.index_cast %scan3A_160 : i32 to index
        %swap3A_548 = arith.constant 352 : index
        %swap3A_549 = tpu.vector_load %arg7[%swap3A_547, %swap3A_548] {strides = array<i32>} : memref<32x512xf32, #tpu.memory_space<vmem>>, vector<16xf32>,
        tpu.vector_store %arg7[%swap3A_547, %swap3A_548], %select_n3A_546 {strides = array<i32>} : memref<32x512xf32, #tpu.memory_space<vmem>>, vector<16xf32>,
        %get3A_550 = arith.index_cast %scan3A_160 : i32 to index
        %get3A_551 = arith.constant 368 : index
        %get3A_552 = tpu.vector_load %arg7[%get3A_550, %get3A_551] {strides = array<i32>} : memref<32x512xf32, #tpu.memory_space<vmem>>, vector<16xf32>,
        %get3A_553 = arith.index_cast %scan3A_160 : i32 to index
        %get3A_554 = arith.constant 368 : index
        %get3A_555 = tpu.vector_load %arg8[%get3A_553, %get3A_554] {strides = array<i32>} : memref<32x512xi32, #tpu.memory_space<vmem>>, vector<16xi32>,
        %ne3A_556 = arith.constant 0 : i32
        %ne3A_557 = vector.broadcast %ne3A_556 : i32 to vector<16xi32>
        %ne3A_558 = arith.cmpi ne, %get3A_555, %ne3A_557 : vector<16xi32>
        %mul3A_559 = vector.broadcast %reduce_sum3A_77 : f32 to vector<16xf32>
        %mul3A_560 = arith.mulf %mul3A_559, %get3A_552 : vector<16xf32>
        %add3A_561 = vector.broadcast %mul3A_102 : f32 to vector<16xf32>
        %add3A_562 = arith.addf %add3A_561, %mul3A_560 : vector<16xf32>
        %select_n3A_563 = arith.select %ne3A_558, %add3A_562, %get3A_552 : vector<16xi1>, vector<16xf32>
        %swap3A_564 = arith.index_cast %scan3A_160 : i32 to index
        %swap3A_565 = arith.constant 368 : index
        %swap3A_566 = tpu.vector_load %arg7[%swap3A_564, %swap3A_565] {strides = array<i32>} : memref<32x512xf32, #tpu.memory_space<vmem>>, vector<16xf32>,
        tpu.vector_store %arg7[%swap3A_564, %swap3A_565], %select_n3A_563 {strides = array<i32>} : memref<32x512xf32, #tpu.memory_space<vmem>>, vector<16xf32>,
        %get3A_567 = arith.index_cast %scan3A_160 : i32 to index
        %get3A_568 = arith.constant 384 : index
        %get3A_569 = tpu.vector_load %arg7[%get3A_567, %get3A_568] {strides = array<i32>} : memref<32x512xf32, #tpu.memory_space<vmem>>, vector<16xf32>,
        %get3A_570 = arith.index_cast %scan3A_160 : i32 to index
        %get3A_571 = arith.constant 384 : index
        %get3A_572 = tpu.vector_load %arg8[%get3A_570, %get3A_571] {strides = array<i32>} : memref<32x512xi32, #tpu.memory_space<vmem>>, vector<16xi32>,
        %ne3A_573 = arith.constant 0 : i32
        %ne3A_574 = vector.broadcast %ne3A_573 : i32 to vector<16xi32>
        %ne3A_575 = arith.cmpi ne, %get3A_572, %ne3A_574 : vector<16xi32>
        %mul3A_576 = vector.broadcast %reduce_sum3A_77 : f32 to vector<16xf32>
        %mul3A_577 = arith.mulf %mul3A_576, %get3A_569 : vector<16xf32>
        %add3A_578 = vector.broadcast %mul3A_102 : f32 to vector<16xf32>
        %add3A_579 = arith.addf %add3A_578, %mul3A_577 : vector<16xf32>
        %select_n3A_580 = arith.select %ne3A_575, %add3A_579, %get3A_569 : vector<16xi1>, vector<16xf32>
        %swap3A_581 = arith.index_cast %scan3A_160 : i32 to index
        %swap3A_582 = arith.constant 384 : index
        %swap3A_583 = tpu.vector_load %arg7[%swap3A_581, %swap3A_582] {strides = array<i32>} : memref<32x512xf32, #tpu.memory_space<vmem>>, vector<16xf32>,
        tpu.vector_store %arg7[%swap3A_581, %swap3A_582], %select_n3A_580 {strides = array<i32>} : memref<32x512xf32, #tpu.memory_space<vmem>>, vector<16xf32>,
        %get3A_584 = arith.index_cast %scan3A_160 : i32 to index
        %get3A_585 = arith.constant 400 : index
        %get3A_586 = tpu.vector_load %arg7[%get3A_584, %get3A_585] {strides = array<i32>} : memref<32x512xf32, #tpu.memory_space<vmem>>, vector<16xf32>,
        %get3A_587 = arith.index_cast %scan3A_160 : i32 to index
        %get3A_588 = arith.constant 400 : index
        %get3A_589 = tpu.vector_load %arg8[%get3A_587, %get3A_588] {strides = array<i32>} : memref<32x512xi32, #tpu.memory_space<vmem>>, vector<16xi32>,
        %ne3A_590 = arith.constant 0 : i32
        %ne3A_591 = vector.broadcast %ne3A_590 : i32 to vector<16xi32>
        %ne3A_592 = arith.cmpi ne, %get3A_589, %ne3A_591 : vector<16xi32>
        %mul3A_593 = vector.broadcast %reduce_sum3A_77 : f32 to vector<16xf32>
        %mul3A_594 = arith.mulf %mul3A_593, %get3A_586 : vector<16xf32>
        %add3A_595 = vector.broadcast %mul3A_102 : f32 to vector<16xf32>
        %add3A_596 = arith.addf %add3A_595, %mul3A_594 : vector<16xf32>
        %select_n3A_597 = arith.select %ne3A_592, %add3A_596, %get3A_586 : vector<16xi1>, vector<16xf32>
        %swap3A_598 = arith.index_cast %scan3A_160 : i32 to index
        %swap3A_599 = arith.constant 400 : index
        %swap3A_600 = tpu.vector_load %arg7[%swap3A_598, %swap3A_599] {strides = array<i32>} : memref<32x512xf32, #tpu.memory_space<vmem>>, vector<16xf32>,
        tpu.vector_store %arg7[%swap3A_598, %swap3A_599], %select_n3A_597 {strides = array<i32>} : memref<32x512xf32, #tpu.memory_space<vmem>>, vector<16xf32>,
        %get3A_601 = arith.index_cast %scan3A_160 : i32 to index
        %get3A_602 = arith.constant 416 : index
        %get3A_603 = tpu.vector_load %arg7[%get3A_601, %get3A_602] {strides = array<i32>} : memref<32x512xf32, #tpu.memory_space<vmem>>, vector<16xf32>,
        %get3A_604 = arith.index_cast %scan3A_160 : i32 to index
        %get3A_605 = arith.constant 416 : index
        %get3A_606 = tpu.vector_load %arg8[%get3A_604, %get3A_605] {strides = array<i32>} : memref<32x512xi32, #tpu.memory_space<vmem>>, vector<16xi32>,
        %ne3A_607 = arith.constant 0 : i32
        %ne3A_608 = vector.broadcast %ne3A_607 : i32 to vector<16xi32>
        %ne3A_609 = arith.cmpi ne, %get3A_606, %ne3A_608 : vector<16xi32>
        %mul3A_610 = vector.broadcast %reduce_sum3A_77 : f32 to vector<16xf32>
        %mul3A_611 = arith.mulf %mul3A_610, %get3A_603 : vector<16xf32>
        %add3A_612 = vector.broadcast %mul3A_102 : f32 to vector<16xf32>
        %add3A_613 = arith.addf %add3A_612, %mul3A_611 : vector<16xf32>
        %select_n3A_614 = arith.select %ne3A_609, %add3A_613, %get3A_603 : vector<16xi1>, vector<16xf32>
        %swap3A_615 = arith.index_cast %scan3A_160 : i32 to index
        %swap3A_616 = arith.constant 416 : index
        %swap3A_617 = tpu.vector_load %arg7[%swap3A_615, %swap3A_616] {strides = array<i32>} : memref<32x512xf32, #tpu.memory_space<vmem>>, vector<16xf32>,
        tpu.vector_store %arg7[%swap3A_615, %swap3A_616], %select_n3A_614 {strides = array<i32>} : memref<32x512xf32, #tpu.memory_space<vmem>>, vector<16xf32>,
        %get3A_618 = arith.index_cast %scan3A_160 : i32 to index
        %get3A_619 = arith.constant 432 : index
        %get3A_620 = tpu.vector_load %arg7[%get3A_618, %get3A_619] {strides = array<i32>} : memref<32x512xf32, #tpu.memory_space<vmem>>, vector<16xf32>,
        %get3A_621 = arith.index_cast %scan3A_160 : i32 to index
        %get3A_622 = arith.constant 432 : index
        %get3A_623 = tpu.vector_load %arg8[%get3A_621, %get3A_622] {strides = array<i32>} : memref<32x512xi32, #tpu.memory_space<vmem>>, vector<16xi32>,
        %ne3A_624 = arith.constant 0 : i32
        %ne3A_625 = vector.broadcast %ne3A_624 : i32 to vector<16xi32>
        %ne3A_626 = arith.cmpi ne, %get3A_623, %ne3A_625 : vector<16xi32>
        %mul3A_627 = vector.broadcast %reduce_sum3A_77 : f32 to vector<16xf32>
        %mul3A_628 = arith.mulf %mul3A_627, %get3A_620 : vector<16xf32>
        %add3A_629 = vector.broadcast %mul3A_102 : f32 to vector<16xf32>
        %add3A_630 = arith.addf %add3A_629, %mul3A_628 : vector<16xf32>
        %select_n3A_631 = arith.select %ne3A_626, %add3A_630, %get3A_620 : vector<16xi1>, vector<16xf32>
        %swap3A_632 = arith.index_cast %scan3A_160 : i32 to index
        %swap3A_633 = arith.constant 432 : index
        %swap3A_634 = tpu.vector_load %arg7[%swap3A_632, %swap3A_633] {strides = array<i32>} : memref<32x512xf32, #tpu.memory_space<vmem>>, vector<16xf32>,
        tpu.vector_store %arg7[%swap3A_632, %swap3A_633], %select_n3A_631 {strides = array<i32>} : memref<32x512xf32, #tpu.memory_space<vmem>>, vector<16xf32>,
        %get3A_635 = arith.index_cast %scan3A_160 : i32 to index
        %get3A_636 = arith.constant 448 : index
        %get3A_637 = tpu.vector_load %arg7[%get3A_635, %get3A_636] {strides = array<i32>} : memref<32x512xf32, #tpu.memory_space<vmem>>, vector<16xf32>,
        %get3A_638 = arith.index_cast %scan3A_160 : i32 to index
        %get3A_639 = arith.constant 448 : index
        %get3A_640 = tpu.vector_load %arg8[%get3A_638, %get3A_639] {strides = array<i32>} : memref<32x512xi32, #tpu.memory_space<vmem>>, vector<16xi32>,
        %ne3A_641 = arith.constant 0 : i32
        %ne3A_642 = vector.broadcast %ne3A_641 : i32 to vector<16xi32>
        %ne3A_643 = arith.cmpi ne, %get3A_640, %ne3A_642 : vector<16xi32>
        %mul3A_644 = vector.broadcast %reduce_sum3A_77 : f32 to vector<16xf32>
        %mul3A_645 = arith.mulf %mul3A_644, %get3A_637 : vector<16xf32>
        %add3A_646 = vector.broadcast %mul3A_102 : f32 to vector<16xf32>
        %add3A_647 = arith.addf %add3A_646, %mul3A_645 : vector<16xf32>
        %select_n3A_648 = arith.select %ne3A_643, %add3A_647, %get3A_637 : vector<16xi1>, vector<16xf32>
        %swap3A_649 = arith.index_cast %scan3A_160 : i32 to index
        %swap3A_650 = arith.constant 448 : index
        %swap3A_651 = tpu.vector_load %arg7[%swap3A_649, %swap3A_650] {strides = array<i32>} : memref<32x512xf32, #tpu.memory_space<vmem>>, vector<16xf32>,
        tpu.vector_store %arg7[%swap3A_649, %swap3A_650], %select_n3A_648 {strides = array<i32>} : memref<32x512xf32, #tpu.memory_space<vmem>>, vector<16xf32>,
        %get3A_652 = arith.index_cast %scan3A_160 : i32 to index
        %get3A_653 = arith.constant 464 : index
        %get3A_654 = tpu.vector_load %arg7[%get3A_652, %get3A_653] {strides = array<i32>} : memref<32x512xf32, #tpu.memory_space<vmem>>, vector<16xf32>,
        %get3A_655 = arith.index_cast %scan3A_160 : i32 to index
        %get3A_656 = arith.constant 464 : index
        %get3A_657 = tpu.vector_load %arg8[%get3A_655, %get3A_656] {strides = array<i32>} : memref<32x512xi32, #tpu.memory_space<vmem>>, vector<16xi32>,
        %ne3A_658 = arith.constant 0 : i32
        %ne3A_659 = vector.broadcast %ne3A_658 : i32 to vector<16xi32>
        %ne3A_660 = arith.cmpi ne, %get3A_657, %ne3A_659 : vector<16xi32>
        %mul3A_661 = vector.broadcast %reduce_sum3A_77 : f32 to vector<16xf32>
        %mul3A_662 = arith.mulf %mul3A_661, %get3A_654 : vector<16xf32>
        %add3A_663 = vector.broadcast %mul3A_102 : f32 to vector<16xf32>
        %add3A_664 = arith.addf %add3A_663, %mul3A_662 : vector<16xf32>
        %select_n3A_665 = arith.select %ne3A_660, %add3A_664, %get3A_654 : vector<16xi1>, vector<16xf32>
        %swap3A_666 = arith.index_cast %scan3A_160 : i32 to index
        %swap3A_667 = arith.constant 464 : index
        %swap3A_668 = tpu.vector_load %arg7[%swap3A_666, %swap3A_667] {strides = array<i32>} : memref<32x512xf32, #tpu.memory_space<vmem>>, vector<16xf32>,
        tpu.vector_store %arg7[%swap3A_666, %swap3A_667], %select_n3A_665 {strides = array<i32>} : memref<32x512xf32, #tpu.memory_space<vmem>>, vector<16xf32>,
        %get3A_669 = arith.index_cast %scan3A_160 : i32 to index
        %get3A_670 = arith.constant 480 : index
        %get3A_671 = tpu.vector_load %arg7[%get3A_669, %get3A_670] {strides = array<i32>} : memref<32x512xf32, #tpu.memory_space<vmem>>, vector<16xf32>,
        %get3A_672 = arith.index_cast %scan3A_160 : i32 to index
        %get3A_673 = arith.constant 480 : index
        %get3A_674 = tpu.vector_load %arg8[%get3A_672, %get3A_673] {strides = array<i32>} : memref<32x512xi32, #tpu.memory_space<vmem>>, vector<16xi32>,
        %ne3A_675 = arith.constant 0 : i32
        %ne3A_676 = vector.broadcast %ne3A_675 : i32 to vector<16xi32>
        %ne3A_677 = arith.cmpi ne, %get3A_674, %ne3A_676 : vector<16xi32>
        %mul3A_678 = vector.broadcast %reduce_sum3A_77 : f32 to vector<16xf32>
        %mul3A_679 = arith.mulf %mul3A_678, %get3A_671 : vector<16xf32>
        %add3A_680 = vector.broadcast %mul3A_102 : f32 to vector<16xf32>
        %add3A_681 = arith.addf %add3A_680, %mul3A_679 : vector<16xf32>
        %select_n3A_682 = arith.select %ne3A_677, %add3A_681, %get3A_671 : vector<16xi1>, vector<16xf32>
        %swap3A_683 = arith.index_cast %scan3A_160 : i32 to index
        %swap3A_684 = arith.constant 480 : index
        %swap3A_685 = tpu.vector_load %arg7[%swap3A_683, %swap3A_684] {strides = array<i32>} : memref<32x512xf32, #tpu.memory_space<vmem>>, vector<16xf32>,
        tpu.vector_store %arg7[%swap3A_683, %swap3A_684], %select_n3A_682 {strides = array<i32>} : memref<32x512xf32, #tpu.memory_space<vmem>>, vector<16xf32>,
        %get3A_686 = arith.index_cast %scan3A_160 : i32 to index
        %get3A_687 = arith.constant 496 : index
        %get3A_688 = tpu.vector_load %arg7[%get3A_686, %get3A_687] {strides = array<i32>} : memref<32x512xf32, #tpu.memory_space<vmem>>, vector<16xf32>,
        %get3A_689 = arith.index_cast %scan3A_160 : i32 to index
        %get3A_690 = arith.constant 496 : index
        %get3A_691 = tpu.vector_load %arg8[%get3A_689, %get3A_690] {strides = array<i32>} : memref<32x512xi32, #tpu.memory_space<vmem>>, vector<16xi32>,
        %ne3A_692 = arith.constant 0 : i32
        %ne3A_693 = vector.broadcast %ne3A_692 : i32 to vector<16xi32>
        %ne3A_694 = arith.cmpi ne, %get3A_691, %ne3A_693 : vector<16xi32>
        %mul3A_695 = vector.broadcast %reduce_sum3A_77 : f32 to vector<16xf32>
        %mul3A_696 = arith.mulf %mul3A_695, %get3A_688 : vector<16xf32>
        %add3A_697 = vector.broadcast %mul3A_102 : f32 to vector<16xf32>
        %add3A_698 = arith.addf %add3A_697, %mul3A_696 : vector<16xf32>
        %select_n3A_699 = arith.select %ne3A_694, %add3A_698, %get3A_688 : vector<16xi1>, vector<16xf32>
        %swap3A_700 = arith.index_cast %scan3A_160 : i32 to index
        %swap3A_701 = arith.constant 496 : index
        %swap3A_702 = tpu.vector_load %arg7[%swap3A_700, %swap3A_701] {strides = array<i32>} : memref<32x512xf32, #tpu.memory_space<vmem>>, vector<16xf32>,
        tpu.vector_store %arg7[%swap3A_700, %swap3A_701], %select_n3A_699 {strides = array<i32>} : memref<32x512xf32, #tpu.memory_space<vmem>>, vector<16xf32>,
      }
      %scan3A_144 = arith.constant 32 : i32
      %mul3A_145 = arith.constant 32 : i32
      %mul3A_146 = arith.muli %scan3A_122, %mul3A_145 : i32
      %run_scoped3A_147 = arith.constant 1 : i32
      "tpu.region"() ({
        %run_scoped3A_160 = tpu.sem_alloc : memref<!tpu.dma_semaphore, #tpu.memory_space<semaphore_mem>>
        %dma_start3A = arith.constant 0 : i32
        %dma_start3A_161 = tpu.memref_slice %arg6[%add3A, %run_scoped3A_147, %mul3A_146, %dma_start3A] : memref<32x3x512x512xf32, #tpu.memory_space<hbm>> -> memref<1x1x32x512xf32, #tpu.memory_space<hbm>>
        %dma_start3A_162 = tpu.memref_squeeze %dma_start3A_161 : memref<1x1x32x512xf32, #tpu.memory_space<hbm>> -> memref<32x512xf32, #tpu.memory_space<hbm>>
        %dma_start3A_163 = arith.constant 0 : i32
        %dma_start3A_164 = tpu.memref_slice %arg6[%add3A, %run_scoped3A_147, %mul3A_146, %dma_start3A_163] : memref<32x3x512x512xf32, #tpu.memory_space<hbm>> -> memref<1x1x32x512xf32, #tpu.memory_space<hbm>>
        %dma_start3A_165 = tpu.memref_squeeze %dma_start3A_164 : memref<1x1x32x512xf32, #tpu.memory_space<hbm>> -> memref<32x512xf32, #tpu.memory_space<hbm>>
        tpu.enqueue_dma source(%arg7 : memref<32x512xf32, #tpu.memory_space<vmem>>) target(%dma_start3A_165 : memref<32x512xf32, #tpu.memory_space<hbm>>) target_semaphore(%run_scoped3A_160 : memref<!tpu.dma_semaphore, #tpu.memory_space<semaphore_mem>>)
        %dma_wait3A = arith.constant 0 : i32
        %dma_wait3A_166 = tpu.memref_slice %arg6[%add3A, %run_scoped3A_147, %mul3A_146, %dma_wait3A] : memref<32x3x512x512xf32, #tpu.memory_space<hbm>> -> memref<1x1x32x512xf32, #tpu.memory_space<hbm>>
        %dma_wait3A_167 = tpu.memref_squeeze %dma_wait3A_166 : memref<1x1x32x512xf32, #tpu.memory_space<hbm>> -> memref<32x512xf32, #tpu.memory_space<hbm>>
        %dma_wait3A_168 = arith.constant 0 : i32
        %dma_wait3A_169 = tpu.memref_slice %arg6[%add3A, %run_scoped3A_147, %mul3A_146, %dma_wait3A_168] : memref<32x3x512x512xf32, #tpu.memory_space<hbm>> -> memref<1x1x32x512xf32, #tpu.memory_space<hbm>>
        %dma_wait3A_170 = tpu.memref_squeeze %dma_wait3A_169 : memref<1x1x32x512xf32, #tpu.memory_space<hbm>> -> memref<32x512xf32, #tpu.memory_space<hbm>>
        tpu.wait_dma2 semaphore(%run_scoped3A_160 : memref<!tpu.dma_semaphore, #tpu.memory_space<semaphore_mem>>) src(%arg7 : memref<32x512xf32, #tpu.memory_space<vmem>>) dst(%dma_wait3A_170 : memref<32x512xf32, #tpu.memory_space<hbm>>)
        tpu.yield
      }) : () -> ()
      %mul3A_148 = arith.constant 32 : i32
      %mul3A_149 = arith.muli %scan3A_122, %mul3A_148 : i32
      %run_scoped3A_150 = arith.constant 2 : i32
      "tpu.region"() ({
        %run_scoped3A_160 = tpu.sem_alloc : memref<!tpu.dma_semaphore, #tpu.memory_space<semaphore_mem>>
        %dma_start3A = arith.constant 0 : i32
        %dma_start3A_161 = tpu.memref_slice %arg2[%add3A, %run_scoped3A_150, %mul3A_149, %dma_start3A] : memref<32x3x512x512xf32, #tpu.memory_space<hbm>> -> memref<1x1x32x512xf32, #tpu.memory_space<hbm>>
        %dma_start3A_162 = tpu.memref_squeeze %dma_start3A_161 : memref<1x1x32x512xf32, #tpu.memory_space<hbm>> -> memref<32x512xf32, #tpu.memory_space<hbm>>
        %dma_start3A_163 = arith.constant 0 : i32
        %dma_start3A_164 = tpu.memref_slice %arg2[%add3A, %run_scoped3A_150, %mul3A_149, %dma_start3A_163] : memref<32x3x512x512xf32, #tpu.memory_space<hbm>> -> memref<1x1x32x512xf32, #tpu.memory_space<hbm>>
        %dma_start3A_165 = tpu.memref_squeeze %dma_start3A_164 : memref<1x1x32x512xf32, #tpu.memory_space<hbm>> -> memref<32x512xf32, #tpu.memory_space<hbm>>
        tpu.enqueue_dma source(%dma_start3A_165 : memref<32x512xf32, #tpu.memory_space<hbm>>) target(%arg7 : memref<32x512xf32, #tpu.memory_space<vmem>>) target_semaphore(%run_scoped3A_160 : memref<!tpu.dma_semaphore, #tpu.memory_space<semaphore_mem>>)
        %dma_wait3A = arith.constant 0 : i32
        %dma_wait3A_166 = tpu.memref_slice %arg2[%add3A, %run_scoped3A_150, %mul3A_149, %dma_wait3A] : memref<32x3x512x512xf32, #tpu.memory_space<hbm>> -> memref<1x1x32x512xf32, #tpu.memory_space<hbm>>
        %dma_wait3A_167 = tpu.memref_squeeze %dma_wait3A_166 : memref<1x1x32x512xf32, #tpu.memory_space<hbm>> -> memref<32x512xf32, #tpu.memory_space<hbm>>
        %dma_wait3A_168 = arith.constant 0 : i32
        %dma_wait3A_169 = tpu.memref_slice %arg2[%add3A, %run_scoped3A_150, %mul3A_149, %dma_wait3A_168] : memref<32x3x512x512xf32, #tpu.memory_space<hbm>> -> memref<1x1x32x512xf32, #tpu.memory_space<hbm>>
        %dma_wait3A_170 = tpu.memref_squeeze %dma_wait3A_169 : memref<1x1x32x512xf32, #tpu.memory_space<hbm>> -> memref<32x512xf32, #tpu.memory_space<hbm>>
        tpu.wait_dma2 semaphore(%run_scoped3A_160 : memref<!tpu.dma_semaphore, #tpu.memory_space<semaphore_mem>>) src(%dma_wait3A_170 : memref<32x512xf32, #tpu.memory_space<hbm>>) dst(%arg7 : memref<32x512xf32, #tpu.memory_space<vmem>>)
        tpu.yield
      }) : () -> ()
      %scan3A_151 = arith.constant 0 : i32
      %scan3A_152 = arith.constant 0 : i32
      %scan3A_153 = arith.constant 32 : i32
      %scan3A_154 = arith.addi %scan3A_152, %scan3A_153 : i32
      %scan3A_155 = arith.constant 1 : i32
      scf.for %scan3A_160 = %scan3A_152 to %scan3A_154 step %scan3A_155  : i32 {
        %get3A_161 = arith.index_cast %scan3A_160 : i32 to index
        %get3A_162 = arith.constant 0 : index
        %get3A_163 = tpu.vector_load %arg7[%get3A_161, %get3A_162] {strides = array<i32>} : memref<32x512xf32, #tpu.memory_space<vmem>>, vector<16xf32>,
        %get3A_164 = arith.index_cast %scan3A_160 : i32 to index
        %get3A_165 = arith.constant 0 : index
        %get3A_166 = tpu.vector_load %arg8[%get3A_164, %get3A_165] {strides = array<i32>} : memref<32x512xi32, #tpu.memory_space<vmem>>, vector<16xi32>,
        %ne3A = arith.constant 0 : i32
        %ne3A_167 = vector.broadcast %ne3A : i32 to vector<16xi32>
        %ne3A_168 = arith.cmpi ne, %get3A_166, %ne3A_167 : vector<16xi32>
        %mul3A_169 = vector.broadcast %reduce_sum3A_77 : f32 to vector<16xf32>
        %mul3A_170 = arith.mulf %mul3A_169, %get3A_163 : vector<16xf32>
        %add3A_171 = vector.broadcast %mul3A_115 : f32 to vector<16xf32>
        %add3A_172 = arith.addf %add3A_171, %mul3A_170 : vector<16xf32>
        %select_n3A_173 = arith.select %ne3A_168, %add3A_172, %get3A_163 : vector<16xi1>, vector<16xf32>
        %swap3A = arith.index_cast %scan3A_160 : i32 to index
        %swap3A_174 = arith.constant 0 : index
        %swap3A_175 = tpu.vector_load %arg7[%swap3A, %swap3A_174] {strides = array<i32>} : memref<32x512xf32, #tpu.memory_space<vmem>>, vector<16xf32>,
        tpu.vector_store %arg7[%swap3A, %swap3A_174], %select_n3A_173 {strides = array<i32>} : memref<32x512xf32, #tpu.memory_space<vmem>>, vector<16xf32>,
        %get3A_176 = arith.index_cast %scan3A_160 : i32 to index
        %get3A_177 = arith.constant 16 : index
        %get3A_178 = tpu.vector_load %arg7[%get3A_176, %get3A_177] {strides = array<i32>} : memref<32x512xf32, #tpu.memory_space<vmem>>, vector<16xf32>,
        %get3A_179 = arith.index_cast %scan3A_160 : i32 to index
        %get3A_180 = arith.constant 16 : index
        %get3A_181 = tpu.vector_load %arg8[%get3A_179, %get3A_180] {strides = array<i32>} : memref<32x512xi32, #tpu.memory_space<vmem>>, vector<16xi32>,
        %ne3A_182 = arith.constant 0 : i32
        %ne3A_183 = vector.broadcast %ne3A_182 : i32 to vector<16xi32>
        %ne3A_184 = arith.cmpi ne, %get3A_181, %ne3A_183 : vector<16xi32>
        %mul3A_185 = vector.broadcast %reduce_sum3A_77 : f32 to vector<16xf32>
        %mul3A_186 = arith.mulf %mul3A_185, %get3A_178 : vector<16xf32>
        %add3A_187 = vector.broadcast %mul3A_115 : f32 to vector<16xf32>
        %add3A_188 = arith.addf %add3A_187, %mul3A_186 : vector<16xf32>
        %select_n3A_189 = arith.select %ne3A_184, %add3A_188, %get3A_178 : vector<16xi1>, vector<16xf32>
        %swap3A_190 = arith.index_cast %scan3A_160 : i32 to index
        %swap3A_191 = arith.constant 16 : index
        %swap3A_192 = tpu.vector_load %arg7[%swap3A_190, %swap3A_191] {strides = array<i32>} : memref<32x512xf32, #tpu.memory_space<vmem>>, vector<16xf32>,
        tpu.vector_store %arg7[%swap3A_190, %swap3A_191], %select_n3A_189 {strides = array<i32>} : memref<32x512xf32, #tpu.memory_space<vmem>>, vector<16xf32>,
        %get3A_193 = arith.index_cast %scan3A_160 : i32 to index
        %get3A_194 = arith.constant 32 : index
        %get3A_195 = tpu.vector_load %arg7[%get3A_193, %get3A_194] {strides = array<i32>} : memref<32x512xf32, #tpu.memory_space<vmem>>, vector<16xf32>,
        %get3A_196 = arith.index_cast %scan3A_160 : i32 to index
        %get3A_197 = arith.constant 32 : index
        %get3A_198 = tpu.vector_load %arg8[%get3A_196, %get3A_197] {strides = array<i32>} : memref<32x512xi32, #tpu.memory_space<vmem>>, vector<16xi32>,
        %ne3A_199 = arith.constant 0 : i32
        %ne3A_200 = vector.broadcast %ne3A_199 : i32 to vector<16xi32>
        %ne3A_201 = arith.cmpi ne, %get3A_198, %ne3A_200 : vector<16xi32>
        %mul3A_202 = vector.broadcast %reduce_sum3A_77 : f32 to vector<16xf32>
        %mul3A_203 = arith.mulf %mul3A_202, %get3A_195 : vector<16xf32>
        %add3A_204 = vector.broadcast %mul3A_115 : f32 to vector<16xf32>
        %add3A_205 = arith.addf %add3A_204, %mul3A_203 : vector<16xf32>
        %select_n3A_206 = arith.select %ne3A_201, %add3A_205, %get3A_195 : vector<16xi1>, vector<16xf32>
        %swap3A_207 = arith.index_cast %scan3A_160 : i32 to index
        %swap3A_208 = arith.constant 32 : index
        %swap3A_209 = tpu.vector_load %arg7[%swap3A_207, %swap3A_208] {strides = array<i32>} : memref<32x512xf32, #tpu.memory_space<vmem>>, vector<16xf32>,
        tpu.vector_store %arg7[%swap3A_207, %swap3A_208], %select_n3A_206 {strides = array<i32>} : memref<32x512xf32, #tpu.memory_space<vmem>>, vector<16xf32>,
        %get3A_210 = arith.index_cast %scan3A_160 : i32 to index
        %get3A_211 = arith.constant 48 : index
        %get3A_212 = tpu.vector_load %arg7[%get3A_210, %get3A_211] {strides = array<i32>} : memref<32x512xf32, #tpu.memory_space<vmem>>, vector<16xf32>,
        %get3A_213 = arith.index_cast %scan3A_160 : i32 to index
        %get3A_214 = arith.constant 48 : index
        %get3A_215 = tpu.vector_load %arg8[%get3A_213, %get3A_214] {strides = array<i32>} : memref<32x512xi32, #tpu.memory_space<vmem>>, vector<16xi32>,
        %ne3A_216 = arith.constant 0 : i32
        %ne3A_217 = vector.broadcast %ne3A_216 : i32 to vector<16xi32>
        %ne3A_218 = arith.cmpi ne, %get3A_215, %ne3A_217 : vector<16xi32>
        %mul3A_219 = vector.broadcast %reduce_sum3A_77 : f32 to vector<16xf32>
        %mul3A_220 = arith.mulf %mul3A_219, %get3A_212 : vector<16xf32>
        %add3A_221 = vector.broadcast %mul3A_115 : f32 to vector<16xf32>
        %add3A_222 = arith.addf %add3A_221, %mul3A_220 : vector<16xf32>
        %select_n3A_223 = arith.select %ne3A_218, %add3A_222, %get3A_212 : vector<16xi1>, vector<16xf32>
        %swap3A_224 = arith.index_cast %scan3A_160 : i32 to index
        %swap3A_225 = arith.constant 48 : index
        %swap3A_226 = tpu.vector_load %arg7[%swap3A_224, %swap3A_225] {strides = array<i32>} : memref<32x512xf32, #tpu.memory_space<vmem>>, vector<16xf32>,
        tpu.vector_store %arg7[%swap3A_224, %swap3A_225], %select_n3A_223 {strides = array<i32>} : memref<32x512xf32, #tpu.memory_space<vmem>>, vector<16xf32>,
        %get3A_227 = arith.index_cast %scan3A_160 : i32 to index
        %get3A_228 = arith.constant 64 : index
        %get3A_229 = tpu.vector_load %arg7[%get3A_227, %get3A_228] {strides = array<i32>} : memref<32x512xf32, #tpu.memory_space<vmem>>, vector<16xf32>,
        %get3A_230 = arith.index_cast %scan3A_160 : i32 to index
        %get3A_231 = arith.constant 64 : index
        %get3A_232 = tpu.vector_load %arg8[%get3A_230, %get3A_231] {strides = array<i32>} : memref<32x512xi32, #tpu.memory_space<vmem>>, vector<16xi32>,
        %ne3A_233 = arith.constant 0 : i32
        %ne3A_234 = vector.broadcast %ne3A_233 : i32 to vector<16xi32>
        %ne3A_235 = arith.cmpi ne, %get3A_232, %ne3A_234 : vector<16xi32>
        %mul3A_236 = vector.broadcast %reduce_sum3A_77 : f32 to vector<16xf32>
        %mul3A_237 = arith.mulf %mul3A_236, %get3A_229 : vector<16xf32>
        %add3A_238 = vector.broadcast %mul3A_115 : f32 to vector<16xf32>
        %add3A_239 = arith.addf %add3A_238, %mul3A_237 : vector<16xf32>
        %select_n3A_240 = arith.select %ne3A_235, %add3A_239, %get3A_229 : vector<16xi1>, vector<16xf32>
        %swap3A_241 = arith.index_cast %scan3A_160 : i32 to index
        %swap3A_242 = arith.constant 64 : index
        %swap3A_243 = tpu.vector_load %arg7[%swap3A_241, %swap3A_242] {strides = array<i32>} : memref<32x512xf32, #tpu.memory_space<vmem>>, vector<16xf32>,
        tpu.vector_store %arg7[%swap3A_241, %swap3A_242], %select_n3A_240 {strides = array<i32>} : memref<32x512xf32, #tpu.memory_space<vmem>>, vector<16xf32>,
        %get3A_244 = arith.index_cast %scan3A_160 : i32 to index
        %get3A_245 = arith.constant 80 : index
        %get3A_246 = tpu.vector_load %arg7[%get3A_244, %get3A_245] {strides = array<i32>} : memref<32x512xf32, #tpu.memory_space<vmem>>, vector<16xf32>,
        %get3A_247 = arith.index_cast %scan3A_160 : i32 to index
        %get3A_248 = arith.constant 80 : index
        %get3A_249 = tpu.vector_load %arg8[%get3A_247, %get3A_248] {strides = array<i32>} : memref<32x512xi32, #tpu.memory_space<vmem>>, vector<16xi32>,
        %ne3A_250 = arith.constant 0 : i32
        %ne3A_251 = vector.broadcast %ne3A_250 : i32 to vector<16xi32>
        %ne3A_252 = arith.cmpi ne, %get3A_249, %ne3A_251 : vector<16xi32>
        %mul3A_253 = vector.broadcast %reduce_sum3A_77 : f32 to vector<16xf32>
        %mul3A_254 = arith.mulf %mul3A_253, %get3A_246 : vector<16xf32>
        %add3A_255 = vector.broadcast %mul3A_115 : f32 to vector<16xf32>
        %add3A_256 = arith.addf %add3A_255, %mul3A_254 : vector<16xf32>
        %select_n3A_257 = arith.select %ne3A_252, %add3A_256, %get3A_246 : vector<16xi1>, vector<16xf32>
        %swap3A_258 = arith.index_cast %scan3A_160 : i32 to index
        %swap3A_259 = arith.constant 80 : index
        %swap3A_260 = tpu.vector_load %arg7[%swap3A_258, %swap3A_259] {strides = array<i32>} : memref<32x512xf32, #tpu.memory_space<vmem>>, vector<16xf32>,
        tpu.vector_store %arg7[%swap3A_258, %swap3A_259], %select_n3A_257 {strides = array<i32>} : memref<32x512xf32, #tpu.memory_space<vmem>>, vector<16xf32>,
        %get3A_261 = arith.index_cast %scan3A_160 : i32 to index
        %get3A_262 = arith.constant 96 : index
        %get3A_263 = tpu.vector_load %arg7[%get3A_261, %get3A_262] {strides = array<i32>} : memref<32x512xf32, #tpu.memory_space<vmem>>, vector<16xf32>,
        %get3A_264 = arith.index_cast %scan3A_160 : i32 to index
        %get3A_265 = arith.constant 96 : index
        %get3A_266 = tpu.vector_load %arg8[%get3A_264, %get3A_265] {strides = array<i32>} : memref<32x512xi32, #tpu.memory_space<vmem>>, vector<16xi32>,
        %ne3A_267 = arith.constant 0 : i32
        %ne3A_268 = vector.broadcast %ne3A_267 : i32 to vector<16xi32>
        %ne3A_269 = arith.cmpi ne, %get3A_266, %ne3A_268 : vector<16xi32>
        %mul3A_270 = vector.broadcast %reduce_sum3A_77 : f32 to vector<16xf32>
        %mul3A_271 = arith.mulf %mul3A_270, %get3A_263 : vector<16xf32>
        %add3A_272 = vector.broadcast %mul3A_115 : f32 to vector<16xf32>
        %add3A_273 = arith.addf %add3A_272, %mul3A_271 : vector<16xf32>
        %select_n3A_274 = arith.select %ne3A_269, %add3A_273, %get3A_263 : vector<16xi1>, vector<16xf32>
        %swap3A_275 = arith.index_cast %scan3A_160 : i32 to index
        %swap3A_276 = arith.constant 96 : index
        %swap3A_277 = tpu.vector_load %arg7[%swap3A_275, %swap3A_276] {strides = array<i32>} : memref<32x512xf32, #tpu.memory_space<vmem>>, vector<16xf32>,
        tpu.vector_store %arg7[%swap3A_275, %swap3A_276], %select_n3A_274 {strides = array<i32>} : memref<32x512xf32, #tpu.memory_space<vmem>>, vector<16xf32>,
        %get3A_278 = arith.index_cast %scan3A_160 : i32 to index
        %get3A_279 = arith.constant 112 : index
        %get3A_280 = tpu.vector_load %arg7[%get3A_278, %get3A_279] {strides = array<i32>} : memref<32x512xf32, #tpu.memory_space<vmem>>, vector<16xf32>,
        %get3A_281 = arith.index_cast %scan3A_160 : i32 to index
        %get3A_282 = arith.constant 112 : index
        %get3A_283 = tpu.vector_load %arg8[%get3A_281, %get3A_282] {strides = array<i32>} : memref<32x512xi32, #tpu.memory_space<vmem>>, vector<16xi32>,
        %ne3A_284 = arith.constant 0 : i32
        %ne3A_285 = vector.broadcast %ne3A_284 : i32 to vector<16xi32>
        %ne3A_286 = arith.cmpi ne, %get3A_283, %ne3A_285 : vector<16xi32>
        %mul3A_287 = vector.broadcast %reduce_sum3A_77 : f32 to vector<16xf32>
        %mul3A_288 = arith.mulf %mul3A_287, %get3A_280 : vector<16xf32>
        %add3A_289 = vector.broadcast %mul3A_115 : f32 to vector<16xf32>
        %add3A_290 = arith.addf %add3A_289, %mul3A_288 : vector<16xf32>
        %select_n3A_291 = arith.select %ne3A_286, %add3A_290, %get3A_280 : vector<16xi1>, vector<16xf32>
        %swap3A_292 = arith.index_cast %scan3A_160 : i32 to index
        %swap3A_293 = arith.constant 112 : index
        %swap3A_294 = tpu.vector_load %arg7[%swap3A_292, %swap3A_293] {strides = array<i32>} : memref<32x512xf32, #tpu.memory_space<vmem>>, vector<16xf32>,
        tpu.vector_store %arg7[%swap3A_292, %swap3A_293], %select_n3A_291 {strides = array<i32>} : memref<32x512xf32, #tpu.memory_space<vmem>>, vector<16xf32>,
        %get3A_295 = arith.index_cast %scan3A_160 : i32 to index
        %get3A_296 = arith.constant 128 : index
        %get3A_297 = tpu.vector_load %arg7[%get3A_295, %get3A_296] {strides = array<i32>} : memref<32x512xf32, #tpu.memory_space<vmem>>, vector<16xf32>,
        %get3A_298 = arith.index_cast %scan3A_160 : i32 to index
        %get3A_299 = arith.constant 128 : index
        %get3A_300 = tpu.vector_load %arg8[%get3A_298, %get3A_299] {strides = array<i32>} : memref<32x512xi32, #tpu.memory_space<vmem>>, vector<16xi32>,
        %ne3A_301 = arith.constant 0 : i32
        %ne3A_302 = vector.broadcast %ne3A_301 : i32 to vector<16xi32>
        %ne3A_303 = arith.cmpi ne, %get3A_300, %ne3A_302 : vector<16xi32>
        %mul3A_304 = vector.broadcast %reduce_sum3A_77 : f32 to vector<16xf32>
        %mul3A_305 = arith.mulf %mul3A_304, %get3A_297 : vector<16xf32>
        %add3A_306 = vector.broadcast %mul3A_115 : f32 to vector<16xf32>
        %add3A_307 = arith.addf %add3A_306, %mul3A_305 : vector<16xf32>
        %select_n3A_308 = arith.select %ne3A_303, %add3A_307, %get3A_297 : vector<16xi1>, vector<16xf32>
        %swap3A_309 = arith.index_cast %scan3A_160 : i32 to index
        %swap3A_310 = arith.constant 128 : index
        %swap3A_311 = tpu.vector_load %arg7[%swap3A_309, %swap3A_310] {strides = array<i32>} : memref<32x512xf32, #tpu.memory_space<vmem>>, vector<16xf32>,
        tpu.vector_store %arg7[%swap3A_309, %swap3A_310], %select_n3A_308 {strides = array<i32>} : memref<32x512xf32, #tpu.memory_space<vmem>>, vector<16xf32>,
        %get3A_312 = arith.index_cast %scan3A_160 : i32 to index
        %get3A_313 = arith.constant 144 : index
        %get3A_314 = tpu.vector_load %arg7[%get3A_312, %get3A_313] {strides = array<i32>} : memref<32x512xf32, #tpu.memory_space<vmem>>, vector<16xf32>,
        %get3A_315 = arith.index_cast %scan3A_160 : i32 to index
        %get3A_316 = arith.constant 144 : index
        %get3A_317 = tpu.vector_load %arg8[%get3A_315, %get3A_316] {strides = array<i32>} : memref<32x512xi32, #tpu.memory_space<vmem>>, vector<16xi32>,
        %ne3A_318 = arith.constant 0 : i32
        %ne3A_319 = vector.broadcast %ne3A_318 : i32 to vector<16xi32>
        %ne3A_320 = arith.cmpi ne, %get3A_317, %ne3A_319 : vector<16xi32>
        %mul3A_321 = vector.broadcast %reduce_sum3A_77 : f32 to vector<16xf32>
        %mul3A_322 = arith.mulf %mul3A_321, %get3A_314 : vector<16xf32>
        %add3A_323 = vector.broadcast %mul3A_115 : f32 to vector<16xf32>
        %add3A_324 = arith.addf %add3A_323, %mul3A_322 : vector<16xf32>
        %select_n3A_325 = arith.select %ne3A_320, %add3A_324, %get3A_314 : vector<16xi1>, vector<16xf32>
        %swap3A_326 = arith.index_cast %scan3A_160 : i32 to index
        %swap3A_327 = arith.constant 144 : index
        %swap3A_328 = tpu.vector_load %arg7[%swap3A_326, %swap3A_327] {strides = array<i32>} : memref<32x512xf32, #tpu.memory_space<vmem>>, vector<16xf32>,
        tpu.vector_store %arg7[%swap3A_326, %swap3A_327], %select_n3A_325 {strides = array<i32>} : memref<32x512xf32, #tpu.memory_space<vmem>>, vector<16xf32>,
        %get3A_329 = arith.index_cast %scan3A_160 : i32 to index
        %get3A_330 = arith.constant 160 : index
        %get3A_331 = tpu.vector_load %arg7[%get3A_329, %get3A_330] {strides = array<i32>} : memref<32x512xf32, #tpu.memory_space<vmem>>, vector<16xf32>,
        %get3A_332 = arith.index_cast %scan3A_160 : i32 to index
        %get3A_333 = arith.constant 160 : index
        %get3A_334 = tpu.vector_load %arg8[%get3A_332, %get3A_333] {strides = array<i32>} : memref<32x512xi32, #tpu.memory_space<vmem>>, vector<16xi32>,
        %ne3A_335 = arith.constant 0 : i32
        %ne3A_336 = vector.broadcast %ne3A_335 : i32 to vector<16xi32>
        %ne3A_337 = arith.cmpi ne, %get3A_334, %ne3A_336 : vector<16xi32>
        %mul3A_338 = vector.broadcast %reduce_sum3A_77 : f32 to vector<16xf32>
        %mul3A_339 = arith.mulf %mul3A_338, %get3A_331 : vector<16xf32>
        %add3A_340 = vector.broadcast %mul3A_115 : f32 to vector<16xf32>
        %add3A_341 = arith.addf %add3A_340, %mul3A_339 : vector<16xf32>
        %select_n3A_342 = arith.select %ne3A_337, %add3A_341, %get3A_331 : vector<16xi1>, vector<16xf32>
        %swap3A_343 = arith.index_cast %scan3A_160 : i32 to index
        %swap3A_344 = arith.constant 160 : index
        %swap3A_345 = tpu.vector_load %arg7[%swap3A_343, %swap3A_344] {strides = array<i32>} : memref<32x512xf32, #tpu.memory_space<vmem>>, vector<16xf32>,
        tpu.vector_store %arg7[%swap3A_343, %swap3A_344], %select_n3A_342 {strides = array<i32>} : memref<32x512xf32, #tpu.memory_space<vmem>>, vector<16xf32>,
        %get3A_346 = arith.index_cast %scan3A_160 : i32 to index
        %get3A_347 = arith.constant 176 : index
        %get3A_348 = tpu.vector_load %arg7[%get3A_346, %get3A_347] {strides = array<i32>} : memref<32x512xf32, #tpu.memory_space<vmem>>, vector<16xf32>,
        %get3A_349 = arith.index_cast %scan3A_160 : i32 to index
        %get3A_350 = arith.constant 176 : index
        %get3A_351 = tpu.vector_load %arg8[%get3A_349, %get3A_350] {strides = array<i32>} : memref<32x512xi32, #tpu.memory_space<vmem>>, vector<16xi32>,
        %ne3A_352 = arith.constant 0 : i32
        %ne3A_353 = vector.broadcast %ne3A_352 : i32 to vector<16xi32>
        %ne3A_354 = arith.cmpi ne, %get3A_351, %ne3A_353 : vector<16xi32>
        %mul3A_355 = vector.broadcast %reduce_sum3A_77 : f32 to vector<16xf32>
        %mul3A_356 = arith.mulf %mul3A_355, %get3A_348 : vector<16xf32>
        %add3A_357 = vector.broadcast %mul3A_115 : f32 to vector<16xf32>
        %add3A_358 = arith.addf %add3A_357, %mul3A_356 : vector<16xf32>
        %select_n3A_359 = arith.select %ne3A_354, %add3A_358, %get3A_348 : vector<16xi1>, vector<16xf32>
        %swap3A_360 = arith.index_cast %scan3A_160 : i32 to index
        %swap3A_361 = arith.constant 176 : index
        %swap3A_362 = tpu.vector_load %arg7[%swap3A_360, %swap3A_361] {strides = array<i32>} : memref<32x512xf32, #tpu.memory_space<vmem>>, vector<16xf32>,
        tpu.vector_store %arg7[%swap3A_360, %swap3A_361], %select_n3A_359 {strides = array<i32>} : memref<32x512xf32, #tpu.memory_space<vmem>>, vector<16xf32>,
        %get3A_363 = arith.index_cast %scan3A_160 : i32 to index
        %get3A_364 = arith.constant 192 : index
        %get3A_365 = tpu.vector_load %arg7[%get3A_363, %get3A_364] {strides = array<i32>} : memref<32x512xf32, #tpu.memory_space<vmem>>, vector<16xf32>,
        %get3A_366 = arith.index_cast %scan3A_160 : i32 to index
        %get3A_367 = arith.constant 192 : index
        %get3A_368 = tpu.vector_load %arg8[%get3A_366, %get3A_367] {strides = array<i32>} : memref<32x512xi32, #tpu.memory_space<vmem>>, vector<16xi32>,
        %ne3A_369 = arith.constant 0 : i32
        %ne3A_370 = vector.broadcast %ne3A_369 : i32 to vector<16xi32>
        %ne3A_371 = arith.cmpi ne, %get3A_368, %ne3A_370 : vector<16xi32>
        %mul3A_372 = vector.broadcast %reduce_sum3A_77 : f32 to vector<16xf32>
        %mul3A_373 = arith.mulf %mul3A_372, %get3A_365 : vector<16xf32>
        %add3A_374 = vector.broadcast %mul3A_115 : f32 to vector<16xf32>
        %add3A_375 = arith.addf %add3A_374, %mul3A_373 : vector<16xf32>
        %select_n3A_376 = arith.select %ne3A_371, %add3A_375, %get3A_365 : vector<16xi1>, vector<16xf32>
        %swap3A_377 = arith.index_cast %scan3A_160 : i32 to index
        %swap3A_378 = arith.constant 192 : index
        %swap3A_379 = tpu.vector_load %arg7[%swap3A_377, %swap3A_378] {strides = array<i32>} : memref<32x512xf32, #tpu.memory_space<vmem>>, vector<16xf32>,
        tpu.vector_store %arg7[%swap3A_377, %swap3A_378], %select_n3A_376 {strides = array<i32>} : memref<32x512xf32, #tpu.memory_space<vmem>>, vector<16xf32>,
        %get3A_380 = arith.index_cast %scan3A_160 : i32 to index
        %get3A_381 = arith.constant 208 : index
        %get3A_382 = tpu.vector_load %arg7[%get3A_380, %get3A_381] {strides = array<i32>} : memref<32x512xf32, #tpu.memory_space<vmem>>, vector<16xf32>,
        %get3A_383 = arith.index_cast %scan3A_160 : i32 to index
        %get3A_384 = arith.constant 208 : index
        %get3A_385 = tpu.vector_load %arg8[%get3A_383, %get3A_384] {strides = array<i32>} : memref<32x512xi32, #tpu.memory_space<vmem>>, vector<16xi32>,
        %ne3A_386 = arith.constant 0 : i32
        %ne3A_387 = vector.broadcast %ne3A_386 : i32 to vector<16xi32>
        %ne3A_388 = arith.cmpi ne, %get3A_385, %ne3A_387 : vector<16xi32>
        %mul3A_389 = vector.broadcast %reduce_sum3A_77 : f32 to vector<16xf32>
        %mul3A_390 = arith.mulf %mul3A_389, %get3A_382 : vector<16xf32>
        %add3A_391 = vector.broadcast %mul3A_115 : f32 to vector<16xf32>
        %add3A_392 = arith.addf %add3A_391, %mul3A_390 : vector<16xf32>
        %select_n3A_393 = arith.select %ne3A_388, %add3A_392, %get3A_382 : vector<16xi1>, vector<16xf32>
        %swap3A_394 = arith.index_cast %scan3A_160 : i32 to index
        %swap3A_395 = arith.constant 208 : index
        %swap3A_396 = tpu.vector_load %arg7[%swap3A_394, %swap3A_395] {strides = array<i32>} : memref<32x512xf32, #tpu.memory_space<vmem>>, vector<16xf32>,
        tpu.vector_store %arg7[%swap3A_394, %swap3A_395], %select_n3A_393 {strides = array<i32>} : memref<32x512xf32, #tpu.memory_space<vmem>>, vector<16xf32>,
        %get3A_397 = arith.index_cast %scan3A_160 : i32 to index
        %get3A_398 = arith.constant 224 : index
        %get3A_399 = tpu.vector_load %arg7[%get3A_397, %get3A_398] {strides = array<i32>} : memref<32x512xf32, #tpu.memory_space<vmem>>, vector<16xf32>,
        %get3A_400 = arith.index_cast %scan3A_160 : i32 to index
        %get3A_401 = arith.constant 224 : index
        %get3A_402 = tpu.vector_load %arg8[%get3A_400, %get3A_401] {strides = array<i32>} : memref<32x512xi32, #tpu.memory_space<vmem>>, vector<16xi32>,
        %ne3A_403 = arith.constant 0 : i32
        %ne3A_404 = vector.broadcast %ne3A_403 : i32 to vector<16xi32>
        %ne3A_405 = arith.cmpi ne, %get3A_402, %ne3A_404 : vector<16xi32>
        %mul3A_406 = vector.broadcast %reduce_sum3A_77 : f32 to vector<16xf32>
        %mul3A_407 = arith.mulf %mul3A_406, %get3A_399 : vector<16xf32>
        %add3A_408 = vector.broadcast %mul3A_115 : f32 to vector<16xf32>
        %add3A_409 = arith.addf %add3A_408, %mul3A_407 : vector<16xf32>
        %select_n3A_410 = arith.select %ne3A_405, %add3A_409, %get3A_399 : vector<16xi1>, vector<16xf32>
        %swap3A_411 = arith.index_cast %scan3A_160 : i32 to index
        %swap3A_412 = arith.constant 224 : index
        %swap3A_413 = tpu.vector_load %arg7[%swap3A_411, %swap3A_412] {strides = array<i32>} : memref<32x512xf32, #tpu.memory_space<vmem>>, vector<16xf32>,
        tpu.vector_store %arg7[%swap3A_411, %swap3A_412], %select_n3A_410 {strides = array<i32>} : memref<32x512xf32, #tpu.memory_space<vmem>>, vector<16xf32>,
        %get3A_414 = arith.index_cast %scan3A_160 : i32 to index
        %get3A_415 = arith.constant 240 : index
        %get3A_416 = tpu.vector_load %arg7[%get3A_414, %get3A_415] {strides = array<i32>} : memref<32x512xf32, #tpu.memory_space<vmem>>, vector<16xf32>,
        %get3A_417 = arith.index_cast %scan3A_160 : i32 to index
        %get3A_418 = arith.constant 240 : index
        %get3A_419 = tpu.vector_load %arg8[%get3A_417, %get3A_418] {strides = array<i32>} : memref<32x512xi32, #tpu.memory_space<vmem>>, vector<16xi32>,
        %ne3A_420 = arith.constant 0 : i32
        %ne3A_421 = vector.broadcast %ne3A_420 : i32 to vector<16xi32>
        %ne3A_422 = arith.cmpi ne, %get3A_419, %ne3A_421 : vector<16xi32>
        %mul3A_423 = vector.broadcast %reduce_sum3A_77 : f32 to vector<16xf32>
        %mul3A_424 = arith.mulf %mul3A_423, %get3A_416 : vector<16xf32>
        %add3A_425 = vector.broadcast %mul3A_115 : f32 to vector<16xf32>
        %add3A_426 = arith.addf %add3A_425, %mul3A_424 : vector<16xf32>
        %select_n3A_427 = arith.select %ne3A_422, %add3A_426, %get3A_416 : vector<16xi1>, vector<16xf32>
        %swap3A_428 = arith.index_cast %scan3A_160 : i32 to index
        %swap3A_429 = arith.constant 240 : index
        %swap3A_430 = tpu.vector_load %arg7[%swap3A_428, %swap3A_429] {strides = array<i32>} : memref<32x512xf32, #tpu.memory_space<vmem>>, vector<16xf32>,
        tpu.vector_store %arg7[%swap3A_428, %swap3A_429], %select_n3A_427 {strides = array<i32>} : memref<32x512xf32, #tpu.memory_space<vmem>>, vector<16xf32>,
        %get3A_431 = arith.index_cast %scan3A_160 : i32 to index
        %get3A_432 = arith.constant 256 : index
        %get3A_433 = tpu.vector_load %arg7[%get3A_431, %get3A_432] {strides = array<i32>} : memref<32x512xf32, #tpu.memory_space<vmem>>, vector<16xf32>,
        %get3A_434 = arith.index_cast %scan3A_160 : i32 to index
        %get3A_435 = arith.constant 256 : index
        %get3A_436 = tpu.vector_load %arg8[%get3A_434, %get3A_435] {strides = array<i32>} : memref<32x512xi32, #tpu.memory_space<vmem>>, vector<16xi32>,
        %ne3A_437 = arith.constant 0 : i32
        %ne3A_438 = vector.broadcast %ne3A_437 : i32 to vector<16xi32>
        %ne3A_439 = arith.cmpi ne, %get3A_436, %ne3A_438 : vector<16xi32>
        %mul3A_440 = vector.broadcast %reduce_sum3A_77 : f32 to vector<16xf32>
        %mul3A_441 = arith.mulf %mul3A_440, %get3A_433 : vector<16xf32>
        %add3A_442 = vector.broadcast %mul3A_115 : f32 to vector<16xf32>
        %add3A_443 = arith.addf %add3A_442, %mul3A_441 : vector<16xf32>
        %select_n3A_444 = arith.select %ne3A_439, %add3A_443, %get3A_433 : vector<16xi1>, vector<16xf32>
        %swap3A_445 = arith.index_cast %scan3A_160 : i32 to index
        %swap3A_446 = arith.constant 256 : index
        %swap3A_447 = tpu.vector_load %arg7[%swap3A_445, %swap3A_446] {strides = array<i32>} : memref<32x512xf32, #tpu.memory_space<vmem>>, vector<16xf32>,
        tpu.vector_store %arg7[%swap3A_445, %swap3A_446], %select_n3A_444 {strides = array<i32>} : memref<32x512xf32, #tpu.memory_space<vmem>>, vector<16xf32>,
        %get3A_448 = arith.index_cast %scan3A_160 : i32 to index
        %get3A_449 = arith.constant 272 : index
        %get3A_450 = tpu.vector_load %arg7[%get3A_448, %get3A_449] {strides = array<i32>} : memref<32x512xf32, #tpu.memory_space<vmem>>, vector<16xf32>,
        %get3A_451 = arith.index_cast %scan3A_160 : i32 to index
        %get3A_452 = arith.constant 272 : index
        %get3A_453 = tpu.vector_load %arg8[%get3A_451, %get3A_452] {strides = array<i32>} : memref<32x512xi32, #tpu.memory_space<vmem>>, vector<16xi32>,
        %ne3A_454 = arith.constant 0 : i32
        %ne3A_455 = vector.broadcast %ne3A_454 : i32 to vector<16xi32>
        %ne3A_456 = arith.cmpi ne, %get3A_453, %ne3A_455 : vector<16xi32>
        %mul3A_457 = vector.broadcast %reduce_sum3A_77 : f32 to vector<16xf32>
        %mul3A_458 = arith.mulf %mul3A_457, %get3A_450 : vector<16xf32>
        %add3A_459 = vector.broadcast %mul3A_115 : f32 to vector<16xf32>
        %add3A_460 = arith.addf %add3A_459, %mul3A_458 : vector<16xf32>
        %select_n3A_461 = arith.select %ne3A_456, %add3A_460, %get3A_450 : vector<16xi1>, vector<16xf32>
        %swap3A_462 = arith.index_cast %scan3A_160 : i32 to index
        %swap3A_463 = arith.constant 272 : index
        %swap3A_464 = tpu.vector_load %arg7[%swap3A_462, %swap3A_463] {strides = array<i32>} : memref<32x512xf32, #tpu.memory_space<vmem>>, vector<16xf32>,
        tpu.vector_store %arg7[%swap3A_462, %swap3A_463], %select_n3A_461 {strides = array<i32>} : memref<32x512xf32, #tpu.memory_space<vmem>>, vector<16xf32>,
        %get3A_465 = arith.index_cast %scan3A_160 : i32 to index
        %get3A_466 = arith.constant 288 : index
        %get3A_467 = tpu.vector_load %arg7[%get3A_465, %get3A_466] {strides = array<i32>} : memref<32x512xf32, #tpu.memory_space<vmem>>, vector<16xf32>,
        %get3A_468 = arith.index_cast %scan3A_160 : i32 to index
        %get3A_469 = arith.constant 288 : index
        %get3A_470 = tpu.vector_load %arg8[%get3A_468, %get3A_469] {strides = array<i32>} : memref<32x512xi32, #tpu.memory_space<vmem>>, vector<16xi32>,
        %ne3A_471 = arith.constant 0 : i32
        %ne3A_472 = vector.broadcast %ne3A_471 : i32 to vector<16xi32>
        %ne3A_473 = arith.cmpi ne, %get3A_470, %ne3A_472 : vector<16xi32>
        %mul3A_474 = vector.broadcast %reduce_sum3A_77 : f32 to vector<16xf32>
        %mul3A_475 = arith.mulf %mul3A_474, %get3A_467 : vector<16xf32>
        %add3A_476 = vector.broadcast %mul3A_115 : f32 to vector<16xf32>
        %add3A_477 = arith.addf %add3A_476, %mul3A_475 : vector<16xf32>
        %select_n3A_478 = arith.select %ne3A_473, %add3A_477, %get3A_467 : vector<16xi1>, vector<16xf32>
        %swap3A_479 = arith.index_cast %scan3A_160 : i32 to index
        %swap3A_480 = arith.constant 288 : index
        %swap3A_481 = tpu.vector_load %arg7[%swap3A_479, %swap3A_480] {strides = array<i32>} : memref<32x512xf32, #tpu.memory_space<vmem>>, vector<16xf32>,
        tpu.vector_store %arg7[%swap3A_479, %swap3A_480], %select_n3A_478 {strides = array<i32>} : memref<32x512xf32, #tpu.memory_space<vmem>>, vector<16xf32>,
        %get3A_482 = arith.index_cast %scan3A_160 : i32 to index
        %get3A_483 = arith.constant 304 : index
        %get3A_484 = tpu.vector_load %arg7[%get3A_482, %get3A_483] {strides = array<i32>} : memref<32x512xf32, #tpu.memory_space<vmem>>, vector<16xf32>,
        %get3A_485 = arith.index_cast %scan3A_160 : i32 to index
        %get3A_486 = arith.constant 304 : index
        %get3A_487 = tpu.vector_load %arg8[%get3A_485, %get3A_486] {strides = array<i32>} : memref<32x512xi32, #tpu.memory_space<vmem>>, vector<16xi32>,
        %ne3A_488 = arith.constant 0 : i32
        %ne3A_489 = vector.broadcast %ne3A_488 : i32 to vector<16xi32>
        %ne3A_490 = arith.cmpi ne, %get3A_487, %ne3A_489 : vector<16xi32>
        %mul3A_491 = vector.broadcast %reduce_sum3A_77 : f32 to vector<16xf32>
        %mul3A_492 = arith.mulf %mul3A_491, %get3A_484 : vector<16xf32>
        %add3A_493 = vector.broadcast %mul3A_115 : f32 to vector<16xf32>
        %add3A_494 = arith.addf %add3A_493, %mul3A_492 : vector<16xf32>
        %select_n3A_495 = arith.select %ne3A_490, %add3A_494, %get3A_484 : vector<16xi1>, vector<16xf32>
        %swap3A_496 = arith.index_cast %scan3A_160 : i32 to index
        %swap3A_497 = arith.constant 304 : index
        %swap3A_498 = tpu.vector_load %arg7[%swap3A_496, %swap3A_497] {strides = array<i32>} : memref<32x512xf32, #tpu.memory_space<vmem>>, vector<16xf32>,
        tpu.vector_store %arg7[%swap3A_496, %swap3A_497], %select_n3A_495 {strides = array<i32>} : memref<32x512xf32, #tpu.memory_space<vmem>>, vector<16xf32>,
        %get3A_499 = arith.index_cast %scan3A_160 : i32 to index
        %get3A_500 = arith.constant 320 : index
        %get3A_501 = tpu.vector_load %arg7[%get3A_499, %get3A_500] {strides = array<i32>} : memref<32x512xf32, #tpu.memory_space<vmem>>, vector<16xf32>,
        %get3A_502 = arith.index_cast %scan3A_160 : i32 to index
        %get3A_503 = arith.constant 320 : index
        %get3A_504 = tpu.vector_load %arg8[%get3A_502, %get3A_503] {strides = array<i32>} : memref<32x512xi32, #tpu.memory_space<vmem>>, vector<16xi32>,
        %ne3A_505 = arith.constant 0 : i32
        %ne3A_506 = vector.broadcast %ne3A_505 : i32 to vector<16xi32>
        %ne3A_507 = arith.cmpi ne, %get3A_504, %ne3A_506 : vector<16xi32>
        %mul3A_508 = vector.broadcast %reduce_sum3A_77 : f32 to vector<16xf32>
        %mul3A_509 = arith.mulf %mul3A_508, %get3A_501 : vector<16xf32>
        %add3A_510 = vector.broadcast %mul3A_115 : f32 to vector<16xf32>
        %add3A_511 = arith.addf %add3A_510, %mul3A_509 : vector<16xf32>
        %select_n3A_512 = arith.select %ne3A_507, %add3A_511, %get3A_501 : vector<16xi1>, vector<16xf32>
        %swap3A_513 = arith.index_cast %scan3A_160 : i32 to index
        %swap3A_514 = arith.constant 320 : index
        %swap3A_515 = tpu.vector_load %arg7[%swap3A_513, %swap3A_514] {strides = array<i32>} : memref<32x512xf32, #tpu.memory_space<vmem>>, vector<16xf32>,
        tpu.vector_store %arg7[%swap3A_513, %swap3A_514], %select_n3A_512 {strides = array<i32>} : memref<32x512xf32, #tpu.memory_space<vmem>>, vector<16xf32>,
        %get3A_516 = arith.index_cast %scan3A_160 : i32 to index
        %get3A_517 = arith.constant 336 : index
        %get3A_518 = tpu.vector_load %arg7[%get3A_516, %get3A_517] {strides = array<i32>} : memref<32x512xf32, #tpu.memory_space<vmem>>, vector<16xf32>,
        %get3A_519 = arith.index_cast %scan3A_160 : i32 to index
        %get3A_520 = arith.constant 336 : index
        %get3A_521 = tpu.vector_load %arg8[%get3A_519, %get3A_520] {strides = array<i32>} : memref<32x512xi32, #tpu.memory_space<vmem>>, vector<16xi32>,
        %ne3A_522 = arith.constant 0 : i32
        %ne3A_523 = vector.broadcast %ne3A_522 : i32 to vector<16xi32>
        %ne3A_524 = arith.cmpi ne, %get3A_521, %ne3A_523 : vector<16xi32>
        %mul3A_525 = vector.broadcast %reduce_sum3A_77 : f32 to vector<16xf32>
        %mul3A_526 = arith.mulf %mul3A_525, %get3A_518 : vector<16xf32>
        %add3A_527 = vector.broadcast %mul3A_115 : f32 to vector<16xf32>
        %add3A_528 = arith.addf %add3A_527, %mul3A_526 : vector<16xf32>
        %select_n3A_529 = arith.select %ne3A_524, %add3A_528, %get3A_518 : vector<16xi1>, vector<16xf32>
        %swap3A_530 = arith.index_cast %scan3A_160 : i32 to index
        %swap3A_531 = arith.constant 336 : index
        %swap3A_532 = tpu.vector_load %arg7[%swap3A_530, %swap3A_531] {strides = array<i32>} : memref<32x512xf32, #tpu.memory_space<vmem>>, vector<16xf32>,
        tpu.vector_store %arg7[%swap3A_530, %swap3A_531], %select_n3A_529 {strides = array<i32>} : memref<32x512xf32, #tpu.memory_space<vmem>>, vector<16xf32>,
        %get3A_533 = arith.index_cast %scan3A_160 : i32 to index
        %get3A_534 = arith.constant 352 : index
        %get3A_535 = tpu.vector_load %arg7[%get3A_533, %get3A_534] {strides = array<i32>} : memref<32x512xf32, #tpu.memory_space<vmem>>, vector<16xf32>,
        %get3A_536 = arith.index_cast %scan3A_160 : i32 to index
        %get3A_537 = arith.constant 352 : index
        %get3A_538 = tpu.vector_load %arg8[%get3A_536, %get3A_537] {strides = array<i32>} : memref<32x512xi32, #tpu.memory_space<vmem>>, vector<16xi32>,
        %ne3A_539 = arith.constant 0 : i32
        %ne3A_540 = vector.broadcast %ne3A_539 : i32 to vector<16xi32>
        %ne3A_541 = arith.cmpi ne, %get3A_538, %ne3A_540 : vector<16xi32>
        %mul3A_542 = vector.broadcast %reduce_sum3A_77 : f32 to vector<16xf32>
        %mul3A_543 = arith.mulf %mul3A_542, %get3A_535 : vector<16xf32>
        %add3A_544 = vector.broadcast %mul3A_115 : f32 to vector<16xf32>
        %add3A_545 = arith.addf %add3A_544, %mul3A_543 : vector<16xf32>
        %select_n3A_546 = arith.select %ne3A_541, %add3A_545, %get3A_535 : vector<16xi1>, vector<16xf32>
        %swap3A_547 = arith.index_cast %scan3A_160 : i32 to index
        %swap3A_548 = arith.constant 352 : index
        %swap3A_549 = tpu.vector_load %arg7[%swap3A_547, %swap3A_548] {strides = array<i32>} : memref<32x512xf32, #tpu.memory_space<vmem>>, vector<16xf32>,
        tpu.vector_store %arg7[%swap3A_547, %swap3A_548], %select_n3A_546 {strides = array<i32>} : memref<32x512xf32, #tpu.memory_space<vmem>>, vector<16xf32>,
        %get3A_550 = arith.index_cast %scan3A_160 : i32 to index
        %get3A_551 = arith.constant 368 : index
        %get3A_552 = tpu.vector_load %arg7[%get3A_550, %get3A_551] {strides = array<i32>} : memref<32x512xf32, #tpu.memory_space<vmem>>, vector<16xf32>,
        %get3A_553 = arith.index_cast %scan3A_160 : i32 to index
        %get3A_554 = arith.constant 368 : index
        %get3A_555 = tpu.vector_load %arg8[%get3A_553, %get3A_554] {strides = array<i32>} : memref<32x512xi32, #tpu.memory_space<vmem>>, vector<16xi32>,
        %ne3A_556 = arith.constant 0 : i32
        %ne3A_557 = vector.broadcast %ne3A_556 : i32 to vector<16xi32>
        %ne3A_558 = arith.cmpi ne, %get3A_555, %ne3A_557 : vector<16xi32>
        %mul3A_559 = vector.broadcast %reduce_sum3A_77 : f32 to vector<16xf32>
        %mul3A_560 = arith.mulf %mul3A_559, %get3A_552 : vector<16xf32>
        %add3A_561 = vector.broadcast %mul3A_115 : f32 to vector<16xf32>
        %add3A_562 = arith.addf %add3A_561, %mul3A_560 : vector<16xf32>
        %select_n3A_563 = arith.select %ne3A_558, %add3A_562, %get3A_552 : vector<16xi1>, vector<16xf32>
        %swap3A_564 = arith.index_cast %scan3A_160 : i32 to index
        %swap3A_565 = arith.constant 368 : index
        %swap3A_566 = tpu.vector_load %arg7[%swap3A_564, %swap3A_565] {strides = array<i32>} : memref<32x512xf32, #tpu.memory_space<vmem>>, vector<16xf32>,
        tpu.vector_store %arg7[%swap3A_564, %swap3A_565], %select_n3A_563 {strides = array<i32>} : memref<32x512xf32, #tpu.memory_space<vmem>>, vector<16xf32>,
        %get3A_567 = arith.index_cast %scan3A_160 : i32 to index
        %get3A_568 = arith.constant 384 : index
        %get3A_569 = tpu.vector_load %arg7[%get3A_567, %get3A_568] {strides = array<i32>} : memref<32x512xf32, #tpu.memory_space<vmem>>, vector<16xf32>,
        %get3A_570 = arith.index_cast %scan3A_160 : i32 to index
        %get3A_571 = arith.constant 384 : index
        %get3A_572 = tpu.vector_load %arg8[%get3A_570, %get3A_571] {strides = array<i32>} : memref<32x512xi32, #tpu.memory_space<vmem>>, vector<16xi32>,
        %ne3A_573 = arith.constant 0 : i32
        %ne3A_574 = vector.broadcast %ne3A_573 : i32 to vector<16xi32>
        %ne3A_575 = arith.cmpi ne, %get3A_572, %ne3A_574 : vector<16xi32>
        %mul3A_576 = vector.broadcast %reduce_sum3A_77 : f32 to vector<16xf32>
        %mul3A_577 = arith.mulf %mul3A_576, %get3A_569 : vector<16xf32>
        %add3A_578 = vector.broadcast %mul3A_115 : f32 to vector<16xf32>
        %add3A_579 = arith.addf %add3A_578, %mul3A_577 : vector<16xf32>
        %select_n3A_580 = arith.select %ne3A_575, %add3A_579, %get3A_569 : vector<16xi1>, vector<16xf32>
        %swap3A_581 = arith.index_cast %scan3A_160 : i32 to index
        %swap3A_582 = arith.constant 384 : index
        %swap3A_583 = tpu.vector_load %arg7[%swap3A_581, %swap3A_582] {strides = array<i32>} : memref<32x512xf32, #tpu.memory_space<vmem>>, vector<16xf32>,
        tpu.vector_store %arg7[%swap3A_581, %swap3A_582], %select_n3A_580 {strides = array<i32>} : memref<32x512xf32, #tpu.memory_space<vmem>>, vector<16xf32>,
        %get3A_584 = arith.index_cast %scan3A_160 : i32 to index
        %get3A_585 = arith.constant 400 : index
        %get3A_586 = tpu.vector_load %arg7[%get3A_584, %get3A_585] {strides = array<i32>} : memref<32x512xf32, #tpu.memory_space<vmem>>, vector<16xf32>,
        %get3A_587 = arith.index_cast %scan3A_160 : i32 to index
        %get3A_588 = arith.constant 400 : index
        %get3A_589 = tpu.vector_load %arg8[%get3A_587, %get3A_588] {strides = array<i32>} : memref<32x512xi32, #tpu.memory_space<vmem>>, vector<16xi32>,
        %ne3A_590 = arith.constant 0 : i32
        %ne3A_591 = vector.broadcast %ne3A_590 : i32 to vector<16xi32>
        %ne3A_592 = arith.cmpi ne, %get3A_589, %ne3A_591 : vector<16xi32>
        %mul3A_593 = vector.broadcast %reduce_sum3A_77 : f32 to vector<16xf32>
        %mul3A_594 = arith.mulf %mul3A_593, %get3A_586 : vector<16xf32>
        %add3A_595 = vector.broadcast %mul3A_115 : f32 to vector<16xf32>
        %add3A_596 = arith.addf %add3A_595, %mul3A_594 : vector<16xf32>
        %select_n3A_597 = arith.select %ne3A_592, %add3A_596, %get3A_586 : vector<16xi1>, vector<16xf32>
        %swap3A_598 = arith.index_cast %scan3A_160 : i32 to index
        %swap3A_599 = arith.constant 400 : index
        %swap3A_600 = tpu.vector_load %arg7[%swap3A_598, %swap3A_599] {strides = array<i32>} : memref<32x512xf32, #tpu.memory_space<vmem>>, vector<16xf32>,
        tpu.vector_store %arg7[%swap3A_598, %swap3A_599], %select_n3A_597 {strides = array<i32>} : memref<32x512xf32, #tpu.memory_space<vmem>>, vector<16xf32>,
        %get3A_601 = arith.index_cast %scan3A_160 : i32 to index
        %get3A_602 = arith.constant 416 : index
        %get3A_603 = tpu.vector_load %arg7[%get3A_601, %get3A_602] {strides = array<i32>} : memref<32x512xf32, #tpu.memory_space<vmem>>, vector<16xf32>,
        %get3A_604 = arith.index_cast %scan3A_160 : i32 to index
        %get3A_605 = arith.constant 416 : index
        %get3A_606 = tpu.vector_load %arg8[%get3A_604, %get3A_605] {strides = array<i32>} : memref<32x512xi32, #tpu.memory_space<vmem>>, vector<16xi32>,
        %ne3A_607 = arith.constant 0 : i32
        %ne3A_608 = vector.broadcast %ne3A_607 : i32 to vector<16xi32>
        %ne3A_609 = arith.cmpi ne, %get3A_606, %ne3A_608 : vector<16xi32>
        %mul3A_610 = vector.broadcast %reduce_sum3A_77 : f32 to vector<16xf32>
        %mul3A_611 = arith.mulf %mul3A_610, %get3A_603 : vector<16xf32>
        %add3A_612 = vector.broadcast %mul3A_115 : f32 to vector<16xf32>
        %add3A_613 = arith.addf %add3A_612, %mul3A_611 : vector<16xf32>
        %select_n3A_614 = arith.select %ne3A_609, %add3A_613, %get3A_603 : vector<16xi1>, vector<16xf32>
        %swap3A_615 = arith.index_cast %scan3A_160 : i32 to index
        %swap3A_616 = arith.constant 416 : index
        %swap3A_617 = tpu.vector_load %arg7[%swap3A_615, %swap3A_616] {strides = array<i32>} : memref<32x512xf32, #tpu.memory_space<vmem>>, vector<16xf32>,
        tpu.vector_store %arg7[%swap3A_615, %swap3A_616], %select_n3A_614 {strides = array<i32>} : memref<32x512xf32, #tpu.memory_space<vmem>>, vector<16xf32>,
        %get3A_618 = arith.index_cast %scan3A_160 : i32 to index
        %get3A_619 = arith.constant 432 : index
        %get3A_620 = tpu.vector_load %arg7[%get3A_618, %get3A_619] {strides = array<i32>} : memref<32x512xf32, #tpu.memory_space<vmem>>, vector<16xf32>,
        %get3A_621 = arith.index_cast %scan3A_160 : i32 to index
        %get3A_622 = arith.constant 432 : index
        %get3A_623 = tpu.vector_load %arg8[%get3A_621, %get3A_622] {strides = array<i32>} : memref<32x512xi32, #tpu.memory_space<vmem>>, vector<16xi32>,
        %ne3A_624 = arith.constant 0 : i32
        %ne3A_625 = vector.broadcast %ne3A_624 : i32 to vector<16xi32>
        %ne3A_626 = arith.cmpi ne, %get3A_623, %ne3A_625 : vector<16xi32>
        %mul3A_627 = vector.broadcast %reduce_sum3A_77 : f32 to vector<16xf32>
        %mul3A_628 = arith.mulf %mul3A_627, %get3A_620 : vector<16xf32>
        %add3A_629 = vector.broadcast %mul3A_115 : f32 to vector<16xf32>
        %add3A_630 = arith.addf %add3A_629, %mul3A_628 : vector<16xf32>
        %select_n3A_631 = arith.select %ne3A_626, %add3A_630, %get3A_620 : vector<16xi1>, vector<16xf32>
        %swap3A_632 = arith.index_cast %scan3A_160 : i32 to index
        %swap3A_633 = arith.constant 432 : index
        %swap3A_634 = tpu.vector_load %arg7[%swap3A_632, %swap3A_633] {strides = array<i32>} : memref<32x512xf32, #tpu.memory_space<vmem>>, vector<16xf32>,
        tpu.vector_store %arg7[%swap3A_632, %swap3A_633], %select_n3A_631 {strides = array<i32>} : memref<32x512xf32, #tpu.memory_space<vmem>>, vector<16xf32>,
        %get3A_635 = arith.index_cast %scan3A_160 : i32 to index
        %get3A_636 = arith.constant 448 : index
        %get3A_637 = tpu.vector_load %arg7[%get3A_635, %get3A_636] {strides = array<i32>} : memref<32x512xf32, #tpu.memory_space<vmem>>, vector<16xf32>,
        %get3A_638 = arith.index_cast %scan3A_160 : i32 to index
        %get3A_639 = arith.constant 448 : index
        %get3A_640 = tpu.vector_load %arg8[%get3A_638, %get3A_639] {strides = array<i32>} : memref<32x512xi32, #tpu.memory_space<vmem>>, vector<16xi32>,
        %ne3A_641 = arith.constant 0 : i32
        %ne3A_642 = vector.broadcast %ne3A_641 : i32 to vector<16xi32>
        %ne3A_643 = arith.cmpi ne, %get3A_640, %ne3A_642 : vector<16xi32>
        %mul3A_644 = vector.broadcast %reduce_sum3A_77 : f32 to vector<16xf32>
        %mul3A_645 = arith.mulf %mul3A_644, %get3A_637 : vector<16xf32>
        %add3A_646 = vector.broadcast %mul3A_115 : f32 to vector<16xf32>
        %add3A_647 = arith.addf %add3A_646, %mul3A_645 : vector<16xf32>
        %select_n3A_648 = arith.select %ne3A_643, %add3A_647, %get3A_637 : vector<16xi1>, vector<16xf32>
        %swap3A_649 = arith.index_cast %scan3A_160 : i32 to index
        %swap3A_650 = arith.constant 448 : index
        %swap3A_651 = tpu.vector_load %arg7[%swap3A_649, %swap3A_650] {strides = array<i32>} : memref<32x512xf32, #tpu.memory_space<vmem>>, vector<16xf32>,
        tpu.vector_store %arg7[%swap3A_649, %swap3A_650], %select_n3A_648 {strides = array<i32>} : memref<32x512xf32, #tpu.memory_space<vmem>>, vector<16xf32>,
        %get3A_652 = arith.index_cast %scan3A_160 : i32 to index
        %get3A_653 = arith.constant 464 : index
        %get3A_654 = tpu.vector_load %arg7[%get3A_652, %get3A_653] {strides = array<i32>} : memref<32x512xf32, #tpu.memory_space<vmem>>, vector<16xf32>,
        %get3A_655 = arith.index_cast %scan3A_160 : i32 to index
        %get3A_656 = arith.constant 464 : index
        %get3A_657 = tpu.vector_load %arg8[%get3A_655, %get3A_656] {strides = array<i32>} : memref<32x512xi32, #tpu.memory_space<vmem>>, vector<16xi32>,
        %ne3A_658 = arith.constant 0 : i32
        %ne3A_659 = vector.broadcast %ne3A_658 : i32 to vector<16xi32>
        %ne3A_660 = arith.cmpi ne, %get3A_657, %ne3A_659 : vector<16xi32>
        %mul3A_661 = vector.broadcast %reduce_sum3A_77 : f32 to vector<16xf32>
        %mul3A_662 = arith.mulf %mul3A_661, %get3A_654 : vector<16xf32>
        %add3A_663 = vector.broadcast %mul3A_115 : f32 to vector<16xf32>
        %add3A_664 = arith.addf %add3A_663, %mul3A_662 : vector<16xf32>
        %select_n3A_665 = arith.select %ne3A_660, %add3A_664, %get3A_654 : vector<16xi1>, vector<16xf32>
        %swap3A_666 = arith.index_cast %scan3A_160 : i32 to index
        %swap3A_667 = arith.constant 464 : index
        %swap3A_668 = tpu.vector_load %arg7[%swap3A_666, %swap3A_667] {strides = array<i32>} : memref<32x512xf32, #tpu.memory_space<vmem>>, vector<16xf32>,
        tpu.vector_store %arg7[%swap3A_666, %swap3A_667], %select_n3A_665 {strides = array<i32>} : memref<32x512xf32, #tpu.memory_space<vmem>>, vector<16xf32>,
        %get3A_669 = arith.index_cast %scan3A_160 : i32 to index
        %get3A_670 = arith.constant 480 : index
        %get3A_671 = tpu.vector_load %arg7[%get3A_669, %get3A_670] {strides = array<i32>} : memref<32x512xf32, #tpu.memory_space<vmem>>, vector<16xf32>,
        %get3A_672 = arith.index_cast %scan3A_160 : i32 to index
        %get3A_673 = arith.constant 480 : index
        %get3A_674 = tpu.vector_load %arg8[%get3A_672, %get3A_673] {strides = array<i32>} : memref<32x512xi32, #tpu.memory_space<vmem>>, vector<16xi32>,
        %ne3A_675 = arith.constant 0 : i32
        %ne3A_676 = vector.broadcast %ne3A_675 : i32 to vector<16xi32>
        %ne3A_677 = arith.cmpi ne, %get3A_674, %ne3A_676 : vector<16xi32>
        %mul3A_678 = vector.broadcast %reduce_sum3A_77 : f32 to vector<16xf32>
        %mul3A_679 = arith.mulf %mul3A_678, %get3A_671 : vector<16xf32>
        %add3A_680 = vector.broadcast %mul3A_115 : f32 to vector<16xf32>
        %add3A_681 = arith.addf %add3A_680, %mul3A_679 : vector<16xf32>
        %select_n3A_682 = arith.select %ne3A_677, %add3A_681, %get3A_671 : vector<16xi1>, vector<16xf32>
        %swap3A_683 = arith.index_cast %scan3A_160 : i32 to index
        %swap3A_684 = arith.constant 480 : index
        %swap3A_685 = tpu.vector_load %arg7[%swap3A_683, %swap3A_684] {strides = array<i32>} : memref<32x512xf32, #tpu.memory_space<vmem>>, vector<16xf32>,
        tpu.vector_store %arg7[%swap3A_683, %swap3A_684], %select_n3A_682 {strides = array<i32>} : memref<32x512xf32, #tpu.memory_space<vmem>>, vector<16xf32>,
        %get3A_686 = arith.index_cast %scan3A_160 : i32 to index
        %get3A_687 = arith.constant 496 : index
        %get3A_688 = tpu.vector_load %arg7[%get3A_686, %get3A_687] {strides = array<i32>} : memref<32x512xf32, #tpu.memory_space<vmem>>, vector<16xf32>,
        %get3A_689 = arith.index_cast %scan3A_160 : i32 to index
        %get3A_690 = arith.constant 496 : index
        %get3A_691 = tpu.vector_load %arg8[%get3A_689, %get3A_690] {strides = array<i32>} : memref<32x512xi32, #tpu.memory_space<vmem>>, vector<16xi32>,
        %ne3A_692 = arith.constant 0 : i32
        %ne3A_693 = vector.broadcast %ne3A_692 : i32 to vector<16xi32>
        %ne3A_694 = arith.cmpi ne, %get3A_691, %ne3A_693 : vector<16xi32>
        %mul3A_695 = vector.broadcast %reduce_sum3A_77 : f32 to vector<16xf32>
        %mul3A_696 = arith.mulf %mul3A_695, %get3A_688 : vector<16xf32>
        %add3A_697 = vector.broadcast %mul3A_115 : f32 to vector<16xf32>
        %add3A_698 = arith.addf %add3A_697, %mul3A_696 : vector<16xf32>
        %select_n3A_699 = arith.select %ne3A_694, %add3A_698, %get3A_688 : vector<16xi1>, vector<16xf32>
        %swap3A_700 = arith.index_cast %scan3A_160 : i32 to index
        %swap3A_701 = arith.constant 496 : index
        %swap3A_702 = tpu.vector_load %arg7[%swap3A_700, %swap3A_701] {strides = array<i32>} : memref<32x512xf32, #tpu.memory_space<vmem>>, vector<16xf32>,
        tpu.vector_store %arg7[%swap3A_700, %swap3A_701], %select_n3A_699 {strides = array<i32>} : memref<32x512xf32, #tpu.memory_space<vmem>>, vector<16xf32>,
      }
      %scan3A_156 = arith.constant 32 : i32
      %mul3A_157 = arith.constant 32 : i32
      %mul3A_158 = arith.muli %scan3A_122, %mul3A_157 : i32
      %run_scoped3A_159 = arith.constant 2 : i32
      "tpu.region"() ({
        %run_scoped3A_160 = tpu.sem_alloc : memref<!tpu.dma_semaphore, #tpu.memory_space<semaphore_mem>>
        %dma_start3A = arith.constant 0 : i32
        %dma_start3A_161 = tpu.memref_slice %arg6[%add3A, %run_scoped3A_159, %mul3A_158, %dma_start3A] : memref<32x3x512x512xf32, #tpu.memory_space<hbm>> -> memref<1x1x32x512xf32, #tpu.memory_space<hbm>>
        %dma_start3A_162 = tpu.memref_squeeze %dma_start3A_161 : memref<1x1x32x512xf32, #tpu.memory_space<hbm>> -> memref<32x512xf32, #tpu.memory_space<hbm>>
        %dma_start3A_163 = arith.constant 0 : i32
        %dma_start3A_164 = tpu.memref_slice %arg6[%add3A, %run_scoped3A_159, %mul3A_158, %dma_start3A_163] : memref<32x3x512x512xf32, #tpu.memory_space<hbm>> -> memref<1x1x32x512xf32, #tpu.memory_space<hbm>>
        %dma_start3A_165 = tpu.memref_squeeze %dma_start3A_164 : memref<1x1x32x512xf32, #tpu.memory_space<hbm>> -> memref<32x512xf32, #tpu.memory_space<hbm>>
        tpu.enqueue_dma source(%arg7 : memref<32x512xf32, #tpu.memory_space<vmem>>) target(%dma_start3A_165 : memref<32x512xf32, #tpu.memory_space<hbm>>) target_semaphore(%run_scoped3A_160 : memref<!tpu.dma_semaphore, #tpu.memory_space<semaphore_mem>>)
        %dma_wait3A = arith.constant 0 : i32
        %dma_wait3A_166 = tpu.memref_slice %arg6[%add3A, %run_scoped3A_159, %mul3A_158, %dma_wait3A] : memref<32x3x512x512xf32, #tpu.memory_space<hbm>> -> memref<1x1x32x512xf32, #tpu.memory_space<hbm>>
        %dma_wait3A_167 = tpu.memref_squeeze %dma_wait3A_166 : memref<1x1x32x512xf32, #tpu.memory_space<hbm>> -> memref<32x512xf32, #tpu.memory_space<hbm>>
        %dma_wait3A_168 = arith.constant 0 : i32
        %dma_wait3A_169 = tpu.memref_slice %arg6[%add3A, %run_scoped3A_159, %mul3A_158, %dma_wait3A_168] : memref<32x3x512x512xf32, #tpu.memory_space<hbm>> -> memref<1x1x32x512xf32, #tpu.memory_space<hbm>>
        %dma_wait3A_170 = tpu.memref_squeeze %dma_wait3A_169 : memref<1x1x32x512xf32, #tpu.memory_space<hbm>> -> memref<32x512xf32, #tpu.memory_space<hbm>>
        tpu.wait_dma2 semaphore(%run_scoped3A_160 : memref<!tpu.dma_semaphore, #tpu.memory_space<semaphore_mem>>) src(%arg7 : memref<32x512xf32, #tpu.memory_space<vmem>>) dst(%dma_wait3A_170 : memref<32x512xf32, #tpu.memory_space<hbm>>)
        tpu.yield
      }) : () -> ()
    }
    %scan3A_121 = arith.constant 16 : i32
    return
  }
}

</mosaic_0001>

<sc_bundles>
// kernel: kernel.3.cloned.1.call-start
scs
__scs_entry_jumppad:
0x0: {  	(pc) =	sbr.rel $0x88, $3  }
0x1: {  	(tag) =	ssettag $0x0;
	lr =	simm.s32 $0x1  }
0x2: {  	[smem:$0x3F9D] =	sst lr;
	_ =	strace $0xD0000000  }
0x3: {  	_ = 	snop  }
0x4: {  	_ = 	snop  }
0x5: {  	_ = 	snop  }
0x6: {  	_ = 	snop  }
0x7: {  	_ = 	snop  }
__scs_overlays_trampoline_lowered:
0x8: {  	[smem:$0x3FAC] =	sst s0  }
0x9: {  	[smem:$0x3FAD] =	sst s1  }
0xa: {  	[smem:$0x3FAE] =	sst s2  }
0xb: {  	[smem:$0x3FAF] =	sst s3  }
0xc: {  	[smem:$0x3FB0] =	sst s4  }
0xd: {  	[smem:$0x3FB1] =	sst s5  }
0xe: {  	[smem:$0x3FB2] =	sst s6  }
0xf: {  	[smem:$0x3FB3] =	sst s7  }
0x10: {  	[smem:$0x3FB4] =	sst s8  }
0x11: {  	[smem:$0x3FB5] =	sst s9;
	s0 =	simm.s32 @!p0 $0x0  }
0x12: {  	s1 =	sld [smem:$0x3F9B];
	s0 =	simm.s32 @p0 $0x1  }
0x13: {  	[smem:$0x3FB6] =	sst s0;
	s0 =	simm.s32 @!p1 $0x0  }
0x14: {  	s2 =	sld [smem:$0x3F9A];
	s0 =	simm.s32 @p1 $0x1  }
0x15: {  	[smem:$0x3FB7] =	sst s0;
	s0 =	simm.s32 @!p2 $0x0  }
0x16: {  	s3 =	sld [smem:$0x3FDB];
	s0 =	simm.s32 @p2 $0x1  }
0x17: {  	s4 =	simm.s32 $0x1BF5;
	[smem:$0x3FB9] =	sst s0  }
0x18: {  	s0 =	sld [smem:$0x3F9C];
	_ =	swait.ge [sflag:s4], $0x0  }
0x19: {  	s7 =	sld [smem:$0x3F9D]  }
0x1a: {  	s8 =	sadd.s32 $0xFFFFE003, lr  }
0x1b: {  	s9 =	sadd.s32 $0xFFFFFEF7, lr;
	s5 =	simm.s32 $0xFFFFFFFF;
	p2 =	slt.u32 s8, $0xFFFFF086  }
0x1c: {  	p1 =	slt.u32 s9, $0xF7A;
	s5 =	simm.s32 @!p2 $0x0  }
0x1d: {  	s5 =	simm.s32 @p1 $0x1;
	p0 =	seq.s32 s7, s2  }
0x1e: {  	s7 =	smul.u32 @!p0 $0xF7A, s2;
	p2 =	seq.s32 @!p0 s5, $0x0  }
0x1f: {  	s9 =	smul.u32 $0xF7A, s1;
	s8 =	simm.s32 @!p0 $0x1BF5;
	p2 =	por !p2, p0  }
0x20: {  	[sflag:s8] =	ssyncset.s32 @!p0 $0xFFFFF086;
	s6 =	sadd.s32 @!p0 s3, s7;
	s7 =	simm.s32 @!p0 $0x108  }
0x21: {  	s3 =	sadd.s32 s3, s9;
	s6 =	sadd.s32 @!p0 $0x88, s6;
	s7 =	simm.s32 @p2 $0x1082  }
0x22: {  	[simem:s7], [sflag:s8] =	dma.local @!p0 [hbm:s6], $0xF7A  }
0x23: {  	s9 =	sor.u32 $0xD0000000, s2;
	s6 =	simm.s32 $0x108;
	_ =	swait.ge @!p0 [sflag:s8], $0x0  }
0x24: {  	s3 =	sadd.s32 $0x88, s3;
	s6 =	simm.s32 @!p1 $0x1082;
	[sflag:s4] =	ssyncset.s32 $0xFFFFF086  }
0x25: {  	[simem:s6], [sflag:s4] =	dma.local [hbm:s3], $0xF7A  }
0x26: {  	[smem:$0x3F9D] =	sst s1;
	(tag) =	ssettag s2;
	_ =	strace s9  }
0x27: {  	s1 =	sld [smem:$0x3FAD]  }
0x28: {  	s2 =	sld [smem:$0x3FAE]  }
0x29: {  	s4 =	sld [smem:$0x3FB0]  }
0x2a: {  	p0 =	seq.s32 s5, $0x0;
	s5 =	sld [smem:$0x3FB1]  }
0x2b: {  	s6 =	sld [smem:$0x3FB2]  }
0x2c: {  	s7 =	sld [smem:$0x3FB3]  }
0x2d: {  	s3 =	simm.s32 $0x108;
	s8 =	sld [smem:$0x3FB4]  }
0x2e: {  	s3 =	simm.s32 @!p0 $0x1082;
	s9 =	sld [smem:$0x3FB5]  }
0x2f: {  	lr =	sadd.s32 s0, s3;
	s0 =	sld [smem:$0x3FAC]  }
0x30: {  	s3 =	sld [smem:$0x3FAF]  }
0x31: {  	[smem:$0x3FB8] =	sst s10  }
0x32: {  	s10 =	sld [smem:$0x3FB6];
	_ =	sdelay $0x3  }
0x33: {  	p0 =	seq.s32 s10, $0x1;
	s10 =	sld [smem:$0x3FB8];
	_ =	sdelay $0x3  }
0x34: {  	[smem:$0x3FB8] =	sst s10  }
0x35: {  	s10 =	sld [smem:$0x3FB7];
	_ =	sdelay $0x3  }
0x36: {  	p1 =	seq.s32 s10, $0x1;
	s10 =	sld [smem:$0x3FB8];
	_ =	sdelay $0x3  }
0x37: {  	[smem:$0x3FB8] =	sst s10  }
0x38: {  	s10 =	sld [smem:$0x3FB9]  }
0x39: {  	_ = 	snop;
	(pc) =	sbr.ind lr, $3  }
0x3a: {  	_ = 	snop  }
0x3b: {  	_ = 	snop  }
0x3c: {  	p2 =	seq.s32 s10, $0x1;
	s10 =	sld [smem:$0x3FB8]  }
0x3d: {  	_ =	shalt  }
0x3e: {  	_ =	shalt  }
0x3f: {  	_ =	shalt  }
0x40: {  	_ =	shalt  }
0x41: {  	_ =	shalt  }
0x42: {  	_ =	shalt  }
0x43: {  	_ =	shalt  }
0x44: {  	_ =	shalt  }
0x45: {  	_ =	shalt  }
0x46: {  	_ =	shalt  }
0x47: {  	_ =	shalt  }
0x48: {  	_ =	shalt  }
0x49: {  	_ =	shalt  }
0x4a: {  	_ =	shalt  }
0x4b: {  	_ =	shalt  }
0x4c: {  	_ =	shalt  }
0x4d: {  	_ =	shalt  }
0x4e: {  	_ =	shalt  }
0x4f: {  	_ =	shalt  }
0x50: {  	_ =	shalt  }
0x51: {  	_ =	shalt  }
0x52: {  	_ =	shalt  }
0x53: {  	_ =	shalt  }
0x54: {  	_ =	shalt  }
0x55: {  	_ =	shalt  }
0x56: {  	_ =	shalt  }
0x57: {  	_ =	shalt  }
0x58: {  	_ =	shalt  }
0x59: {  	_ =	shalt  }
0x5a: {  	_ =	shalt  }
0x5b: {  	_ =	shalt  }
0x5c: {  	_ =	shalt  }
0x5d: {  	_ =	shalt  }
0x5e: {  	_ =	shalt  }
0x5f: {  	_ =	shalt  }
0x60: {  	_ =	shalt  }
0x61: {  	_ =	shalt  }
0x62: {  	_ =	shalt  }
0x63: {  	_ =	shalt  }
0x64: {  	_ =	shalt  }
0x65: {  	_ =	shalt  }
0x66: {  	_ =	shalt  }
0x67: {  	_ =	shalt  }
0x68: {  	_ =	shalt  }
0x69: {  	_ =	shalt  }
0x6a: {  	_ =	shalt  }
0x6b: {  	_ =	shalt  }
0x6c: {  	_ =	shalt  }
0x6d: {  	_ =	shalt  }
0x6e: {  	_ =	shalt  }
0x6f: {  	_ =	shalt  }
0x70: {  	_ =	shalt  }
0x71: {  	_ =	shalt  }
0x72: {  	_ =	shalt  }
0x73: {  	_ =	shalt  }
0x74: {  	_ =	shalt  }
0x75: {  	_ =	shalt  }
0x76: {  	_ =	shalt  }
0x77: {  	_ =	shalt  }
0x78: {  	_ =	shalt  }
0x79: {  	_ =	shalt  }
0x7a: {  	_ =	shalt  }
0x7b: {  	_ =	shalt  }
0x7c: {  	_ =	shalt  }
0x7d: {  	_ =	shalt  }
0x7e: {  	_ =	shalt  }
0x7f: {  	_ =	shalt  }
0x80: {  	_ =	shalt  }
0x81: {  	_ =	shalt  }
0x82: {  	_ =	shalt  }
0x83: {  	_ =	shalt  }
0x84: {  	_ =	shalt  }
0x85: {  	_ =	shalt  }
0x86: {  	_ =	shalt  }
0x87: {  	_ =	shalt  }
.Lfunc_end0:
.L_simem_size_0:
called_computation_lowered:
.L_overlay_start_0:
0x88: {  	s2 =	sld [smem:$0x3FD9]  }
0x89: {  	s3 =	sld [smem:$0x3FFE];
	_ =	sdelay $0x1  }
0x8a: {  	s1 =	srdreg.scid  }
0x8b: {  	s0 =	sand.u32 $0x1, s1  }
0x8c: {  	s17 =	sshll.u32 s0, $0xA;
	s2 =	sadd.s32 s3, s2  }
0x8d: {  	s2 =	sadd.s32 s2, s17  }
0x8e: {  	[smem:$0x3FC4] =	sst s2  }
0x8f: {  	_ = 	snop  }
0x90: {  	s2 =	sld [smem:$0x3FC9]  }
0x91: {  	s18 =	sld [smem:$0x3FC8]  }
0x92: {  	s4 =	sld [smem:$0x3FD0];
	(tm) =	ssettm $0x1  }
0x93: {  	s5 =	sld [smem:$0x3FFB];
	_ =	sdelay $0x3  }
0x94: {  	_ =	strace s5  }
0x95: {  	s5 =	sld [smem:$0x3FFC];
	_ =	sdelay $0x3  }
0x96: {  	_ =	strace s5  }
0x97: {  	s5 =	sld [smem:$0x3FFD];
	_ =	sdelay $0x3  }
0x98: {  	_ =	strace s5  }
0x99: {  	_ =	strace $0x8FFFFFFF  }
0x9a: {  	s19 =	sld [smem:$0x3FDB];
	_ =	sdelay $0x1  }
0x9b: {  	s6 =	simm.s32 $_scs_section_size  }
0x9c: {  	s7 =	simm.s32 $_size__tile_overlayer_lowered;
	s8 =	simm.s32 $_tile_overlayer_lowered  }
0x9d: {  	s22 =	simm.s32 $0x1BFF;
	s21 =	sshll.u32 s8, $0x1;
	s5 =	sadd.s32 s6, s19  }
0x9e: {  	s9 =	simm.s32 $0x0;
	s20 =	sshll.u32 s7, $0x1;
	s7 =	sadd.s32 s21, s5  }
0x9f: {  	[timem:s9], [sflag:s22] =	dma.local [hbm:s7], s20  }
0xa0: {  	_ =	swait.ge [sflag:s22], s20  }
0xa1: {  	s6 =	ssub.s32 $0x0, s20;
	[sflag:s22] =	ssyncset.done $0x0  }
0xa2: {  	[sflag:s22] =	ssyncadd.s32 s6;
	_ =	sdelay $0x1  }
0xa3: {  	s23 =	simm.s32 $0x1B8B  }
0xa4: {  	_ =	swait.ge [sflag:s23], $0x1  }
0xa5: {  	[sflag:s23] =	ssyncset.done $0x0  }
0xa6: {  	s25 =	simm.s32 $0x1B8E;
	s24 =	sld [smem:$0x3FFE];
	[sflag:s23] =	ssyncadd.s32 $0xFFFFFFFF  }
0xa7: {  	s26 =	simm.s32 $execute0_lowered;
	[smem:$0x3FD2] =	sst s25  }
0xa8: {  	s7 =	sshll.u32 s26, $0x1;
	_ =	strace $0x80000046;
	[dreg:$0x1] =	wrdreg $0xFFFFFFFF  }
0xa9: {  	s28 =	simm.s32 $_size_execute0_lowered;
	s5 =	sadd.s32 s5, s7;
	[dreg:$0x0] =	wrdreg $0x0  }
0xaa: {  	s7 =	sshll.u32 s28, $0x1;
	[dreg:$0x2] =	wrdreg s5  }
0xab: {  	[dreg:$0x3] =	wrdreg s7  }
0xac: {  	[dreg:$0x4] =	wrdreg $0xC0  }
0xad: {  	_ =	task [dreg:s9], $0x5FFFF  }
0xae: {  	[dreg:$0x1] =	wrdreg $0xFFFFFFFF  }
0xaf: {  	[dreg:$0x0] =	wrdreg $0x60  }
0xb0: {  	[dreg:$0x2] =	wrdreg s2  }
0xb1: {  	[dreg:$0x3] =	wrdreg s18  }
0xb2: {  	[dreg:$0x4] =	wrdreg s24  }
0xb3: {  	[dreg:$0x5] =	wrdreg s4  }
0xb4: {  	[dreg:$0x6] =	wrdreg $0x9  }
0xb5: {  	_ =	task.clear_ibuf [dreg:s9], $0x7FFFF;
	_ =	strace $0x90000046  }
0xb6: {  	s29 =	simm.s32 $0x9;
	_ =	strace $0x80000048  }
0xb7: {  	_ =	swait.ge [sflag:s29], $0x1  }
0xb8: {  	[sflag:s29] =	ssyncadd.s32 $0xFFFFFFFF  }
0xb9: {  	_ =	strace $0x90000048  }
0xba: {  	_ =	sfence  }
0xbb: {  	s30 =	sld [smem:$0x0];
	_ =	sdelay $0x2  }
0xbc: {  	s31 =	sshll.u32 s1, $0xD;
	s1 =	sshrl.u32 s1, $0x2  }
0xbd: {  	s3 =	sand.u32 $0x4000, s31;
	s1 =	sadd.s32 s1, s30  }
0xbe: {  	s0 =	sor.u32 s3, s0;
	s1 =	sshll.u32 s1, $0x11  }
0xbf: {  	s0 =	sor.u32 s1, s0  }
0xc0: {  	s0 =	sadd.s32 $0x8F2B, s0  }
0xc1: {  	[sflag:s0] =	ssyncadd.remote.s32 $0x1  }
0xc2: {  	_ =	sfence.sel $0xFFFF  }
0xc3: {  	[dreg:$0x0] =	wrdreg $0xFFFFFFFF;
	(pc) =	sbr.abs _section_cstart, $3  }
0xc4: {  	[dreg:$0x1] =	wrdreg $0xFFFFFFFF  }
0xc5: {  	_ =	task.clear_ibuf [dreg:s9], $0x2FFFF;
	_ =	strace $0x9FFFFFFF  }
0xc6: {  	(tm) =	ssettm $0x7FFFFFFF  }
0xc7: {  	_ =	shalt  }
tec
execute0_lowered:
.L_overlay_start_1:
0x0: {  	(tag) =	ssettag $0x1  }
0x1: {  	s1 =	rddreg [dreg:$0x0]  }
0x2: {  	s3 =	rddreg [dreg:$0x1]  }
0x3: {  	s4 =	rddreg [dreg:$0x2]  }
0x4: {  	s5 =	rddreg [dreg:$0x3]  }
0x5: {  	s6 =	srdreg.scid;
	s2 =	stileid.u32  }
0x6: {  	s0 =	rddreg [dreg:$0x4];
	s13 =	simm.s32 $0x8000;
	s14 =	simm.s32 $0x1  }
0x7: {  	s15 =	simm.s32 $0x8200;
	s16 =	simm.s32 $0x4000;
	s17 =	simm.s32 $0x0  }
0x8: {  	s7 =	sand.u32 $0x1, s6;
	s8 =	sshll.u32 s2, $0x1;
	s6 =	simm.s32 $0x0  }
0x9: {  	s9 =	ssub.s32 $0x2, s7;
	s11 =	sor.u32 s7, s8;
	[smem:$0x7FF] =	sst s6  }
0xa: {  	vm0 =	vmmov $0x1;
	v0 =	vimm.s32 $0x0;
	s8 =	sadd.s32 $0x200, s4;
	s10 =	sshrl.u32 s9, $0x1;
	s7 =	smul.u32 $0xC0000, s11  }
0xb: {  	v0 =	vsel vm0, $0xFFFFFFFF, v0;
	_ =	strace $0x80000047;
	s11 =	sshll.u32 s11, $0x12;
	s12 =	ssub.s32 s9, s10  }
0xc: {  	[tilespmem:$0x1FFF0] =	vst v0;
	s9 =	sadd.s32 $0x40000, s7;
	s10 =	sadd.s32 $0x80000, s7;
	s12 =	smax.u32 s12, $0x1  }
.LBB2_1:
0xd: {  	[tilespmem:s13], [sflag:$0x1] =	stream.linear.gather [hbm4b:s8+s6], $0x180, $0x38;
	[tilespmem:$0x8280] =	vst v63  }
0xe: {  	_ =	swait.ge [sflag:s14], $0x180  }
0xf: {  	[sflag:s14] =	ssyncset.done $0x0  }
0x10: {  	[sflag:s14] =	ssyncadd.s32 $0xFFFFFE80  }
0x11: {  	[tilespmem:s15], [sflag:$0x1] =	stream.linear.gather [hbm4b:s4+s6], $0x80, $0x38;
	[tilespmem:$0x8280] =	vst v63  }
0x12: {  	_ =	swait.ge [sflag:s14], $0x80  }
0x13: {  	[sflag:s14] =	ssyncset.done $0x0  }
0x14: {  	v0 =	vimm.f32 $0.0e+00;
	s18 =	simm.s32 $0x0;
	[sflag:s14] =	ssyncadd.s32 $0xFFFFFF80  }
.LBB2_2:
0x15: {  	s19 =	sshll.u32 s18, $0xE  }
0x16: {  	s19 =	sadd.s32 s7, s19  }
0x17: {  	s19 =	sshrl.u32 s19, $0x3  }
0x18: {  	s20 =	simm.s32 $0x0;
	s19 =	sadd.s32 s1, s19  }
0x19: {  	[tilespmem:s20], [sflag:$0x1] =	stream.linear.gather [hbm4b:s19+s20], $0x4000, $0x38;
	[tilespmem:$0x8280] =	vst v63  }
0x1a: {  	_ =	swait.ge [sflag:s14], $0x4000  }
0x1b: {  	s30 =	sand.u32 $0x3000, s20;
	s20 =	sand.u32 $0x380, s20;
	[sflag:s14] =	ssyncset.done $0x0  }
0x1c: {  	s21 =	sor.u32 s20, s30;
	[sflag:s14] =	ssyncadd.s32 $0xFFFFC000  }
0x1d: {  	v1 =	vld [tilespmem:s21+$0x0];
	_ =	sdelay $0x1  }
0x1e: {  	v2 =	vld [tilespmem:s21+$0x10];
	_ =	sdelay $0x1  }
0x1f: {  	v3 =	vld [tilespmem:s21+$0x20]  }
0x20: {  	v0 =	vadd.f32 v1, v0  }
0x21: {  	v1 =	vld [tilespmem:s21+$0x30]  }
0x22: {  	v0 =	vadd.f32 v2, v0  }
0x23: {  	v2 =	vld [tilespmem:s21+$0x40]  }
0x24: {  	v0 =	vadd.f32 v3, v0  }
0x25: {  	v3 =	vld [tilespmem:s21+$0x50]  }
0x26: {  	v0 =	vadd.f32 v1, v0  }
0x27: {  	v1 =	vld [tilespmem:s21+$0x60]  }
0x28: {  	v0 =	vadd.f32 v2, v0  }
0x29: {  	v2 =	vld [tilespmem:s21+$0x70]  }
0x2a: {  	v0 =	vadd.f32 v3, v0  }
0x2b: {  	v3 =	vld [tilespmem:s21+$0x400]  }
0x2c: {  	v0 =	vadd.f32 v1, v0  }
0x2d: {  	v1 =	vld [tilespmem:s21+$0x410]  }
0x2e: {  	v0 =	vadd.f32 v2, v0  }
0x2f: {  	v2 =	vld [tilespmem:s21+$0x420]  }
0x30: {  	v0 =	vadd.f32 v3, v0  }
0x31: {  	v3 =	vld [tilespmem:s21+$0x430]  }
0x32: {  	v0 =	vadd.f32 v1, v0  }
0x33: {  	v1 =	vld [tilespmem:s21+$0x440]  }
0x34: {  	v0 =	vadd.f32 v2, v0  }
0x35: {  	v2 =	vld [tilespmem:s21+$0x450]  }
0x36: {  	v0 =	vadd.f32 v3, v0  }
0x37: {  	v3 =	vld [tilespmem:s21+$0x460]  }
0x38: {  	v0 =	vadd.f32 v1, v0  }
0x39: {  	v1 =	vld [tilespmem:s21+$0x470]  }
0x3a: {  	v0 =	vadd.f32 v2, v0  }
0x3b: {  	v2 =	vld [tilespmem:s21+$0x800]  }
0x3c: {  	v0 =	vadd.f32 v3, v0  }
0x3d: {  	v3 =	vld [tilespmem:s21+$0x810]  }
0x3e: {  	v0 =	vadd.f32 v1, v0  }
0x3f: {  	v1 =	vld [tilespmem:s21+$0x820]  }
0x40: {  	v0 =	vadd.f32 v2, v0  }
0x41: {  	v2 =	vld [tilespmem:s21+$0x830]  }
0x42: {  	v0 =	vadd.f32 v3, v0  }
0x43: {  	v3 =	vld [tilespmem:s21+$0x840]  }
0x44: {  	v0 =	vadd.f32 v1, v0  }
0x45: {  	v1 =	vld [tilespmem:s21+$0x850]  }
0x46: {  	v0 =	vadd.f32 v2, v0  }
0x47: {  	v2 =	vld [tilespmem:s21+$0x860]  }
0x48: {  	v0 =	vadd.f32 v3, v0  }
0x49: {  	v3 =	vld [tilespmem:s21+$0x870]  }
0x4a: {  	v0 =	vadd.f32 v1, v0  }
0x4b: {  	v1 =	vld [tilespmem:s21+$0xC00]  }
0x4c: {  	v0 =	vadd.f32 v2, v0  }
0x4d: {  	v2 =	vld [tilespmem:s21+$0xC10]  }
0x4e: {  	v0 =	vadd.f32 v3, v0  }
0x4f: {  	v3 =	vld [tilespmem:s21+$0xC20]  }
0x50: {  	v0 =	vadd.f32 v1, v0  }
0x51: {  	v1 =	vld [tilespmem:s21+$0xC30]  }
0x52: {  	v0 =	vadd.f32 v2, v0  }
0x53: {  	v2 =	vld [tilespmem:s21+$0xC40]  }
0x54: {  	v3 =	vadd.f32 v3, v0  }
0x55: {  	v0 =	vld [tilespmem:s21+$0xC50]  }
0x56: {  	v3 =	vadd.f32 v1, v3  }
0x57: {  	v1 =	vld [tilespmem:s21+$0xC60]  }
0x58: {  	s31 =	simm.s32 $0x200;
	s19 =	simm.s32 $0x80;
	v3 =	vadd.f32 v2, v3  }
0x59: {  	s22 =	sand.u32 $0x3000, s31;
	s23 =	sand.u32 $0x380, s19;
	s20 =	simm.s32 $0x400;
	v2 =	vld [tilespmem:s21+$0xC70]  }
.LBB2_3:
0x5a: {  	p0 =	sne.s32 s20, $0x3E00;
	s21 =	sor.u32 s23, s22;
	v0 =	vadd.f32 v0, v3  }
0x5b: {  	v3 =	vld [tilespmem:s21+$0x0]  }
0x5c: {  	v0 =	vadd.f32 v1, v0  }
0x5d: {  	v1 =	vld [tilespmem:s21+$0x10]  }
0x5e: {  	v0 =	vadd.f32 v2, v0  }
0x5f: {  	v2 =	vld [tilespmem:s21+$0x20]  }
0x60: {  	v0 =	vadd.f32 v3, v0  }
0x61: {  	v3 =	vld [tilespmem:s21+$0x30]  }
0x62: {  	v0 =	vadd.f32 v1, v0  }
0x63: {  	v1 =	vld [tilespmem:s21+$0x40]  }
0x64: {  	v0 =	vadd.f32 v2, v0  }
0x65: {  	v2 =	vld [tilespmem:s21+$0x50]  }
0x66: {  	v0 =	vadd.f32 v3, v0  }
0x67: {  	v3 =	vld [tilespmem:s21+$0x60]  }
0x68: {  	v0 =	vadd.f32 v1, v0  }
0x69: {  	v1 =	vld [tilespmem:s21+$0x70]  }
0x6a: {  	v0 =	vadd.f32 v2, v0  }
0x6b: {  	v2 =	vld [tilespmem:s21+$0x400]  }
0x6c: {  	v0 =	vadd.f32 v3, v0  }
0x6d: {  	v3 =	vld [tilespmem:s21+$0x410]  }
0x6e: {  	v0 =	vadd.f32 v1, v0  }
0x6f: {  	v1 =	vld [tilespmem:s21+$0x420]  }
0x70: {  	v0 =	vadd.f32 v2, v0  }
0x71: {  	v2 =	vld [tilespmem:s21+$0x430]  }
0x72: {  	v0 =	vadd.f32 v3, v0  }
0x73: {  	v3 =	vld [tilespmem:s21+$0x440]  }
0x74: {  	v0 =	vadd.f32 v1, v0  }
0x75: {  	v1 =	vld [tilespmem:s21+$0x450]  }
0x76: {  	v0 =	vadd.f32 v2, v0  }
0x77: {  	v2 =	vld [tilespmem:s21+$0x460]  }
0x78: {  	v0 =	vadd.f32 v3, v0  }
0x79: {  	v3 =	vld [tilespmem:s21+$0x470]  }
0x7a: {  	v0 =	vadd.f32 v1, v0  }
0x7b: {  	v1 =	vld [tilespmem:s21+$0x800]  }
0x7c: {  	v0 =	vadd.f32 v2, v0  }
0x7d: {  	v2 =	vld [tilespmem:s21+$0x810]  }
0x7e: {  	v0 =	vadd.f32 v3, v0  }
0x7f: {  	v3 =	vld [tilespmem:s21+$0x820]  }
0x80: {  	v0 =	vadd.f32 v1, v0  }
0x81: {  	v1 =	vld [tilespmem:s21+$0x830]  }
0x82: {  	v0 =	vadd.f32 v2, v0  }
0x83: {  	v2 =	vld [tilespmem:s21+$0x840]  }
0x84: {  	v0 =	vadd.f32 v3, v0  }
0x85: {  	v3 =	vld [tilespmem:s21+$0x850]  }
0x86: {  	v0 =	vadd.f32 v1, v0  }
0x87: {  	v1 =	vld [tilespmem:s21+$0x860]  }
0x88: {  	v0 =	vadd.f32 v2, v0  }
0x89: {  	v2 =	vld [tilespmem:s21+$0x870]  }
0x8a: {  	v0 =	vadd.f32 v3, v0  }
0x8b: {  	v3 =	vld [tilespmem:s21+$0xC00]  }
0x8c: {  	v0 =	vadd.f32 v1, v0  }
0x8d: {  	v1 =	vld [tilespmem:s21+$0xC10]  }
0x8e: {  	v0 =	vadd.f32 v2, v0  }
0x8f: {  	v2 =	vld [tilespmem:s21+$0xC20]  }
0x90: {  	v0 =	vadd.f32 v3, v0  }
0x91: {  	v3 =	vld [tilespmem:s21+$0xC30]  }
0x92: {  	v0 =	vadd.f32 v1, v0  }
0x93: {  	v4 =	vld [tilespmem:s21+$0xC40]  }
0x94: {  	v1 =	vadd.f32 v2, v0  }
.Ltmp0:
0x95: {  	v0 =	vld [tilespmem:s21+$0xC50];
	(pc) =	sbr.rel @p0 .LBB2_3-.Ltmp0, $4  }
0x96: {  	v2 =	vadd.f32 v3, v1  }
0x97: {  	v1 =	vld [tilespmem:s21+$0xC60]  }
0x98: {  	s19 =	sadd.s32 $0x80, s19;
	v3 =	vadd.f32 v4, v2  }
0x99: {  	s22 =	sand.u32 $0x3000, s20;
	s20 =	sadd.s32 $0x200, s20;
	s23 =	sand.u32 $0x380, s19;
	v2 =	vld [tilespmem:s21+$0xC70]  }
0x9a: {  	s19 =	sor.u32 s23, s22;
	v0 =	vadd.f32 v0, v3  }
0x9b: {  	v3 =	vld [tilespmem:s19+$0x0]  }
0x9c: {  	v0 =	vadd.f32 v1, v0  }
0x9d: {  	v1 =	vld [tilespmem:s19+$0x10]  }
0x9e: {  	v0 =	vadd.f32 v2, v0  }
0x9f: {  	v2 =	vld [tilespmem:s19+$0x20]  }
0xa0: {  	v0 =	vadd.f32 v3, v0  }
0xa1: {  	v3 =	vld [tilespmem:s19+$0x30]  }
0xa2: {  	v0 =	vadd.f32 v1, v0  }
0xa3: {  	v1 =	vld [tilespmem:s19+$0x40]  }
0xa4: {  	v0 =	vadd.f32 v2, v0  }
0xa5: {  	v2 =	vld [tilespmem:s19+$0x50]  }
0xa6: {  	v0 =	vadd.f32 v3, v0  }
0xa7: {  	v3 =	vld [tilespmem:s19+$0x60]  }
0xa8: {  	v0 =	vadd.f32 v1, v0  }
0xa9: {  	v1 =	vld [tilespmem:s19+$0x70]  }
0xaa: {  	v0 =	vadd.f32 v2, v0  }
0xab: {  	v2 =	vld [tilespmem:s19+$0x400]  }
0xac: {  	v0 =	vadd.f32 v3, v0  }
0xad: {  	v3 =	vld [tilespmem:s19+$0x410]  }
0xae: {  	v0 =	vadd.f32 v1, v0  }
0xaf: {  	v1 =	vld [tilespmem:s19+$0x420]  }
0xb0: {  	v0 =	vadd.f32 v2, v0  }
0xb1: {  	v2 =	vld [tilespmem:s19+$0x430]  }
0xb2: {  	v0 =	vadd.f32 v3, v0  }
0xb3: {  	v3 =	vld [tilespmem:s19+$0x440]  }
0xb4: {  	v0 =	vadd.f32 v1, v0  }
0xb5: {  	v1 =	vld [tilespmem:s19+$0x450]  }
0xb6: {  	v0 =	vadd.f32 v2, v0  }
0xb7: {  	v2 =	vld [tilespmem:s19+$0x460]  }
0xb8: {  	v0 =	vadd.f32 v3, v0  }
0xb9: {  	v3 =	vld [tilespmem:s19+$0x470]  }
0xba: {  	v0 =	vadd.f32 v1, v0  }
0xbb: {  	v1 =	vld [tilespmem:s19+$0x800]  }
0xbc: {  	v0 =	vadd.f32 v2, v0  }
0xbd: {  	v2 =	vld [tilespmem:s19+$0x810]  }
0xbe: {  	v0 =	vadd.f32 v3, v0  }
0xbf: {  	v3 =	vld [tilespmem:s19+$0x820]  }
0xc0: {  	v0 =	vadd.f32 v1, v0  }
0xc1: {  	v1 =	vld [tilespmem:s19+$0x830]  }
0xc2: {  	v0 =	vadd.f32 v2, v0  }
0xc3: {  	v2 =	vld [tilespmem:s19+$0x840]  }
0xc4: {  	v0 =	vadd.f32 v3, v0  }
0xc5: {  	v3 =	vld [tilespmem:s19+$0x850]  }
0xc6: {  	v0 =	vadd.f32 v1, v0  }
0xc7: {  	v1 =	vld [tilespmem:s19+$0x860]  }
0xc8: {  	v0 =	vadd.f32 v2, v0  }
0xc9: {  	v2 =	vld [tilespmem:s19+$0x870]  }
0xca: {  	v0 =	vadd.f32 v3, v0  }
0xcb: {  	v3 =	vld [tilespmem:s19+$0xC00]  }
0xcc: {  	v0 =	vadd.f32 v1, v0  }
0xcd: {  	v1 =	vld [tilespmem:s19+$0xC10]  }
0xce: {  	v0 =	vadd.f32 v2, v0  }
0xcf: {  	v2 =	vld [tilespmem:s19+$0xC20]  }
0xd0: {  	v0 =	vadd.f32 v3, v0  }
0xd1: {  	v3 =	vld [tilespmem:s19+$0xC30]  }
0xd2: {  	v0 =	vadd.f32 v1, v0  }
0xd3: {  	v1 =	vld [tilespmem:s19+$0xC40]  }
0xd4: {  	v0 =	vadd.f32 v2, v0  }
0xd5: {  	v2 =	vld [tilespmem:s19+$0xC50]  }
0xd6: {  	v0 =	vadd.f32 v3, v0  }
0xd7: {  	v3 =	vld [tilespmem:s19+$0xC60]  }
0xd8: {  	s18 =	sadd.s32 $0x1, s18;
	v0 =	vadd.f32 v1, v0  }
0xd9: {  	p0 =	sne.s32 s18, $0x10;
	v1 =	vld [tilespmem:s19+$0xC70]  }
.Ltmp1:
0xda: {  	v0 =	vadd.f32 v2, v0;
	(pc) =	sbr.rel @p0 .LBB2_2-.Ltmp1, $3  }
0xdb: {  	_ = 	snop  }
0xdc: {  	v0 =	vadd.f32 v3, v0;
	_ =	sdelay $0x1  }
0xdd: {  	v0 =	vadd.f32 v1, v0  }
0xde: {  	s18 =	simm.s32 $0x0;
	v1 =	vimm.f32 $0.0e+00;
	s19 =	simm.s32 $0x0  }
.LBB2_6:
0xdf: {  	s20 =	sshll.u32 s19, $0xE  }
0xe0: {  	s20 =	sadd.s32 s20, s9  }
0xe1: {  	s20 =	sshrl.u32 s20, $0x3  }
0xe2: {  	s20 =	sadd.s32 s1, s20  }
0xe3: {  	[tilespmem:s18], [sflag:$0x1] =	stream.linear.gather [hbm4b:s20+s18], $0x4000, $0x38;
	[tilespmem:$0x8280] =	vst v63  }
0xe4: {  	_ =	swait.ge [sflag:s14], $0x4000  }
0xe5: {  	s30 =	sand.u32 $0x3000, s18;
	s21 =	sand.u32 $0x380, s18;
	[sflag:s14] =	ssyncset.done $0x0  }
0xe6: {  	s22 =	sor.u32 s21, s30;
	[sflag:s14] =	ssyncadd.s32 $0xFFFFC000  }
0xe7: {  	v2 =	vld [tilespmem:s22+$0x0];
	_ =	sdelay $0x1  }
0xe8: {  	v3 =	vld [tilespmem:s22+$0x10];
	_ =	sdelay $0x1  }
0xe9: {  	v4 =	vld [tilespmem:s22+$0x20]  }
0xea: {  	v1 =	vadd.f32 v2, v1  }
0xeb: {  	v2 =	vld [tilespmem:s22+$0x30]  }
0xec: {  	v1 =	vadd.f32 v3, v1  }
0xed: {  	v3 =	vld [tilespmem:s22+$0x40]  }
0xee: {  	v1 =	vadd.f32 v4, v1  }
0xef: {  	v4 =	vld [tilespmem:s22+$0x50]  }
0xf0: {  	v1 =	vadd.f32 v2, v1  }
0xf1: {  	v2 =	vld [tilespmem:s22+$0x60]  }
0xf2: {  	v1 =	vadd.f32 v3, v1  }
0xf3: {  	v3 =	vld [tilespmem:s22+$0x70]  }
0xf4: {  	v1 =	vadd.f32 v4, v1  }
0xf5: {  	v4 =	vld [tilespmem:s22+$0x400]  }
0xf6: {  	v1 =	vadd.f32 v2, v1  }
0xf7: {  	v2 =	vld [tilespmem:s22+$0x410]  }
0xf8: {  	v1 =	vadd.f32 v3, v1  }
0xf9: {  	v3 =	vld [tilespmem:s22+$0x420]  }
0xfa: {  	v1 =	vadd.f32 v4, v1  }
0xfb: {  	v4 =	vld [tilespmem:s22+$0x430]  }
0xfc: {  	v1 =	vadd.f32 v2, v1  }
0xfd: {  	v2 =	vld [tilespmem:s22+$0x440]  }
0xfe: {  	v1 =	vadd.f32 v3, v1  }
0xff: {  	v3 =	vld [tilespmem:s22+$0x450]  }
0x100: {  	v1 =	vadd.f32 v4, v1  }
0x101: {  	v4 =	vld [tilespmem:s22+$0x460]  }
0x102: {  	v1 =	vadd.f32 v2, v1  }
0x103: {  	v2 =	vld [tilespmem:s22+$0x470]  }
0x104: {  	v1 =	vadd.f32 v3, v1  }
0x105: {  	v3 =	vld [tilespmem:s22+$0x800]  }
0x106: {  	v1 =	vadd.f32 v4, v1  }
0x107: {  	v4 =	vld [tilespmem:s22+$0x810]  }
0x108: {  	v1 =	vadd.f32 v2, v1  }
0x109: {  	v2 =	vld [tilespmem:s22+$0x820]  }
0x10a: {  	v1 =	vadd.f32 v3, v1  }
0x10b: {  	v3 =	vld [tilespmem:s22+$0x830]  }
0x10c: {  	v1 =	vadd.f32 v4, v1  }
0x10d: {  	v4 =	vld [tilespmem:s22+$0x840]  }
0x10e: {  	v1 =	vadd.f32 v2, v1  }
0x10f: {  	v2 =	vld [tilespmem:s22+$0x850]  }
0x110: {  	v1 =	vadd.f32 v3, v1  }
0x111: {  	v3 =	vld [tilespmem:s22+$0x860]  }
0x112: {  	v1 =	vadd.f32 v4, v1  }
0x113: {  	v4 =	vld [tilespmem:s22+$0x870]  }
0x114: {  	v1 =	vadd.f32 v2, v1  }
0x115: {  	v2 =	vld [tilespmem:s22+$0xC00]  }
0x116: {  	v1 =	vadd.f32 v3, v1  }
0x117: {  	v3 =	vld [tilespmem:s22+$0xC10]  }
0x118: {  	v1 =	vadd.f32 v4, v1  }
0x119: {  	v4 =	vld [tilespmem:s22+$0xC20]  }
0x11a: {  	v1 =	vadd.f32 v2, v1  }
0x11b: {  	v2 =	vld [tilespmem:s22+$0xC30]  }
0x11c: {  	v1 =	vadd.f32 v3, v1  }
0x11d: {  	v3 =	vld [tilespmem:s22+$0xC40]  }
0x11e: {  	v4 =	vadd.f32 v4, v1  }
0x11f: {  	v1 =	vld [tilespmem:s22+$0xC50]  }
0x120: {  	v4 =	vadd.f32 v2, v4  }
0x121: {  	v2 =	vld [tilespmem:s22+$0xC60]  }
0x122: {  	s31 =	simm.s32 $0x200;
	s20 =	simm.s32 $0x80;
	v4 =	vadd.f32 v3, v4  }
0x123: {  	s23 =	sand.u32 $0x3000, s31;
	s21 =	simm.s32 $0x400;
	s24 =	sand.u32 $0x380, s20;
	v3 =	vld [tilespmem:s22+$0xC70]  }
.LBB2_7:
0x124: {  	p0 =	sne.s32 s21, $0x3E00;
	s22 =	sor.u32 s24, s23;
	v1 =	vadd.f32 v1, v4  }
0x125: {  	v4 =	vld [tilespmem:s22+$0x0]  }
0x126: {  	v1 =	vadd.f32 v2, v1  }
0x127: {  	v2 =	vld [tilespmem:s22+$0x10]  }
0x128: {  	v1 =	vadd.f32 v3, v1  }
0x129: {  	v3 =	vld [tilespmem:s22+$0x20]  }
0x12a: {  	v1 =	vadd.f32 v4, v1  }
0x12b: {  	v4 =	vld [tilespmem:s22+$0x30]  }
0x12c: {  	v1 =	vadd.f32 v2, v1  }
0x12d: {  	v2 =	vld [tilespmem:s22+$0x40]  }
0x12e: {  	v1 =	vadd.f32 v3, v1  }
0x12f: {  	v3 =	vld [tilespmem:s22+$0x50]  }
0x130: {  	v1 =	vadd.f32 v4, v1  }
0x131: {  	v4 =	vld [tilespmem:s22+$0x60]  }
0x132: {  	v1 =	vadd.f32 v2, v1  }
0x133: {  	v2 =	vld [tilespmem:s22+$0x70]  }
0x134: {  	v1 =	vadd.f32 v3, v1  }
0x135: {  	v3 =	vld [tilespmem:s22+$0x400]  }
0x136: {  	v1 =	vadd.f32 v4, v1  }
0x137: {  	v4 =	vld [tilespmem:s22+$0x410]  }
0x138: {  	v1 =	vadd.f32 v2, v1  }
0x139: {  	v2 =	vld [tilespmem:s22+$0x420]  }
0x13a: {  	v1 =	vadd.f32 v3, v1  }
0x13b: {  	v3 =	vld [tilespmem:s22+$0x430]  }
0x13c: {  	v1 =	vadd.f32 v4, v1  }
0x13d: {  	v4 =	vld [tilespmem:s22+$0x440]  }
0x13e: {  	v1 =	vadd.f32 v2, v1  }
0x13f: {  	v2 =	vld [tilespmem:s22+$0x450]  }
0x140: {  	v1 =	vadd.f32 v3, v1  }
0x141: {  	v3 =	vld [tilespmem:s22+$0x460]  }
0x142: {  	v1 =	vadd.f32 v4, v1  }
0x143: {  	v4 =	vld [tilespmem:s22+$0x470]  }
0x144: {  	v1 =	vadd.f32 v2, v1  }
0x145: {  	v2 =	vld [tilespmem:s22+$0x800]  }
0x146: {  	v1 =	vadd.f32 v3, v1  }
0x147: {  	v3 =	vld [tilespmem:s22+$0x810]  }
0x148: {  	v1 =	vadd.f32 v4, v1  }
0x149: {  	v4 =	vld [tilespmem:s22+$0x820]  }
0x14a: {  	v1 =	vadd.f32 v2, v1  }
0x14b: {  	v2 =	vld [tilespmem:s22+$0x830]  }
0x14c: {  	v1 =	vadd.f32 v3, v1  }
0x14d: {  	v3 =	vld [tilespmem:s22+$0x840]  }
0x14e: {  	v1 =	vadd.f32 v4, v1  }
0x14f: {  	v4 =	vld [tilespmem:s22+$0x850]  }
0x150: {  	v1 =	vadd.f32 v2, v1  }
0x151: {  	v2 =	vld [tilespmem:s22+$0x860]  }
0x152: {  	v1 =	vadd.f32 v3, v1  }
0x153: {  	v3 =	vld [tilespmem:s22+$0x870]  }
0x154: {  	v1 =	vadd.f32 v4, v1  }
0x155: {  	v4 =	vld [tilespmem:s22+$0xC00]  }
0x156: {  	v1 =	vadd.f32 v2, v1  }
0x157: {  	v2 =	vld [tilespmem:s22+$0xC10]  }
0x158: {  	v1 =	vadd.f32 v3, v1  }
0x159: {  	v3 =	vld [tilespmem:s22+$0xC20]  }
0x15a: {  	v1 =	vadd.f32 v4, v1  }
0x15b: {  	v4 =	vld [tilespmem:s22+$0xC30]  }
0x15c: {  	v1 =	vadd.f32 v2, v1  }
0x15d: {  	v5 =	vld [tilespmem:s22+$0xC40]  }
0x15e: {  	v2 =	vadd.f32 v3, v1  }
.Ltmp2:
0x15f: {  	v1 =	vld [tilespmem:s22+$0xC50];
	(pc) =	sbr.rel @p0 .LBB2_7-.Ltmp2, $4  }
0x160: {  	v3 =	vadd.f32 v4, v2  }
0x161: {  	v2 =	vld [tilespmem:s22+$0xC60]  }
0x162: {  	s20 =	sadd.s32 $0x80, s20;
	v4 =	vadd.f32 v5, v3  }
0x163: {  	s23 =	sand.u32 $0x3000, s21;
	s21 =	sadd.s32 $0x200, s21;
	s24 =	sand.u32 $0x380, s20;
	v3 =	vld [tilespmem:s22+$0xC70]  }
0x164: {  	s20 =	sor.u32 s24, s23;
	v1 =	vadd.f32 v1, v4  }
0x165: {  	v53 =	vld [tilespmem:s20+$0x0]  }
0x166: {  	v1 =	vadd.f32 v2, v1  }
0x167: {  	v2 =	vld [tilespmem:s20+$0x10]  }
0x168: {  	v1 =	vadd.f32 v3, v1  }
0x169: {  	v3 =	vld [tilespmem:s20+$0x20]  }
0x16a: {  	v1 =	vadd.f32 v53, v1  }
0x16b: {  	v54 =	vld [tilespmem:s20+$0x30]  }
0x16c: {  	v1 =	vadd.f32 v2, v1  }
0x16d: {  	v2 =	vld [tilespmem:s20+$0x40]  }
0x16e: {  	v1 =	vadd.f32 v3, v1  }
0x16f: {  	v3 =	vld [tilespmem:s20+$0x50]  }
0x170: {  	v1 =	vadd.f32 v54, v1  }
0x171: {  	v55 =	vld [tilespmem:s20+$0x60]  }
0x172: {  	v1 =	vadd.f32 v2, v1  }
0x173: {  	v2 =	vld [tilespmem:s20+$0x70]  }
0x174: {  	v1 =	vadd.f32 v3, v1  }
0x175: {  	v3 =	vld [tilespmem:s20+$0x400]  }
0x176: {  	v1 =	vadd.f32 v55, v1  }
0x177: {  	v56 =	vld [tilespmem:s20+$0x410]  }
0x178: {  	v1 =	vadd.f32 v2, v1  }
0x179: {  	v2 =	vld [tilespmem:s20+$0x420]  }
0x17a: {  	v1 =	vadd.f32 v3, v1  }
0x17b: {  	v3 =	vld [tilespmem:s20+$0x430]  }
0x17c: {  	v1 =	vadd.f32 v56, v1  }
0x17d: {  	v57 =	vld [tilespmem:s20+$0x440]  }
0x17e: {  	v1 =	vadd.f32 v2, v1  }
0x17f: {  	v2 =	vld [tilespmem:s20+$0x450]  }
0x180: {  	v1 =	vadd.f32 v3, v1  }
0x181: {  	v3 =	vld [tilespmem:s20+$0x460]  }
0x182: {  	v1 =	vadd.f32 v57, v1  }
0x183: {  	v58 =	vld [tilespmem:s20+$0x470]  }
0x184: {  	v1 =	vadd.f32 v2, v1  }
0x185: {  	v2 =	vld [tilespmem:s20+$0x800]  }
0x186: {  	v1 =	vadd.f32 v3, v1  }
0x187: {  	v3 =	vld [tilespmem:s20+$0x810]  }
0x188: {  	v1 =	vadd.f32 v58, v1  }
0x189: {  	v59 =	vld [tilespmem:s20+$0x820]  }
0x18a: {  	v1 =	vadd.f32 v2, v1  }
0x18b: {  	v2 =	vld [tilespmem:s20+$0x830]  }
0x18c: {  	v1 =	vadd.f32 v3, v1  }
0x18d: {  	v3 =	vld [tilespmem:s20+$0x840]  }
0x18e: {  	v1 =	vadd.f32 v59, v1  }
0x18f: {  	v60 =	vld [tilespmem:s20+$0x850]  }
0x190: {  	v1 =	vadd.f32 v2, v1  }
0x191: {  	v2 =	vld [tilespmem:s20+$0x860]  }
0x192: {  	v1 =	vadd.f32 v3, v1  }
0x193: {  	v3 =	vld [tilespmem:s20+$0x870]  }
0x194: {  	v1 =	vadd.f32 v60, v1  }
0x195: {  	v61 =	vld [tilespmem:s20+$0xC00]  }
0x196: {  	v1 =	vadd.f32 v2, v1  }
0x197: {  	v2 =	vld [tilespmem:s20+$0xC10]  }
0x198: {  	v1 =	vadd.f32 v3, v1  }
0x199: {  	v3 =	vld [tilespmem:s20+$0xC20]  }
0x19a: {  	v1 =	vadd.f32 v61, v1  }
0x19b: {  	v62 =	vld [tilespmem:s20+$0xC30]  }
0x19c: {  	v1 =	vadd.f32 v2, v1  }
0x19d: {  	v2 =	vld [tilespmem:s20+$0xC40]  }
0x19e: {  	v1 =	vadd.f32 v3, v1  }
0x19f: {  	v3 =	vld [tilespmem:s20+$0xC50]  }
0x1a0: {  	v1 =	vadd.f32 v62, v1  }
0x1a1: {  	v63 =	vld [tilespmem:s20+$0xC60]  }
0x1a2: {  	s19 =	sadd.s32 $0x1, s19;
	v1 =	vadd.f32 v2, v1  }
0x1a3: {  	p0 =	sne.s32 s19, $0x10;
	v2 =	vld [tilespmem:s20+$0xC70]  }
.Ltmp3:
0x1a4: {  	v1 =	vadd.f32 v3, v1;
	(pc) =	sbr.rel @p0 .LBB2_6-.Ltmp3, $3  }
0x1a5: {  	_ = 	snop  }
0x1a6: {  	v1 =	vadd.f32 v63, v1;
	_ =	sdelay $0x1  }
0x1a7: {  	v1 =	vadd.f32 v2, v1  }
0x1a8: {  	s18 =	simm.s32 $0x0;
	v2 =	vimm.f32 $0.0e+00;
	s19 =	simm.s32 $0x0  }
.LBB2_10:
0x1a9: {  	s20 =	sshll.u32 s19, $0xE  }
0x1aa: {  	s20 =	sadd.s32 s20, s10  }
0x1ab: {  	s20 =	sshrl.u32 s20, $0x3  }
0x1ac: {  	s20 =	sadd.s32 s1, s20  }
0x1ad: {  	[tilespmem:s18], [sflag:$0x1] =	stream.linear.gather [hbm4b:s20+s18], $0x4000, $0x38;
	[tilespmem:$0x8280] =	vst v63  }
0x1ae: {  	_ =	swait.ge [sflag:s14], $0x4000  }
0x1af: {  	s30 =	sand.u32 $0x3000, s18;
	s21 =	sand.u32 $0x380, s18;
	[sflag:s14] =	ssyncset.done $0x0  }
0x1b0: {  	s22 =	sor.u32 s21, s30;
	[sflag:s14] =	ssyncadd.s32 $0xFFFFC000  }
0x1b1: {  	v3 =	vld [tilespmem:s22+$0x0];
	_ =	sdelay $0x1  }
0x1b2: {  	v4 =	vld [tilespmem:s22+$0x10];
	_ =	sdelay $0x1  }
0x1b3: {  	v5 =	vld [tilespmem:s22+$0x20]  }
0x1b4: {  	v2 =	vadd.f32 v3, v2  }
0x1b5: {  	v3 =	vld [tilespmem:s22+$0x30]  }
0x1b6: {  	v2 =	vadd.f32 v4, v2  }
0x1b7: {  	v4 =	vld [tilespmem:s22+$0x40]  }
0x1b8: {  	v2 =	vadd.f32 v5, v2  }
0x1b9: {  	v5 =	vld [tilespmem:s22+$0x50]  }
0x1ba: {  	v2 =	vadd.f32 v3, v2  }
0x1bb: {  	v3 =	vld [tilespmem:s22+$0x60]  }
0x1bc: {  	v2 =	vadd.f32 v4, v2  }
0x1bd: {  	v4 =	vld [tilespmem:s22+$0x70]  }
0x1be: {  	v2 =	vadd.f32 v5, v2  }
0x1bf: {  	v5 =	vld [tilespmem:s22+$0x400]  }
0x1c0: {  	v2 =	vadd.f32 v3, v2  }
0x1c1: {  	v3 =	vld [tilespmem:s22+$0x410]  }
0x1c2: {  	v2 =	vadd.f32 v4, v2  }
0x1c3: {  	v4 =	vld [tilespmem:s22+$0x420]  }
0x1c4: {  	v2 =	vadd.f32 v5, v2  }
0x1c5: {  	v5 =	vld [tilespmem:s22+$0x430]  }
0x1c6: {  	v2 =	vadd.f32 v3, v2  }
0x1c7: {  	v3 =	vld [tilespmem:s22+$0x440]  }
0x1c8: {  	v2 =	vadd.f32 v4, v2  }
0x1c9: {  	v4 =	vld [tilespmem:s22+$0x450]  }
0x1ca: {  	v2 =	vadd.f32 v5, v2  }
0x1cb: {  	v5 =	vld [tilespmem:s22+$0x460]  }
0x1cc: {  	v2 =	vadd.f32 v3, v2  }
0x1cd: {  	v3 =	vld [tilespmem:s22+$0x470]  }
0x1ce: {  	v2 =	vadd.f32 v4, v2  }
0x1cf: {  	v4 =	vld [tilespmem:s22+$0x800]  }
0x1d0: {  	v2 =	vadd.f32 v5, v2  }
0x1d1: {  	v5 =	vld [tilespmem:s22+$0x810]  }
0x1d2: {  	v2 =	vadd.f32 v3, v2  }
0x1d3: {  	v3 =	vld [tilespmem:s22+$0x820]  }
0x1d4: {  	v2 =	vadd.f32 v4, v2  }
0x1d5: {  	v4 =	vld [tilespmem:s22+$0x830]  }
0x1d6: {  	v2 =	vadd.f32 v5, v2  }
0x1d7: {  	v5 =	vld [tilespmem:s22+$0x840]  }
0x1d8: {  	v2 =	vadd.f32 v3, v2  }
0x1d9: {  	v3 =	vld [tilespmem:s22+$0x850]  }
0x1da: {  	v2 =	vadd.f32 v4, v2  }
0x1db: {  	v4 =	vld [tilespmem:s22+$0x860]  }
0x1dc: {  	v2 =	vadd.f32 v5, v2  }
0x1dd: {  	v5 =	vld [tilespmem:s22+$0x870]  }
0x1de: {  	v2 =	vadd.f32 v3, v2  }
0x1df: {  	v3 =	vld [tilespmem:s22+$0xC00]  }
0x1e0: {  	v2 =	vadd.f32 v4, v2  }
0x1e1: {  	v4 =	vld [tilespmem:s22+$0xC10]  }
0x1e2: {  	v2 =	vadd.f32 v5, v2  }
0x1e3: {  	v5 =	vld [tilespmem:s22+$0xC20]  }
0x1e4: {  	v2 =	vadd.f32 v3, v2  }
0x1e5: {  	v3 =	vld [tilespmem:s22+$0xC30]  }
0x1e6: {  	v2 =	vadd.f32 v4, v2  }
0x1e7: {  	v4 =	vld [tilespmem:s22+$0xC40]  }
0x1e8: {  	v5 =	vadd.f32 v5, v2  }
0x1e9: {  	v2 =	vld [tilespmem:s22+$0xC50]  }
0x1ea: {  	v5 =	vadd.f32 v3, v5  }
0x1eb: {  	v3 =	vld [tilespmem:s22+$0xC60]  }
0x1ec: {  	s31 =	simm.s32 $0x200;
	s20 =	simm.s32 $0x80;
	v5 =	vadd.f32 v4, v5  }
0x1ed: {  	s23 =	sand.u32 $0x3000, s31;
	s21 =	simm.s32 $0x400;
	s24 =	sand.u32 $0x380, s20;
	v4 =	vld [tilespmem:s22+$0xC70]  }
.LBB2_11:
0x1ee: {  	p0 =	sne.s32 s21, $0x3E00;
	s22 =	sor.u32 s24, s23;
	v2 =	vadd.f32 v2, v5  }
0x1ef: {  	v5 =	vld [tilespmem:s22+$0x0]  }
0x1f0: {  	v2 =	vadd.f32 v3, v2  }
0x1f1: {  	v3 =	vld [tilespmem:s22+$0x10]  }
0x1f2: {  	v2 =	vadd.f32 v4, v2  }
0x1f3: {  	v4 =	vld [tilespmem:s22+$0x20]  }
0x1f4: {  	v2 =	vadd.f32 v5, v2  }
0x1f5: {  	v5 =	vld [tilespmem:s22+$0x30]  }
0x1f6: {  	v2 =	vadd.f32 v3, v2  }
0x1f7: {  	v3 =	vld [tilespmem:s22+$0x40]  }
0x1f8: {  	v2 =	vadd.f32 v4, v2  }
0x1f9: {  	v4 =	vld [tilespmem:s22+$0x50]  }
0x1fa: {  	v2 =	vadd.f32 v5, v2  }
0x1fb: {  	v5 =	vld [tilespmem:s22+$0x60]  }
0x1fc: {  	v2 =	vadd.f32 v3, v2  }
0x1fd: {  	v3 =	vld [tilespmem:s22+$0x70]  }
0x1fe: {  	v2 =	vadd.f32 v4, v2  }
0x1ff: {  	v4 =	vld [tilespmem:s22+$0x400]  }
0x200: {  	v2 =	vadd.f32 v5, v2  }
0x201: {  	v5 =	vld [tilespmem:s22+$0x410]  }
0x202: {  	v2 =	vadd.f32 v3, v2  }
0x203: {  	v3 =	vld [tilespmem:s22+$0x420]  }
0x204: {  	v2 =	vadd.f32 v4, v2  }
0x205: {  	v4 =	vld [tilespmem:s22+$0x430]  }
0x206: {  	v2 =	vadd.f32 v5, v2  }
0x207: {  	v5 =	vld [tilespmem:s22+$0x440]  }
0x208: {  	v2 =	vadd.f32 v3, v2  }
0x209: {  	v3 =	vld [tilespmem:s22+$0x450]  }
0x20a: {  	v2 =	vadd.f32 v4, v2  }
0x20b: {  	v4 =	vld [tilespmem:s22+$0x460]  }
0x20c: {  	v2 =	vadd.f32 v5, v2  }
0x20d: {  	v5 =	vld [tilespmem:s22+$0x470]  }
0x20e: {  	v2 =	vadd.f32 v3, v2  }
0x20f: {  	v3 =	vld [tilespmem:s22+$0x800]  }
0x210: {  	v2 =	vadd.f32 v4, v2  }
0x211: {  	v4 =	vld [tilespmem:s22+$0x810]  }
0x212: {  	v2 =	vadd.f32 v5, v2  }
0x213: {  	v5 =	vld [tilespmem:s22+$0x820]  }
0x214: {  	v2 =	vadd.f32 v3, v2  }
0x215: {  	v3 =	vld [tilespmem:s22+$0x830]  }
0x216: {  	v2 =	vadd.f32 v4, v2  }
0x217: {  	v4 =	vld [tilespmem:s22+$0x840]  }
0x218: {  	v2 =	vadd.f32 v5, v2  }
0x219: {  	v5 =	vld [tilespmem:s22+$0x850]  }
0x21a: {  	v2 =	vadd.f32 v3, v2  }
0x21b: {  	v3 =	vld [tilespmem:s22+$0x860]  }
0x21c: {  	v2 =	vadd.f32 v4, v2  }
0x21d: {  	v4 =	vld [tilespmem:s22+$0x870]  }
0x21e: {  	v2 =	vadd.f32 v5, v2  }
0x21f: {  	v5 =	vld [tilespmem:s22+$0xC00]  }
0x220: {  	v2 =	vadd.f32 v3, v2  }
0x221: {  	v3 =	vld [tilespmem:s22+$0xC10]  }
0x222: {  	v2 =	vadd.f32 v4, v2  }
0x223: {  	v4 =	vld [tilespmem:s22+$0xC20]  }
0x224: {  	v2 =	vadd.f32 v5, v2  }
0x225: {  	v5 =	vld [tilespmem:s22+$0xC30]  }
0x226: {  	v2 =	vadd.f32 v3, v2  }
0x227: {  	v6 =	vld [tilespmem:s22+$0xC40]  }
0x228: {  	v3 =	vadd.f32 v4, v2  }
.Ltmp4:
0x229: {  	v2 =	vld [tilespmem:s22+$0xC50];
	(pc) =	sbr.rel @p0 .LBB2_11-.Ltmp4, $4  }
0x22a: {  	v4 =	vadd.f32 v5, v3  }
0x22b: {  	v3 =	vld [tilespmem:s22+$0xC60]  }
0x22c: {  	s20 =	sadd.s32 $0x80, s20;
	v5 =	vadd.f32 v6, v4  }
0x22d: {  	s23 =	sand.u32 $0x3000, s21;
	s21 =	sadd.s32 $0x200, s21;
	s24 =	sand.u32 $0x380, s20;
	v4 =	vld [tilespmem:s22+$0xC70]  }
0x22e: {  	s20 =	sor.u32 s24, s23;
	v2 =	vadd.f32 v2, v5  }
0x22f: {  	v43 =	vld [tilespmem:s20+$0x0]  }
0x230: {  	v2 =	vadd.f32 v3, v2  }
0x231: {  	v3 =	vld [tilespmem:s20+$0x10]  }
0x232: {  	v2 =	vadd.f32 v4, v2  }
0x233: {  	v44 =	vld [tilespmem:s20+$0x20]  }
0x234: {  	v2 =	vadd.f32 v43, v2  }
0x235: {  	v45 =	vld [tilespmem:s20+$0x30]  }
0x236: {  	v2 =	vadd.f32 v3, v2  }
0x237: {  	v3 =	vld [tilespmem:s20+$0x40]  }
0x238: {  	v2 =	vadd.f32 v44, v2  }
0x239: {  	v46 =	vld [tilespmem:s20+$0x50]  }
0x23a: {  	v2 =	vadd.f32 v45, v2  }
0x23b: {  	v47 =	vld [tilespmem:s20+$0x60]  }
0x23c: {  	v2 =	vadd.f32 v3, v2  }
0x23d: {  	v3 =	vld [tilespmem:s20+$0x70]  }
0x23e: {  	v2 =	vadd.f32 v46, v2  }
0x23f: {  	v48 =	vld [tilespmem:s20+$0x400]  }
0x240: {  	v2 =	vadd.f32 v47, v2  }
0x241: {  	v49 =	vld [tilespmem:s20+$0x410]  }
0x242: {  	v2 =	vadd.f32 v3, v2  }
0x243: {  	v3 =	vld [tilespmem:s20+$0x420]  }
0x244: {  	v2 =	vadd.f32 v48, v2  }
0x245: {  	v50 =	vld [tilespmem:s20+$0x430]  }
0x246: {  	v2 =	vadd.f32 v49, v2  }
0x247: {  	v51 =	vld [tilespmem:s20+$0x440]  }
0x248: {  	v2 =	vadd.f32 v3, v2  }
0x249: {  	v3 =	vld [tilespmem:s20+$0x450]  }
0x24a: {  	v2 =	vadd.f32 v50, v2  }
0x24b: {  	v52 =	vld [tilespmem:s20+$0x460]  }
0x24c: {  	v2 =	vadd.f32 v51, v2  }
0x24d: {  	v53 =	vld [tilespmem:s20+$0x470]  }
0x24e: {  	v2 =	vadd.f32 v3, v2  }
0x24f: {  	v3 =	vld [tilespmem:s20+$0x800]  }
0x250: {  	v2 =	vadd.f32 v52, v2  }
0x251: {  	v54 =	vld [tilespmem:s20+$0x810]  }
0x252: {  	v2 =	vadd.f32 v53, v2  }
0x253: {  	v55 =	vld [tilespmem:s20+$0x820]  }
0x254: {  	v2 =	vadd.f32 v3, v2  }
0x255: {  	v3 =	vld [tilespmem:s20+$0x830]  }
0x256: {  	v2 =	vadd.f32 v54, v2  }
0x257: {  	v56 =	vld [tilespmem:s20+$0x840]  }
0x258: {  	v2 =	vadd.f32 v55, v2  }
0x259: {  	v57 =	vld [tilespmem:s20+$0x850]  }
0x25a: {  	v2 =	vadd.f32 v3, v2  }
0x25b: {  	v3 =	vld [tilespmem:s20+$0x860]  }
0x25c: {  	v2 =	vadd.f32 v56, v2  }
0x25d: {  	v58 =	vld [tilespmem:s20+$0x870]  }
0x25e: {  	v2 =	vadd.f32 v57, v2  }
0x25f: {  	v59 =	vld [tilespmem:s20+$0xC00]  }
0x260: {  	v2 =	vadd.f32 v3, v2  }
0x261: {  	v3 =	vld [tilespmem:s20+$0xC10]  }
0x262: {  	v2 =	vadd.f32 v58, v2  }
0x263: {  	v60 =	vld [tilespmem:s20+$0xC20]  }
0x264: {  	v2 =	vadd.f32 v59, v2  }
0x265: {  	v61 =	vld [tilespmem:s20+$0xC30]  }
0x266: {  	v2 =	vadd.f32 v3, v2  }
0x267: {  	v3 =	vld [tilespmem:s20+$0xC40]  }
0x268: {  	v2 =	vadd.f32 v60, v2  }
0x269: {  	v62 =	vld [tilespmem:s20+$0xC50]  }
0x26a: {  	v2 =	vadd.f32 v61, v2  }
0x26b: {  	v63 =	vld [tilespmem:s20+$0xC60]  }
0x26c: {  	s19 =	sadd.s32 $0x1, s19;
	v2 =	vadd.f32 v3, v2  }
0x26d: {  	p0 =	sne.s32 s19, $0x10;
	v3 =	vld [tilespmem:s20+$0xC70]  }
.Ltmp5:
0x26e: {  	v2 =	vadd.f32 v62, v2;
	(pc) =	sbr.rel @p0 .LBB2_10-.Ltmp5, $3  }
0x26f: {  	_ = 	snop  }
0x270: {  	v2 =	vadd.f32 v63, v2;
	_ =	sdelay $0x1  }
0x271: {  	v2 =	vadd.f32 v3, v2  }
0x272: {  	(xrf2) =	vadd.scan.msk.f32 $0xffff, v0;
	_ =	sdelay $0x1  }
0x273: {  	(xrf2) =	vadd.scan.msk.f32 $0xffff, v1;
	_ =	sdelay $0x1  }
0x274: {  	(xrf2) =	vadd.scan.msk.f32 $0xffff, v2;
	_ =	sdelay $0x5  }
0x275: {  	v0, _, _ =	vpop (xrf2)  }
0x276: {  	(v2sf) =	vpush v0, $0xF  }
0x277: {  	v0, _, _ =	vpop (xrf2)  }
0x278: {  	(v2sf) =	vpush v0, $0xF  }
0x279: {  	v0, _, _ =	vpop (xrf2)  }
0x27a: {  	(v2sf) =	vpush v0, $0xF;
	_ =	sdelay $0x8  }
0x27b: {  	v0 =	vld [tilespmem:$0x8000]  }
0x27c: {  	v1 =	vld [tilespmem:$0x8200]  }
0x27d: {  	v2 =	vld [tilespmem:$0x8080];
	s18 =	spop (v2sf)  }
0x27e: {  	s18 =	smul.f32 $3.814697270e-06, s18  }
0x27f: {  	v3 =	vld [tilespmem:$0x8100];
	s19 =	spop (v2sf)  }
0x280: {  	s19 =	smul.f32 $3.814697270e-06, s19;
	v0 =	vmul.f32 s18, v0  }
0x281: {  	s29 =	spop (v2sf)  }
0x282: {  	s18 =	smul.f32 $3.814697270e-06, s29;
	v0 =	vadd.f32 v0, v1;
	v1 =	vmul.f32 s19, v2;
	_ =	sdelay $0x1  }
0x283: {  	v0 =	vadd.f32 v1, v0;
	v1 =	vmul.f32 s18, v3;
	_ =	sdelay $0x1  }
0x284: {  	v0 =	vadd.f32 v1, v0;
	_ =	sdelay $0x1  }
0x285: {  	v0 =	vsub.f32 $0.0e+00, v0;
	_ =	sdelay $0x1  }
0x286: {  	v0 =	vmul.f32 $1.442695020e+00, v0;
	_ =	sdelay $0x1  }
0x287: {  	(erf) = vpow2.f32 v0;
	_ =	sdelay $0x8  }
0x288: {  	v0 =	vpop (erf)  }
0x289: {  	v0 =	vadd.f32 $1.000000000e+00, v0;
	_ =	sdelay $0x1  }
0x28a: {  	(erf) = vrcp.f32 v0;
	_ =	sdelay $0x8  }
0x28b: {  	vm0 =	vcmask $0xB10;
	v0 =	vpop (erf)  }
0x28c: {  	v1 =	vsel vm0, $0x0, v0  }
0x28d: {  	(xrf2) =	vadd.scan.msk.f32 $0xffff, v1;
	v1 =	vld [tilespmem:$0x1FFF0];
	_ =	sdelay $0x4  }
0x28e: {  	vm13 =	vnez.u8 v1  }
0x28f: {  	vm14 =	vcmask $0x308;
	v1 =	vnsel vm13, $0x0, v0  }
0x290: {  	vm15 =	vcmask $0x70C;
	(xrf2) =	vadd.scan.msk.f32 $0xffff, v1;
	v1 =	vsel vm14, $0x0, v0  }
0x291: {  	v0 =	vsel vm15, $0x0, v0;
	(xrf2) =	vadd.scan.msk.f32 $0xffff, v1  }
0x292: {  	(xrf2) =	vadd.scan.msk.f32 $0xffff, v0;
	_ =	sdelay $0x5  }
0x293: {  	v0, _, _ =	vpop (xrf2)  }
0x294: {  	(v2sf) =	vpush v0, $0xF  }
0x295: {  	v1, _, _ =	vpop (xrf2)  }
0x296: {  	v2, _, _ =	vpop (xrf2);
	(v2sf) =	vpush v1, $0xF  }
0x297: {  	(v2sf) =	vpush v2, $0xF;
	v1, _, _ =	vpop (xrf2)  }
0x298: {  	(v2sf) =	vpush v1, $0xF;
	_ =	sdelay $0xa  }
0x299: {  	s30 =	spop (v2sf)  }
0x29a: {  	s18 =	ssub.f32 $1.000000000e+00, s30  }
0x29b: {  	s31 =	spop (v2sf)  }
0x29c: {  	s20 =	spop (v2sf);
	s19 =	smul.f32 s18, s31  }
0x29d: {  	s20 =	smul.f32 s18, s20;
	s21 =	spop (v2sf)  }
0x29e: {  	s18 =	smul.f32 s18, s21  }
0x29f: {  	v0 =	vbroadcast v0, $0xF  }
0x2a0: {  	v1 =	vmov s19;
	s19 =	simm.s32 $0x0;
	v2 =	vmov s20;
	v3 =	vmov s18;
	s18 =	simm.s32 $0x0  }
.LBB2_14:
0x2a1: {  	s20 =	sshll.u32 s19, $0xE  }
0x2a2: {  	s21 =	sadd.s32 s11, s20  }
0x2a3: {  	s21 =	sshrl.u32 s21, $0x3  }
0x2a4: {  	s21 =	sadd.s32 s3, s21  }
0x2a5: {  	[tilespmem:s16], [sflag:$0x1] =	stream.linear.gather [hbm4b:s21+s18], $0x4000, $0x38;
	[tilespmem:$0x8280] =	vst v63  }
0x2a6: {  	s20 =	sadd.s32 s7, s20;
	_ =	swait.ge [sflag:s14], $0x4000  }
0x2a7: {  	s20 =	sshrl.u32 s20, $0x3;
	[sflag:s14] =	ssyncset.done $0x0  }
0x2a8: {  	s30 =	sadd.s32 s1, s20;
	[sflag:s14] =	ssyncadd.s32 $0xFFFFC000  }
0x2a9: {  	[tilespmem:s18], [sflag:$0x1] =	stream.linear.gather [hbm4b:s30+s18], $0x4000, $0x38;
	[tilespmem:$0x8280] =	vst v63  }
0x2aa: {  	_ =	swait.ge [sflag:s14], $0x4000  }
0x2ab: {  	s31 =	sand.u32 $0x3000, s18;
	s22 =	sand.u32 $0x380, s18;
	[sflag:s14] =	ssyncset.done $0x0  }
0x2ac: {  	s21 =	sor.u32 s22, s31;
	[sflag:s14] =	ssyncadd.s32 $0xFFFFC000  }
0x2ad: {  	v4 =	vld [tilespmem:s21+$0x4000]  }
0x2ae: {  	v5 =	vld [tilespmem:s21+$0x4010]  }
0x2af: {  	v6 =	vld [tilespmem:s21+$0x4020]  }
0x2b0: {  	v7 =	vld [tilespmem:s21+$0x4030]  }
0x2b1: {  	v8 =	vld [tilespmem:s21+$0x4040]  }
0x2b2: {  	v9 =	vld [tilespmem:s21+$0x4050]  }
0x2b3: {  	v10 =	vld [tilespmem:s21+$0x4060]  }
0x2b4: {  	v11 =	vld [tilespmem:s21+$0x4070]  }
0x2b5: {  	v12 =	vld [tilespmem:s21+$0x4400]  }
0x2b6: {  	v13 =	vld [tilespmem:s21+$0x4410]  }
0x2b7: {  	v14 =	vld [tilespmem:s21+$0x4420]  }
0x2b8: {  	v15 =	vld [tilespmem:s21+$0x4430]  }
0x2b9: {  	v16 =	vld [tilespmem:s21+$0x4440]  }
0x2ba: {  	v17 =	vld [tilespmem:s21+$0x4450]  }
0x2bb: {  	v18 =	vld [tilespmem:s21+$0x4460]  }
0x2bc: {  	v19 =	vld [tilespmem:s21+$0x4470]  }
0x2bd: {  	v20 =	vld [tilespmem:s21+$0x4800]  }
0x2be: {  	v21 =	vld [tilespmem:s21+$0x4810]  }
0x2bf: {  	v22 =	vld [tilespmem:s21+$0x4820]  }
0x2c0: {  	v23 =	vld [tilespmem:s21+$0x4830]  }
0x2c1: {  	v24 =	vld [tilespmem:s21+$0x4840]  }
0x2c2: {  	v28 =	vld [tilespmem:s21+$0x0]  }
0x2c3: {  	v25 =	vld [tilespmem:s21+$0x4850]  }
0x2c4: {  	v30 =	vld [tilespmem:s21+$0x10]  }
0x2c5: {  	v31 =	vld [tilespmem:s21+$0x20]  }
0x2c6: {  	v26 =	vld [tilespmem:s21+$0x4860]  }
0x2c7: {  	vm2 =	veq.s32 v4, $0x0;
	v4 =	vld [tilespmem:s21+$0x30];
	v33 =	vmul.f32 v28, v0  }
0x2c8: {  	vm3 =	veq.s32 v5, $0x0;
	vm4 =	veq.s32 v6, $0x0;
	vm8 =	veq.s32 v7, $0x0;
	v5 =	vld [tilespmem:s21+$0x40]  }
0x2c9: {  	vm7 =	veq.s32 v8, $0x0;
	v6 =	vld [tilespmem:s21+$0x50];
	v7 =	vmul.f32 v30, v0;
	vm6 =	veq.s32 v9, $0x0  }
0x2ca: {  	vm0 =	veq.s32 v10, $0x0;
	v9 =	vld [tilespmem:s21+$0x60];
	v10 =	vmul.f32 v31, v0;
	v8 =	vadd.f32 v33, v1  }
0x2cb: {  	v27 =	vld [tilespmem:s21+$0x4870];
	vm1 =	veq.s32 v11, $0x0;
	vm5 =	veq.s32 v14, $0x0;
	v7 =	vadd.f32 v7, v1  }
0x2cc: {  	v11 =	vld [tilespmem:s21+$0x70];
	vm12 =	veq.s32 v22, $0x0;
	v10 =	vadd.f32 v10, v1;
	v8 =	vsel vm2, v28, v8  }
0x2cd: {  	v29 =	vld [tilespmem:s21+$0x4C00];
	vm2 =	veq.s32 v12, $0x0;
	v7 =	vsel vm3, v30, v7;
	v12 =	vmul.f32 v4, v0  }
0x2ce: {  	vm3 =	veq.s32 v13, $0x0;
	v13 =	vld [tilespmem:s21+$0x400];
	v58 =	vmul.f32 v5, v0;
	v34 =	vmul.f32 v6, v0  }
0x2cf: {  	v14 =	vld [tilespmem:s21+$0x410];
	v10 =	vsel vm4, v31, v10;
	v60 =	vmul.f32 v9, v0;
	v12 =	vadd.f32 v12, v1  }
0x2d0: {  	v32 =	vld [tilespmem:s21+$0x4C10];
	vm4 =	veq.s32 v15, $0x0;
	v28 =	vadd.f32 v58, v1;
	v15 =	vadd.f32 v34, v1  }
0x2d1: {  	v62 =	vmul.f32 v11, v0;
	v31 =	vadd.f32 v60, v1;
	v4 =	vsel vm8, v4, v12;
	v12 =	vld [tilespmem:s21+$0x420]  }
0x2d2: {  	[tilespmem:s21+$0x10] =	vst v7;
	v7 =	vld [tilespmem:s21+$0x460];
	v5 =	vsel vm7, v5, v28;
	vm7 =	veq.s32 v16, $0x0;
	v6 =	vsel vm6, v6, v15  }
0x2d3: {  	v61 =	vld [tilespmem:s21+$0x430];
	v15 =	vmul.f32 v13, v0;
	vm6 =	veq.s32 v17, $0x0;
	v9 =	vsel vm0, v9, v31  }
0x2d4: {  	[tilespmem:s21+$0x0] =	vst v8;
	v16 =	vld [tilespmem:s21+$0x440];
	v17 =	vadd.f32 v62, v1;
	vm0 =	veq.s32 v18, $0x0;
	v18 =	vmul.f32 v14, v0  }
0x2d5: {  	vm9 =	veq.s32 v26, $0x0;
	v8 =	vld [tilespmem:s21+$0x450];
	[tilespmem:s21+$0x20] =	vst v10;
	vm8 =	veq.s32 v25, $0x0;
	v15 =	vadd.f32 v15, v1  }
0x2d6: {  	v57 =	vld [tilespmem:s21+$0x4C20];
	[tilespmem:s21+$0x30] =	vst v4;
	v11 =	vsel vm1, v11, v17;
	v10 =	vadd.f32 v18, v1;
	v17 =	vmul.f32 v12, v0  }
0x2d7: {  	v4 =	vld [tilespmem:s21+$0x470];
	[tilespmem:s21+$0x60] =	vst v9;
	v9 =	vmul.f32 v7, v0;
	vm1 =	veq.s32 v19, $0x0;
	v13 =	vsel vm2, v13, v15  }
0x2d8: {  	[tilespmem:s21+$0x40] =	vst v5;
	v5 =	vld [tilespmem:s21+$0x800];
	v15 =	vmul.f32 v61, v0;
	v10 =	vsel vm3, v14, v10;
	v17 =	vadd.f32 v17, v1  }
0x2d9: {  	v9 =	vadd.f32 v9, v1;
	vm2 =	veq.s32 v20, $0x0;
	v18 =	vmul.f32 v16, v0;
	[tilespmem:s21+$0x410] =	vst v10;
	v10 =	vld [tilespmem:s21+$0x840]  }
0x2da: {  	[tilespmem:s21+$0x50] =	vst v6;
	v14 =	vadd.f32 v15, v1;
	v15 =	vld [tilespmem:s21+$0x810];
	v6 =	vsel vm5, v12, v17;
	v12 =	vmul.f32 v8, v0  }
0x2db: {  	vm3 =	veq.s32 v21, $0x0;
	[tilespmem:s21+$0x400] =	vst v13;
	v13 =	vld [tilespmem:s21+$0x830];
	v7 =	vsel vm0, v7, v9;
	v17 =	vadd.f32 v18, v1  }
0x2dc: {  	[tilespmem:s21+$0x70] =	vst v11;
	vm0 =	veq.s32 v57, $0x0;
	v14 =	vsel vm4, v61, v14;
	v18 =	vld [tilespmem:s21+$0x820];
	v11 =	vadd.f32 v12, v1  }
0x2dd: {  	v59 =	vld [tilespmem:s21+$0x4C30];
	[tilespmem:s21+$0x460] =	vst v7;
	vm4 =	veq.s32 v24, $0x0;
	v12 =	vsel vm7, v16, v17;
	v16 =	vmul.f32 v4, v0  }
0x2de: {  	v63 =	vld [tilespmem:s21+$0x4C40];
	vm5 =	veq.s32 v23, $0x0;
	[tilespmem:s21+$0x420] =	vst v6;
	v7 =	vmul.f32 v10, v0;
	v8 =	vsel vm6, v8, v11  }
0x2df: {  	v9 =	vld [tilespmem:s21+$0x850];
	[tilespmem:s21+$0x440] =	vst v12;
	v11 =	vmul.f32 v5, v0;
	v6 =	vadd.f32 v16, v1;
	v16 =	vmul.f32 v15, v0  }
0x2e0: {  	vm7 =	veq.s32 v27, $0x0;
	v12 =	vld [tilespmem:s21+$0x860];
	vm6 =	veq.s32 v29, $0x0;
	[tilespmem:s21+$0x450] =	vst v8;
	v8 =	vmul.f32 v13, v0  }
0x2e1: {  	[tilespmem:s21+$0x430] =	vst v14;
	v17 =	vmul.f32 v18, v0;
	v14 =	vadd.f32 v11, v1;
	v16 =	vadd.f32 v16, v1;
	v11 =	vld [tilespmem:s21+$0x870]  }
0x2e2: {  	v4 =	vsel vm1, v4, v6;
	v6 =	vld [tilespmem:s21+$0xC00];
	vm1 =	veq.s32 v59, $0x0;
	v8 =	vadd.f32 v8, v1  }
0x2e3: {  	[tilespmem:s21+$0x470] =	vst v4;
	v4 =	vld [tilespmem:s21+$0xC10];
	v5 =	vsel vm2, v5, v14;
	v14 =	vadd.f32 v17, v1;
	v15 =	vsel vm3, v15, v16  }
0x2e4: {  	vm3 =	veq.s32 v32, $0x0;
	v16 =	vmul.f32 v9, v0;
	v17 =	vadd.f32 v7, v1;
	v7 =	vld [tilespmem:s21+$0xC30];
	[tilespmem:s21+$0x800] =	vst v5  }
0x2e5: {  	vm2 =	veq.s32 v63, $0x0;
	v5 =	vld [tilespmem:s21+$0xC20];
	[tilespmem:s21+$0x810] =	vst v15;
	v14 =	vsel vm12, v18, v14;
	v18 =	vmul.f32 v12, v0  }
0x2e6: {  	v13 =	vsel vm5, v13, v8;
	v8 =	vld [tilespmem:s21+$0xC40];
	v17 =	vsel vm4, v10, v17;
	[tilespmem:s21+$0x820] =	vst v14;
	v14 =	vadd.f32 v16, v1  }
0x2e7: {  	s23 =	simm.s32 $0x0;
	s22 =	simm.s32 $0x200;
	[tilespmem:s21+$0x830] =	vst v13;
	v10 =	vld [tilespmem:s21+$0xC50];
	v15 =	vmul.f32 v11, v0;
	v13 =	vmul.f32 v6, v0;
	v16 =	vadd.f32 v18, v1  }
.LBB2_15:
0x2e8: {  	_ = 	snop  }
0x2e9: {  	[tilespmem:s21+$0x840] =	vst v17;
	v17 =	vld [tilespmem:s21+$0xC60];
	v9 =	vsel vm8, v9, v14;
	v14 =	vadd.f32 v15, v1;
	v15 =	vmul.f32 v4, v0  }
0x2ea: {  	[tilespmem:s21+$0x850] =	vst v9;
	v9 =	vsel vm9, v12, v16;
	v12 =	vadd.f32 v13, v1;
	v16 =	vld [tilespmem:s21+$0xC70];
	v13 =	vmul.f32 v5, v0  }
0x2eb: {  	s23 =	sadd.s32 $0x80, s23;
	[tilespmem:s21+$0x860] =	vst v9;
	v9 =	vsel vm7, v11, v14;
	v14 =	vmul.f32 v7, v0;
	v11 =	vadd.f32 v15, v1;
	v15 =	vld [tilespmem:s21+$0x4C50]  }
0x2ec: {  	s24 =	sand.u32 $0x3000, s22;
	s25 =	sand.u32 $0x380, s23;
	[tilespmem:s21+$0x870] =	vst v9;
	v6 =	vsel vm6, v6, v12;
	v12 =	vmul.f32 v8, v0;
	v9 =	vadd.f32 v13, v1;
	v13 =	vld [tilespmem:s21+$0x4C60]  }
0x2ed: {  	s24 =	sor.u32 s25, s24;
	[tilespmem:s21+$0xC00] =	vst v6;
	v6 =	vadd.f32 v14, v1;
	v14 =	vld [tilespmem:s21+$0x4C70];
	v4 =	vsel vm3, v4, v11;
	v11 =	vmul.f32 v10, v0  }
0x2ee: {  	v18 =	vld [tilespmem:s24+$0x4000];
	[tilespmem:s21+$0xC10] =	vst v4;
	v4 =	vsel vm0, v5, v9;
	v5 =	vadd.f32 v12, v1;
	v9 =	vmul.f32 v17, v0  }
0x2ef: {  	v12 =	vld [tilespmem:s24+$0x4010];
	[tilespmem:s21+$0xC20] =	vst v4;
	v4 =	vsel vm1, v7, v6;
	v6 =	vadd.f32 v11, v1;
	v7 =	vmul.f32 v16, v0  }
0x2f0: {  	v11 =	vld [tilespmem:s24+$0x4020];
	[tilespmem:s21+$0xC30] =	vst v4;
	v4 =	vsel vm2, v8, v5;
	vm0 =	veq.s32 v15, $0x0;
	v5 =	vadd.f32 v9, v1  }
0x2f1: {  	v8 =	vld [tilespmem:s24+$0x4030];
	[tilespmem:s21+$0xC40] =	vst v4;
	v4 =	vsel vm0, v10, v6;
	vm0 =	veq.s32 v13, $0x0;
	v6 =	vadd.f32 v7, v1  }
0x2f2: {  	v7 =	vld [tilespmem:s24+$0x4040];
	[tilespmem:s21+$0xC50] =	vst v4;
	v4 =	vsel vm0, v17, v5;
	vm0 =	veq.s32 v14, $0x0  }
0x2f3: {  	v5 =	vld [tilespmem:s24+$0x4050];
	[tilespmem:s21+$0xC60] =	vst v4;
	v4 =	vsel vm0, v16, v6  }
0x2f4: {  	v6 =	vld [tilespmem:s24+$0x4060];
	[tilespmem:s21+$0xC70] =	vst v4;
	s21 =	smov.u32 s24  }
0x2f5: {  	v9 =	vld [tilespmem:s21+$0x4400];
	_ =	sdelay $0x1  }
0x2f6: {  	v10 =	vld [tilespmem:s21+$0x4410];
	_ =	sdelay $0x1  }
0x2f7: {  	v13 =	vld [tilespmem:s21+$0x4420]  }
0x2f8: {  	v14 =	vld [tilespmem:s21+$0x4430];
	vm14 =	veq.s32 v6, $0x0;
	v6 =	vimm.s32 $0x0;
	vm0 =	veq.s32 v9, $0x0  }
0x2f9: {  	v6 =	vsel vm0, $0xFFFFFFFF, v6  }
0x2fa: {  	v15 =	vld [tilespmem:s21+$0x4440];
	vm0 =	veq.s32 v10, $0x0;
	[tilespmem:$0x1FF20] =	vst v6;
	v6 =	vimm.s32 $0x0  }
0x2fb: {  	v6 =	vsel vm0, $0xFFFFFFFF, v6  }
0x2fc: {  	v16 =	vld [tilespmem:s21+$0x4450];
	vm4 =	veq.s32 v8, $0x0;
	vm0 =	veq.s32 v13, $0x0;
	[tilespmem:$0x1FF30] =	vst v6;
	v6 =	vimm.s32 $0x0  }
0x2fd: {  	v17 =	vld [tilespmem:s21+$0x4460];
	v8 =	vimm.s32 $0x0;
	v6 =	vsel vm0, $0xFFFFFFFF, v6;
	vm0 =	veq.s32 v14, $0x0  }
0x2fe: {  	v8 =	vsel vm0, $0xFFFFFFFF, v8  }
0x2ff: {  	v19 =	vld [tilespmem:s21+$0x4470];
	vm0 =	veq.s32 v15, $0x0;
	[tilespmem:$0x1FF50] =	vst v8;
	v8 =	vimm.s32 $0x0  }
0x300: {  	v4 =	vld [tilespmem:s21+$0x4070];
	v8 =	vsel vm0, $0xFFFFFFFF, v8  }
0x301: {  	v20 =	vld [tilespmem:s21+$0x4800];
	vm0 =	veq.s32 v16, $0x0;
	[tilespmem:$0x1FF60] =	vst v8;
	v8 =	vimm.s32 $0x0  }
0x302: {  	v21 =	vld [tilespmem:s21+$0x4810];
	v9 =	vimm.s32 $0x0;
	v8 =	vsel vm0, $0xFFFFFFFF, v8;
	vm0 =	veq.s32 v17, $0x0  }
0x303: {  	v22 =	vld [tilespmem:s21+$0x4820];
	v9 =	vsel vm0, $0xFFFFFFFF, v9  }
0x304: {  	v23 =	vld [tilespmem:s21+$0x4830];
	vm0 =	veq.s32 v19, $0x0;
	[tilespmem:$0x1FF80] =	vst v9;
	v9 =	vimm.s32 $0x0  }
0x305: {  	vm10 =	veq.s32 v12, $0x0;
	v24 =	vld [tilespmem:s21+$0x4840];
	v9 =	vsel vm0, $0xFFFFFFFF, v9  }
0x306: {  	v12 =	vld [tilespmem:s21+$0x4C20];
	vm12 =	veq.s32 v7, $0x0;
	vm0 =	veq.s32 v20, $0x0;
	[tilespmem:$0x1FF90] =	vst v9;
	v9 =	vimm.s32 $0x0  }
0x307: {  	v7 =	vld [tilespmem:s21+$0x4C30];
	v10 =	vimm.s32 $0x0;
	v9 =	vsel vm0, $0xFFFFFFFF, v9;
	vm0 =	veq.s32 v21, $0x0  }
0x308: {  	vm13 =	veq.s32 v5, $0x0;
	v5 =	vld [tilespmem:s21+$0x0];
	[tilespmem:$0x1FF40] =	vst v6;
	v10 =	vsel vm0, $0xFFFFFFFF, v10  }
0x309: {  	vm15 =	veq.s32 v4, $0x0;
	v4 =	vld [tilespmem:s21+$0x4C40];
	vm0 =	veq.s32 v22, $0x0;
	[tilespmem:$0x1FFB0] =	vst v10;
	v10 =	vimm.s32 $0x0  }
0x30a: {  	v6 =	vld [tilespmem:s21+$0x10];
	[tilespmem:$0x1FF70] =	vst v8;
	v10 =	vsel vm0, $0xFFFFFFFF, v10  }
0x30b: {  	vm11 =	veq.s32 v11, $0x0;
	v8 =	vld [tilespmem:s21+$0x20];
	vm0 =	veq.s32 v23, $0x0;
	[tilespmem:$0x1FFC0] =	vst v10;
	v10 =	vimm.s32 $0x0  }
0x30c: {  	v11 =	vimm.s32 $0x0;
	[tilespmem:$0x1FFA0] =	vst v9;
	v9 =	vld [tilespmem:s21+$0x30];
	v10 =	vsel vm0, $0xFFFFFFFF, v10;
	vm0 =	veq.s32 v24, $0x0  }
0x30d: {  	[tilespmem:$0x1FFD0] =	vst v10;
	v10 =	vld [tilespmem:s21+$0x40];
	v11 =	vsel vm0, $0xFFFFFFFF, v11  }
0x30e: {  	v13 =	vld [tilespmem:s21+$0x50];
	[tilespmem:$0x1FFE0] =	vst v11;
	v11 =	vmul.f32 v5, v0  }
0x30f: {  	vm5 =	veq.s32 v18, $0x0;
	vm1 =	veq.s32 v7, $0x0;
	v15 =	vld [tilespmem:s21+$0x60];
	v14 =	vmul.f32 v6, v0  }
0x310: {  	v16 =	vld [tilespmem:s21+$0x70];
	vm0 =	veq.s32 v12, $0x0;
	v12 =	vmul.f32 v8, v0;
	v11 =	vadd.f32 v11, v1  }
0x311: {  	vm2 =	veq.s32 v4, $0x0;
	v7 =	vadd.f32 v14, v1;
	v14 =	vmul.f32 v9, v0  }
0x312: {  	v4 =	vsel vm5, v5, v11;
	v5 =	vadd.f32 v12, v1;
	v11 =	vmul.f32 v10, v0  }
0x313: {  	[tilespmem:s21+$0x0] =	vst v4;
	v4 =	vsel vm10, v6, v7;
	v6 =	vadd.f32 v14, v1;
	v7 =	vmul.f32 v13, v0  }
0x314: {  	[tilespmem:s21+$0x10] =	vst v4;
	v4 =	vsel vm11, v8, v5;
	v5 =	vadd.f32 v11, v1;
	v8 =	vmul.f32 v15, v0  }
0x315: {  	[tilespmem:s21+$0x20] =	vst v4;
	v4 =	vsel vm4, v9, v6;
	v6 =	vadd.f32 v7, v1;
	v7 =	vmul.f32 v16, v0  }
0x316: {  	[tilespmem:s21+$0x30] =	vst v4;
	v4 =	vsel vm12, v10, v5;
	v5 =	vadd.f32 v8, v1  }
0x317: {  	v17 =	vld [tilespmem:s21+$0x400];
	[tilespmem:s21+$0x40] =	vst v4;
	v4 =	vsel vm13, v13, v6;
	v6 =	vadd.f32 v7, v1  }
0x318: {  	[tilespmem:s21+$0x50] =	vst v4;
	v4 =	vsel vm14, v15, v5  }
0x319: {  	[tilespmem:s21+$0x60] =	vst v4;
	v4 =	vsel vm15, v16, v6  }
0x31a: {  	[tilespmem:s21+$0x70] =	vst v4;
	v4 =	vld [tilespmem:$0x1FF20];
	_ =	sdelay $0x1  }
0x31b: {  	v8 =	vmul.f32 v17, v0;
	_ =	sdelay $0x1  }
0x31c: {  	v12 =	vld [tilespmem:s21+$0x410];
	v5 =	vadd.f32 v8, v1  }
0x31d: {  	vm4 =	vnez.u8 v4  }
0x31e: {  	v4 =	vsel vm4, v17, v5  }
0x31f: {  	[tilespmem:s21+$0x400] =	vst v4;
	v4 =	vld [tilespmem:$0x1FF30];
	_ =	sdelay $0x1  }
0x320: {  	v7 =	vmul.f32 v12, v0;
	_ =	sdelay $0x1  }
0x321: {  	v14 =	vld [tilespmem:s21+$0x420];
	v6 =	vadd.f32 v7, v1  }
0x322: {  	vm4 =	vnez.u8 v4  }
0x323: {  	v4 =	vsel vm4, v12, v6  }
0x324: {  	[tilespmem:s21+$0x410] =	vst v4;
	v4 =	vld [tilespmem:$0x1FF40];
	_ =	sdelay $0x1  }
0x325: {  	v8 =	vmul.f32 v14, v0;
	_ =	sdelay $0x1  }
0x326: {  	v11 =	vld [tilespmem:s21+$0x430];
	v5 =	vadd.f32 v8, v1  }
0x327: {  	vm4 =	vnez.u8 v4  }
0x328: {  	v4 =	vsel vm4, v14, v5  }
0x329: {  	[tilespmem:s21+$0x420] =	vst v4;
	v4 =	vld [tilespmem:$0x1FF50];
	_ =	sdelay $0x1  }
0x32a: {  	v7 =	vmul.f32 v11, v0;
	_ =	sdelay $0x1  }
0x32b: {  	v9 =	vld [tilespmem:s21+$0x440];
	v6 =	vadd.f32 v7, v1  }
0x32c: {  	vm4 =	vnez.u8 v4  }
0x32d: {  	v4 =	vsel vm4, v11, v6  }
0x32e: {  	[tilespmem:s21+$0x430] =	vst v4;
	v4 =	vld [tilespmem:$0x1FF60];
	_ =	sdelay $0x1  }
0x32f: {  	v8 =	vmul.f32 v9, v0;
	_ =	sdelay $0x1  }
0x330: {  	v10 =	vld [tilespmem:s21+$0x450];
	v5 =	vadd.f32 v8, v1  }
0x331: {  	vm4 =	vnez.u8 v4  }
0x332: {  	v4 =	vsel vm4, v9, v5  }
0x333: {  	[tilespmem:s21+$0x440] =	vst v4;
	v4 =	vld [tilespmem:$0x1FF70];
	_ =	sdelay $0x1  }
0x334: {  	v7 =	vmul.f32 v10, v0;
	_ =	sdelay $0x1  }
0x335: {  	v13 =	vld [tilespmem:s21+$0x460];
	v6 =	vadd.f32 v7, v1  }
0x336: {  	vm4 =	vnez.u8 v4  }
0x337: {  	v4 =	vsel vm4, v10, v6  }
0x338: {  	[tilespmem:s21+$0x450] =	vst v4;
	v4 =	vld [tilespmem:$0x1FF80];
	_ =	sdelay $0x1  }
0x339: {  	v8 =	vmul.f32 v13, v0;
	_ =	sdelay $0x1  }
0x33a: {  	v15 =	vld [tilespmem:s21+$0x470];
	v5 =	vadd.f32 v8, v1  }
0x33b: {  	vm4 =	vnez.u8 v4  }
0x33c: {  	v4 =	vsel vm4, v13, v5  }
0x33d: {  	[tilespmem:s21+$0x460] =	vst v4;
	v4 =	vld [tilespmem:$0x1FF90];
	_ =	sdelay $0x1  }
0x33e: {  	v7 =	vmul.f32 v15, v0;
	_ =	sdelay $0x1  }
0x33f: {  	v16 =	vld [tilespmem:s21+$0x800];
	v6 =	vadd.f32 v7, v1  }
0x340: {  	vm4 =	vnez.u8 v4  }
0x341: {  	v4 =	vsel vm4, v15, v6  }
0x342: {  	[tilespmem:s21+$0x470] =	vst v4;
	v4 =	vld [tilespmem:$0x1FFA0];
	_ =	sdelay $0x1  }
0x343: {  	v8 =	vmul.f32 v16, v0;
	_ =	sdelay $0x1  }
0x344: {  	v17 =	vld [tilespmem:s21+$0x810];
	v5 =	vadd.f32 v8, v1  }
0x345: {  	vm4 =	vnez.u8 v4  }
0x346: {  	v5 =	vsel vm4, v16, v5  }
0x347: {  	[tilespmem:s21+$0x800] =	vst v5;
	v5 =	vld [tilespmem:$0x1FFB0];
	_ =	sdelay $0x1  }
0x348: {  	v7 =	vmul.f32 v17, v0;
	_ =	sdelay $0x1  }
0x349: {  	v18 =	vld [tilespmem:s21+$0x820];
	v7 =	vadd.f32 v7, v1  }
0x34a: {  	vm4 =	vnez.u8 v5  }
0x34b: {  	v7 =	vsel vm4, v17, v7  }
0x34c: {  	[tilespmem:s21+$0x810] =	vst v7;
	v7 =	vld [tilespmem:$0x1FFC0];
	_ =	sdelay $0x1  }
0x34d: {  	v8 =	vmul.f32 v18, v0  }
0x34e: {  	v25 =	vld [tilespmem:s21+$0x4850]  }
0x34f: {  	v14 =	vld [tilespmem:s21+$0x830];
	v8 =	vadd.f32 v8, v1  }
0x350: {  	v26 =	vld [tilespmem:s21+$0x4860];
	vm4 =	vnez.u8 v7  }
0x351: {  	v27 =	vld [tilespmem:s21+$0x4870];
	v8 =	vsel vm4, v18, v8  }
0x352: {  	[tilespmem:s21+$0x820] =	vst v8;
	v8 =	vld [tilespmem:$0x1FFD0]  }
0x353: {  	v28 =	vld [tilespmem:s21+$0x4C00]  }
0x354: {  	v29 =	vld [tilespmem:s21+$0x4C10];
	v10 =	vmul.f32 v14, v0  }
0x355: {  	v19 =	vld [tilespmem:s21+$0x840]  }
0x356: {  	v12 =	vld [tilespmem:s21+$0x860];
	v10 =	vadd.f32 v10, v1  }
0x357: {  	v9 =	vld [tilespmem:s21+$0x850];
	vm4 =	vnez.u8 v8  }
0x358: {  	v11 =	vld [tilespmem:s21+$0x870];
	v10 =	vsel vm4, v14, v10  }
0x359: {  	[tilespmem:s21+$0x830] =	vst v10;
	v10 =	vld [tilespmem:$0x1FFE0]  }
0x35a: {  	p0 =	sne.s32 s22, $0x3E00;
	v6 =	vld [tilespmem:s21+$0xC00]  }
.Ltmp6:
0x35b: {  	vm8 =	veq.s32 v25, $0x0;
	vm9 =	veq.s32 v26, $0x0;
	v13 =	vmul.f32 v19, v0;
	v4 =	vld [tilespmem:s21+$0xC10];
	(pc) =	sbr.rel @p0 .LBB2_15-.Ltmp6, $4  }
0x35c: {  	vm7 =	veq.s32 v27, $0x0;
	v15 =	vmul.f32 v9, v0;
	v16 =	vmul.f32 v12, v0;
	v5 =	vld [tilespmem:s21+$0xC20]  }
0x35d: {  	vm6 =	veq.s32 v28, $0x0;
	vm3 =	veq.s32 v29, $0x0;
	v13 =	vadd.f32 v13, v1;
	v7 =	vld [tilespmem:s21+$0xC30]  }
0x35e: {  	v16 =	vadd.f32 v16, v1;
	v8 =	vld [tilespmem:s21+$0xC40];
	v14 =	vadd.f32 v15, v1;
	vm4 =	vnez.u8 v10  }
0x35f: {  	s22 =	sadd.s32 $0x200, s22;
	v15 =	vmul.f32 v11, v0;
	v10 =	vld [tilespmem:s21+$0xC50];
	v17 =	vsel vm4, v19, v13;
	v13 =	vmul.f32 v6, v0  }
0x360: {  	v9 =	vsel vm8, v9, v14  }
0x361: {  	v14 =	vadd.f32 v15, v1;
	[tilespmem:s21+$0x850] =	vst v9;
	v9 =	vsel vm9, v12, v16  }
0x362: {  	v12 =	vld [tilespmem:s21+$0xC60];
	[tilespmem:s21+$0x860] =	vst v9;
	v9 =	vmul.f32 v4, v0  }
0x363: {  	v13 =	vadd.f32 v13, v1;
	v15 =	vmul.f32 v5, v0;
	v16 =	vld [tilespmem:s21+$0xC70];
	v11 =	vsel vm7, v11, v14  }
0x364: {  	v14 =	vld [tilespmem:s21+$0x4C50];
	[tilespmem:s21+$0x870] =	vst v11;
	v9 =	vadd.f32 v9, v1;
	v11 =	vmul.f32 v7, v0  }
0x365: {  	[tilespmem:s21+$0x840] =	vst v17;
	v6 =	vsel vm6, v6, v13;
	v13 =	vld [tilespmem:s21+$0x4C60];
	v15 =	vadd.f32 v15, v1;
	v17 =	vmul.f32 v8, v0  }
0x366: {  	[tilespmem:s21+$0xC00] =	vst v6;
	v4 =	vsel vm3, v4, v9;
	v6 =	vadd.f32 v11, v1;
	v9 =	vmul.f32 v10, v0;
	v11 =	vld [tilespmem:s21+$0x4C70]  }
0x367: {  	[tilespmem:s21+$0xC10] =	vst v4;
	v4 =	vsel vm0, v5, v15;
	v5 =	vadd.f32 v17, v1;
	v15 =	vmul.f32 v12, v0  }
0x368: {  	[tilespmem:s21+$0xC20] =	vst v4;
	v4 =	vsel vm1, v7, v6;
	v6 =	vadd.f32 v9, v1;
	v7 =	vmul.f32 v16, v0  }
0x369: {  	vm0 =	veq.s32 v14, $0x0;
	[tilespmem:s21+$0xC30] =	vst v4;
	v4 =	vsel vm2, v8, v5;
	v5 =	vadd.f32 v15, v1  }
0x36a: {  	[tilespmem:s21+$0xC40] =	vst v4;
	v4 =	vsel vm0, v10, v6;
	vm0 =	veq.s32 v13, $0x0;
	v6 =	vadd.f32 v7, v1  }
0x36b: {  	[tilespmem:s21+$0xC50] =	vst v4;
	v4 =	vsel vm0, v12, v5;
	vm0 =	veq.s32 v11, $0x0  }
0x36c: {  	[tilespmem:s21+$0xC60] =	vst v4;
	v4 =	vsel vm0, v16, v6  }
0x36d: {  	s30 =	sadd.s32 s5, s20;
	s23 =	simm.s32 $0x0;
	[tilespmem:s21+$0xC70] =	vst v4  }
0x36e: {  	[hbm4b:s30+s23] =	stream.linear.scatter [tilespmem:s23], [sflag:$0x1], $0x4000, $0x38;
	[tilespmem:$0x8280] =	vst v63  }
0x36f: {  	_ =	swait.ge [sflag:s14], $0x4000  }
0x370: {  	s21 =	sadd.s32 $0x8000, s20;
	[sflag:s14] =	ssyncset.done $0x0  }
0x371: {  	s22 =	sadd.s32 s1, s21;
	[sflag:s14] =	ssyncadd.s32 $0xFFFFC000  }
0x372: {  	[tilespmem:s23], [sflag:$0x1] =	stream.linear.gather [hbm4b:s22+s23], $0x4000, $0x38;
	[tilespmem:$0x8280] =	vst v63  }
0x373: {  	_ =	swait.ge [sflag:s14], $0x4000  }
0x374: {  	s31 =	sand.u32 $0x3000, s23;
	s24 =	sand.u32 $0x380, s23;
	[sflag:s14] =	ssyncset.done $0x0  }
0x375: {  	s22 =	sor.u32 s24, s31;
	[sflag:s14] =	ssyncadd.s32 $0xFFFFC000  }
0x376: {  	v4 =	vld [tilespmem:s22+$0x4000]  }
0x377: {  	v5 =	vld [tilespmem:s22+$0x4010]  }
0x378: {  	v6 =	vld [tilespmem:s22+$0x4020]  }
0x379: {  	v7 =	vld [tilespmem:s22+$0x4030]  }
0x37a: {  	v8 =	vld [tilespmem:s22+$0x4040]  }
0x37b: {  	v9 =	vld [tilespmem:s22+$0x4050]  }
0x37c: {  	v10 =	vld [tilespmem:s22+$0x4060]  }
0x37d: {  	v11 =	vld [tilespmem:s22+$0x4070]  }
0x37e: {  	v12 =	vld [tilespmem:s22+$0x4400]  }
0x37f: {  	v13 =	vld [tilespmem:s22+$0x4410]  }
0x380: {  	v14 =	vld [tilespmem:s22+$0x4420]  }
0x381: {  	v15 =	vld [tilespmem:s22+$0x4430]  }
0x382: {  	v16 =	vld [tilespmem:s22+$0x4440]  }
0x383: {  	v17 =	vld [tilespmem:s22+$0x4450]  }
0x384: {  	v18 =	vld [tilespmem:s22+$0x4460]  }
0x385: {  	v19 =	vld [tilespmem:s22+$0x4470]  }
0x386: {  	v20 =	vld [tilespmem:s22+$0x4800]  }
0x387: {  	v21 =	vld [tilespmem:s22+$0x4810]  }
0x388: {  	v22 =	vld [tilespmem:s22+$0x4820]  }
0x389: {  	v23 =	vld [tilespmem:s22+$0x4830]  }
0x38a: {  	v24 =	vld [tilespmem:s22+$0x4840]  }
0x38b: {  	v28 =	vld [tilespmem:s22+$0x0]  }
0x38c: {  	v25 =	vld [tilespmem:s22+$0x4850]  }
0x38d: {  	v30 =	vld [tilespmem:s22+$0x10]  }
0x38e: {  	v31 =	vld [tilespmem:s22+$0x20]  }
0x38f: {  	v26 =	vld [tilespmem:s22+$0x4860]  }
0x390: {  	vm2 =	veq.s32 v4, $0x0;
	v4 =	vld [tilespmem:s22+$0x30];
	v33 =	vmul.f32 v28, v0  }
0x391: {  	vm3 =	veq.s32 v5, $0x0;
	vm4 =	veq.s32 v6, $0x0;
	vm8 =	veq.s32 v7, $0x0;
	v5 =	vld [tilespmem:s22+$0x40]  }
0x392: {  	vm7 =	veq.s32 v8, $0x0;
	v6 =	vld [tilespmem:s22+$0x50];
	v7 =	vmul.f32 v30, v0;
	vm6 =	veq.s32 v9, $0x0  }
0x393: {  	vm0 =	veq.s32 v10, $0x0;
	v9 =	vld [tilespmem:s22+$0x60];
	v10 =	vmul.f32 v31, v0;
	v8 =	vadd.f32 v33, v2  }
0x394: {  	v27 =	vld [tilespmem:s22+$0x4870];
	vm1 =	veq.s32 v11, $0x0;
	vm5 =	veq.s32 v14, $0x0;
	v7 =	vadd.f32 v7, v2  }
0x395: {  	v11 =	vld [tilespmem:s22+$0x70];
	vm12 =	veq.s32 v22, $0x0;
	v10 =	vadd.f32 v10, v2;
	v8 =	vsel vm2, v28, v8  }
0x396: {  	v29 =	vld [tilespmem:s22+$0x4C00];
	vm2 =	veq.s32 v12, $0x0;
	v7 =	vsel vm3, v30, v7;
	v12 =	vmul.f32 v4, v0  }
0x397: {  	vm3 =	veq.s32 v13, $0x0;
	v13 =	vld [tilespmem:s22+$0x400];
	v58 =	vmul.f32 v5, v0;
	v34 =	vmul.f32 v6, v0  }
0x398: {  	v14 =	vld [tilespmem:s22+$0x410];
	v10 =	vsel vm4, v31, v10;
	v60 =	vmul.f32 v9, v0;
	v12 =	vadd.f32 v12, v2  }
0x399: {  	v32 =	vld [tilespmem:s22+$0x4C10];
	vm4 =	veq.s32 v15, $0x0;
	v28 =	vadd.f32 v58, v2;
	v15 =	vadd.f32 v34, v2  }
0x39a: {  	v62 =	vmul.f32 v11, v0;
	v31 =	vadd.f32 v60, v2;
	v4 =	vsel vm8, v4, v12;
	v12 =	vld [tilespmem:s22+$0x420]  }
0x39b: {  	[tilespmem:s22+$0x10] =	vst v7;
	v7 =	vld [tilespmem:s22+$0x460];
	v5 =	vsel vm7, v5, v28;
	vm7 =	veq.s32 v16, $0x0;
	v6 =	vsel vm6, v6, v15  }
0x39c: {  	v61 =	vld [tilespmem:s22+$0x430];
	v15 =	vmul.f32 v13, v0;
	vm6 =	veq.s32 v17, $0x0;
	v9 =	vsel vm0, v9, v31  }
0x39d: {  	[tilespmem:s22+$0x0] =	vst v8;
	v16 =	vld [tilespmem:s22+$0x440];
	v17 =	vadd.f32 v62, v2;
	vm0 =	veq.s32 v18, $0x0;
	v18 =	vmul.f32 v14, v0  }
0x39e: {  	vm9 =	veq.s32 v26, $0x0;
	v8 =	vld [tilespmem:s22+$0x450];
	[tilespmem:s22+$0x20] =	vst v10;
	vm8 =	veq.s32 v25, $0x0;
	v15 =	vadd.f32 v15, v2  }
0x39f: {  	v57 =	vld [tilespmem:s22+$0x4C20];
	[tilespmem:s22+$0x30] =	vst v4;
	v11 =	vsel vm1, v11, v17;
	v10 =	vadd.f32 v18, v2;
	v17 =	vmul.f32 v12, v0  }
0x3a0: {  	v4 =	vld [tilespmem:s22+$0x470];
	[tilespmem:s22+$0x60] =	vst v9;
	v9 =	vmul.f32 v7, v0;
	vm1 =	veq.s32 v19, $0x0;
	v13 =	vsel vm2, v13, v15  }
0x3a1: {  	[tilespmem:s22+$0x40] =	vst v5;
	v5 =	vld [tilespmem:s22+$0x800];
	v15 =	vmul.f32 v61, v0;
	v10 =	vsel vm3, v14, v10;
	v17 =	vadd.f32 v17, v2  }
0x3a2: {  	v9 =	vadd.f32 v9, v2;
	vm2 =	veq.s32 v20, $0x0;
	v18 =	vmul.f32 v16, v0;
	[tilespmem:s22+$0x410] =	vst v10;
	v10 =	vld [tilespmem:s22+$0x840]  }
0x3a3: {  	[tilespmem:s22+$0x50] =	vst v6;
	v14 =	vadd.f32 v15, v2;
	v15 =	vld [tilespmem:s22+$0x810];
	v6 =	vsel vm5, v12, v17;
	v12 =	vmul.f32 v8, v0  }
0x3a4: {  	vm3 =	veq.s32 v21, $0x0;
	[tilespmem:s22+$0x400] =	vst v13;
	v13 =	vld [tilespmem:s22+$0x830];
	v7 =	vsel vm0, v7, v9;
	v17 =	vadd.f32 v18, v2  }
0x3a5: {  	[tilespmem:s22+$0x70] =	vst v11;
	vm0 =	veq.s32 v57, $0x0;
	v14 =	vsel vm4, v61, v14;
	v18 =	vld [tilespmem:s22+$0x820];
	v11 =	vadd.f32 v12, v2  }
0x3a6: {  	v59 =	vld [tilespmem:s22+$0x4C30];
	[tilespmem:s22+$0x460] =	vst v7;
	vm4 =	veq.s32 v24, $0x0;
	v12 =	vsel vm7, v16, v17;
	v16 =	vmul.f32 v4, v0  }
0x3a7: {  	v63 =	vld [tilespmem:s22+$0x4C40];
	vm5 =	veq.s32 v23, $0x0;
	[tilespmem:s22+$0x420] =	vst v6;
	v7 =	vmul.f32 v10, v0;
	v8 =	vsel vm6, v8, v11  }
0x3a8: {  	v9 =	vld [tilespmem:s22+$0x850];
	[tilespmem:s22+$0x440] =	vst v12;
	v11 =	vmul.f32 v5, v0;
	v6 =	vadd.f32 v16, v2;
	v16 =	vmul.f32 v15, v0  }
0x3a9: {  	vm7 =	veq.s32 v27, $0x0;
	v12 =	vld [tilespmem:s22+$0x860];
	vm6 =	veq.s32 v29, $0x0;
	[tilespmem:s22+$0x450] =	vst v8;
	v8 =	vmul.f32 v13, v0  }
0x3aa: {  	[tilespmem:s22+$0x430] =	vst v14;
	v17 =	vmul.f32 v18, v0;
	v14 =	vadd.f32 v11, v2;
	v16 =	vadd.f32 v16, v2;
	v11 =	vld [tilespmem:s22+$0x870]  }
0x3ab: {  	v4 =	vsel vm1, v4, v6;
	v6 =	vld [tilespmem:s22+$0xC00];
	vm1 =	veq.s32 v59, $0x0;
	v8 =	vadd.f32 v8, v2  }
0x3ac: {  	[tilespmem:s22+$0x470] =	vst v4;
	v4 =	vld [tilespmem:s22+$0xC10];
	v5 =	vsel vm2, v5, v14;
	v14 =	vadd.f32 v17, v2;
	v15 =	vsel vm3, v15, v16  }
0x3ad: {  	vm3 =	veq.s32 v32, $0x0;
	v16 =	vmul.f32 v9, v0;
	v17 =	vadd.f32 v7, v2;
	v7 =	vld [tilespmem:s22+$0xC30];
	[tilespmem:s22+$0x800] =	vst v5  }
0x3ae: {  	vm2 =	veq.s32 v63, $0x0;
	v5 =	vld [tilespmem:s22+$0xC20];
	[tilespmem:s22+$0x810] =	vst v15;
	v14 =	vsel vm12, v18, v14;
	v18 =	vmul.f32 v12, v0  }
0x3af: {  	v13 =	vsel vm5, v13, v8;
	v8 =	vld [tilespmem:s22+$0xC40];
	v17 =	vsel vm4, v10, v17;
	[tilespmem:s22+$0x820] =	vst v14;
	v14 =	vadd.f32 v16, v2  }
0x3b0: {  	s24 =	simm.s32 $0x200;
	[tilespmem:s22+$0x830] =	vst v13;
	v10 =	vld [tilespmem:s22+$0xC50];
	v15 =	vmul.f32 v11, v0;
	v13 =	vmul.f32 v6, v0;
	v16 =	vadd.f32 v18, v2  }
.LBB2_17:
0x3b1: {  	_ = 	snop  }
0x3b2: {  	[tilespmem:s22+$0x840] =	vst v17;
	v17 =	vld [tilespmem:s22+$0xC60];
	v9 =	vsel vm8, v9, v14;
	v14 =	vadd.f32 v15, v2;
	v15 =	vmul.f32 v4, v0  }
0x3b3: {  	[tilespmem:s22+$0x850] =	vst v9;
	v9 =	vsel vm9, v12, v16;
	v12 =	vadd.f32 v13, v2;
	v16 =	vld [tilespmem:s22+$0xC70];
	v13 =	vmul.f32 v5, v0  }
0x3b4: {  	s23 =	sadd.s32 $0x80, s23;
	[tilespmem:s22+$0x860] =	vst v9;
	v9 =	vsel vm7, v11, v14;
	v14 =	vmul.f32 v7, v0;
	v11 =	vadd.f32 v15, v2;
	v15 =	vld [tilespmem:s22+$0x4C50]  }
0x3b5: {  	s25 =	sand.u32 $0x3000, s24;
	s26 =	sand.u32 $0x380, s23;
	[tilespmem:s22+$0x870] =	vst v9;
	v6 =	vsel vm6, v6, v12;
	v12 =	vmul.f32 v8, v0;
	v9 =	vadd.f32 v13, v2;
	v13 =	vld [tilespmem:s22+$0x4C60]  }
0x3b6: {  	s25 =	sor.u32 s26, s25;
	[tilespmem:s22+$0xC00] =	vst v6;
	v6 =	vadd.f32 v14, v2;
	v14 =	vld [tilespmem:s22+$0x4C70];
	v4 =	vsel vm3, v4, v11;
	v11 =	vmul.f32 v10, v0  }
0x3b7: {  	v18 =	vld [tilespmem:s25+$0x4000];
	[tilespmem:s22+$0xC10] =	vst v4;
	v4 =	vsel vm0, v5, v9;
	v5 =	vadd.f32 v12, v2;
	v9 =	vmul.f32 v17, v0  }
0x3b8: {  	v12 =	vld [tilespmem:s25+$0x4010];
	[tilespmem:s22+$0xC20] =	vst v4;
	v4 =	vsel vm1, v7, v6;
	v6 =	vadd.f32 v11, v2;
	v7 =	vmul.f32 v16, v0  }
0x3b9: {  	v11 =	vld [tilespmem:s25+$0x4020];
	[tilespmem:s22+$0xC30] =	vst v4;
	v4 =	vsel vm2, v8, v5;
	vm0 =	veq.s32 v15, $0x0;
	v5 =	vadd.f32 v9, v2  }
0x3ba: {  	v8 =	vld [tilespmem:s25+$0x4030];
	[tilespmem:s22+$0xC40] =	vst v4;
	v4 =	vsel vm0, v10, v6;
	vm0 =	veq.s32 v13, $0x0;
	v6 =	vadd.f32 v7, v2  }
0x3bb: {  	v7 =	vld [tilespmem:s25+$0x4040];
	[tilespmem:s22+$0xC50] =	vst v4;
	v4 =	vsel vm0, v17, v5;
	vm0 =	veq.s32 v14, $0x0  }
0x3bc: {  	v5 =	vld [tilespmem:s25+$0x4050];
	[tilespmem:s22+$0xC60] =	vst v4;
	v4 =	vsel vm0, v16, v6  }
0x3bd: {  	v6 =	vld [tilespmem:s25+$0x4060];
	[tilespmem:s22+$0xC70] =	vst v4;
	s22 =	smov.u32 s25  }
0x3be: {  	v9 =	vld [tilespmem:s22+$0x4400];
	_ =	sdelay $0x1  }
0x3bf: {  	v10 =	vld [tilespmem:s22+$0x4410];
	_ =	sdelay $0x1  }
0x3c0: {  	v13 =	vld [tilespmem:s22+$0x4420]  }
0x3c1: {  	v14 =	vld [tilespmem:s22+$0x4430];
	vm14 =	veq.s32 v6, $0x0;
	v6 =	vimm.s32 $0x0;
	vm0 =	veq.s32 v9, $0x0  }
0x3c2: {  	v6 =	vsel vm0, $0xFFFFFFFF, v6  }
0x3c3: {  	v15 =	vld [tilespmem:s22+$0x4440];
	vm0 =	veq.s32 v10, $0x0;
	[tilespmem:$0x1FE50] =	vst v6;
	v6 =	vimm.s32 $0x0  }
0x3c4: {  	v6 =	vsel vm0, $0xFFFFFFFF, v6  }
0x3c5: {  	v16 =	vld [tilespmem:s22+$0x4450];
	vm4 =	veq.s32 v8, $0x0;
	vm0 =	veq.s32 v13, $0x0;
	[tilespmem:$0x1FE60] =	vst v6;
	v6 =	vimm.s32 $0x0  }
0x3c6: {  	v17 =	vld [tilespmem:s22+$0x4460];
	v8 =	vimm.s32 $0x0;
	v6 =	vsel vm0, $0xFFFFFFFF, v6;
	vm0 =	veq.s32 v14, $0x0  }
0x3c7: {  	v8 =	vsel vm0, $0xFFFFFFFF, v8  }
0x3c8: {  	v19 =	vld [tilespmem:s22+$0x4470];
	vm0 =	veq.s32 v15, $0x0;
	[tilespmem:$0x1FE80] =	vst v8;
	v8 =	vimm.s32 $0x0  }
0x3c9: {  	v4 =	vld [tilespmem:s22+$0x4070];
	v8 =	vsel vm0, $0xFFFFFFFF, v8  }
0x3ca: {  	v20 =	vld [tilespmem:s22+$0x4800];
	vm0 =	veq.s32 v16, $0x0;
	[tilespmem:$0x1FE90] =	vst v8;
	v8 =	vimm.s32 $0x0  }
0x3cb: {  	v21 =	vld [tilespmem:s22+$0x4810];
	v9 =	vimm.s32 $0x0;
	v8 =	vsel vm0, $0xFFFFFFFF, v8;
	vm0 =	veq.s32 v17, $0x0  }
0x3cc: {  	v22 =	vld [tilespmem:s22+$0x4820];
	v9 =	vsel vm0, $0xFFFFFFFF, v9  }
0x3cd: {  	v23 =	vld [tilespmem:s22+$0x4830];
	vm0 =	veq.s32 v19, $0x0;
	[tilespmem:$0x1FEB0] =	vst v9;
	v9 =	vimm.s32 $0x0  }
0x3ce: {  	vm10 =	veq.s32 v12, $0x0;
	v24 =	vld [tilespmem:s22+$0x4840];
	v9 =	vsel vm0, $0xFFFFFFFF, v9  }
0x3cf: {  	v12 =	vld [tilespmem:s22+$0x4C20];
	vm12 =	veq.s32 v7, $0x0;
	vm0 =	veq.s32 v20, $0x0;
	[tilespmem:$0x1FEC0] =	vst v9;
	v9 =	vimm.s32 $0x0  }
0x3d0: {  	v7 =	vld [tilespmem:s22+$0x4C30];
	v10 =	vimm.s32 $0x0;
	v9 =	vsel vm0, $0xFFFFFFFF, v9;
	vm0 =	veq.s32 v21, $0x0  }
0x3d1: {  	vm13 =	veq.s32 v5, $0x0;
	v5 =	vld [tilespmem:s22+$0x0];
	[tilespmem:$0x1FE70] =	vst v6;
	v10 =	vsel vm0, $0xFFFFFFFF, v10  }
0x3d2: {  	vm15 =	veq.s32 v4, $0x0;
	v4 =	vld [tilespmem:s22+$0x4C40];
	vm0 =	veq.s32 v22, $0x0;
	[tilespmem:$0x1FEE0] =	vst v10;
	v10 =	vimm.s32 $0x0  }
0x3d3: {  	v6 =	vld [tilespmem:s22+$0x10];
	[tilespmem:$0x1FEA0] =	vst v8;
	v10 =	vsel vm0, $0xFFFFFFFF, v10  }
0x3d4: {  	vm11 =	veq.s32 v11, $0x0;
	v8 =	vld [tilespmem:s22+$0x20];
	vm0 =	veq.s32 v23, $0x0;
	[tilespmem:$0x1FEF0] =	vst v10;
	v10 =	vimm.s32 $0x0  }
0x3d5: {  	v11 =	vimm.s32 $0x0;
	[tilespmem:$0x1FED0] =	vst v9;
	v9 =	vld [tilespmem:s22+$0x30];
	v10 =	vsel vm0, $0xFFFFFFFF, v10;
	vm0 =	veq.s32 v24, $0x0  }
0x3d6: {  	[tilespmem:$0x1FF00] =	vst v10;
	v10 =	vld [tilespmem:s22+$0x40];
	v11 =	vsel vm0, $0xFFFFFFFF, v11  }
0x3d7: {  	v13 =	vld [tilespmem:s22+$0x50];
	[tilespmem:$0x1FF10] =	vst v11;
	v11 =	vmul.f32 v5, v0  }
0x3d8: {  	vm5 =	veq.s32 v18, $0x0;
	vm1 =	veq.s32 v7, $0x0;
	v15 =	vld [tilespmem:s22+$0x60];
	v14 =	vmul.f32 v6, v0  }
0x3d9: {  	v16 =	vld [tilespmem:s22+$0x70];
	vm0 =	veq.s32 v12, $0x0;
	v12 =	vmul.f32 v8, v0;
	v11 =	vadd.f32 v11, v2  }
0x3da: {  	vm2 =	veq.s32 v4, $0x0;
	v7 =	vadd.f32 v14, v2;
	v14 =	vmul.f32 v9, v0  }
0x3db: {  	v4 =	vsel vm5, v5, v11;
	v5 =	vadd.f32 v12, v2;
	v11 =	vmul.f32 v10, v0  }
0x3dc: {  	[tilespmem:s22+$0x0] =	vst v4;
	v4 =	vsel vm10, v6, v7;
	v6 =	vadd.f32 v14, v2;
	v7 =	vmul.f32 v13, v0  }
0x3dd: {  	[tilespmem:s22+$0x10] =	vst v4;
	v4 =	vsel vm11, v8, v5;
	v5 =	vadd.f32 v11, v2;
	v8 =	vmul.f32 v15, v0  }
0x3de: {  	[tilespmem:s22+$0x20] =	vst v4;
	v4 =	vsel vm4, v9, v6;
	v6 =	vadd.f32 v7, v2;
	v7 =	vmul.f32 v16, v0  }
0x3df: {  	[tilespmem:s22+$0x30] =	vst v4;
	v4 =	vsel vm12, v10, v5;
	v5 =	vadd.f32 v8, v2  }
0x3e0: {  	v17 =	vld [tilespmem:s22+$0x400];
	[tilespmem:s22+$0x40] =	vst v4;
	v4 =	vsel vm13, v13, v6;
	v6 =	vadd.f32 v7, v2  }
0x3e1: {  	[tilespmem:s22+$0x50] =	vst v4;
	v4 =	vsel vm14, v15, v5  }
0x3e2: {  	[tilespmem:s22+$0x60] =	vst v4;
	v4 =	vsel vm15, v16, v6  }
0x3e3: {  	[tilespmem:s22+$0x70] =	vst v4;
	v4 =	vld [tilespmem:$0x1FE50];
	_ =	sdelay $0x1  }
0x3e4: {  	v8 =	vmul.f32 v17, v0;
	_ =	sdelay $0x1  }
0x3e5: {  	v12 =	vld [tilespmem:s22+$0x410];
	v5 =	vadd.f32 v8, v2  }
0x3e6: {  	vm4 =	vnez.u8 v4  }
0x3e7: {  	v4 =	vsel vm4, v17, v5  }
0x3e8: {  	[tilespmem:s22+$0x400] =	vst v4;
	v4 =	vld [tilespmem:$0x1FE60];
	_ =	sdelay $0x1  }
0x3e9: {  	v7 =	vmul.f32 v12, v0;
	_ =	sdelay $0x1  }
0x3ea: {  	v14 =	vld [tilespmem:s22+$0x420];
	v6 =	vadd.f32 v7, v2  }
0x3eb: {  	vm4 =	vnez.u8 v4  }
0x3ec: {  	v4 =	vsel vm4, v12, v6  }
0x3ed: {  	[tilespmem:s22+$0x410] =	vst v4;
	v4 =	vld [tilespmem:$0x1FE70];
	_ =	sdelay $0x1  }
0x3ee: {  	v8 =	vmul.f32 v14, v0;
	_ =	sdelay $0x1  }
0x3ef: {  	v11 =	vld [tilespmem:s22+$0x430];
	v5 =	vadd.f32 v8, v2  }
0x3f0: {  	vm4 =	vnez.u8 v4  }
0x3f1: {  	v4 =	vsel vm4, v14, v5  }
0x3f2: {  	[tilespmem:s22+$0x420] =	vst v4;
	v4 =	vld [tilespmem:$0x1FE80];
	_ =	sdelay $0x1  }
0x3f3: {  	v7 =	vmul.f32 v11, v0;
	_ =	sdelay $0x1  }
0x3f4: {  	v9 =	vld [tilespmem:s22+$0x440];
	v6 =	vadd.f32 v7, v2  }
0x3f5: {  	vm4 =	vnez.u8 v4  }
0x3f6: {  	v4 =	vsel vm4, v11, v6  }
0x3f7: {  	[tilespmem:s22+$0x430] =	vst v4;
	v4 =	vld [tilespmem:$0x1FE90];
	_ =	sdelay $0x1  }
0x3f8: {  	v8 =	vmul.f32 v9, v0;
	_ =	sdelay $0x1  }
0x3f9: {  	v10 =	vld [tilespmem:s22+$0x450];
	v5 =	vadd.f32 v8, v2  }
0x3fa: {  	vm4 =	vnez.u8 v4  }
0x3fb: {  	v4 =	vsel vm4, v9, v5  }
0x3fc: {  	[tilespmem:s22+$0x440] =	vst v4;
	v4 =	vld [tilespmem:$0x1FEA0];
	_ =	sdelay $0x1  }
0x3fd: {  	v7 =	vmul.f32 v10, v0;
	_ =	sdelay $0x1  }
0x3fe: {  	v13 =	vld [tilespmem:s22+$0x460];
	v6 =	vadd.f32 v7, v2  }
0x3ff: {  	vm4 =	vnez.u8 v4  }
0x400: {  	v4 =	vsel vm4, v10, v6  }
0x401: {  	[tilespmem:s22+$0x450] =	vst v4;
	v4 =	vld [tilespmem:$0x1FEB0];
	_ =	sdelay $0x1  }
0x402: {  	v8 =	vmul.f32 v13, v0;
	_ =	sdelay $0x1  }
0x403: {  	v15 =	vld [tilespmem:s22+$0x470];
	v5 =	vadd.f32 v8, v2  }
0x404: {  	vm4 =	vnez.u8 v4  }
0x405: {  	v4 =	vsel vm4, v13, v5  }
0x406: {  	[tilespmem:s22+$0x460] =	vst v4;
	v4 =	vld [tilespmem:$0x1FEC0];
	_ =	sdelay $0x1  }
0x407: {  	v7 =	vmul.f32 v15, v0;
	_ =	sdelay $0x1  }
0x408: {  	v16 =	vld [tilespmem:s22+$0x800];
	v6 =	vadd.f32 v7, v2  }
0x409: {  	vm4 =	vnez.u8 v4  }
0x40a: {  	v4 =	vsel vm4, v15, v6  }
0x40b: {  	[tilespmem:s22+$0x470] =	vst v4;
	v4 =	vld [tilespmem:$0x1FED0];
	_ =	sdelay $0x1  }
0x40c: {  	v8 =	vmul.f32 v16, v0;
	_ =	sdelay $0x1  }
0x40d: {  	v17 =	vld [tilespmem:s22+$0x810];
	v5 =	vadd.f32 v8, v2  }
0x40e: {  	vm4 =	vnez.u8 v4  }
0x40f: {  	v5 =	vsel vm4, v16, v5  }
0x410: {  	[tilespmem:s22+$0x800] =	vst v5;
	v5 =	vld [tilespmem:$0x1FEE0];
	_ =	sdelay $0x1  }
0x411: {  	v7 =	vmul.f32 v17, v0;
	_ =	sdelay $0x1  }
0x412: {  	v18 =	vld [tilespmem:s22+$0x820];
	v7 =	vadd.f32 v7, v2  }
0x413: {  	vm4 =	vnez.u8 v5  }
0x414: {  	v7 =	vsel vm4, v17, v7  }
0x415: {  	[tilespmem:s22+$0x810] =	vst v7;
	v7 =	vld [tilespmem:$0x1FEF0];
	_ =	sdelay $0x1  }
0x416: {  	v8 =	vmul.f32 v18, v0  }
0x417: {  	v25 =	vld [tilespmem:s22+$0x4850]  }
0x418: {  	v14 =	vld [tilespmem:s22+$0x830];
	v8 =	vadd.f32 v8, v2  }
0x419: {  	v26 =	vld [tilespmem:s22+$0x4860];
	vm4 =	vnez.u8 v7  }
0x41a: {  	v27 =	vld [tilespmem:s22+$0x4870];
	v8 =	vsel vm4, v18, v8  }
0x41b: {  	[tilespmem:s22+$0x820] =	vst v8;
	v8 =	vld [tilespmem:$0x1FF00]  }
0x41c: {  	v28 =	vld [tilespmem:s22+$0x4C00]  }
0x41d: {  	v29 =	vld [tilespmem:s22+$0x4C10];
	v10 =	vmul.f32 v14, v0  }
0x41e: {  	v19 =	vld [tilespmem:s22+$0x840]  }
0x41f: {  	v12 =	vld [tilespmem:s22+$0x860];
	v10 =	vadd.f32 v10, v2  }
0x420: {  	v9 =	vld [tilespmem:s22+$0x850];
	vm4 =	vnez.u8 v8  }
0x421: {  	v11 =	vld [tilespmem:s22+$0x870];
	v10 =	vsel vm4, v14, v10  }
0x422: {  	[tilespmem:s22+$0x830] =	vst v10;
	v10 =	vld [tilespmem:$0x1FF10]  }
0x423: {  	p0 =	sne.s32 s24, $0x3E00;
	v6 =	vld [tilespmem:s22+$0xC00]  }
.Ltmp7:
0x424: {  	vm8 =	veq.s32 v25, $0x0;
	vm9 =	veq.s32 v26, $0x0;
	v13 =	vmul.f32 v19, v0;
	v4 =	vld [tilespmem:s22+$0xC10];
	(pc) =	sbr.rel @p0 .LBB2_17-.Ltmp7, $4  }
0x425: {  	vm7 =	veq.s32 v27, $0x0;
	v15 =	vmul.f32 v9, v0;
	v16 =	vmul.f32 v12, v0;
	v5 =	vld [tilespmem:s22+$0xC20]  }
0x426: {  	vm6 =	veq.s32 v28, $0x0;
	vm3 =	veq.s32 v29, $0x0;
	v13 =	vadd.f32 v13, v2;
	v7 =	vld [tilespmem:s22+$0xC30]  }
0x427: {  	v16 =	vadd.f32 v16, v2;
	v8 =	vld [tilespmem:s22+$0xC40];
	v14 =	vadd.f32 v15, v2;
	vm4 =	vnez.u8 v10  }
0x428: {  	s24 =	sadd.s32 $0x200, s24;
	v15 =	vmul.f32 v11, v0;
	v10 =	vld [tilespmem:s22+$0xC50];
	v17 =	vsel vm4, v19, v13;
	v13 =	vmul.f32 v6, v0  }
0x429: {  	v9 =	vsel vm8, v9, v14  }
0x42a: {  	v14 =	vadd.f32 v15, v2;
	[tilespmem:s22+$0x850] =	vst v9;
	v9 =	vsel vm9, v12, v16  }
0x42b: {  	v12 =	vld [tilespmem:s22+$0xC60];
	[tilespmem:s22+$0x860] =	vst v9;
	v9 =	vmul.f32 v4, v0  }
0x42c: {  	v13 =	vadd.f32 v13, v2;
	v15 =	vmul.f32 v5, v0;
	v16 =	vld [tilespmem:s22+$0xC70];
	v11 =	vsel vm7, v11, v14  }
0x42d: {  	v14 =	vld [tilespmem:s22+$0x4C50];
	[tilespmem:s22+$0x870] =	vst v11;
	v9 =	vadd.f32 v9, v2;
	v11 =	vmul.f32 v7, v0  }
0x42e: {  	[tilespmem:s22+$0x840] =	vst v17;
	v6 =	vsel vm6, v6, v13;
	v13 =	vld [tilespmem:s22+$0x4C60];
	v15 =	vadd.f32 v15, v2;
	v17 =	vmul.f32 v8, v0  }
0x42f: {  	[tilespmem:s22+$0xC00] =	vst v6;
	v4 =	vsel vm3, v4, v9;
	v6 =	vadd.f32 v11, v2;
	v9 =	vmul.f32 v10, v0;
	v11 =	vld [tilespmem:s22+$0x4C70]  }
0x430: {  	[tilespmem:s22+$0xC10] =	vst v4;
	v4 =	vsel vm0, v5, v15;
	v5 =	vadd.f32 v17, v2;
	v15 =	vmul.f32 v12, v0  }
0x431: {  	[tilespmem:s22+$0xC20] =	vst v4;
	v4 =	vsel vm1, v7, v6;
	v6 =	vadd.f32 v9, v2;
	v7 =	vmul.f32 v16, v0  }
0x432: {  	vm0 =	veq.s32 v14, $0x0;
	[tilespmem:s22+$0xC30] =	vst v4;
	v4 =	vsel vm2, v8, v5;
	v5 =	vadd.f32 v15, v2  }
0x433: {  	[tilespmem:s22+$0xC40] =	vst v4;
	v4 =	vsel vm0, v10, v6;
	vm0 =	veq.s32 v13, $0x0;
	v6 =	vadd.f32 v7, v2  }
0x434: {  	[tilespmem:s22+$0xC50] =	vst v4;
	v4 =	vsel vm0, v12, v5;
	vm0 =	veq.s32 v11, $0x0  }
0x435: {  	[tilespmem:s22+$0xC60] =	vst v4;
	v4 =	vsel vm0, v16, v6  }
0x436: {  	s21 =	sadd.s32 s5, s21;
	[tilespmem:s22+$0xC70] =	vst v4;
	s22 =	simm.s32 $0x0  }
0x437: {  	[hbm4b:s21+s22] =	stream.linear.scatter [tilespmem:s22], [sflag:$0x1], $0x4000, $0x38;
	[tilespmem:$0x8280] =	vst v63  }
0x438: {  	_ =	swait.ge [sflag:s14], $0x4000  }
0x439: {  	s20 =	sadd.s32 $0x10000, s20;
	[sflag:s14] =	ssyncset.done $0x0  }
0x43a: {  	s30 =	sadd.s32 s1, s20;
	[sflag:s14] =	ssyncadd.s32 $0xFFFFC000  }
0x43b: {  	[tilespmem:s22], [sflag:$0x1] =	stream.linear.gather [hbm4b:s30+s22], $0x4000, $0x38;
	[tilespmem:$0x8280] =	vst v63  }
0x43c: {  	_ =	swait.ge [sflag:s14], $0x4000  }
0x43d: {  	s31 =	sand.u32 $0x3000, s22;
	s23 =	sand.u32 $0x380, s22;
	[sflag:s14] =	ssyncset.done $0x0  }
0x43e: {  	s21 =	sor.u32 s23, s31;
	[sflag:s14] =	ssyncadd.s32 $0xFFFFC000  }
0x43f: {  	v4 =	vld [tilespmem:s21+$0x4000]  }
0x440: {  	v5 =	vld [tilespmem:s21+$0x4010]  }
0x441: {  	v6 =	vld [tilespmem:s21+$0x4020]  }
0x442: {  	v7 =	vld [tilespmem:s21+$0x4030]  }
0x443: {  	v8 =	vld [tilespmem:s21+$0x4040]  }
0x444: {  	v9 =	vld [tilespmem:s21+$0x4050]  }
0x445: {  	v10 =	vld [tilespmem:s21+$0x4060]  }
0x446: {  	v11 =	vld [tilespmem:s21+$0x4070]  }
0x447: {  	v12 =	vld [tilespmem:s21+$0x4400]  }
0x448: {  	v13 =	vld [tilespmem:s21+$0x4410]  }
0x449: {  	v14 =	vld [tilespmem:s21+$0x4420]  }
0x44a: {  	v15 =	vld [tilespmem:s21+$0x4430]  }
0x44b: {  	v16 =	vld [tilespmem:s21+$0x4440]  }
0x44c: {  	v17 =	vld [tilespmem:s21+$0x4450]  }
0x44d: {  	v18 =	vld [tilespmem:s21+$0x4460]  }
0x44e: {  	v19 =	vld [tilespmem:s21+$0x4470]  }
0x44f: {  	v20 =	vld [tilespmem:s21+$0x4800]  }
0x450: {  	v21 =	vld [tilespmem:s21+$0x4810]  }
0x451: {  	v22 =	vld [tilespmem:s21+$0x4820]  }
0x452: {  	v23 =	vld [tilespmem:s21+$0x4830]  }
0x453: {  	v24 =	vld [tilespmem:s21+$0x4840]  }
0x454: {  	v28 =	vld [tilespmem:s21+$0x0]  }
0x455: {  	v25 =	vld [tilespmem:s21+$0x4850]  }
0x456: {  	v30 =	vld [tilespmem:s21+$0x10]  }
0x457: {  	v31 =	vld [tilespmem:s21+$0x20]  }
0x458: {  	v26 =	vld [tilespmem:s21+$0x4860]  }
0x459: {  	vm2 =	veq.s32 v4, $0x0;
	v4 =	vld [tilespmem:s21+$0x30];
	v33 =	vmul.f32 v28, v0  }
0x45a: {  	vm3 =	veq.s32 v5, $0x0;
	vm4 =	veq.s32 v6, $0x0;
	vm8 =	veq.s32 v7, $0x0;
	v5 =	vld [tilespmem:s21+$0x40]  }
0x45b: {  	vm7 =	veq.s32 v8, $0x0;
	v6 =	vld [tilespmem:s21+$0x50];
	v7 =	vmul.f32 v30, v0;
	vm6 =	veq.s32 v9, $0x0  }
0x45c: {  	vm0 =	veq.s32 v10, $0x0;
	v9 =	vld [tilespmem:s21+$0x60];
	v10 =	vmul.f32 v31, v0;
	v8 =	vadd.f32 v33, v3  }
0x45d: {  	v27 =	vld [tilespmem:s21+$0x4870];
	vm1 =	veq.s32 v11, $0x0;
	vm5 =	veq.s32 v14, $0x0;
	v7 =	vadd.f32 v7, v3  }
0x45e: {  	v11 =	vld [tilespmem:s21+$0x70];
	vm12 =	veq.s32 v22, $0x0;
	v10 =	vadd.f32 v10, v3;
	v8 =	vsel vm2, v28, v8  }
0x45f: {  	v29 =	vld [tilespmem:s21+$0x4C00];
	vm2 =	veq.s32 v12, $0x0;
	v7 =	vsel vm3, v30, v7;
	v12 =	vmul.f32 v4, v0  }
0x460: {  	vm3 =	veq.s32 v13, $0x0;
	v13 =	vld [tilespmem:s21+$0x400];
	v58 =	vmul.f32 v5, v0;
	v34 =	vmul.f32 v6, v0  }
0x461: {  	v14 =	vld [tilespmem:s21+$0x410];
	v10 =	vsel vm4, v31, v10;
	v60 =	vmul.f32 v9, v0;
	v12 =	vadd.f32 v12, v3  }
0x462: {  	v32 =	vld [tilespmem:s21+$0x4C10];
	vm4 =	veq.s32 v15, $0x0;
	v28 =	vadd.f32 v58, v3;
	v15 =	vadd.f32 v34, v3  }
0x463: {  	v62 =	vmul.f32 v11, v0;
	v31 =	vadd.f32 v60, v3;
	v4 =	vsel vm8, v4, v12;
	v12 =	vld [tilespmem:s21+$0x420]  }
0x464: {  	[tilespmem:s21+$0x10] =	vst v7;
	v7 =	vld [tilespmem:s21+$0x460];
	v5 =	vsel vm7, v5, v28;
	vm7 =	veq.s32 v16, $0x0;
	v6 =	vsel vm6, v6, v15  }
0x465: {  	v61 =	vld [tilespmem:s21+$0x430];
	v15 =	vmul.f32 v13, v0;
	vm6 =	veq.s32 v17, $0x0;
	v9 =	vsel vm0, v9, v31  }
0x466: {  	[tilespmem:s21+$0x0] =	vst v8;
	v16 =	vld [tilespmem:s21+$0x440];
	v17 =	vadd.f32 v62, v3;
	vm0 =	veq.s32 v18, $0x0;
	v18 =	vmul.f32 v14, v0  }
0x467: {  	vm9 =	veq.s32 v26, $0x0;
	v8 =	vld [tilespmem:s21+$0x450];
	[tilespmem:s21+$0x20] =	vst v10;
	vm8 =	veq.s32 v25, $0x0;
	v15 =	vadd.f32 v15, v3  }
0x468: {  	v57 =	vld [tilespmem:s21+$0x4C20];
	[tilespmem:s21+$0x30] =	vst v4;
	v11 =	vsel vm1, v11, v17;
	v10 =	vadd.f32 v18, v3;
	v17 =	vmul.f32 v12, v0  }
0x469: {  	v4 =	vld [tilespmem:s21+$0x470];
	[tilespmem:s21+$0x60] =	vst v9;
	v9 =	vmul.f32 v7, v0;
	vm1 =	veq.s32 v19, $0x0;
	v13 =	vsel vm2, v13, v15  }
0x46a: {  	[tilespmem:s21+$0x40] =	vst v5;
	v5 =	vld [tilespmem:s21+$0x800];
	v15 =	vmul.f32 v61, v0;
	v10 =	vsel vm3, v14, v10;
	v17 =	vadd.f32 v17, v3  }
0x46b: {  	v9 =	vadd.f32 v9, v3;
	vm2 =	veq.s32 v20, $0x0;
	v18 =	vmul.f32 v16, v0;
	[tilespmem:s21+$0x410] =	vst v10;
	v10 =	vld [tilespmem:s21+$0x840]  }
0x46c: {  	[tilespmem:s21+$0x50] =	vst v6;
	v14 =	vadd.f32 v15, v3;
	v15 =	vld [tilespmem:s21+$0x810];
	v6 =	vsel vm5, v12, v17;
	v12 =	vmul.f32 v8, v0  }
0x46d: {  	vm3 =	veq.s32 v21, $0x0;
	[tilespmem:s21+$0x400] =	vst v13;
	v13 =	vld [tilespmem:s21+$0x830];
	v7 =	vsel vm0, v7, v9;
	v17 =	vadd.f32 v18, v3  }
0x46e: {  	[tilespmem:s21+$0x70] =	vst v11;
	vm0 =	veq.s32 v57, $0x0;
	v14 =	vsel vm4, v61, v14;
	v18 =	vld [tilespmem:s21+$0x820];
	v11 =	vadd.f32 v12, v3  }
0x46f: {  	v59 =	vld [tilespmem:s21+$0x4C30];
	[tilespmem:s21+$0x460] =	vst v7;
	vm4 =	veq.s32 v24, $0x0;
	v12 =	vsel vm7, v16, v17;
	v16 =	vmul.f32 v4, v0  }
0x470: {  	v63 =	vld [tilespmem:s21+$0x4C40];
	vm5 =	veq.s32 v23, $0x0;
	[tilespmem:s21+$0x420] =	vst v6;
	v7 =	vmul.f32 v10, v0;
	v8 =	vsel vm6, v8, v11  }
0x471: {  	v9 =	vld [tilespmem:s21+$0x850];
	[tilespmem:s21+$0x440] =	vst v12;
	v11 =	vmul.f32 v5, v0;
	v6 =	vadd.f32 v16, v3;
	v16 =	vmul.f32 v15, v0  }
0x472: {  	vm7 =	veq.s32 v27, $0x0;
	v12 =	vld [tilespmem:s21+$0x860];
	vm6 =	veq.s32 v29, $0x0;
	[tilespmem:s21+$0x450] =	vst v8;
	v8 =	vmul.f32 v13, v0  }
0x473: {  	[tilespmem:s21+$0x430] =	vst v14;
	v17 =	vmul.f32 v18, v0;
	v14 =	vadd.f32 v11, v3;
	v16 =	vadd.f32 v16, v3;
	v11 =	vld [tilespmem:s21+$0x870]  }
0x474: {  	v4 =	vsel vm1, v4, v6;
	v6 =	vld [tilespmem:s21+$0xC00];
	vm1 =	veq.s32 v59, $0x0;
	v8 =	vadd.f32 v8, v3  }
0x475: {  	[tilespmem:s21+$0x470] =	vst v4;
	v4 =	vld [tilespmem:s21+$0xC10];
	v5 =	vsel vm2, v5, v14;
	v14 =	vadd.f32 v17, v3;
	v15 =	vsel vm3, v15, v16  }
0x476: {  	vm3 =	veq.s32 v32, $0x0;
	v16 =	vmul.f32 v9, v0;
	v17 =	vadd.f32 v7, v3;
	v7 =	vld [tilespmem:s21+$0xC30];
	[tilespmem:s21+$0x800] =	vst v5  }
0x477: {  	vm2 =	veq.s32 v63, $0x0;
	v5 =	vld [tilespmem:s21+$0xC20];
	[tilespmem:s21+$0x810] =	vst v15;
	v14 =	vsel vm12, v18, v14;
	v18 =	vmul.f32 v12, v0  }
0x478: {  	v13 =	vsel vm5, v13, v8;
	v8 =	vld [tilespmem:s21+$0xC40];
	v17 =	vsel vm4, v10, v17;
	[tilespmem:s21+$0x820] =	vst v14;
	v14 =	vadd.f32 v16, v3  }
0x479: {  	s23 =	simm.s32 $0x200;
	[tilespmem:s21+$0x830] =	vst v13;
	v10 =	vld [tilespmem:s21+$0xC50];
	v15 =	vmul.f32 v11, v0;
	v13 =	vmul.f32 v6, v0;
	v16 =	vadd.f32 v18, v3  }
.LBB2_19:
0x47a: {  	_ = 	snop  }
0x47b: {  	[tilespmem:s21+$0x840] =	vst v17;
	v17 =	vld [tilespmem:s21+$0xC60];
	v9 =	vsel vm8, v9, v14;
	v14 =	vadd.f32 v15, v3;
	v15 =	vmul.f32 v4, v0  }
0x47c: {  	[tilespmem:s21+$0x850] =	vst v9;
	v9 =	vsel vm9, v12, v16;
	v12 =	vadd.f32 v13, v3;
	v16 =	vld [tilespmem:s21+$0xC70];
	v13 =	vmul.f32 v5, v0  }
0x47d: {  	s22 =	sadd.s32 $0x80, s22;
	[tilespmem:s21+$0x860] =	vst v9;
	v9 =	vsel vm7, v11, v14;
	v14 =	vmul.f32 v7, v0;
	v11 =	vadd.f32 v15, v3;
	v15 =	vld [tilespmem:s21+$0x4C50]  }
0x47e: {  	s24 =	sand.u32 $0x3000, s23;
	s25 =	sand.u32 $0x380, s22;
	[tilespmem:s21+$0x870] =	vst v9;
	v6 =	vsel vm6, v6, v12;
	v12 =	vmul.f32 v8, v0;
	v9 =	vadd.f32 v13, v3;
	v13 =	vld [tilespmem:s21+$0x4C60]  }
0x47f: {  	s24 =	sor.u32 s25, s24;
	[tilespmem:s21+$0xC00] =	vst v6;
	v6 =	vadd.f32 v14, v3;
	v14 =	vld [tilespmem:s21+$0x4C70];
	v4 =	vsel vm3, v4, v11;
	v11 =	vmul.f32 v10, v0  }
0x480: {  	v18 =	vld [tilespmem:s24+$0x4000];
	[tilespmem:s21+$0xC10] =	vst v4;
	v4 =	vsel vm0, v5, v9;
	v5 =	vadd.f32 v12, v3;
	v9 =	vmul.f32 v17, v0  }
0x481: {  	v12 =	vld [tilespmem:s24+$0x4010];
	[tilespmem:s21+$0xC20] =	vst v4;
	v4 =	vsel vm1, v7, v6;
	v6 =	vadd.f32 v11, v3;
	v7 =	vmul.f32 v16, v0  }
0x482: {  	v11 =	vld [tilespmem:s24+$0x4020];
	[tilespmem:s21+$0xC30] =	vst v4;
	v4 =	vsel vm2, v8, v5;
	vm0 =	veq.s32 v15, $0x0;
	v5 =	vadd.f32 v9, v3  }
0x483: {  	v8 =	vld [tilespmem:s24+$0x4030];
	[tilespmem:s21+$0xC40] =	vst v4;
	v4 =	vsel vm0, v10, v6;
	vm0 =	veq.s32 v13, $0x0;
	v6 =	vadd.f32 v7, v3  }
0x484: {  	v7 =	vld [tilespmem:s24+$0x4040];
	[tilespmem:s21+$0xC50] =	vst v4;
	v4 =	vsel vm0, v17, v5;
	vm0 =	veq.s32 v14, $0x0  }
0x485: {  	v5 =	vld [tilespmem:s24+$0x4050];
	[tilespmem:s21+$0xC60] =	vst v4;
	v4 =	vsel vm0, v16, v6  }
0x486: {  	v6 =	vld [tilespmem:s24+$0x4060];
	[tilespmem:s21+$0xC70] =	vst v4;
	s21 =	smov.u32 s24  }
0x487: {  	v9 =	vld [tilespmem:s21+$0x4400];
	_ =	sdelay $0x1  }
0x488: {  	v10 =	vld [tilespmem:s21+$0x4410];
	_ =	sdelay $0x1  }
0x489: {  	v13 =	vld [tilespmem:s21+$0x4420]  }
0x48a: {  	v14 =	vld [tilespmem:s21+$0x4430];
	vm14 =	veq.s32 v6, $0x0;
	v6 =	vimm.s32 $0x0;
	vm0 =	veq.s32 v9, $0x0  }
0x48b: {  	v6 =	vsel vm0, $0xFFFFFFFF, v6  }
0x48c: {  	v15 =	vld [tilespmem:s21+$0x4440];
	vm0 =	veq.s32 v10, $0x0;
	[tilespmem:$0x1FD80] =	vst v6;
	v6 =	vimm.s32 $0x0  }
0x48d: {  	v6 =	vsel vm0, $0xFFFFFFFF, v6  }
0x48e: {  	v16 =	vld [tilespmem:s21+$0x4450];
	vm4 =	veq.s32 v8, $0x0;
	vm0 =	veq.s32 v13, $0x0;
	[tilespmem:$0x1FD90] =	vst v6;
	v6 =	vimm.s32 $0x0  }
0x48f: {  	v17 =	vld [tilespmem:s21+$0x4460];
	v8 =	vimm.s32 $0x0;
	v6 =	vsel vm0, $0xFFFFFFFF, v6;
	vm0 =	veq.s32 v14, $0x0  }
0x490: {  	v8 =	vsel vm0, $0xFFFFFFFF, v8  }
0x491: {  	v19 =	vld [tilespmem:s21+$0x4470];
	vm0 =	veq.s32 v15, $0x0;
	[tilespmem:$0x1FDB0] =	vst v8;
	v8 =	vimm.s32 $0x0  }
0x492: {  	v4 =	vld [tilespmem:s21+$0x4070];
	v8 =	vsel vm0, $0xFFFFFFFF, v8  }
0x493: {  	v20 =	vld [tilespmem:s21+$0x4800];
	vm0 =	veq.s32 v16, $0x0;
	[tilespmem:$0x1FDC0] =	vst v8;
	v8 =	vimm.s32 $0x0  }
0x494: {  	v21 =	vld [tilespmem:s21+$0x4810];
	v9 =	vimm.s32 $0x0;
	v8 =	vsel vm0, $0xFFFFFFFF, v8;
	vm0 =	veq.s32 v17, $0x0  }
0x495: {  	v22 =	vld [tilespmem:s21+$0x4820];
	v9 =	vsel vm0, $0xFFFFFFFF, v9  }
0x496: {  	v23 =	vld [tilespmem:s21+$0x4830];
	vm0 =	veq.s32 v19, $0x0;
	[tilespmem:$0x1FDE0] =	vst v9;
	v9 =	vimm.s32 $0x0  }
0x497: {  	vm10 =	veq.s32 v12, $0x0;
	v24 =	vld [tilespmem:s21+$0x4840];
	v9 =	vsel vm0, $0xFFFFFFFF, v9  }
0x498: {  	v12 =	vld [tilespmem:s21+$0x4C20];
	vm12 =	veq.s32 v7, $0x0;
	vm0 =	veq.s32 v20, $0x0;
	[tilespmem:$0x1FDF0] =	vst v9;
	v9 =	vimm.s32 $0x0  }
0x499: {  	v7 =	vld [tilespmem:s21+$0x4C30];
	v10 =	vimm.s32 $0x0;
	v9 =	vsel vm0, $0xFFFFFFFF, v9;
	vm0 =	veq.s32 v21, $0x0  }
0x49a: {  	vm13 =	veq.s32 v5, $0x0;
	v5 =	vld [tilespmem:s21+$0x0];
	[tilespmem:$0x1FDA0] =	vst v6;
	v10 =	vsel vm0, $0xFFFFFFFF, v10  }
0x49b: {  	vm15 =	veq.s32 v4, $0x0;
	v4 =	vld [tilespmem:s21+$0x4C40];
	vm0 =	veq.s32 v22, $0x0;
	[tilespmem:$0x1FE10] =	vst v10;
	v10 =	vimm.s32 $0x0  }
0x49c: {  	v6 =	vld [tilespmem:s21+$0x10];
	[tilespmem:$0x1FDD0] =	vst v8;
	v10 =	vsel vm0, $0xFFFFFFFF, v10  }
0x49d: {  	vm11 =	veq.s32 v11, $0x0;
	v8 =	vld [tilespmem:s21+$0x20];
	vm0 =	veq.s32 v23, $0x0;
	[tilespmem:$0x1FE20] =	vst v10;
	v10 =	vimm.s32 $0x0  }
0x49e: {  	v11 =	vimm.s32 $0x0;
	[tilespmem:$0x1FE00] =	vst v9;
	v9 =	vld [tilespmem:s21+$0x30];
	v10 =	vsel vm0, $0xFFFFFFFF, v10;
	vm0 =	veq.s32 v24, $0x0  }
0x49f: {  	[tilespmem:$0x1FE30] =	vst v10;
	v10 =	vld [tilespmem:s21+$0x40];
	v11 =	vsel vm0, $0xFFFFFFFF, v11  }
0x4a0: {  	v13 =	vld [tilespmem:s21+$0x50];
	[tilespmem:$0x1FE40] =	vst v11;
	v11 =	vmul.f32 v5, v0  }
0x4a1: {  	vm5 =	veq.s32 v18, $0x0;
	vm1 =	veq.s32 v7, $0x0;
	v15 =	vld [tilespmem:s21+$0x60];
	v14 =	vmul.f32 v6, v0  }
0x4a2: {  	v16 =	vld [tilespmem:s21+$0x70];
	vm0 =	veq.s32 v12, $0x0;
	v12 =	vmul.f32 v8, v0;
	v11 =	vadd.f32 v11, v3  }
0x4a3: {  	vm2 =	veq.s32 v4, $0x0;
	v7 =	vadd.f32 v14, v3;
	v14 =	vmul.f32 v9, v0  }
0x4a4: {  	v4 =	vsel vm5, v5, v11;
	v5 =	vadd.f32 v12, v3;
	v11 =	vmul.f32 v10, v0  }
0x4a5: {  	[tilespmem:s21+$0x0] =	vst v4;
	v4 =	vsel vm10, v6, v7;
	v6 =	vadd.f32 v14, v3;
	v7 =	vmul.f32 v13, v0  }
0x4a6: {  	[tilespmem:s21+$0x10] =	vst v4;
	v4 =	vsel vm11, v8, v5;
	v5 =	vadd.f32 v11, v3;
	v8 =	vmul.f32 v15, v0  }
0x4a7: {  	[tilespmem:s21+$0x20] =	vst v4;
	v4 =	vsel vm4, v9, v6;
	v6 =	vadd.f32 v7, v3;
	v7 =	vmul.f32 v16, v0  }
0x4a8: {  	[tilespmem:s21+$0x30] =	vst v4;
	v4 =	vsel vm12, v10, v5;
	v5 =	vadd.f32 v8, v3  }
0x4a9: {  	v17 =	vld [tilespmem:s21+$0x400];
	[tilespmem:s21+$0x40] =	vst v4;
	v4 =	vsel vm13, v13, v6;
	v6 =	vadd.f32 v7, v3  }
0x4aa: {  	[tilespmem:s21+$0x50] =	vst v4;
	v4 =	vsel vm14, v15, v5  }
0x4ab: {  	[tilespmem:s21+$0x60] =	vst v4;
	v4 =	vsel vm15, v16, v6  }
0x4ac: {  	[tilespmem:s21+$0x70] =	vst v4;
	v4 =	vld [tilespmem:$0x1FD80];
	_ =	sdelay $0x1  }
0x4ad: {  	v8 =	vmul.f32 v17, v0;
	_ =	sdelay $0x1  }
0x4ae: {  	v12 =	vld [tilespmem:s21+$0x410];
	v5 =	vadd.f32 v8, v3  }
0x4af: {  	vm4 =	vnez.u8 v4  }
0x4b0: {  	v4 =	vsel vm4, v17, v5  }
0x4b1: {  	[tilespmem:s21+$0x400] =	vst v4;
	v4 =	vld [tilespmem:$0x1FD90];
	_ =	sdelay $0x1  }
0x4b2: {  	v7 =	vmul.f32 v12, v0;
	_ =	sdelay $0x1  }
0x4b3: {  	v14 =	vld [tilespmem:s21+$0x420];
	v6 =	vadd.f32 v7, v3  }
0x4b4: {  	vm4 =	vnez.u8 v4  }
0x4b5: {  	v4 =	vsel vm4, v12, v6  }
0x4b6: {  	[tilespmem:s21+$0x410] =	vst v4;
	v4 =	vld [tilespmem:$0x1FDA0];
	_ =	sdelay $0x1  }
0x4b7: {  	v8 =	vmul.f32 v14, v0;
	_ =	sdelay $0x1  }
0x4b8: {  	v11 =	vld [tilespmem:s21+$0x430];
	v5 =	vadd.f32 v8, v3  }
0x4b9: {  	vm4 =	vnez.u8 v4  }
0x4ba: {  	v4 =	vsel vm4, v14, v5  }
0x4bb: {  	[tilespmem:s21+$0x420] =	vst v4;
	v4 =	vld [tilespmem:$0x1FDB0];
	_ =	sdelay $0x1  }
0x4bc: {  	v7 =	vmul.f32 v11, v0;
	_ =	sdelay $0x1  }
0x4bd: {  	v9 =	vld [tilespmem:s21+$0x440];
	v6 =	vadd.f32 v7, v3  }
0x4be: {  	vm4 =	vnez.u8 v4  }
0x4bf: {  	v4 =	vsel vm4, v11, v6  }
0x4c0: {  	[tilespmem:s21+$0x430] =	vst v4;
	v4 =	vld [tilespmem:$0x1FDC0];
	_ =	sdelay $0x1  }
0x4c1: {  	v8 =	vmul.f32 v9, v0;
	_ =	sdelay $0x1  }
0x4c2: {  	v10 =	vld [tilespmem:s21+$0x450];
	v5 =	vadd.f32 v8, v3  }
0x4c3: {  	vm4 =	vnez.u8 v4  }
0x4c4: {  	v4 =	vsel vm4, v9, v5  }
0x4c5: {  	[tilespmem:s21+$0x440] =	vst v4;
	v4 =	vld [tilespmem:$0x1FDD0];
	_ =	sdelay $0x1  }
0x4c6: {  	v7 =	vmul.f32 v10, v0;
	_ =	sdelay $0x1  }
0x4c7: {  	v13 =	vld [tilespmem:s21+$0x460];
	v6 =	vadd.f32 v7, v3  }
0x4c8: {  	vm4 =	vnez.u8 v4  }
0x4c9: {  	v4 =	vsel vm4, v10, v6  }
0x4ca: {  	[tilespmem:s21+$0x450] =	vst v4;
	v4 =	vld [tilespmem:$0x1FDE0];
	_ =	sdelay $0x1  }
0x4cb: {  	v8 =	vmul.f32 v13, v0;
	_ =	sdelay $0x1  }
0x4cc: {  	v15 =	vld [tilespmem:s21+$0x470];
	v5 =	vadd.f32 v8, v3  }
0x4cd: {  	vm4 =	vnez.u8 v4  }
0x4ce: {  	v4 =	vsel vm4, v13, v5  }
0x4cf: {  	[tilespmem:s21+$0x460] =	vst v4;
	v4 =	vld [tilespmem:$0x1FDF0];
	_ =	sdelay $0x1  }
0x4d0: {  	v7 =	vmul.f32 v15, v0;
	_ =	sdelay $0x1  }
0x4d1: {  	v16 =	vld [tilespmem:s21+$0x800];
	v6 =	vadd.f32 v7, v3  }
0x4d2: {  	vm4 =	vnez.u8 v4  }
0x4d3: {  	v4 =	vsel vm4, v15, v6  }
0x4d4: {  	[tilespmem:s21+$0x470] =	vst v4;
	v4 =	vld [tilespmem:$0x1FE00];
	_ =	sdelay $0x1  }
0x4d5: {  	v8 =	vmul.f32 v16, v0;
	_ =	sdelay $0x1  }
0x4d6: {  	v17 =	vld [tilespmem:s21+$0x810];
	v5 =	vadd.f32 v8, v3  }
0x4d7: {  	vm4 =	vnez.u8 v4  }
0x4d8: {  	v5 =	vsel vm4, v16, v5  }
0x4d9: {  	[tilespmem:s21+$0x800] =	vst v5;
	v5 =	vld [tilespmem:$0x1FE10];
	_ =	sdelay $0x1  }
0x4da: {  	v7 =	vmul.f32 v17, v0;
	_ =	sdelay $0x1  }
0x4db: {  	v18 =	vld [tilespmem:s21+$0x820];
	v7 =	vadd.f32 v7, v3  }
0x4dc: {  	vm4 =	vnez.u8 v5  }
0x4dd: {  	v7 =	vsel vm4, v17, v7  }
0x4de: {  	[tilespmem:s21+$0x810] =	vst v7;
	v7 =	vld [tilespmem:$0x1FE20];
	_ =	sdelay $0x1  }
0x4df: {  	v8 =	vmul.f32 v18, v0  }
0x4e0: {  	v25 =	vld [tilespmem:s21+$0x4850]  }
0x4e1: {  	v14 =	vld [tilespmem:s21+$0x830];
	v8 =	vadd.f32 v8, v3  }
0x4e2: {  	v26 =	vld [tilespmem:s21+$0x4860];
	vm4 =	vnez.u8 v7  }
0x4e3: {  	v27 =	vld [tilespmem:s21+$0x4870];
	v8 =	vsel vm4, v18, v8  }
0x4e4: {  	[tilespmem:s21+$0x820] =	vst v8;
	v8 =	vld [tilespmem:$0x1FE30]  }
0x4e5: {  	v28 =	vld [tilespmem:s21+$0x4C00]  }
0x4e6: {  	v29 =	vld [tilespmem:s21+$0x4C10];
	v10 =	vmul.f32 v14, v0  }
0x4e7: {  	v19 =	vld [tilespmem:s21+$0x840]  }
0x4e8: {  	v12 =	vld [tilespmem:s21+$0x860];
	v10 =	vadd.f32 v10, v3  }
0x4e9: {  	v9 =	vld [tilespmem:s21+$0x850];
	vm4 =	vnez.u8 v8  }
0x4ea: {  	v11 =	vld [tilespmem:s21+$0x870];
	v10 =	vsel vm4, v14, v10  }
0x4eb: {  	[tilespmem:s21+$0x830] =	vst v10;
	v10 =	vld [tilespmem:$0x1FE40]  }
0x4ec: {  	p0 =	sne.s32 s23, $0x3E00;
	v6 =	vld [tilespmem:s21+$0xC00]  }
.Ltmp8:
0x4ed: {  	vm8 =	veq.s32 v25, $0x0;
	vm9 =	veq.s32 v26, $0x0;
	v13 =	vmul.f32 v19, v0;
	v4 =	vld [tilespmem:s21+$0xC10];
	(pc) =	sbr.rel @p0 .LBB2_19-.Ltmp8, $4  }
0x4ee: {  	vm7 =	veq.s32 v27, $0x0;
	v15 =	vmul.f32 v9, v0;
	v16 =	vmul.f32 v12, v0;
	v5 =	vld [tilespmem:s21+$0xC20]  }
0x4ef: {  	vm6 =	veq.s32 v28, $0x0;
	vm3 =	veq.s32 v29, $0x0;
	v13 =	vadd.f32 v13, v3;
	v7 =	vld [tilespmem:s21+$0xC30]  }
0x4f0: {  	v16 =	vadd.f32 v16, v3;
	v8 =	vld [tilespmem:s21+$0xC40];
	v14 =	vadd.f32 v15, v3;
	vm4 =	vnez.u8 v10  }
0x4f1: {  	s23 =	sadd.s32 $0x200, s23;
	v15 =	vmul.f32 v11, v0;
	v10 =	vld [tilespmem:s21+$0xC50];
	v17 =	vsel vm4, v19, v13;
	v13 =	vmul.f32 v6, v0  }
0x4f2: {  	_ = 	snop  }
0x4f3: {  	[tilespmem:s21+$0x840] =	vst v17;
	v9 =	vsel vm8, v9, v14;
	v49 =	vld [tilespmem:s21+$0xC60];
	v50 =	vmul.f32 v4, v0;
	v47 =	vadd.f32 v15, v3  }
0x4f4: {  	v48 =	vsel vm9, v12, v16;
	v53 =	vld [tilespmem:s21+$0xC70];
	[tilespmem:s21+$0x850] =	vst v9;
	v13 =	vadd.f32 v13, v3;
	v52 =	vmul.f32 v5, v0  }
0x4f5: {  	v51 =	vld [tilespmem:s21+$0x4C50];
	[tilespmem:s21+$0x860] =	vst v48;
	v9 =	vadd.f32 v50, v3;
	v54 =	vmul.f32 v7, v0;
	v11 =	vsel vm7, v11, v47  }
0x4f6: {  	v55 =	vld [tilespmem:s21+$0x4C60];
	v6 =	vsel vm6, v6, v13;
	v15 =	vadd.f32 v52, v3;
	v56 =	vmul.f32 v8, v0;
	[tilespmem:s21+$0x870] =	vst v11  }
0x4f7: {  	v59 =	vld [tilespmem:s21+$0x4C70];
	[tilespmem:s21+$0xC00] =	vst v6;
	v4 =	vsel vm3, v4, v9;
	v57 =	vadd.f32 v54, v3;
	v58 =	vmul.f32 v10, v0  }
0x4f8: {  	[tilespmem:s21+$0xC10] =	vst v4;
	v4 =	vsel vm0, v5, v15;
	v5 =	vadd.f32 v56, v3;
	v60 =	vmul.f32 v49, v0  }
0x4f9: {  	v62 =	vmul.f32 v53, v0;
	[tilespmem:s21+$0xC20] =	vst v4;
	v4 =	vsel vm1, v7, v57;
	v61 =	vadd.f32 v58, v3  }
0x4fa: {  	vm13 =	veq.s32 v51, $0x0;
	[tilespmem:s21+$0xC30] =	vst v4;
	v4 =	vsel vm2, v8, v5;
	v5 =	vadd.f32 v60, v3  }
0x4fb: {  	vm14 =	veq.s32 v55, $0x0;
	v63 =	vadd.f32 v62, v3;
	[tilespmem:s21+$0xC40] =	vst v4;
	v4 =	vsel vm13, v10, v61  }
0x4fc: {  	s19 =	sadd.s32 $0x1, s19;
	vm15 =	veq.s32 v59, $0x0;
	[tilespmem:s21+$0xC50] =	vst v4;
	v4 =	vsel vm14, v49, v5  }
0x4fd: {  	p0 =	sne.s32 s19, $0x10;
	[tilespmem:s21+$0xC60] =	vst v4;
	v4 =	vsel vm15, v53, v63  }
.Ltmp9:
0x4fe: {  	s20 =	sadd.s32 s5, s20;
	[tilespmem:s21+$0xC70] =	vst v4;
	(pc) =	sbr.rel @p0 .LBB2_14-.Ltmp9, $4  }
0x4ff: {  	[hbm4b:s20+s6] =	stream.linear.scatter [tilespmem:s6], [sflag:$0x1], $0x4000, $0x38;
	[tilespmem:$0x8280] =	vst v63  }
0x500: {  	_ =	swait.ge [sflag:s14], $0x4000  }
0x501: {  	[sflag:s14] =	ssyncset.done $0x0  }
0x502: {  	[sflag:s14] =	ssyncadd.s32 $0xFFFFC000  }
0x503: {  	s17 =	sadd.s32 $0x1, s17  }
0x504: {  	p0 =	sne.s32 s17, s12  }
.Ltmp10:
0x505: {  	_ = 	snop;
	(pc) =	sbr.rel @p0 .LBB2_1-.Ltmp10, $1  }
0x506: {  	_ =	sdelay $0x3  }
0x507: {  	_ =	sfence.sel $0x180000  }
0x508: {  	[bflag:$0x0] =	sbarrier.arrive $0xFFFF  }
0x509: {  	p0 =	sne.s32 s2, $0x0;
	_ =	strace $0x90000047  }
0x50a: {  	s0 =	sadd.s32 @!p0 $0x100000, s0;
	[bflag:$0x2] =	sbarrier.arrive $0xFFFF  }
0x50b: {  	[sflag:s0] =	ssyncadd.tile.s32 @!p0 $0x1;
	_ =	shalt  }
.Lfunc_end2:
_tile_overlayer_lowered:
.L_overlay_start_2:
0x50c: {  	(tag) =	ssettag $0x2  }
0x50d: {  	s0 =	rddreg [dreg:$0x0];
	s2 =	stileid.u32  }
0x50e: {  	s1 =	rddreg [dreg:$0x1];
	p0 =	sne.s32 s2, $0x0  }
0x50f: {  	s3 =	rddreg [dreg:$0x2];
	[bflag:$0x3] =	sbarrier.arrive $0xFFFF;
	s2 =	simm.s32 @!p0 $0x1C01  }
0x510: {  	[timem:s3], [sflag:s2] =	dma.local @!p0 [hbm:s0], s1  }
0x511: {  	s0 =	simm.s32 @!p0 $0x1  }
0x512: {  	_ =	swait.ge @!p0 [sflag:s0], s1  }
0x513: {  	s1 =	ssub.s32 @!p0 $0x0, s1;
	[sflag:s0] =	ssyncset.done @!p0 $0x0  }
0x514: {  	[sflag:s0] =	ssyncadd.s32 @!p0 s1  }
0x515: {  	[bflag:$0x3] =	sbarrier.arrive $0xFFFF  }
0x516: {  	_ =	shalt  }

</sc_bundles>
